<compile_context>
chip_gen: v7x
topology: tpu7x:2x2x1
jax: 0.10.2.dev20260603
libtpu: 0.0.44.dev20260713+nightly
codegen_flags: <defaults>
</compile_context>

<pallas_src>
import functools

import jax
import jax.numpy as jnp
from jax import lax
from jax.experimental import pallas as pl
from jax.experimental.pallas import tpu as pltpu
from jax.experimental.pallas import tpu_sc as plsc

_INFO = plsc.get_sparse_core_info()
_NC = _INFO.num_cores
_NS = _INFO.num_subcores
_NW = _NC * _NS
_RING = 64
_NBUF = 6


def _make_gather(B, V, D):
    full_cols = (V - 1) // 128
    tail_lo = full_cols * 128
    tail_w = V - tail_lo
    cpw = -(-full_cols // _NW)
    tail_base = cpw * 128
    mesh = plsc.VectorSubcoreMesh(core_axis_name="c", subcore_axis_name="s")

    @functools.partial(
        pl.kernel,
        mesh=mesh,
        out_type=jax.ShapeDtypeStruct((B, D), jnp.float32),
        scratch_types=[
            pltpu.VMEM((B,), jnp.int32),
            pltpu.VMEM((B + 16,), jnp.int32),
            pltpu.VMEM((B + 16,), jnp.int32),
            pltpu.VMEM((D, 128 * _NBUF), jnp.float32),
            pltpu.VMEM((D, tail_w), jnp.float32),
            pltpu.VMEM((_RING, D), jnp.float32),
            pltpu.SMEM((cpw + 2,), jnp.int32),
            pltpu.SMEM((cpw + 2,), jnp.int32),
            pltpu.SMEM((cpw + 2,), jnp.int32),
            pltpu.SMEM((cpw + 2,), jnp.int32),
            pltpu.SemaphoreType.DMA((_NBUF,)),
            pltpu.SemaphoreType.DMA,
        ],
        compiler_params=pltpu.CompilerParams(
            use_tc_tiling_on_sc=True, needs_layout_passes=False
        ),
    )
    def gather_kernel(tableT, idx_hbm, out_hbm, idx_all, mpk, mpk_o, win,
                      tailb, ring, hist, offs, cur, wlist, wsem, rsem):
        wid = lax.axis_index("s") * _NC + lax.axis_index("c")
        lo_col = wid * cpw
        ncol = jnp.minimum(cpw, full_cols - lo_col)
        lo = lo_col * 128
        hi = lo + ncol * 128
        iota = lax.iota(jnp.int32, 16)

        def issue(t):
            half = pl.multiple_of(lax.rem(t, _NBUF) * 128, 128)
            src_c = pl.multiple_of((lo_col + wlist[t]) * 128, 128)
            pltpu.async_copy(
                tableT.at[:, pl.ds(src_c, 128)],
                win.at[:, pl.ds(half, 128)],
                wsem.at[lax.rem(t, _NBUF)],
            )

        pltpu.sync_copy(idx_hbm, idx_all)
        pltpu.sync_copy(tableT.at[:, pl.ds(tail_lo, tail_w)], tailb)

        iotash = iota << 15

        def scan_body(g, off):
            vec = idx_all[pl.ds(g * 16, 16)]
            m = (vec >= lo) & (vec < hi)
            cnt = plsc.all_reduce_population_count(m)[0]
            packed = (vec - lo) | (iotash + (g << 19))
            plsc.store_compressed(mpk.at[pl.ds(off, 16)], packed, mask=m)
            return off + cnt

        off0 = lax.fori_loop(0, B // 16, scan_body, jnp.int32(0),
                             unroll=8)

        def tscan_body(g, off):
            vec = idx_all[pl.ds(g * 16, 16)]
            m = vec >= tail_lo
            cnt = plsc.all_reduce_population_count(m)[0]
            packed = (vec - tail_lo + tail_base) | ((iota + g * 16) << 15)
            plsc.store_compressed(mpk.at[pl.ds(off, 16)], packed, mask=m)
            return off + cnt

        g0 = wid * (B // (16 * _NW))
        n_w = lax.fori_loop(g0, g0 + B // (16 * _NW), tscan_body, off0,
                            unroll=False)

        def zero_body(i, _):
            hist[i] = 0
            return 0

        lax.fori_loop(0, ncol + 1, zero_body, 0, unroll=False)

        def bin_of(pk):
            return jnp.minimum((pk & 32767) >> 7, ncol)

        def hist_body(g, _):
            vec = mpk[pl.ds(g * 16, 16)]
            for j in range(16):
                @pl.when(g * 16 + j < n_w)
                def _(vec=vec, j=j):
                    b = bin_of(vec[j])
                    hist[b] = hist[b] + 1
            return 0

        lax.fori_loop(0, (n_w + 15) // 16, hist_body, 0, unroll=False)

        def pfx_body(i, run):
            c = hist[i]
            offs[i] = run
            cur[i] = run
            return run + c

        lax.fori_loop(0, ncol + 1, pfx_body, jnp.int32(0), unroll=False)

        lane0 = iota == 0

        def ord_body(g, _):
            vec = mpk[pl.ds(g * 16, 16)]
            for j in range(16):
                @pl.when(g * 16 + j < n_w)
                def _(vec=vec, j=j):
                    pk = vec[j]
                    b = bin_of(pk)
                    s = cur[b]
                    cur[b] = s + 1
                    plsc.store_scatter(
                        mpk_o, [jnp.full((16,), s, jnp.int32)],
                        jnp.full((16,), pk, jnp.int32), mask=lane0)
            return 0

        lax.fori_loop(0, (n_w + 15) // 16, ord_body, 0, unroll=False)

        def build_body(i, m):
            wlist[m] = i
            return m + jnp.where(hist[i] > 0, 1, 0)

        nw2 = lax.fori_loop(0, ncol, build_body, jnp.int32(0), unroll=False)

        for i in range(_NBUF):
            @pl.when(i < nw2)
            def _(i=i):
                issue(jnp.int32(i))

        def serve(buf, colofs, base, n_t, fired0):
            def match_body(k, fired):
                vec = mpk_o[pl.ds(base + k, 16)]
                pk = vec[0]
                b = pk >> 15
                lr = (pk & 32767) - colofs
                slot = lax.rem(fired, _RING)

                @pl.when(fired >= _RING)
                def _():
                    pltpu.make_async_copy(
                        ring.at[pl.ds(0, 1)], out_hbm.at[pl.ds(0, 1)], rsem
                    ).wait()

                lrv = jnp.full((16,), lr, jnp.int32)
                sv = jnp.full((16,), slot, jnp.int32)
                for q in range(D // 16):
                    vals = plsc.load_gather(buf, [iota + q * 16, lrv])
                    plsc.store_scatter(ring, [sv, iota + q * 16], vals)
                pltpu.async_copy(
                    ring.at[pl.ds(slot, 1)], out_hbm.at[pl.ds(b, 1)], rsem
                )
                return fired + 1

            return lax.fori_loop(0, n_t, match_body, fired0, unroll=False)

        def win_loop(t, fired):
            pltpu.make_async_copy(
                tableT.at[:, pl.ds(0, 128)],
                win.at[:, pl.ds(pl.multiple_of(0, 128), 128)],
                wsem.at[lax.rem(t, _NBUF)],
            ).wait()

            c = wlist[t]
            colofs = c * 128 - lax.rem(t, _NBUF) * 128
            fired = serve(win, colofs, offs[c], hist[c], fired)

            @pl.when(t + _NBUF < nw2)
            def _():
                issue(t + _NBUF)

            return fired

        fired = lax.fori_loop(0, nw2, win_loop, jnp.int32(0), unroll=False)
        fired = serve(tailb, tail_base, offs[ncol], hist[ncol], fired)

        def drain_body(k, _):
            pltpu.make_async_copy(
                ring.at[pl.ds(0, 1)], out_hbm.at[pl.ds(0, 1)], rsem
            ).wait()
            return 0

        lax.fori_loop(0, jnp.minimum(fired, _RING), drain_body, 0,
                      unroll=False)

    return gather_kernel


def kernel(cond_ids, batch_size, table):
    B = cond_ids.shape[0]
    V, D = table.shape
    return _make_gather(B, V, D)(table.T, cond_ids.astype(jnp.int32))

# --- scband reference (transcript-rebuilt; emitter-appended) ---
"""Pipeline reference for scband-conditional-head-62981400429069 (READ-ONLY COPY).

The authoritative reference and input builder live on the scoring server;
editing this copy changes nothing except your own understanding.
"""

import jax, jax.numpy as jnp
import numpy as np

NUM_CONDITIONS = 1000000
D_MODEL = 64
BATCH = 16384


def setup_inputs(seed: int = 0) -> dict:
    key = jax.random.key(seed)
    k1, k2 = jax.random.split(key)
    cond_ids = jax.random.randint(k1, (BATCH,), 0, NUM_CONDITIONS)
    # nn.Embedding(num_conditions + 1, d_model) weight
    table = jax.random.normal(k2, (NUM_CONDITIONS + 1, D_MODEL), dtype=jnp.float32) * 0.02
    return {"cond_ids": cond_ids, "batch_size": BATCH, "table": table}


def reference(cond_ids, batch_size, table):
    # cond_ids is not None here, so the None-branch (fill with null_id) is skipped.
    # Faithful to: self.cond_embed(cond_ids)
    return jnp.take(table, cond_ids, axis=0)

if __name__ == "__main__":
    import jax
    _d = setup_inputs()
    print(jax.jit(kernel)(*tuple(_d.values())))

</pallas_src>

<mosaic_0001>
#map = affine_map<(d0, d1) -> (0, 0)>
#map1 = affine_map<(d0, d1) -> (0)>
module attributes {stable_mosaic.version = 14 : i64} {
  func.func @gather_kernel(%arg0: i32, %arg1: i32, %arg2: memref<64x1000001xf32, #tpu.memory_space<hbm>>, %arg3: memref<16384xi32, #tpu.memory_space<hbm>>, %arg4: memref<16384x64xf32, #tpu.memory_space<hbm>>, %arg5: memref<16384xi32, #tpu.memory_space<vmem>>, %arg6: memref<16400xi32, #tpu.memory_space<vmem>>, %arg7: memref<16400xi32, #tpu.memory_space<vmem>>, %arg8: memref<64x768xf32, #tpu.memory_space<vmem>>, %arg9: memref<64x65xf32, #tpu.memory_space<vmem>>, %arg10: memref<64x64xf32, #tpu.memory_space<vmem>>, %arg11: memref<247xi32, #tpu.memory_space<smem>>, %arg12: memref<247xi32, #tpu.memory_space<smem>>, %arg13: memref<247xi32, #tpu.memory_space<smem>>, %arg14: memref<247xi32, #tpu.memory_space<smem>>, %arg15: memref<6x!tpu.dma_semaphore, #tpu.memory_space<semaphore_mem>>, %arg16: memref<!tpu.dma_semaphore, #tpu.memory_space<semaphore_mem>>) attributes {dimension_semantics = [#tpu.dimension_semantics<core_parallel>, #tpu.dimension_semantics<subcore_parallel>], iteration_bounds = array<i64: 2, 16>, scalar_prefetch = 0 : i64, scratch_operands = 12 : i64, tpu.core_type = #tpu.core_type<sc_vector_subcore>, window_params = [{transform_indices = #map}, {transform_indices = #map1}, {transform_indices = #map}]} {
    %mul3A = arith.constant 2 : i32
    %mul3A_0 = arith.muli %arg1, %mul3A : i32
    %add3A = arith.addi %mul3A_0, %arg0 : i32
    %mul3A_1 = arith.constant 245 : i32
    %mul3A_2 = arith.muli %add3A, %mul3A_1 : i32
    %sub3A = arith.constant 7812 : i32
    %sub3A_3 = arith.subi %sub3A, %mul3A_2 : i32
    %min3A = arith.constant 245 : i32
    %min3A_4 = arith.minsi %min3A, %sub3A_3 : i32
    %mul3A_5 = arith.constant 128 : i32
    %mul3A_6 = arith.muli %mul3A_2, %mul3A_5 : i32
    %mul3A_7 = arith.constant 128 : i32
    %mul3A_8 = arith.muli %min3A_4, %mul3A_7 : i32
    %add3A_9 = arith.addi %mul3A_6, %mul3A_8 : i32
    %iota3A = tpu.iota {dimensions = array<i32: 0>} : vector<16xi32>
    "tpu.region"() ({
      %run_scoped3A = tpu.sem_alloc : memref<!tpu.dma_semaphore, #tpu.memory_space<semaphore_mem>>
      tpu.enqueue_dma source(%arg3 : memref<16384xi32, #tpu.memory_space<hbm>>) target(%arg5 : memref<16384xi32, #tpu.memory_space<vmem>>) target_semaphore(%run_scoped3A : memref<!tpu.dma_semaphore, #tpu.memory_space<semaphore_mem>>)
      tpu.wait_dma2 semaphore(%run_scoped3A : memref<!tpu.dma_semaphore, #tpu.memory_space<semaphore_mem>>) src(%arg3 : memref<16384xi32, #tpu.memory_space<hbm>>) dst(%arg5 : memref<16384xi32, #tpu.memory_space<vmem>>)
      tpu.yield
    }) : () -> ()
    "tpu.region"() ({
      %run_scoped3A = tpu.sem_alloc : memref<!tpu.dma_semaphore, #tpu.memory_space<semaphore_mem>>
      %dma_start3A = arith.constant 0 : i32
      %dma_start3A_209 = arith.constant 999936 : i32
      %dma_start3A_210 = tpu.memref_slice %arg2[%dma_start3A, %dma_start3A_209] : memref<64x1000001xf32, #tpu.memory_space<hbm>> -> memref<64x65xf32, #tpu.memory_space<hbm>>
      %dma_start3A_211 = arith.constant 0 : i32
      %dma_start3A_212 = arith.constant 999936 : i32
      %dma_start3A_213 = tpu.memref_slice %arg2[%dma_start3A_211, %dma_start3A_212] : memref<64x1000001xf32, #tpu.memory_space<hbm>> -> memref<64x65xf32, #tpu.memory_space<hbm>>
      tpu.enqueue_dma source(%dma_start3A_213 : memref<64x65xf32, #tpu.memory_space<hbm>>) target(%arg9 : memref<64x65xf32, #tpu.memory_space<vmem>>) target_semaphore(%run_scoped3A : memref<!tpu.dma_semaphore, #tpu.memory_space<semaphore_mem>>)
      %dma_wait3A = arith.constant 0 : i32
      %dma_wait3A_214 = arith.constant 999936 : i32
      %dma_wait3A_215 = tpu.memref_slice %arg2[%dma_wait3A, %dma_wait3A_214] : memref<64x1000001xf32, #tpu.memory_space<hbm>> -> memref<64x65xf32, #tpu.memory_space<hbm>>
      %dma_wait3A_216 = arith.constant 0 : i32
      %dma_wait3A_217 = arith.constant 999936 : i32
      %dma_wait3A_218 = tpu.memref_slice %arg2[%dma_wait3A_216, %dma_wait3A_217] : memref<64x1000001xf32, #tpu.memory_space<hbm>> -> memref<64x65xf32, #tpu.memory_space<hbm>>
      tpu.wait_dma2 semaphore(%run_scoped3A : memref<!tpu.dma_semaphore, #tpu.memory_space<semaphore_mem>>) src(%dma_wait3A_218 : memref<64x65xf32, #tpu.memory_space<hbm>>) dst(%arg9 : memref<64x65xf32, #tpu.memory_space<vmem>>)
      tpu.yield
    }) : () -> ()
    %shift_left3A = arith.constant 15 : i32
    %shift_left3A_10 = vector.broadcast %shift_left3A : i32 to vector<16xi32>
    %shift_left3A_11 = arith.shli %iota3A, %shift_left3A_10 : vector<16xi32>
    %scan3A = arith.constant 0 : i32
    %scan3A_12 = arith.constant 0 : i32
    %scan3A_13 = arith.constant 1024 : i32
    %scan3A_14 = arith.addi %scan3A_12, %scan3A_13 : i32
    %scan3A_15 = arith.constant 8 : i32
    %scan3A_16 = scf.for %scan3A_209 = %scan3A_12 to %scan3A_14 step %scan3A_15 iter_args(%scan3A_210 = %scan3A) -> (i32)  : i32 {
      %mul3A_211 = arith.constant 16 : i32
      %mul3A_212 = arith.muli %scan3A_209, %mul3A_211 : i32
      %get3A_213 = arith.index_cast %mul3A_212 : i32 to index
      %get3A_214 = tpu.vector_load %arg5[%get3A_213] {strides = array<i32>} : memref<16384xi32, #tpu.memory_space<vmem>>, vector<16xi32>,
      %ge3A = vector.broadcast %mul3A_6 : i32 to vector<16xi32>
      %ge3A_215 = arith.cmpi sge, %get3A_214, %ge3A : vector<16xi32>
      %lt3A = vector.broadcast %add3A_9 : i32 to vector<16xi32>
      %lt3A_216 = arith.cmpi slt, %get3A_214, %lt3A : vector<16xi32>
      %and3A_217 = arith.andi %ge3A_215, %lt3A_216 : vector<16xi1>
      %all_reduce_population_count3A = tpu.all_reduce %and3A_217 {dim = 0 : i64, kind = #tpu.reduction_kind<sum>} : vector<16xi1> -> vector<16xi32>
      %slice3A = vector.extract_strided_slice %all_reduce_population_count3A {offsets = [0], sizes = [1], strides = [1]} : vector<16xi32> to vector<1xi32>
      %squeeze3A = vector.extract %slice3A[0] : i32 from vector<1xi32>
      %sub3A_218 = vector.broadcast %mul3A_6 : i32 to vector<16xi32>
      %sub3A_219 = arith.subi %get3A_214, %sub3A_218 : vector<16xi32>
      %shift_left3A_220 = arith.constant 19 : i32
      %shift_left3A_221 = arith.shli %scan3A_209, %shift_left3A_220 : i32
      %add3A_222 = vector.broadcast %shift_left3A_221 : i32 to vector<16xi32>
      %add3A_223 = arith.addi %shift_left3A_11, %add3A_222 : vector<16xi32>
      %or3A = arith.ori %sub3A_219, %add3A_223 : vector<16xi32>
      %swap3A = arith.index_cast %scan3A_210 : i32 to index
      %swap3A_224 = tpu.vector_load %arg6[%swap3A] masked %and3A_217 {strides = array<i32>} : memref<16400xi32, #tpu.memory_space<vmem>>, vector<16xi32>, vector<16xi1>
      tpu.vector_store %arg6[%swap3A], %or3A masked %and3A_217 {strides = array<i32>} : memref<16400xi32, #tpu.memory_space<vmem>>, vector<16xi32>, vector<16xi1>
      %add3A_225 = arith.addi %scan3A_210, %squeeze3A : i32
      %scan3A_226 = arith.constant 1 : i32
      %scan3A_227 = arith.addi %scan3A_209, %scan3A_226 : i32
      %mul3A_228 = arith.constant 16 : i32
      %mul3A_229 = arith.muli %scan3A_227, %mul3A_228 : i32
      %get3A_230 = arith.index_cast %mul3A_229 : i32 to index
      %get3A_231 = tpu.vector_load %arg5[%get3A_230] {strides = array<i32>} : memref<16384xi32, #tpu.memory_space<vmem>>, vector<16xi32>,
      %ge3A_232 = vector.broadcast %mul3A_6 : i32 to vector<16xi32>
      %ge3A_233 = arith.cmpi sge, %get3A_231, %ge3A_232 : vector<16xi32>
      %lt3A_234 = vector.broadcast %add3A_9 : i32 to vector<16xi32>
      %lt3A_235 = arith.cmpi slt, %get3A_231, %lt3A_234 : vector<16xi32>
      %and3A_236 = arith.andi %ge3A_233, %lt3A_235 : vector<16xi1>
      %all_reduce_population_count3A_237 = tpu.all_reduce %and3A_236 {dim = 0 : i64, kind = #tpu.reduction_kind<sum>} : vector<16xi1> -> vector<16xi32>
      %slice3A_238 = vector.extract_strided_slice %all_reduce_population_count3A_237 {offsets = [0], sizes = [1], strides = [1]} : vector<16xi32> to vector<1xi32>
      %squeeze3A_239 = vector.extract %slice3A_238[0] : i32 from vector<1xi32>
      %sub3A_240 = vector.broadcast %mul3A_6 : i32 to vector<16xi32>
      %sub3A_241 = arith.subi %get3A_231, %sub3A_240 : vector<16xi32>
      %shift_left3A_242 = arith.constant 19 : i32
      %shift_left3A_243 = arith.shli %scan3A_227, %shift_left3A_242 : i32
      %add3A_244 = vector.broadcast %shift_left3A_243 : i32 to vector<16xi32>
      %add3A_245 = arith.addi %shift_left3A_11, %add3A_244 : vector<16xi32>
      %or3A_246 = arith.ori %sub3A_241, %add3A_245 : vector<16xi32>
      %swap3A_247 = arith.index_cast %add3A_225 : i32 to index
      %swap3A_248 = tpu.vector_load %arg6[%swap3A_247] masked %and3A_236 {strides = array<i32>} : memref<16400xi32, #tpu.memory_space<vmem>>, vector<16xi32>, vector<16xi1>
      tpu.vector_store %arg6[%swap3A_247], %or3A_246 masked %and3A_236 {strides = array<i32>} : memref<16400xi32, #tpu.memory_space<vmem>>, vector<16xi32>, vector<16xi1>
      %add3A_249 = arith.addi %add3A_225, %squeeze3A_239 : i32
      %scan3A_250 = arith.constant 2 : i32
      %scan3A_251 = arith.addi %scan3A_209, %scan3A_250 : i32
      %mul3A_252 = arith.constant 16 : i32
      %mul3A_253 = arith.muli %scan3A_251, %mul3A_252 : i32
      %get3A_254 = arith.index_cast %mul3A_253 : i32 to index
      %get3A_255 = tpu.vector_load %arg5[%get3A_254] {strides = array<i32>} : memref<16384xi32, #tpu.memory_space<vmem>>, vector<16xi32>,
      %ge3A_256 = vector.broadcast %mul3A_6 : i32 to vector<16xi32>
      %ge3A_257 = arith.cmpi sge, %get3A_255, %ge3A_256 : vector<16xi32>
      %lt3A_258 = vector.broadcast %add3A_9 : i32 to vector<16xi32>
      %lt3A_259 = arith.cmpi slt, %get3A_255, %lt3A_258 : vector<16xi32>
      %and3A_260 = arith.andi %ge3A_257, %lt3A_259 : vector<16xi1>
      %all_reduce_population_count3A_261 = tpu.all_reduce %and3A_260 {dim = 0 : i64, kind = #tpu.reduction_kind<sum>} : vector<16xi1> -> vector<16xi32>
      %slice3A_262 = vector.extract_strided_slice %all_reduce_population_count3A_261 {offsets = [0], sizes = [1], strides = [1]} : vector<16xi32> to vector<1xi32>
      %squeeze3A_263 = vector.extract %slice3A_262[0] : i32 from vector<1xi32>
      %sub3A_264 = vector.broadcast %mul3A_6 : i32 to vector<16xi32>
      %sub3A_265 = arith.subi %get3A_255, %sub3A_264 : vector<16xi32>
      %shift_left3A_266 = arith.constant 19 : i32
      %shift_left3A_267 = arith.shli %scan3A_251, %shift_left3A_266 : i32
      %add3A_268 = vector.broadcast %shift_left3A_267 : i32 to vector<16xi32>
      %add3A_269 = arith.addi %shift_left3A_11, %add3A_268 : vector<16xi32>
      %or3A_270 = arith.ori %sub3A_265, %add3A_269 : vector<16xi32>
      %swap3A_271 = arith.index_cast %add3A_249 : i32 to index
      %swap3A_272 = tpu.vector_load %arg6[%swap3A_271] masked %and3A_260 {strides = array<i32>} : memref<16400xi32, #tpu.memory_space<vmem>>, vector<16xi32>, vector<16xi1>
      tpu.vector_store %arg6[%swap3A_271], %or3A_270 masked %and3A_260 {strides = array<i32>} : memref<16400xi32, #tpu.memory_space<vmem>>, vector<16xi32>, vector<16xi1>
      %add3A_273 = arith.addi %add3A_249, %squeeze3A_263 : i32
      %scan3A_274 = arith.constant 3 : i32
      %scan3A_275 = arith.addi %scan3A_209, %scan3A_274 : i32
      %mul3A_276 = arith.constant 16 : i32
      %mul3A_277 = arith.muli %scan3A_275, %mul3A_276 : i32
      %get3A_278 = arith.index_cast %mul3A_277 : i32 to index
      %get3A_279 = tpu.vector_load %arg5[%get3A_278] {strides = array<i32>} : memref<16384xi32, #tpu.memory_space<vmem>>, vector<16xi32>,
      %ge3A_280 = vector.broadcast %mul3A_6 : i32 to vector<16xi32>
      %ge3A_281 = arith.cmpi sge, %get3A_279, %ge3A_280 : vector<16xi32>
      %lt3A_282 = vector.broadcast %add3A_9 : i32 to vector<16xi32>
      %lt3A_283 = arith.cmpi slt, %get3A_279, %lt3A_282 : vector<16xi32>
      %and3A_284 = arith.andi %ge3A_281, %lt3A_283 : vector<16xi1>
      %all_reduce_population_count3A_285 = tpu.all_reduce %and3A_284 {dim = 0 : i64, kind = #tpu.reduction_kind<sum>} : vector<16xi1> -> vector<16xi32>
      %slice3A_286 = vector.extract_strided_slice %all_reduce_population_count3A_285 {offsets = [0], sizes = [1], strides = [1]} : vector<16xi32> to vector<1xi32>
      %squeeze3A_287 = vector.extract %slice3A_286[0] : i32 from vector<1xi32>
      %sub3A_288 = vector.broadcast %mul3A_6 : i32 to vector<16xi32>
      %sub3A_289 = arith.subi %get3A_279, %sub3A_288 : vector<16xi32>
      %shift_left3A_290 = arith.constant 19 : i32
      %shift_left3A_291 = arith.shli %scan3A_275, %shift_left3A_290 : i32
      %add3A_292 = vector.broadcast %shift_left3A_291 : i32 to vector<16xi32>
      %add3A_293 = arith.addi %shift_left3A_11, %add3A_292 : vector<16xi32>
      %or3A_294 = arith.ori %sub3A_289, %add3A_293 : vector<16xi32>
      %swap3A_295 = arith.index_cast %add3A_273 : i32 to index
      %swap3A_296 = tpu.vector_load %arg6[%swap3A_295] masked %and3A_284 {strides = array<i32>} : memref<16400xi32, #tpu.memory_space<vmem>>, vector<16xi32>, vector<16xi1>
      tpu.vector_store %arg6[%swap3A_295], %or3A_294 masked %and3A_284 {strides = array<i32>} : memref<16400xi32, #tpu.memory_space<vmem>>, vector<16xi32>, vector<16xi1>
      %add3A_297 = arith.addi %add3A_273, %squeeze3A_287 : i32
      %scan3A_298 = arith.constant 4 : i32
      %scan3A_299 = arith.addi %scan3A_209, %scan3A_298 : i32
      %mul3A_300 = arith.constant 16 : i32
      %mul3A_301 = arith.muli %scan3A_299, %mul3A_300 : i32
      %get3A_302 = arith.index_cast %mul3A_301 : i32 to index
      %get3A_303 = tpu.vector_load %arg5[%get3A_302] {strides = array<i32>} : memref<16384xi32, #tpu.memory_space<vmem>>, vector<16xi32>,
      %ge3A_304 = vector.broadcast %mul3A_6 : i32 to vector<16xi32>
      %ge3A_305 = arith.cmpi sge, %get3A_303, %ge3A_304 : vector<16xi32>
      %lt3A_306 = vector.broadcast %add3A_9 : i32 to vector<16xi32>
      %lt3A_307 = arith.cmpi slt, %get3A_303, %lt3A_306 : vector<16xi32>
      %and3A_308 = arith.andi %ge3A_305, %lt3A_307 : vector<16xi1>
      %all_reduce_population_count3A_309 = tpu.all_reduce %and3A_308 {dim = 0 : i64, kind = #tpu.reduction_kind<sum>} : vector<16xi1> -> vector<16xi32>
      %slice3A_310 = vector.extract_strided_slice %all_reduce_population_count3A_309 {offsets = [0], sizes = [1], strides = [1]} : vector<16xi32> to vector<1xi32>
      %squeeze3A_311 = vector.extract %slice3A_310[0] : i32 from vector<1xi32>
      %sub3A_312 = vector.broadcast %mul3A_6 : i32 to vector<16xi32>
      %sub3A_313 = arith.subi %get3A_303, %sub3A_312 : vector<16xi32>
      %shift_left3A_314 = arith.constant 19 : i32
      %shift_left3A_315 = arith.shli %scan3A_299, %shift_left3A_314 : i32
      %add3A_316 = vector.broadcast %shift_left3A_315 : i32 to vector<16xi32>
      %add3A_317 = arith.addi %shift_left3A_11, %add3A_316 : vector<16xi32>
      %or3A_318 = arith.ori %sub3A_313, %add3A_317 : vector<16xi32>
      %swap3A_319 = arith.index_cast %add3A_297 : i32 to index
      %swap3A_320 = tpu.vector_load %arg6[%swap3A_319] masked %and3A_308 {strides = array<i32>} : memref<16400xi32, #tpu.memory_space<vmem>>, vector<16xi32>, vector<16xi1>
      tpu.vector_store %arg6[%swap3A_319], %or3A_318 masked %and3A_308 {strides = array<i32>} : memref<16400xi32, #tpu.memory_space<vmem>>, vector<16xi32>, vector<16xi1>
      %add3A_321 = arith.addi %add3A_297, %squeeze3A_311 : i32
      %scan3A_322 = arith.constant 5 : i32
      %scan3A_323 = arith.addi %scan3A_209, %scan3A_322 : i32
      %mul3A_324 = arith.constant 16 : i32
      %mul3A_325 = arith.muli %scan3A_323, %mul3A_324 : i32
      %get3A_326 = arith.index_cast %mul3A_325 : i32 to index
      %get3A_327 = tpu.vector_load %arg5[%get3A_326] {strides = array<i32>} : memref<16384xi32, #tpu.memory_space<vmem>>, vector<16xi32>,
      %ge3A_328 = vector.broadcast %mul3A_6 : i32 to vector<16xi32>
      %ge3A_329 = arith.cmpi sge, %get3A_327, %ge3A_328 : vector<16xi32>
      %lt3A_330 = vector.broadcast %add3A_9 : i32 to vector<16xi32>
      %lt3A_331 = arith.cmpi slt, %get3A_327, %lt3A_330 : vector<16xi32>
      %and3A_332 = arith.andi %ge3A_329, %lt3A_331 : vector<16xi1>
      %all_reduce_population_count3A_333 = tpu.all_reduce %and3A_332 {dim = 0 : i64, kind = #tpu.reduction_kind<sum>} : vector<16xi1> -> vector<16xi32>
      %slice3A_334 = vector.extract_strided_slice %all_reduce_population_count3A_333 {offsets = [0], sizes = [1], strides = [1]} : vector<16xi32> to vector<1xi32>
      %squeeze3A_335 = vector.extract %slice3A_334[0] : i32 from vector<1xi32>
      %sub3A_336 = vector.broadcast %mul3A_6 : i32 to vector<16xi32>
      %sub3A_337 = arith.subi %get3A_327, %sub3A_336 : vector<16xi32>
      %shift_left3A_338 = arith.constant 19 : i32
      %shift_left3A_339 = arith.shli %scan3A_323, %shift_left3A_338 : i32
      %add3A_340 = vector.broadcast %shift_left3A_339 : i32 to vector<16xi32>
      %add3A_341 = arith.addi %shift_left3A_11, %add3A_340 : vector<16xi32>
      %or3A_342 = arith.ori %sub3A_337, %add3A_341 : vector<16xi32>
      %swap3A_343 = arith.index_cast %add3A_321 : i32 to index
      %swap3A_344 = tpu.vector_load %arg6[%swap3A_343] masked %and3A_332 {strides = array<i32>} : memref<16400xi32, #tpu.memory_space<vmem>>, vector<16xi32>, vector<16xi1>
      tpu.vector_store %arg6[%swap3A_343], %or3A_342 masked %and3A_332 {strides = array<i32>} : memref<16400xi32, #tpu.memory_space<vmem>>, vector<16xi32>, vector<16xi1>
      %add3A_345 = arith.addi %add3A_321, %squeeze3A_335 : i32
      %scan3A_346 = arith.constant 6 : i32
      %scan3A_347 = arith.addi %scan3A_209, %scan3A_346 : i32
      %mul3A_348 = arith.constant 16 : i32
      %mul3A_349 = arith.muli %scan3A_347, %mul3A_348 : i32
      %get3A_350 = arith.index_cast %mul3A_349 : i32 to index
      %get3A_351 = tpu.vector_load %arg5[%get3A_350] {strides = array<i32>} : memref<16384xi32, #tpu.memory_space<vmem>>, vector<16xi32>,
      %ge3A_352 = vector.broadcast %mul3A_6 : i32 to vector<16xi32>
      %ge3A_353 = arith.cmpi sge, %get3A_351, %ge3A_352 : vector<16xi32>
      %lt3A_354 = vector.broadcast %add3A_9 : i32 to vector<16xi32>
      %lt3A_355 = arith.cmpi slt, %get3A_351, %lt3A_354 : vector<16xi32>
      %and3A_356 = arith.andi %ge3A_353, %lt3A_355 : vector<16xi1>
      %all_reduce_population_count3A_357 = tpu.all_reduce %and3A_356 {dim = 0 : i64, kind = #tpu.reduction_kind<sum>} : vector<16xi1> -> vector<16xi32>
      %slice3A_358 = vector.extract_strided_slice %all_reduce_population_count3A_357 {offsets = [0], sizes = [1], strides = [1]} : vector<16xi32> to vector<1xi32>
      %squeeze3A_359 = vector.extract %slice3A_358[0] : i32 from vector<1xi32>
      %sub3A_360 = vector.broadcast %mul3A_6 : i32 to vector<16xi32>
      %sub3A_361 = arith.subi %get3A_351, %sub3A_360 : vector<16xi32>
      %shift_left3A_362 = arith.constant 19 : i32
      %shift_left3A_363 = arith.shli %scan3A_347, %shift_left3A_362 : i32
      %add3A_364 = vector.broadcast %shift_left3A_363 : i32 to vector<16xi32>
      %add3A_365 = arith.addi %shift_left3A_11, %add3A_364 : vector<16xi32>
      %or3A_366 = arith.ori %sub3A_361, %add3A_365 : vector<16xi32>
      %swap3A_367 = arith.index_cast %add3A_345 : i32 to index
      %swap3A_368 = tpu.vector_load %arg6[%swap3A_367] masked %and3A_356 {strides = array<i32>} : memref<16400xi32, #tpu.memory_space<vmem>>, vector<16xi32>, vector<16xi1>
      tpu.vector_store %arg6[%swap3A_367], %or3A_366 masked %and3A_356 {strides = array<i32>} : memref<16400xi32, #tpu.memory_space<vmem>>, vector<16xi32>, vector<16xi1>
      %add3A_369 = arith.addi %add3A_345, %squeeze3A_359 : i32
      %scan3A_370 = arith.constant 7 : i32
      %scan3A_371 = arith.addi %scan3A_209, %scan3A_370 : i32
      %mul3A_372 = arith.constant 16 : i32
      %mul3A_373 = arith.muli %scan3A_371, %mul3A_372 : i32
      %get3A_374 = arith.index_cast %mul3A_373 : i32 to index
      %get3A_375 = tpu.vector_load %arg5[%get3A_374] {strides = array<i32>} : memref<16384xi32, #tpu.memory_space<vmem>>, vector<16xi32>,
      %ge3A_376 = vector.broadcast %mul3A_6 : i32 to vector<16xi32>
      %ge3A_377 = arith.cmpi sge, %get3A_375, %ge3A_376 : vector<16xi32>
      %lt3A_378 = vector.broadcast %add3A_9 : i32 to vector<16xi32>
      %lt3A_379 = arith.cmpi slt, %get3A_375, %lt3A_378 : vector<16xi32>
      %and3A_380 = arith.andi %ge3A_377, %lt3A_379 : vector<16xi1>
      %all_reduce_population_count3A_381 = tpu.all_reduce %and3A_380 {dim = 0 : i64, kind = #tpu.reduction_kind<sum>} : vector<16xi1> -> vector<16xi32>
      %slice3A_382 = vector.extract_strided_slice %all_reduce_population_count3A_381 {offsets = [0], sizes = [1], strides = [1]} : vector<16xi32> to vector<1xi32>
      %squeeze3A_383 = vector.extract %slice3A_382[0] : i32 from vector<1xi32>
      %sub3A_384 = vector.broadcast %mul3A_6 : i32 to vector<16xi32>
      %sub3A_385 = arith.subi %get3A_375, %sub3A_384 : vector<16xi32>
      %shift_left3A_386 = arith.constant 19 : i32
      %shift_left3A_387 = arith.shli %scan3A_371, %shift_left3A_386 : i32
      %add3A_388 = vector.broadcast %shift_left3A_387 : i32 to vector<16xi32>
      %add3A_389 = arith.addi %shift_left3A_11, %add3A_388 : vector<16xi32>
      %or3A_390 = arith.ori %sub3A_385, %add3A_389 : vector<16xi32>
      %swap3A_391 = arith.index_cast %add3A_369 : i32 to index
      %swap3A_392 = tpu.vector_load %arg6[%swap3A_391] masked %and3A_380 {strides = array<i32>} : memref<16400xi32, #tpu.memory_space<vmem>>, vector<16xi32>, vector<16xi1>
      tpu.vector_store %arg6[%swap3A_391], %or3A_390 masked %and3A_380 {strides = array<i32>} : memref<16400xi32, #tpu.memory_space<vmem>>, vector<16xi32>, vector<16xi1>
      %add3A_393 = arith.addi %add3A_369, %squeeze3A_383 : i32
      scf.yield %add3A_393 : i32
    }
    %scan3A_17 = arith.constant 1024 : i32
    %mul3A_18 = arith.constant 32 : i32
    %mul3A_19 = arith.muli %add3A, %mul3A_18 : i32
    %add3A_20 = arith.constant 32 : i32
    %add3A_21 = arith.addi %mul3A_19, %add3A_20 : i32
    %while3A = arith.subi %add3A_21, %mul3A_19 : i32
    %while3A_22 = arith.addi %mul3A_19, %while3A : i32
    %while3A_23 = arith.constant 1 : i32
    %while3A_24 = arith.divsi %while3A, %while3A_23 : i32
    %while3A_25 = arith.muli %while3A_24, %while3A_23 : i32
    %while3A_26 = arith.addi %mul3A_19, %while3A_25 : i32
    %while3A_27 = arith.constant 1 : i32
    %while3A_28 = scf.for %while3A_209 = %mul3A_19 to %while3A_26 step %while3A_27 iter_args(%while3A_210 = %scan3A_16) -> (i32)  : i32 {
      %mul3A_211 = arith.constant 16 : i32
      %mul3A_212 = arith.muli %while3A_209, %mul3A_211 : i32
      %get3A_213 = arith.index_cast %mul3A_212 : i32 to index
      %get3A_214 = tpu.vector_load %arg5[%get3A_213] {strides = array<i32>} : memref<16384xi32, #tpu.memory_space<vmem>>, vector<16xi32>,
      %ge3A = arith.constant 999936 : i32
      %ge3A_215 = vector.broadcast %ge3A : i32 to vector<16xi32>
      %ge3A_216 = arith.cmpi sge, %get3A_214, %ge3A_215 : vector<16xi32>
      %all_reduce_population_count3A = tpu.all_reduce %ge3A_216 {dim = 0 : i64, kind = #tpu.reduction_kind<sum>} : vector<16xi1> -> vector<16xi32>
      %slice3A = vector.extract_strided_slice %all_reduce_population_count3A {offsets = [0], sizes = [1], strides = [1]} : vector<16xi32> to vector<1xi32>
      %squeeze3A = vector.extract %slice3A[0] : i32 from vector<1xi32>
      %sub3A_217 = arith.constant 999936 : i32
      %sub3A_218 = vector.broadcast %sub3A_217 : i32 to vector<16xi32>
      %sub3A_219 = arith.subi %get3A_214, %sub3A_218 : vector<16xi32>
      %add3A_220 = arith.constant 31360 : i32
      %add3A_221 = vector.broadcast %add3A_220 : i32 to vector<16xi32>
      %add3A_222 = arith.addi %sub3A_219, %add3A_221 : vector<16xi32>
      %mul3A_223 = arith.constant 16 : i32
      %mul3A_224 = arith.muli %while3A_209, %mul3A_223 : i32
      %add3A_225 = vector.broadcast %mul3A_224 : i32 to vector<16xi32>
      %add3A_226 = arith.addi %iota3A, %add3A_225 : vector<16xi32>
      %shift_left3A_227 = arith.constant 15 : i32
      %shift_left3A_228 = vector.broadcast %shift_left3A_227 : i32 to vector<16xi32>
      %shift_left3A_229 = arith.shli %add3A_226, %shift_left3A_228 : vector<16xi32>
      %or3A = arith.ori %add3A_222, %shift_left3A_229 : vector<16xi32>
      %swap3A = arith.index_cast %while3A_210 : i32 to index
      %swap3A_230 = tpu.vector_load %arg6[%swap3A] masked %ge3A_216 {strides = array<i32>} : memref<16400xi32, #tpu.memory_space<vmem>>, vector<16xi32>, vector<16xi1>
      tpu.vector_store %arg6[%swap3A], %or3A masked %ge3A_216 {strides = array<i32>} : memref<16400xi32, #tpu.memory_space<vmem>>, vector<16xi32>, vector<16xi1>
      %add3A_231 = arith.addi %while3A_210, %squeeze3A : i32
      scf.yield %add3A_231 : i32
    }
    %while3A_29 = arith.constant 1 : i32
    %while3A_30 = scf.for %while3A_209 = %while3A_26 to %while3A_22 step %while3A_29 iter_args(%while3A_210 = %while3A_28) -> (i32)  : i32 {
      %mul3A_211 = arith.constant 16 : i32
      %mul3A_212 = arith.muli %while3A_209, %mul3A_211 : i32
      %get3A_213 = arith.index_cast %mul3A_212 : i32 to index
      %get3A_214 = tpu.vector_load %arg5[%get3A_213] {strides = array<i32>} : memref<16384xi32, #tpu.memory_space<vmem>>, vector<16xi32>,
      %ge3A = arith.constant 999936 : i32
      %ge3A_215 = vector.broadcast %ge3A : i32 to vector<16xi32>
      %ge3A_216 = arith.cmpi sge, %get3A_214, %ge3A_215 : vector<16xi32>
      %all_reduce_population_count3A = tpu.all_reduce %ge3A_216 {dim = 0 : i64, kind = #tpu.reduction_kind<sum>} : vector<16xi1> -> vector<16xi32>
      %slice3A = vector.extract_strided_slice %all_reduce_population_count3A {offsets = [0], sizes = [1], strides = [1]} : vector<16xi32> to vector<1xi32>
      %squeeze3A = vector.extract %slice3A[0] : i32 from vector<1xi32>
      %sub3A_217 = arith.constant 999936 : i32
      %sub3A_218 = vector.broadcast %sub3A_217 : i32 to vector<16xi32>
      %sub3A_219 = arith.subi %get3A_214, %sub3A_218 : vector<16xi32>
      %add3A_220 = arith.constant 31360 : i32
      %add3A_221 = vector.broadcast %add3A_220 : i32 to vector<16xi32>
      %add3A_222 = arith.addi %sub3A_219, %add3A_221 : vector<16xi32>
      %mul3A_223 = arith.constant 16 : i32
      %mul3A_224 = arith.muli %while3A_209, %mul3A_223 : i32
      %add3A_225 = vector.broadcast %mul3A_224 : i32 to vector<16xi32>
      %add3A_226 = arith.addi %iota3A, %add3A_225 : vector<16xi32>
      %shift_left3A_227 = arith.constant 15 : i32
      %shift_left3A_228 = vector.broadcast %shift_left3A_227 : i32 to vector<16xi32>
      %shift_left3A_229 = arith.shli %add3A_226, %shift_left3A_228 : vector<16xi32>
      %or3A = arith.ori %add3A_222, %shift_left3A_229 : vector<16xi32>
      %swap3A = arith.index_cast %while3A_210 : i32 to index
      %swap3A_230 = tpu.vector_load %arg6[%swap3A] masked %ge3A_216 {strides = array<i32>} : memref<16400xi32, #tpu.memory_space<vmem>>, vector<16xi32>, vector<16xi1>
      tpu.vector_store %arg6[%swap3A], %or3A masked %ge3A_216 {strides = array<i32>} : memref<16400xi32, #tpu.memory_space<vmem>>, vector<16xi32>, vector<16xi1>
      %add3A_231 = arith.addi %while3A_210, %squeeze3A : i32
      scf.yield %add3A_231 : i32
    }
    %add3A_31 = arith.constant 1 : i32
    %add3A_32 = arith.addi %min3A_4, %add3A_31 : i32
    %while3A_33 = arith.constant 0 : i32
    %while3A_34 = arith.constant 0 : i32
    %while3A_35 = arith.subi %add3A_32, %while3A_33 : i32
    %while3A_36 = arith.addi %while3A_33, %while3A_35 : i32
    %while3A_37 = arith.constant 1 : i32
    %while3A_38 = arith.divsi %while3A_35, %while3A_37 : i32
    %while3A_39 = arith.muli %while3A_38, %while3A_37 : i32
    %while3A_40 = arith.addi %while3A_33, %while3A_39 : i32
    %while3A_41 = arith.constant 1 : i32
    %while3A_42 = scf.for %while3A_209 = %while3A_33 to %while3A_40 step %while3A_41 iter_args(%while3A_210 = %while3A_34) -> (i32)  : i32 {
      %swap3A = arith.constant 0 : i32
      %swap3A_211 = arith.index_cast %while3A_209 : i32 to index
      %swap3A_212 = memref.load %arg11[%swap3A_211] : memref<247xi32, #tpu.memory_space<smem>>
      memref.store %swap3A, %arg11[%swap3A_211] : memref<247xi32, #tpu.memory_space<smem>>
      %while3A_213 = arith.constant 0 : i32
      scf.yield %while3A_213 : i32
    }
    %while3A_43 = arith.constant 1 : i32
    %while3A_44 = scf.for %while3A_209 = %while3A_40 to %while3A_36 step %while3A_43 iter_args(%while3A_210 = %while3A_42) -> (i32)  : i32 {
      %swap3A = arith.constant 0 : i32
      %swap3A_211 = arith.index_cast %while3A_209 : i32 to index
      %swap3A_212 = memref.load %arg11[%swap3A_211] : memref<247xi32, #tpu.memory_space<smem>>
      memref.store %swap3A, %arg11[%swap3A_211] : memref<247xi32, #tpu.memory_space<smem>>
      %while3A_213 = arith.constant 0 : i32
      scf.yield %while3A_213 : i32
    }
    %add3A_45 = arith.constant 15 : i32
    %add3A_46 = arith.addi %while3A_30, %add3A_45 : i32
    %jit3A = arith.constant 16 : i32
    %div3A = arith.divsi %add3A_46, %jit3A : i32
    %sign3A = arith.constant 0 : i32
    %sign3A_47 = arith.cmpi sgt, %add3A_46, %sign3A : i32
    %sign3A_48 = arith.extui %sign3A_47 : i1 to i32
    %sign3A_49 = arith.constant 0 : i32
    %sign3A_50 = arith.cmpi slt, %add3A_46, %sign3A_49 : i32
    %sign3A_51 = arith.extui %sign3A_50 : i1 to i32
    %sign3A_52 = arith.subi %sign3A_48, %sign3A_51 : i32
    %sign3A_53 = arith.constant 0 : i32
    %sign3A_54 = arith.cmpi sgt, %jit3A, %sign3A_53 : i32
    %sign3A_55 = arith.extui %sign3A_54 : i1 to i32
    %sign3A_56 = arith.constant 0 : i32
    %sign3A_57 = arith.cmpi slt, %jit3A, %sign3A_56 : i32
    %sign3A_58 = arith.extui %sign3A_57 : i1 to i32
    %sign3A_59 = arith.subi %sign3A_55, %sign3A_58 : i32
    %ne3A = arith.cmpi ne, %sign3A_52, %sign3A_59 : i32
    %rem3A = arith.remsi %add3A_46, %jit3A : i32
    %ne3A_60 = arith.constant 0 : i32
    %ne3A_61 = arith.cmpi ne, %rem3A, %ne3A_60 : i32
    %and3A = arith.andi %ne3A, %ne3A_61 : i1
    %sub3A_62 = arith.constant 1 : i32
    %sub3A_63 = arith.subi %div3A, %sub3A_62 : i32
    %select_n3A = arith.select %and3A, %sub3A_63, %div3A : i32
    %while3A_64 = arith.constant 0 : i32
    %while3A_65 = arith.constant 0 : i32
    %while3A_66 = arith.subi %select_n3A, %while3A_64 : i32
    %while3A_67 = arith.addi %while3A_64, %while3A_66 : i32
    %while3A_68 = arith.constant 1 : i32
    %while3A_69 = arith.divsi %while3A_66, %while3A_68 : i32
    %while3A_70 = arith.muli %while3A_69, %while3A_68 : i32
    %while3A_71 = arith.addi %while3A_64, %while3A_70 : i32
    %while3A_72 = arith.constant 1 : i32
    %while3A_73 = scf.for %while3A_209 = %while3A_64 to %while3A_71 step %while3A_72 iter_args(%while3A_210 = %while3A_65) -> (i32)  : i32 {
      %mul3A_211 = arith.constant 16 : i32
      %mul3A_212 = arith.muli %while3A_209, %mul3A_211 : i32
      %get3A_213 = arith.index_cast %mul3A_212 : i32 to index
      %get3A_214 = tpu.vector_load %arg6[%get3A_213] {strides = array<i32>} : memref<16400xi32, #tpu.memory_space<vmem>>, vector<16xi32>,
      %mul3A_215 = arith.constant 16 : i32
      %mul3A_216 = arith.muli %while3A_209, %mul3A_215 : i32
      %add3A_217 = arith.constant 0 : i32
      %add3A_218 = arith.addi %mul3A_216, %add3A_217 : i32
      %lt3A = arith.cmpi slt, %add3A_218, %while3A_30 : i32
      %convert_element_type3A_219 = arith.extui %lt3A : i1 to i32
      %cond3A_220 = arith.constant 0 : i32
      %cond3A_221 = arith.cmpi ne, %convert_element_type3A_219, %cond3A_220 : i32
      scf.if %cond3A_221 {
        %slice3A = vector.extract_strided_slice %get3A_214 {offsets = [0], sizes = [1], strides = [1]} : vector<16xi32> to vector<1xi32>
        %squeeze3A = vector.extract %slice3A[0] : i32 from vector<1xi32>
        %and3A_343 = arith.constant 32767 : i32
        %and3A_344 = arith.andi %squeeze3A, %and3A_343 : i32
        %shift_right_arithmetic3A = arith.constant 7 : i32
        %shift_right_arithmetic3A_345 = arith.shrsi %and3A_344, %shift_right_arithmetic3A : i32
        %min3A_346 = arith.minsi %shift_right_arithmetic3A_345, %min3A_4 : i32
        %get3A_347 = arith.index_cast %min3A_346 : i32 to index
        %get3A_348 = memref.load %arg11[%get3A_347] : memref<247xi32, #tpu.memory_space<smem>>
        %add3A_349 = arith.constant 1 : i32
        %add3A_350 = arith.addi %get3A_348, %add3A_349 : i32
        %swap3A = arith.index_cast %min3A_346 : i32 to index
        %swap3A_351 = memref.load %arg11[%swap3A] : memref<247xi32, #tpu.memory_space<smem>>
        memref.store %add3A_350, %arg11[%swap3A] : memref<247xi32, #tpu.memory_space<smem>>
      } else {
      }
      %mul3A_222 = arith.constant 16 : i32
      %mul3A_223 = arith.muli %while3A_209, %mul3A_222 : i32
      %add3A_224 = arith.constant 1 : i32
      %add3A_225 = arith.addi %mul3A_223, %add3A_224 : i32
      %lt3A_226 = arith.cmpi slt, %add3A_225, %while3A_30 : i32
      %convert_element_type3A_227 = arith.extui %lt3A_226 : i1 to i32
      %cond3A_228 = arith.constant 0 : i32
      %cond3A_229 = arith.cmpi ne, %convert_element_type3A_227, %cond3A_228 : i32
      scf.if %cond3A_229 {
        %slice3A = vector.extract_strided_slice %get3A_214 {offsets = [1], sizes = [1], strides = [1]} : vector<16xi32> to vector<1xi32>
        %squeeze3A = vector.extract %slice3A[0] : i32 from vector<1xi32>
        %and3A_343 = arith.constant 32767 : i32
        %and3A_344 = arith.andi %squeeze3A, %and3A_343 : i32
        %shift_right_arithmetic3A = arith.constant 7 : i32
        %shift_right_arithmetic3A_345 = arith.shrsi %and3A_344, %shift_right_arithmetic3A : i32
        %min3A_346 = arith.minsi %shift_right_arithmetic3A_345, %min3A_4 : i32
        %get3A_347 = arith.index_cast %min3A_346 : i32 to index
        %get3A_348 = memref.load %arg11[%get3A_347] : memref<247xi32, #tpu.memory_space<smem>>
        %add3A_349 = arith.constant 1 : i32
        %add3A_350 = arith.addi %get3A_348, %add3A_349 : i32
        %swap3A = arith.index_cast %min3A_346 : i32 to index
        %swap3A_351 = memref.load %arg11[%swap3A] : memref<247xi32, #tpu.memory_space<smem>>
        memref.store %add3A_350, %arg11[%swap3A] : memref<247xi32, #tpu.memory_space<smem>>
      } else {
      }
      %mul3A_230 = arith.constant 16 : i32
      %mul3A_231 = arith.muli %while3A_209, %mul3A_230 : i32
      %add3A_232 = arith.constant 2 : i32
      %add3A_233 = arith.addi %mul3A_231, %add3A_232 : i32
      %lt3A_234 = arith.cmpi slt, %add3A_233, %while3A_30 : i32
      %convert_element_type3A_235 = arith.extui %lt3A_234 : i1 to i32
      %cond3A_236 = arith.constant 0 : i32
      %cond3A_237 = arith.cmpi ne, %convert_element_type3A_235, %cond3A_236 : i32
      scf.if %cond3A_237 {
        %slice3A = vector.extract_strided_slice %get3A_214 {offsets = [2], sizes = [1], strides = [1]} : vector<16xi32> to vector<1xi32>
        %squeeze3A = vector.extract %slice3A[0] : i32 from vector<1xi32>
        %and3A_343 = arith.constant 32767 : i32
        %and3A_344 = arith.andi %squeeze3A, %and3A_343 : i32
        %shift_right_arithmetic3A = arith.constant 7 : i32
        %shift_right_arithmetic3A_345 = arith.shrsi %and3A_344, %shift_right_arithmetic3A : i32
        %min3A_346 = arith.minsi %shift_right_arithmetic3A_345, %min3A_4 : i32
        %get3A_347 = arith.index_cast %min3A_346 : i32 to index
        %get3A_348 = memref.load %arg11[%get3A_347] : memref<247xi32, #tpu.memory_space<smem>>
        %add3A_349 = arith.constant 1 : i32
        %add3A_350 = arith.addi %get3A_348, %add3A_349 : i32
        %swap3A = arith.index_cast %min3A_346 : i32 to index
        %swap3A_351 = memref.load %arg11[%swap3A] : memref<247xi32, #tpu.memory_space<smem>>
        memref.store %add3A_350, %arg11[%swap3A] : memref<247xi32, #tpu.memory_space<smem>>
      } else {
      }
      %mul3A_238 = arith.constant 16 : i32
      %mul3A_239 = arith.muli %while3A_209, %mul3A_238 : i32
      %add3A_240 = arith.constant 3 : i32
      %add3A_241 = arith.addi %mul3A_239, %add3A_240 : i32
      %lt3A_242 = arith.cmpi slt, %add3A_241, %while3A_30 : i32
      %convert_element_type3A_243 = arith.extui %lt3A_242 : i1 to i32
      %cond3A_244 = arith.constant 0 : i32
      %cond3A_245 = arith.cmpi ne, %convert_element_type3A_243, %cond3A_244 : i32
      scf.if %cond3A_245 {
        %slice3A = vector.extract_strided_slice %get3A_214 {offsets = [3], sizes = [1], strides = [1]} : vector<16xi32> to vector<1xi32>
        %squeeze3A = vector.extract %slice3A[0] : i32 from vector<1xi32>
        %and3A_343 = arith.constant 32767 : i32
        %and3A_344 = arith.andi %squeeze3A, %and3A_343 : i32
        %shift_right_arithmetic3A = arith.constant 7 : i32
        %shift_right_arithmetic3A_345 = arith.shrsi %and3A_344, %shift_right_arithmetic3A : i32
        %min3A_346 = arith.minsi %shift_right_arithmetic3A_345, %min3A_4 : i32
        %get3A_347 = arith.index_cast %min3A_346 : i32 to index
        %get3A_348 = memref.load %arg11[%get3A_347] : memref<247xi32, #tpu.memory_space<smem>>
        %add3A_349 = arith.constant 1 : i32
        %add3A_350 = arith.addi %get3A_348, %add3A_349 : i32
        %swap3A = arith.index_cast %min3A_346 : i32 to index
        %swap3A_351 = memref.load %arg11[%swap3A] : memref<247xi32, #tpu.memory_space<smem>>
        memref.store %add3A_350, %arg11[%swap3A] : memref<247xi32, #tpu.memory_space<smem>>
      } else {
      }
      %mul3A_246 = arith.constant 16 : i32
      %mul3A_247 = arith.muli %while3A_209, %mul3A_246 : i32
      %add3A_248 = arith.constant 4 : i32
      %add3A_249 = arith.addi %mul3A_247, %add3A_248 : i32
      %lt3A_250 = arith.cmpi slt, %add3A_249, %while3A_30 : i32
      %convert_element_type3A_251 = arith.extui %lt3A_250 : i1 to i32
      %cond3A_252 = arith.constant 0 : i32
      %cond3A_253 = arith.cmpi ne, %convert_element_type3A_251, %cond3A_252 : i32
      scf.if %cond3A_253 {
        %slice3A = vector.extract_strided_slice %get3A_214 {offsets = [4], sizes = [1], strides = [1]} : vector<16xi32> to vector<1xi32>
        %squeeze3A = vector.extract %slice3A[0] : i32 from vector<1xi32>
        %and3A_343 = arith.constant 32767 : i32
        %and3A_344 = arith.andi %squeeze3A, %and3A_343 : i32
        %shift_right_arithmetic3A = arith.constant 7 : i32
        %shift_right_arithmetic3A_345 = arith.shrsi %and3A_344, %shift_right_arithmetic3A : i32
        %min3A_346 = arith.minsi %shift_right_arithmetic3A_345, %min3A_4 : i32
        %get3A_347 = arith.index_cast %min3A_346 : i32 to index
        %get3A_348 = memref.load %arg11[%get3A_347] : memref<247xi32, #tpu.memory_space<smem>>
        %add3A_349 = arith.constant 1 : i32
        %add3A_350 = arith.addi %get3A_348, %add3A_349 : i32
        %swap3A = arith.index_cast %min3A_346 : i32 to index
        %swap3A_351 = memref.load %arg11[%swap3A] : memref<247xi32, #tpu.memory_space<smem>>
        memref.store %add3A_350, %arg11[%swap3A] : memref<247xi32, #tpu.memory_space<smem>>
      } else {
      }
      %mul3A_254 = arith.constant 16 : i32
      %mul3A_255 = arith.muli %while3A_209, %mul3A_254 : i32
      %add3A_256 = arith.constant 5 : i32
      %add3A_257 = arith.addi %mul3A_255, %add3A_256 : i32
      %lt3A_258 = arith.cmpi slt, %add3A_257, %while3A_30 : i32
      %convert_element_type3A_259 = arith.extui %lt3A_258 : i1 to i32
      %cond3A_260 = arith.constant 0 : i32
      %cond3A_261 = arith.cmpi ne, %convert_element_type3A_259, %cond3A_260 : i32
      scf.if %cond3A_261 {
        %slice3A = vector.extract_strided_slice %get3A_214 {offsets = [5], sizes = [1], strides = [1]} : vector<16xi32> to vector<1xi32>
        %squeeze3A = vector.extract %slice3A[0] : i32 from vector<1xi32>
        %and3A_343 = arith.constant 32767 : i32
        %and3A_344 = arith.andi %squeeze3A, %and3A_343 : i32
        %shift_right_arithmetic3A = arith.constant 7 : i32
        %shift_right_arithmetic3A_345 = arith.shrsi %and3A_344, %shift_right_arithmetic3A : i32
        %min3A_346 = arith.minsi %shift_right_arithmetic3A_345, %min3A_4 : i32
        %get3A_347 = arith.index_cast %min3A_346 : i32 to index
        %get3A_348 = memref.load %arg11[%get3A_347] : memref<247xi32, #tpu.memory_space<smem>>
        %add3A_349 = arith.constant 1 : i32
        %add3A_350 = arith.addi %get3A_348, %add3A_349 : i32
        %swap3A = arith.index_cast %min3A_346 : i32 to index
        %swap3A_351 = memref.load %arg11[%swap3A] : memref<247xi32, #tpu.memory_space<smem>>
        memref.store %add3A_350, %arg11[%swap3A] : memref<247xi32, #tpu.memory_space<smem>>
      } else {
      }
      %mul3A_262 = arith.constant 16 : i32
      %mul3A_263 = arith.muli %while3A_209, %mul3A_262 : i32
      %add3A_264 = arith.constant 6 : i32
      %add3A_265 = arith.addi %mul3A_263, %add3A_264 : i32
      %lt3A_266 = arith.cmpi slt, %add3A_265, %while3A_30 : i32
      %convert_element_type3A_267 = arith.extui %lt3A_266 : i1 to i32
      %cond3A_268 = arith.constant 0 : i32
      %cond3A_269 = arith.cmpi ne, %convert_element_type3A_267, %cond3A_268 : i32
      scf.if %cond3A_269 {
        %slice3A = vector.extract_strided_slice %get3A_214 {offsets = [6], sizes = [1], strides = [1]} : vector<16xi32> to vector<1xi32>
        %squeeze3A = vector.extract %slice3A[0] : i32 from vector<1xi32>
        %and3A_343 = arith.constant 32767 : i32
        %and3A_344 = arith.andi %squeeze3A, %and3A_343 : i32
        %shift_right_arithmetic3A = arith.constant 7 : i32
        %shift_right_arithmetic3A_345 = arith.shrsi %and3A_344, %shift_right_arithmetic3A : i32
        %min3A_346 = arith.minsi %shift_right_arithmetic3A_345, %min3A_4 : i32
        %get3A_347 = arith.index_cast %min3A_346 : i32 to index
        %get3A_348 = memref.load %arg11[%get3A_347] : memref<247xi32, #tpu.memory_space<smem>>
        %add3A_349 = arith.constant 1 : i32
        %add3A_350 = arith.addi %get3A_348, %add3A_349 : i32
        %swap3A = arith.index_cast %min3A_346 : i32 to index
        %swap3A_351 = memref.load %arg11[%swap3A] : memref<247xi32, #tpu.memory_space<smem>>
        memref.store %add3A_350, %arg11[%swap3A] : memref<247xi32, #tpu.memory_space<smem>>
      } else {
      }
      %mul3A_270 = arith.constant 16 : i32
      %mul3A_271 = arith.muli %while3A_209, %mul3A_270 : i32
      %add3A_272 = arith.constant 7 : i32
      %add3A_273 = arith.addi %mul3A_271, %add3A_272 : i32
      %lt3A_274 = arith.cmpi slt, %add3A_273, %while3A_30 : i32
      %convert_element_type3A_275 = arith.extui %lt3A_274 : i1 to i32
      %cond3A_276 = arith.constant 0 : i32
      %cond3A_277 = arith.cmpi ne, %convert_element_type3A_275, %cond3A_276 : i32
      scf.if %cond3A_277 {
        %slice3A = vector.extract_strided_slice %get3A_214 {offsets = [7], sizes = [1], strides = [1]} : vector<16xi32> to vector<1xi32>
        %squeeze3A = vector.extract %slice3A[0] : i32 from vector<1xi32>
        %and3A_343 = arith.constant 32767 : i32
        %and3A_344 = arith.andi %squeeze3A, %and3A_343 : i32
        %shift_right_arithmetic3A = arith.constant 7 : i32
        %shift_right_arithmetic3A_345 = arith.shrsi %and3A_344, %shift_right_arithmetic3A : i32
        %min3A_346 = arith.minsi %shift_right_arithmetic3A_345, %min3A_4 : i32
        %get3A_347 = arith.index_cast %min3A_346 : i32 to index
        %get3A_348 = memref.load %arg11[%get3A_347] : memref<247xi32, #tpu.memory_space<smem>>
        %add3A_349 = arith.constant 1 : i32
        %add3A_350 = arith.addi %get3A_348, %add3A_349 : i32
        %swap3A = arith.index_cast %min3A_346 : i32 to index
        %swap3A_351 = memref.load %arg11[%swap3A] : memref<247xi32, #tpu.memory_space<smem>>
        memref.store %add3A_350, %arg11[%swap3A] : memref<247xi32, #tpu.memory_space<smem>>
      } else {
      }
      %mul3A_278 = arith.constant 16 : i32
      %mul3A_279 = arith.muli %while3A_209, %mul3A_278 : i32
      %add3A_280 = arith.constant 8 : i32
      %add3A_281 = arith.addi %mul3A_279, %add3A_280 : i32
      %lt3A_282 = arith.cmpi slt, %add3A_281, %while3A_30 : i32
      %convert_element_type3A_283 = arith.extui %lt3A_282 : i1 to i32
      %cond3A_284 = arith.constant 0 : i32
      %cond3A_285 = arith.cmpi ne, %convert_element_type3A_283, %cond3A_284 : i32
      scf.if %cond3A_285 {
        %slice3A = vector.extract_strided_slice %get3A_214 {offsets = [8], sizes = [1], strides = [1]} : vector<16xi32> to vector<1xi32>
        %squeeze3A = vector.extract %slice3A[0] : i32 from vector<1xi32>
        %and3A_343 = arith.constant 32767 : i32
        %and3A_344 = arith.andi %squeeze3A, %and3A_343 : i32
        %shift_right_arithmetic3A = arith.constant 7 : i32
        %shift_right_arithmetic3A_345 = arith.shrsi %and3A_344, %shift_right_arithmetic3A : i32
        %min3A_346 = arith.minsi %shift_right_arithmetic3A_345, %min3A_4 : i32
        %get3A_347 = arith.index_cast %min3A_346 : i32 to index
        %get3A_348 = memref.load %arg11[%get3A_347] : memref<247xi32, #tpu.memory_space<smem>>
        %add3A_349 = arith.constant 1 : i32
        %add3A_350 = arith.addi %get3A_348, %add3A_349 : i32
        %swap3A = arith.index_cast %min3A_346 : i32 to index
        %swap3A_351 = memref.load %arg11[%swap3A] : memref<247xi32, #tpu.memory_space<smem>>
        memref.store %add3A_350, %arg11[%swap3A] : memref<247xi32, #tpu.memory_space<smem>>
      } else {
      }
      %mul3A_286 = arith.constant 16 : i32
      %mul3A_287 = arith.muli %while3A_209, %mul3A_286 : i32
      %add3A_288 = arith.constant 9 : i32
      %add3A_289 = arith.addi %mul3A_287, %add3A_288 : i32
      %lt3A_290 = arith.cmpi slt, %add3A_289, %while3A_30 : i32
      %convert_element_type3A_291 = arith.extui %lt3A_290 : i1 to i32
      %cond3A_292 = arith.constant 0 : i32
      %cond3A_293 = arith.cmpi ne, %convert_element_type3A_291, %cond3A_292 : i32
      scf.if %cond3A_293 {
        %slice3A = vector.extract_strided_slice %get3A_214 {offsets = [9], sizes = [1], strides = [1]} : vector<16xi32> to vector<1xi32>
        %squeeze3A = vector.extract %slice3A[0] : i32 from vector<1xi32>
        %and3A_343 = arith.constant 32767 : i32
        %and3A_344 = arith.andi %squeeze3A, %and3A_343 : i32
        %shift_right_arithmetic3A = arith.constant 7 : i32
        %shift_right_arithmetic3A_345 = arith.shrsi %and3A_344, %shift_right_arithmetic3A : i32
        %min3A_346 = arith.minsi %shift_right_arithmetic3A_345, %min3A_4 : i32
        %get3A_347 = arith.index_cast %min3A_346 : i32 to index
        %get3A_348 = memref.load %arg11[%get3A_347] : memref<247xi32, #tpu.memory_space<smem>>
        %add3A_349 = arith.constant 1 : i32
        %add3A_350 = arith.addi %get3A_348, %add3A_349 : i32
        %swap3A = arith.index_cast %min3A_346 : i32 to index
        %swap3A_351 = memref.load %arg11[%swap3A] : memref<247xi32, #tpu.memory_space<smem>>
        memref.store %add3A_350, %arg11[%swap3A] : memref<247xi32, #tpu.memory_space<smem>>
      } else {
      }
      %mul3A_294 = arith.constant 16 : i32
      %mul3A_295 = arith.muli %while3A_209, %mul3A_294 : i32
      %add3A_296 = arith.constant 10 : i32
      %add3A_297 = arith.addi %mul3A_295, %add3A_296 : i32
      %lt3A_298 = arith.cmpi slt, %add3A_297, %while3A_30 : i32
      %convert_element_type3A_299 = arith.extui %lt3A_298 : i1 to i32
      %cond3A_300 = arith.constant 0 : i32
      %cond3A_301 = arith.cmpi ne, %convert_element_type3A_299, %cond3A_300 : i32
      scf.if %cond3A_301 {
        %slice3A = vector.extract_strided_slice %get3A_214 {offsets = [10], sizes = [1], strides = [1]} : vector<16xi32> to vector<1xi32>
        %squeeze3A = vector.extract %slice3A[0] : i32 from vector<1xi32>
        %and3A_343 = arith.constant 32767 : i32
        %and3A_344 = arith.andi %squeeze3A, %and3A_343 : i32
        %shift_right_arithmetic3A = arith.constant 7 : i32
        %shift_right_arithmetic3A_345 = arith.shrsi %and3A_344, %shift_right_arithmetic3A : i32
        %min3A_346 = arith.minsi %shift_right_arithmetic3A_345, %min3A_4 : i32
        %get3A_347 = arith.index_cast %min3A_346 : i32 to index
        %get3A_348 = memref.load %arg11[%get3A_347] : memref<247xi32, #tpu.memory_space<smem>>
        %add3A_349 = arith.constant 1 : i32
        %add3A_350 = arith.addi %get3A_348, %add3A_349 : i32
        %swap3A = arith.index_cast %min3A_346 : i32 to index
        %swap3A_351 = memref.load %arg11[%swap3A] : memref<247xi32, #tpu.memory_space<smem>>
        memref.store %add3A_350, %arg11[%swap3A] : memref<247xi32, #tpu.memory_space<smem>>
      } else {
      }
      %mul3A_302 = arith.constant 16 : i32
      %mul3A_303 = arith.muli %while3A_209, %mul3A_302 : i32
      %add3A_304 = arith.constant 11 : i32
      %add3A_305 = arith.addi %mul3A_303, %add3A_304 : i32
      %lt3A_306 = arith.cmpi slt, %add3A_305, %while3A_30 : i32
      %convert_element_type3A_307 = arith.extui %lt3A_306 : i1 to i32
      %cond3A_308 = arith.constant 0 : i32
      %cond3A_309 = arith.cmpi ne, %convert_element_type3A_307, %cond3A_308 : i32
      scf.if %cond3A_309 {
        %slice3A = vector.extract_strided_slice %get3A_214 {offsets = [11], sizes = [1], strides = [1]} : vector<16xi32> to vector<1xi32>
        %squeeze3A = vector.extract %slice3A[0] : i32 from vector<1xi32>
        %and3A_343 = arith.constant 32767 : i32
        %and3A_344 = arith.andi %squeeze3A, %and3A_343 : i32
        %shift_right_arithmetic3A = arith.constant 7 : i32
        %shift_right_arithmetic3A_345 = arith.shrsi %and3A_344, %shift_right_arithmetic3A : i32
        %min3A_346 = arith.minsi %shift_right_arithmetic3A_345, %min3A_4 : i32
        %get3A_347 = arith.index_cast %min3A_346 : i32 to index
        %get3A_348 = memref.load %arg11[%get3A_347] : memref<247xi32, #tpu.memory_space<smem>>
        %add3A_349 = arith.constant 1 : i32
        %add3A_350 = arith.addi %get3A_348, %add3A_349 : i32
        %swap3A = arith.index_cast %min3A_346 : i32 to index
        %swap3A_351 = memref.load %arg11[%swap3A] : memref<247xi32, #tpu.memory_space<smem>>
        memref.store %add3A_350, %arg11[%swap3A] : memref<247xi32, #tpu.memory_space<smem>>
      } else {
      }
      %mul3A_310 = arith.constant 16 : i32
      %mul3A_311 = arith.muli %while3A_209, %mul3A_310 : i32
      %add3A_312 = arith.constant 12 : i32
      %add3A_313 = arith.addi %mul3A_311, %add3A_312 : i32
      %lt3A_314 = arith.cmpi slt, %add3A_313, %while3A_30 : i32
      %convert_element_type3A_315 = arith.extui %lt3A_314 : i1 to i32
      %cond3A_316 = arith.constant 0 : i32
      %cond3A_317 = arith.cmpi ne, %convert_element_type3A_315, %cond3A_316 : i32
      scf.if %cond3A_317 {
        %slice3A = vector.extract_strided_slice %get3A_214 {offsets = [12], sizes = [1], strides = [1]} : vector<16xi32> to vector<1xi32>
        %squeeze3A = vector.extract %slice3A[0] : i32 from vector<1xi32>
        %and3A_343 = arith.constant 32767 : i32
        %and3A_344 = arith.andi %squeeze3A, %and3A_343 : i32
        %shift_right_arithmetic3A = arith.constant 7 : i32
        %shift_right_arithmetic3A_345 = arith.shrsi %and3A_344, %shift_right_arithmetic3A : i32
        %min3A_346 = arith.minsi %shift_right_arithmetic3A_345, %min3A_4 : i32
        %get3A_347 = arith.index_cast %min3A_346 : i32 to index
        %get3A_348 = memref.load %arg11[%get3A_347] : memref<247xi32, #tpu.memory_space<smem>>
        %add3A_349 = arith.constant 1 : i32
        %add3A_350 = arith.addi %get3A_348, %add3A_349 : i32
        %swap3A = arith.index_cast %min3A_346 : i32 to index
        %swap3A_351 = memref.load %arg11[%swap3A] : memref<247xi32, #tpu.memory_space<smem>>
        memref.store %add3A_350, %arg11[%swap3A] : memref<247xi32, #tpu.memory_space<smem>>
      } else {
      }
      %mul3A_318 = arith.constant 16 : i32
      %mul3A_319 = arith.muli %while3A_209, %mul3A_318 : i32
      %add3A_320 = arith.constant 13 : i32
      %add3A_321 = arith.addi %mul3A_319, %add3A_320 : i32
      %lt3A_322 = arith.cmpi slt, %add3A_321, %while3A_30 : i32
      %convert_element_type3A_323 = arith.extui %lt3A_322 : i1 to i32
      %cond3A_324 = arith.constant 0 : i32
      %cond3A_325 = arith.cmpi ne, %convert_element_type3A_323, %cond3A_324 : i32
      scf.if %cond3A_325 {
        %slice3A = vector.extract_strided_slice %get3A_214 {offsets = [13], sizes = [1], strides = [1]} : vector<16xi32> to vector<1xi32>
        %squeeze3A = vector.extract %slice3A[0] : i32 from vector<1xi32>
        %and3A_343 = arith.constant 32767 : i32
        %and3A_344 = arith.andi %squeeze3A, %and3A_343 : i32
        %shift_right_arithmetic3A = arith.constant 7 : i32
        %shift_right_arithmetic3A_345 = arith.shrsi %and3A_344, %shift_right_arithmetic3A : i32
        %min3A_346 = arith.minsi %shift_right_arithmetic3A_345, %min3A_4 : i32
        %get3A_347 = arith.index_cast %min3A_346 : i32 to index
        %get3A_348 = memref.load %arg11[%get3A_347] : memref<247xi32, #tpu.memory_space<smem>>
        %add3A_349 = arith.constant 1 : i32
        %add3A_350 = arith.addi %get3A_348, %add3A_349 : i32
        %swap3A = arith.index_cast %min3A_346 : i32 to index
        %swap3A_351 = memref.load %arg11[%swap3A] : memref<247xi32, #tpu.memory_space<smem>>
        memref.store %add3A_350, %arg11[%swap3A] : memref<247xi32, #tpu.memory_space<smem>>
      } else {
      }
      %mul3A_326 = arith.constant 16 : i32
      %mul3A_327 = arith.muli %while3A_209, %mul3A_326 : i32
      %add3A_328 = arith.constant 14 : i32
      %add3A_329 = arith.addi %mul3A_327, %add3A_328 : i32
      %lt3A_330 = arith.cmpi slt, %add3A_329, %while3A_30 : i32
      %convert_element_type3A_331 = arith.extui %lt3A_330 : i1 to i32
      %cond3A_332 = arith.constant 0 : i32
      %cond3A_333 = arith.cmpi ne, %convert_element_type3A_331, %cond3A_332 : i32
      scf.if %cond3A_333 {
        %slice3A = vector.extract_strided_slice %get3A_214 {offsets = [14], sizes = [1], strides = [1]} : vector<16xi32> to vector<1xi32>
        %squeeze3A = vector.extract %slice3A[0] : i32 from vector<1xi32>
        %and3A_343 = arith.constant 32767 : i32
        %and3A_344 = arith.andi %squeeze3A, %and3A_343 : i32
        %shift_right_arithmetic3A = arith.constant 7 : i32
        %shift_right_arithmetic3A_345 = arith.shrsi %and3A_344, %shift_right_arithmetic3A : i32
        %min3A_346 = arith.minsi %shift_right_arithmetic3A_345, %min3A_4 : i32
        %get3A_347 = arith.index_cast %min3A_346 : i32 to index
        %get3A_348 = memref.load %arg11[%get3A_347] : memref<247xi32, #tpu.memory_space<smem>>
        %add3A_349 = arith.constant 1 : i32
        %add3A_350 = arith.addi %get3A_348, %add3A_349 : i32
        %swap3A = arith.index_cast %min3A_346 : i32 to index
        %swap3A_351 = memref.load %arg11[%swap3A] : memref<247xi32, #tpu.memory_space<smem>>
        memref.store %add3A_350, %arg11[%swap3A] : memref<247xi32, #tpu.memory_space<smem>>
      } else {
      }
      %mul3A_334 = arith.constant 16 : i32
      %mul3A_335 = arith.muli %while3A_209, %mul3A_334 : i32
      %add3A_336 = arith.constant 15 : i32
      %add3A_337 = arith.addi %mul3A_335, %add3A_336 : i32
      %lt3A_338 = arith.cmpi slt, %add3A_337, %while3A_30 : i32
      %convert_element_type3A_339 = arith.extui %lt3A_338 : i1 to i32
      %cond3A_340 = arith.constant 0 : i32
      %cond3A_341 = arith.cmpi ne, %convert_element_type3A_339, %cond3A_340 : i32
      scf.if %cond3A_341 {
        %slice3A = vector.extract_strided_slice %get3A_214 {offsets = [15], sizes = [1], strides = [1]} : vector<16xi32> to vector<1xi32>
        %squeeze3A = vector.extract %slice3A[0] : i32 from vector<1xi32>
        %and3A_343 = arith.constant 32767 : i32
        %and3A_344 = arith.andi %squeeze3A, %and3A_343 : i32
        %shift_right_arithmetic3A = arith.constant 7 : i32
        %shift_right_arithmetic3A_345 = arith.shrsi %and3A_344, %shift_right_arithmetic3A : i32
        %min3A_346 = arith.minsi %shift_right_arithmetic3A_345, %min3A_4 : i32
        %get3A_347 = arith.index_cast %min3A_346 : i32 to index
        %get3A_348 = memref.load %arg11[%get3A_347] : memref<247xi32, #tpu.memory_space<smem>>
        %add3A_349 = arith.constant 1 : i32
        %add3A_350 = arith.addi %get3A_348, %add3A_349 : i32
        %swap3A = arith.index_cast %min3A_346 : i32 to index
        %swap3A_351 = memref.load %arg11[%swap3A] : memref<247xi32, #tpu.memory_space<smem>>
        memref.store %add3A_350, %arg11[%swap3A] : memref<247xi32, #tpu.memory_space<smem>>
      } else {
      }
      %while3A_342 = arith.constant 0 : i32
      scf.yield %while3A_342 : i32
    }
    %while3A_74 = arith.constant 1 : i32
    %while3A_75 = scf.for %while3A_209 = %while3A_71 to %while3A_67 step %while3A_74 iter_args(%while3A_210 = %while3A_73) -> (i32)  : i32 {
      %mul3A_211 = arith.constant 16 : i32
      %mul3A_212 = arith.muli %while3A_209, %mul3A_211 : i32
      %get3A_213 = arith.index_cast %mul3A_212 : i32 to index
      %get3A_214 = tpu.vector_load %arg6[%get3A_213] {strides = array<i32>} : memref<16400xi32, #tpu.memory_space<vmem>>, vector<16xi32>,
      %mul3A_215 = arith.constant 16 : i32
      %mul3A_216 = arith.muli %while3A_209, %mul3A_215 : i32
      %add3A_217 = arith.constant 0 : i32
      %add3A_218 = arith.addi %mul3A_216, %add3A_217 : i32
      %lt3A = arith.cmpi slt, %add3A_218, %while3A_30 : i32
      %convert_element_type3A_219 = arith.extui %lt3A : i1 to i32
      %cond3A_220 = arith.constant 0 : i32
      %cond3A_221 = arith.cmpi ne, %convert_element_type3A_219, %cond3A_220 : i32
      scf.if %cond3A_221 {
        %slice3A = vector.extract_strided_slice %get3A_214 {offsets = [0], sizes = [1], strides = [1]} : vector<16xi32> to vector<1xi32>
        %squeeze3A = vector.extract %slice3A[0] : i32 from vector<1xi32>
        %and3A_343 = arith.constant 32767 : i32
        %and3A_344 = arith.andi %squeeze3A, %and3A_343 : i32
        %shift_right_arithmetic3A = arith.constant 7 : i32
        %shift_right_arithmetic3A_345 = arith.shrsi %and3A_344, %shift_right_arithmetic3A : i32
        %min3A_346 = arith.minsi %shift_right_arithmetic3A_345, %min3A_4 : i32
        %get3A_347 = arith.index_cast %min3A_346 : i32 to index
        %get3A_348 = memref.load %arg11[%get3A_347] : memref<247xi32, #tpu.memory_space<smem>>
        %add3A_349 = arith.constant 1 : i32
        %add3A_350 = arith.addi %get3A_348, %add3A_349 : i32
        %swap3A = arith.index_cast %min3A_346 : i32 to index
        %swap3A_351 = memref.load %arg11[%swap3A] : memref<247xi32, #tpu.memory_space<smem>>
        memref.store %add3A_350, %arg11[%swap3A] : memref<247xi32, #tpu.memory_space<smem>>
      } else {
      }
      %mul3A_222 = arith.constant 16 : i32
      %mul3A_223 = arith.muli %while3A_209, %mul3A_222 : i32
      %add3A_224 = arith.constant 1 : i32
      %add3A_225 = arith.addi %mul3A_223, %add3A_224 : i32
      %lt3A_226 = arith.cmpi slt, %add3A_225, %while3A_30 : i32
      %convert_element_type3A_227 = arith.extui %lt3A_226 : i1 to i32
      %cond3A_228 = arith.constant 0 : i32
      %cond3A_229 = arith.cmpi ne, %convert_element_type3A_227, %cond3A_228 : i32
      scf.if %cond3A_229 {
        %slice3A = vector.extract_strided_slice %get3A_214 {offsets = [1], sizes = [1], strides = [1]} : vector<16xi32> to vector<1xi32>
        %squeeze3A = vector.extract %slice3A[0] : i32 from vector<1xi32>
        %and3A_343 = arith.constant 32767 : i32
        %and3A_344 = arith.andi %squeeze3A, %and3A_343 : i32
        %shift_right_arithmetic3A = arith.constant 7 : i32
        %shift_right_arithmetic3A_345 = arith.shrsi %and3A_344, %shift_right_arithmetic3A : i32
        %min3A_346 = arith.minsi %shift_right_arithmetic3A_345, %min3A_4 : i32
        %get3A_347 = arith.index_cast %min3A_346 : i32 to index
        %get3A_348 = memref.load %arg11[%get3A_347] : memref<247xi32, #tpu.memory_space<smem>>
        %add3A_349 = arith.constant 1 : i32
        %add3A_350 = arith.addi %get3A_348, %add3A_349 : i32
        %swap3A = arith.index_cast %min3A_346 : i32 to index
        %swap3A_351 = memref.load %arg11[%swap3A] : memref<247xi32, #tpu.memory_space<smem>>
        memref.store %add3A_350, %arg11[%swap3A] : memref<247xi32, #tpu.memory_space<smem>>
      } else {
      }
      %mul3A_230 = arith.constant 16 : i32
      %mul3A_231 = arith.muli %while3A_209, %mul3A_230 : i32
      %add3A_232 = arith.constant 2 : i32
      %add3A_233 = arith.addi %mul3A_231, %add3A_232 : i32
      %lt3A_234 = arith.cmpi slt, %add3A_233, %while3A_30 : i32
      %convert_element_type3A_235 = arith.extui %lt3A_234 : i1 to i32
      %cond3A_236 = arith.constant 0 : i32
      %cond3A_237 = arith.cmpi ne, %convert_element_type3A_235, %cond3A_236 : i32
      scf.if %cond3A_237 {
        %slice3A = vector.extract_strided_slice %get3A_214 {offsets = [2], sizes = [1], strides = [1]} : vector<16xi32> to vector<1xi32>
        %squeeze3A = vector.extract %slice3A[0] : i32 from vector<1xi32>
        %and3A_343 = arith.constant 32767 : i32
        %and3A_344 = arith.andi %squeeze3A, %and3A_343 : i32
        %shift_right_arithmetic3A = arith.constant 7 : i32
        %shift_right_arithmetic3A_345 = arith.shrsi %and3A_344, %shift_right_arithmetic3A : i32
        %min3A_346 = arith.minsi %shift_right_arithmetic3A_345, %min3A_4 : i32
        %get3A_347 = arith.index_cast %min3A_346 : i32 to index
        %get3A_348 = memref.load %arg11[%get3A_347] : memref<247xi32, #tpu.memory_space<smem>>
        %add3A_349 = arith.constant 1 : i32
        %add3A_350 = arith.addi %get3A_348, %add3A_349 : i32
        %swap3A = arith.index_cast %min3A_346 : i32 to index
        %swap3A_351 = memref.load %arg11[%swap3A] : memref<247xi32, #tpu.memory_space<smem>>
        memref.store %add3A_350, %arg11[%swap3A] : memref<247xi32, #tpu.memory_space<smem>>
      } else {
      }
      %mul3A_238 = arith.constant 16 : i32
      %mul3A_239 = arith.muli %while3A_209, %mul3A_238 : i32
      %add3A_240 = arith.constant 3 : i32
      %add3A_241 = arith.addi %mul3A_239, %add3A_240 : i32
      %lt3A_242 = arith.cmpi slt, %add3A_241, %while3A_30 : i32
      %convert_element_type3A_243 = arith.extui %lt3A_242 : i1 to i32
      %cond3A_244 = arith.constant 0 : i32
      %cond3A_245 = arith.cmpi ne, %convert_element_type3A_243, %cond3A_244 : i32
      scf.if %cond3A_245 {
        %slice3A = vector.extract_strided_slice %get3A_214 {offsets = [3], sizes = [1], strides = [1]} : vector<16xi32> to vector<1xi32>
        %squeeze3A = vector.extract %slice3A[0] : i32 from vector<1xi32>
        %and3A_343 = arith.constant 32767 : i32
        %and3A_344 = arith.andi %squeeze3A, %and3A_343 : i32
        %shift_right_arithmetic3A = arith.constant 7 : i32
        %shift_right_arithmetic3A_345 = arith.shrsi %and3A_344, %shift_right_arithmetic3A : i32
        %min3A_346 = arith.minsi %shift_right_arithmetic3A_345, %min3A_4 : i32
        %get3A_347 = arith.index_cast %min3A_346 : i32 to index
        %get3A_348 = memref.load %arg11[%get3A_347] : memref<247xi32, #tpu.memory_space<smem>>
        %add3A_349 = arith.constant 1 : i32
        %add3A_350 = arith.addi %get3A_348, %add3A_349 : i32
        %swap3A = arith.index_cast %min3A_346 : i32 to index
        %swap3A_351 = memref.load %arg11[%swap3A] : memref<247xi32, #tpu.memory_space<smem>>
        memref.store %add3A_350, %arg11[%swap3A] : memref<247xi32, #tpu.memory_space<smem>>
      } else {
      }
      %mul3A_246 = arith.constant 16 : i32
      %mul3A_247 = arith.muli %while3A_209, %mul3A_246 : i32
      %add3A_248 = arith.constant 4 : i32
      %add3A_249 = arith.addi %mul3A_247, %add3A_248 : i32
      %lt3A_250 = arith.cmpi slt, %add3A_249, %while3A_30 : i32
      %convert_element_type3A_251 = arith.extui %lt3A_250 : i1 to i32
      %cond3A_252 = arith.constant 0 : i32
      %cond3A_253 = arith.cmpi ne, %convert_element_type3A_251, %cond3A_252 : i32
      scf.if %cond3A_253 {
        %slice3A = vector.extract_strided_slice %get3A_214 {offsets = [4], sizes = [1], strides = [1]} : vector<16xi32> to vector<1xi32>
        %squeeze3A = vector.extract %slice3A[0] : i32 from vector<1xi32>
        %and3A_343 = arith.constant 32767 : i32
        %and3A_344 = arith.andi %squeeze3A, %and3A_343 : i32
        %shift_right_arithmetic3A = arith.constant 7 : i32
        %shift_right_arithmetic3A_345 = arith.shrsi %and3A_344, %shift_right_arithmetic3A : i32
        %min3A_346 = arith.minsi %shift_right_arithmetic3A_345, %min3A_4 : i32
        %get3A_347 = arith.index_cast %min3A_346 : i32 to index
        %get3A_348 = memref.load %arg11[%get3A_347] : memref<247xi32, #tpu.memory_space<smem>>
        %add3A_349 = arith.constant 1 : i32
        %add3A_350 = arith.addi %get3A_348, %add3A_349 : i32
        %swap3A = arith.index_cast %min3A_346 : i32 to index
        %swap3A_351 = memref.load %arg11[%swap3A] : memref<247xi32, #tpu.memory_space<smem>>
        memref.store %add3A_350, %arg11[%swap3A] : memref<247xi32, #tpu.memory_space<smem>>
      } else {
      }
      %mul3A_254 = arith.constant 16 : i32
      %mul3A_255 = arith.muli %while3A_209, %mul3A_254 : i32
      %add3A_256 = arith.constant 5 : i32
      %add3A_257 = arith.addi %mul3A_255, %add3A_256 : i32
      %lt3A_258 = arith.cmpi slt, %add3A_257, %while3A_30 : i32
      %convert_element_type3A_259 = arith.extui %lt3A_258 : i1 to i32
      %cond3A_260 = arith.constant 0 : i32
      %cond3A_261 = arith.cmpi ne, %convert_element_type3A_259, %cond3A_260 : i32
      scf.if %cond3A_261 {
        %slice3A = vector.extract_strided_slice %get3A_214 {offsets = [5], sizes = [1], strides = [1]} : vector<16xi32> to vector<1xi32>
        %squeeze3A = vector.extract %slice3A[0] : i32 from vector<1xi32>
        %and3A_343 = arith.constant 32767 : i32
        %and3A_344 = arith.andi %squeeze3A, %and3A_343 : i32
        %shift_right_arithmetic3A = arith.constant 7 : i32
        %shift_right_arithmetic3A_345 = arith.shrsi %and3A_344, %shift_right_arithmetic3A : i32
        %min3A_346 = arith.minsi %shift_right_arithmetic3A_345, %min3A_4 : i32
        %get3A_347 = arith.index_cast %min3A_346 : i32 to index
        %get3A_348 = memref.load %arg11[%get3A_347] : memref<247xi32, #tpu.memory_space<smem>>
        %add3A_349 = arith.constant 1 : i32
        %add3A_350 = arith.addi %get3A_348, %add3A_349 : i32
        %swap3A = arith.index_cast %min3A_346 : i32 to index
        %swap3A_351 = memref.load %arg11[%swap3A] : memref<247xi32, #tpu.memory_space<smem>>
        memref.store %add3A_350, %arg11[%swap3A] : memref<247xi32, #tpu.memory_space<smem>>
      } else {
      }
      %mul3A_262 = arith.constant 16 : i32
      %mul3A_263 = arith.muli %while3A_209, %mul3A_262 : i32
      %add3A_264 = arith.constant 6 : i32
      %add3A_265 = arith.addi %mul3A_263, %add3A_264 : i32
      %lt3A_266 = arith.cmpi slt, %add3A_265, %while3A_30 : i32
      %convert_element_type3A_267 = arith.extui %lt3A_266 : i1 to i32
      %cond3A_268 = arith.constant 0 : i32
      %cond3A_269 = arith.cmpi ne, %convert_element_type3A_267, %cond3A_268 : i32
      scf.if %cond3A_269 {
        %slice3A = vector.extract_strided_slice %get3A_214 {offsets = [6], sizes = [1], strides = [1]} : vector<16xi32> to vector<1xi32>
        %squeeze3A = vector.extract %slice3A[0] : i32 from vector<1xi32>
        %and3A_343 = arith.constant 32767 : i32
        %and3A_344 = arith.andi %squeeze3A, %and3A_343 : i32
        %shift_right_arithmetic3A = arith.constant 7 : i32
        %shift_right_arithmetic3A_345 = arith.shrsi %and3A_344, %shift_right_arithmetic3A : i32
        %min3A_346 = arith.minsi %shift_right_arithmetic3A_345, %min3A_4 : i32
        %get3A_347 = arith.index_cast %min3A_346 : i32 to index
        %get3A_348 = memref.load %arg11[%get3A_347] : memref<247xi32, #tpu.memory_space<smem>>
        %add3A_349 = arith.constant 1 : i32
        %add3A_350 = arith.addi %get3A_348, %add3A_349 : i32
        %swap3A = arith.index_cast %min3A_346 : i32 to index
        %swap3A_351 = memref.load %arg11[%swap3A] : memref<247xi32, #tpu.memory_space<smem>>
        memref.store %add3A_350, %arg11[%swap3A] : memref<247xi32, #tpu.memory_space<smem>>
      } else {
      }
      %mul3A_270 = arith.constant 16 : i32
      %mul3A_271 = arith.muli %while3A_209, %mul3A_270 : i32
      %add3A_272 = arith.constant 7 : i32
      %add3A_273 = arith.addi %mul3A_271, %add3A_272 : i32
      %lt3A_274 = arith.cmpi slt, %add3A_273, %while3A_30 : i32
      %convert_element_type3A_275 = arith.extui %lt3A_274 : i1 to i32
      %cond3A_276 = arith.constant 0 : i32
      %cond3A_277 = arith.cmpi ne, %convert_element_type3A_275, %cond3A_276 : i32
      scf.if %cond3A_277 {
        %slice3A = vector.extract_strided_slice %get3A_214 {offsets = [7], sizes = [1], strides = [1]} : vector<16xi32> to vector<1xi32>
        %squeeze3A = vector.extract %slice3A[0] : i32 from vector<1xi32>
        %and3A_343 = arith.constant 32767 : i32
        %and3A_344 = arith.andi %squeeze3A, %and3A_343 : i32
        %shift_right_arithmetic3A = arith.constant 7 : i32
        %shift_right_arithmetic3A_345 = arith.shrsi %and3A_344, %shift_right_arithmetic3A : i32
        %min3A_346 = arith.minsi %shift_right_arithmetic3A_345, %min3A_4 : i32
        %get3A_347 = arith.index_cast %min3A_346 : i32 to index
        %get3A_348 = memref.load %arg11[%get3A_347] : memref<247xi32, #tpu.memory_space<smem>>
        %add3A_349 = arith.constant 1 : i32
        %add3A_350 = arith.addi %get3A_348, %add3A_349 : i32
        %swap3A = arith.index_cast %min3A_346 : i32 to index
        %swap3A_351 = memref.load %arg11[%swap3A] : memref<247xi32, #tpu.memory_space<smem>>
        memref.store %add3A_350, %arg11[%swap3A] : memref<247xi32, #tpu.memory_space<smem>>
      } else {
      }
      %mul3A_278 = arith.constant 16 : i32
      %mul3A_279 = arith.muli %while3A_209, %mul3A_278 : i32
      %add3A_280 = arith.constant 8 : i32
      %add3A_281 = arith.addi %mul3A_279, %add3A_280 : i32
      %lt3A_282 = arith.cmpi slt, %add3A_281, %while3A_30 : i32
      %convert_element_type3A_283 = arith.extui %lt3A_282 : i1 to i32
      %cond3A_284 = arith.constant 0 : i32
      %cond3A_285 = arith.cmpi ne, %convert_element_type3A_283, %cond3A_284 : i32
      scf.if %cond3A_285 {
        %slice3A = vector.extract_strided_slice %get3A_214 {offsets = [8], sizes = [1], strides = [1]} : vector<16xi32> to vector<1xi32>
        %squeeze3A = vector.extract %slice3A[0] : i32 from vector<1xi32>
        %and3A_343 = arith.constant 32767 : i32
        %and3A_344 = arith.andi %squeeze3A, %and3A_343 : i32
        %shift_right_arithmetic3A = arith.constant 7 : i32
        %shift_right_arithmetic3A_345 = arith.shrsi %and3A_344, %shift_right_arithmetic3A : i32
        %min3A_346 = arith.minsi %shift_right_arithmetic3A_345, %min3A_4 : i32
        %get3A_347 = arith.index_cast %min3A_346 : i32 to index
        %get3A_348 = memref.load %arg11[%get3A_347] : memref<247xi32, #tpu.memory_space<smem>>
        %add3A_349 = arith.constant 1 : i32
        %add3A_350 = arith.addi %get3A_348, %add3A_349 : i32
        %swap3A = arith.index_cast %min3A_346 : i32 to index
        %swap3A_351 = memref.load %arg11[%swap3A] : memref<247xi32, #tpu.memory_space<smem>>
        memref.store %add3A_350, %arg11[%swap3A] : memref<247xi32, #tpu.memory_space<smem>>
      } else {
      }
      %mul3A_286 = arith.constant 16 : i32
      %mul3A_287 = arith.muli %while3A_209, %mul3A_286 : i32
      %add3A_288 = arith.constant 9 : i32
      %add3A_289 = arith.addi %mul3A_287, %add3A_288 : i32
      %lt3A_290 = arith.cmpi slt, %add3A_289, %while3A_30 : i32
      %convert_element_type3A_291 = arith.extui %lt3A_290 : i1 to i32
      %cond3A_292 = arith.constant 0 : i32
      %cond3A_293 = arith.cmpi ne, %convert_element_type3A_291, %cond3A_292 : i32
      scf.if %cond3A_293 {
        %slice3A = vector.extract_strided_slice %get3A_214 {offsets = [9], sizes = [1], strides = [1]} : vector<16xi32> to vector<1xi32>
        %squeeze3A = vector.extract %slice3A[0] : i32 from vector<1xi32>
        %and3A_343 = arith.constant 32767 : i32
        %and3A_344 = arith.andi %squeeze3A, %and3A_343 : i32
        %shift_right_arithmetic3A = arith.constant 7 : i32
        %shift_right_arithmetic3A_345 = arith.shrsi %and3A_344, %shift_right_arithmetic3A : i32
        %min3A_346 = arith.minsi %shift_right_arithmetic3A_345, %min3A_4 : i32
        %get3A_347 = arith.index_cast %min3A_346 : i32 to index
        %get3A_348 = memref.load %arg11[%get3A_347] : memref<247xi32, #tpu.memory_space<smem>>
        %add3A_349 = arith.constant 1 : i32
        %add3A_350 = arith.addi %get3A_348, %add3A_349 : i32
        %swap3A = arith.index_cast %min3A_346 : i32 to index
        %swap3A_351 = memref.load %arg11[%swap3A] : memref<247xi32, #tpu.memory_space<smem>>
        memref.store %add3A_350, %arg11[%swap3A] : memref<247xi32, #tpu.memory_space<smem>>
      } else {
      }
      %mul3A_294 = arith.constant 16 : i32
      %mul3A_295 = arith.muli %while3A_209, %mul3A_294 : i32
      %add3A_296 = arith.constant 10 : i32
      %add3A_297 = arith.addi %mul3A_295, %add3A_296 : i32
      %lt3A_298 = arith.cmpi slt, %add3A_297, %while3A_30 : i32
      %convert_element_type3A_299 = arith.extui %lt3A_298 : i1 to i32
      %cond3A_300 = arith.constant 0 : i32
      %cond3A_301 = arith.cmpi ne, %convert_element_type3A_299, %cond3A_300 : i32
      scf.if %cond3A_301 {
        %slice3A = vector.extract_strided_slice %get3A_214 {offsets = [10], sizes = [1], strides = [1]} : vector<16xi32> to vector<1xi32>
        %squeeze3A = vector.extract %slice3A[0] : i32 from vector<1xi32>
        %and3A_343 = arith.constant 32767 : i32
        %and3A_344 = arith.andi %squeeze3A, %and3A_343 : i32
        %shift_right_arithmetic3A = arith.constant 7 : i32
        %shift_right_arithmetic3A_345 = arith.shrsi %and3A_344, %shift_right_arithmetic3A : i32
        %min3A_346 = arith.minsi %shift_right_arithmetic3A_345, %min3A_4 : i32
        %get3A_347 = arith.index_cast %min3A_346 : i32 to index
        %get3A_348 = memref.load %arg11[%get3A_347] : memref<247xi32, #tpu.memory_space<smem>>
        %add3A_349 = arith.constant 1 : i32
        %add3A_350 = arith.addi %get3A_348, %add3A_349 : i32
        %swap3A = arith.index_cast %min3A_346 : i32 to index
        %swap3A_351 = memref.load %arg11[%swap3A] : memref<247xi32, #tpu.memory_space<smem>>
        memref.store %add3A_350, %arg11[%swap3A] : memref<247xi32, #tpu.memory_space<smem>>
      } else {
      }
      %mul3A_302 = arith.constant 16 : i32
      %mul3A_303 = arith.muli %while3A_209, %mul3A_302 : i32
      %add3A_304 = arith.constant 11 : i32
      %add3A_305 = arith.addi %mul3A_303, %add3A_304 : i32
      %lt3A_306 = arith.cmpi slt, %add3A_305, %while3A_30 : i32
      %convert_element_type3A_307 = arith.extui %lt3A_306 : i1 to i32
      %cond3A_308 = arith.constant 0 : i32
      %cond3A_309 = arith.cmpi ne, %convert_element_type3A_307, %cond3A_308 : i32
      scf.if %cond3A_309 {
        %slice3A = vector.extract_strided_slice %get3A_214 {offsets = [11], sizes = [1], strides = [1]} : vector<16xi32> to vector<1xi32>
        %squeeze3A = vector.extract %slice3A[0] : i32 from vector<1xi32>
        %and3A_343 = arith.constant 32767 : i32
        %and3A_344 = arith.andi %squeeze3A, %and3A_343 : i32
        %shift_right_arithmetic3A = arith.constant 7 : i32
        %shift_right_arithmetic3A_345 = arith.shrsi %and3A_344, %shift_right_arithmetic3A : i32
        %min3A_346 = arith.minsi %shift_right_arithmetic3A_345, %min3A_4 : i32
        %get3A_347 = arith.index_cast %min3A_346 : i32 to index
        %get3A_348 = memref.load %arg11[%get3A_347] : memref<247xi32, #tpu.memory_space<smem>>
        %add3A_349 = arith.constant 1 : i32
        %add3A_350 = arith.addi %get3A_348, %add3A_349 : i32
        %swap3A = arith.index_cast %min3A_346 : i32 to index
        %swap3A_351 = memref.load %arg11[%swap3A] : memref<247xi32, #tpu.memory_space<smem>>
        memref.store %add3A_350, %arg11[%swap3A] : memref<247xi32, #tpu.memory_space<smem>>
      } else {
      }
      %mul3A_310 = arith.constant 16 : i32
      %mul3A_311 = arith.muli %while3A_209, %mul3A_310 : i32
      %add3A_312 = arith.constant 12 : i32
      %add3A_313 = arith.addi %mul3A_311, %add3A_312 : i32
      %lt3A_314 = arith.cmpi slt, %add3A_313, %while3A_30 : i32
      %convert_element_type3A_315 = arith.extui %lt3A_314 : i1 to i32
      %cond3A_316 = arith.constant 0 : i32
      %cond3A_317 = arith.cmpi ne, %convert_element_type3A_315, %cond3A_316 : i32
      scf.if %cond3A_317 {
        %slice3A = vector.extract_strided_slice %get3A_214 {offsets = [12], sizes = [1], strides = [1]} : vector<16xi32> to vector<1xi32>
        %squeeze3A = vector.extract %slice3A[0] : i32 from vector<1xi32>
        %and3A_343 = arith.constant 32767 : i32
        %and3A_344 = arith.andi %squeeze3A, %and3A_343 : i32
        %shift_right_arithmetic3A = arith.constant 7 : i32
        %shift_right_arithmetic3A_345 = arith.shrsi %and3A_344, %shift_right_arithmetic3A : i32
        %min3A_346 = arith.minsi %shift_right_arithmetic3A_345, %min3A_4 : i32
        %get3A_347 = arith.index_cast %min3A_346 : i32 to index
        %get3A_348 = memref.load %arg11[%get3A_347] : memref<247xi32, #tpu.memory_space<smem>>
        %add3A_349 = arith.constant 1 : i32
        %add3A_350 = arith.addi %get3A_348, %add3A_349 : i32
        %swap3A = arith.index_cast %min3A_346 : i32 to index
        %swap3A_351 = memref.load %arg11[%swap3A] : memref<247xi32, #tpu.memory_space<smem>>
        memref.store %add3A_350, %arg11[%swap3A] : memref<247xi32, #tpu.memory_space<smem>>
      } else {
      }
      %mul3A_318 = arith.constant 16 : i32
      %mul3A_319 = arith.muli %while3A_209, %mul3A_318 : i32
      %add3A_320 = arith.constant 13 : i32
      %add3A_321 = arith.addi %mul3A_319, %add3A_320 : i32
      %lt3A_322 = arith.cmpi slt, %add3A_321, %while3A_30 : i32
      %convert_element_type3A_323 = arith.extui %lt3A_322 : i1 to i32
      %cond3A_324 = arith.constant 0 : i32
      %cond3A_325 = arith.cmpi ne, %convert_element_type3A_323, %cond3A_324 : i32
      scf.if %cond3A_325 {
        %slice3A = vector.extract_strided_slice %get3A_214 {offsets = [13], sizes = [1], strides = [1]} : vector<16xi32> to vector<1xi32>
        %squeeze3A = vector.extract %slice3A[0] : i32 from vector<1xi32>
        %and3A_343 = arith.constant 32767 : i32
        %and3A_344 = arith.andi %squeeze3A, %and3A_343 : i32
        %shift_right_arithmetic3A = arith.constant 7 : i32
        %shift_right_arithmetic3A_345 = arith.shrsi %and3A_344, %shift_right_arithmetic3A : i32
        %min3A_346 = arith.minsi %shift_right_arithmetic3A_345, %min3A_4 : i32
        %get3A_347 = arith.index_cast %min3A_346 : i32 to index
        %get3A_348 = memref.load %arg11[%get3A_347] : memref<247xi32, #tpu.memory_space<smem>>
        %add3A_349 = arith.constant 1 : i32
        %add3A_350 = arith.addi %get3A_348, %add3A_349 : i32
        %swap3A = arith.index_cast %min3A_346 : i32 to index
        %swap3A_351 = memref.load %arg11[%swap3A] : memref<247xi32, #tpu.memory_space<smem>>
        memref.store %add3A_350, %arg11[%swap3A] : memref<247xi32, #tpu.memory_space<smem>>
      } else {
      }
      %mul3A_326 = arith.constant 16 : i32
      %mul3A_327 = arith.muli %while3A_209, %mul3A_326 : i32
      %add3A_328 = arith.constant 14 : i32
      %add3A_329 = arith.addi %mul3A_327, %add3A_328 : i32
      %lt3A_330 = arith.cmpi slt, %add3A_329, %while3A_30 : i32
      %convert_element_type3A_331 = arith.extui %lt3A_330 : i1 to i32
      %cond3A_332 = arith.constant 0 : i32
      %cond3A_333 = arith.cmpi ne, %convert_element_type3A_331, %cond3A_332 : i32
      scf.if %cond3A_333 {
        %slice3A = vector.extract_strided_slice %get3A_214 {offsets = [14], sizes = [1], strides = [1]} : vector<16xi32> to vector<1xi32>
        %squeeze3A = vector.extract %slice3A[0] : i32 from vector<1xi32>
        %and3A_343 = arith.constant 32767 : i32
        %and3A_344 = arith.andi %squeeze3A, %and3A_343 : i32
        %shift_right_arithmetic3A = arith.constant 7 : i32
        %shift_right_arithmetic3A_345 = arith.shrsi %and3A_344, %shift_right_arithmetic3A : i32
        %min3A_346 = arith.minsi %shift_right_arithmetic3A_345, %min3A_4 : i32
        %get3A_347 = arith.index_cast %min3A_346 : i32 to index
        %get3A_348 = memref.load %arg11[%get3A_347] : memref<247xi32, #tpu.memory_space<smem>>
        %add3A_349 = arith.constant 1 : i32
        %add3A_350 = arith.addi %get3A_348, %add3A_349 : i32
        %swap3A = arith.index_cast %min3A_346 : i32 to index
        %swap3A_351 = memref.load %arg11[%swap3A] : memref<247xi32, #tpu.memory_space<smem>>
        memref.store %add3A_350, %arg11[%swap3A] : memref<247xi32, #tpu.memory_space<smem>>
      } else {
      }
      %mul3A_334 = arith.constant 16 : i32
      %mul3A_335 = arith.muli %while3A_209, %mul3A_334 : i32
      %add3A_336 = arith.constant 15 : i32
      %add3A_337 = arith.addi %mul3A_335, %add3A_336 : i32
      %lt3A_338 = arith.cmpi slt, %add3A_337, %while3A_30 : i32
      %convert_element_type3A_339 = arith.extui %lt3A_338 : i1 to i32
      %cond3A_340 = arith.constant 0 : i32
      %cond3A_341 = arith.cmpi ne, %convert_element_type3A_339, %cond3A_340 : i32
      scf.if %cond3A_341 {
        %slice3A = vector.extract_strided_slice %get3A_214 {offsets = [15], sizes = [1], strides = [1]} : vector<16xi32> to vector<1xi32>
        %squeeze3A = vector.extract %slice3A[0] : i32 from vector<1xi32>
        %and3A_343 = arith.constant 32767 : i32
        %and3A_344 = arith.andi %squeeze3A, %and3A_343 : i32
        %shift_right_arithmetic3A = arith.constant 7 : i32
        %shift_right_arithmetic3A_345 = arith.shrsi %and3A_344, %shift_right_arithmetic3A : i32
        %min3A_346 = arith.minsi %shift_right_arithmetic3A_345, %min3A_4 : i32
        %get3A_347 = arith.index_cast %min3A_346 : i32 to index
        %get3A_348 = memref.load %arg11[%get3A_347] : memref<247xi32, #tpu.memory_space<smem>>
        %add3A_349 = arith.constant 1 : i32
        %add3A_350 = arith.addi %get3A_348, %add3A_349 : i32
        %swap3A = arith.index_cast %min3A_346 : i32 to index
        %swap3A_351 = memref.load %arg11[%swap3A] : memref<247xi32, #tpu.memory_space<smem>>
        memref.store %add3A_350, %arg11[%swap3A] : memref<247xi32, #tpu.memory_space<smem>>
      } else {
      }
      %while3A_342 = arith.constant 0 : i32
      scf.yield %while3A_342 : i32
    }
    %add3A_76 = arith.constant 1 : i32
    %add3A_77 = arith.addi %min3A_4, %add3A_76 : i32
    %while3A_78 = arith.constant 0 : i32
    %while3A_79 = arith.constant 0 : i32
    %while3A_80 = arith.subi %add3A_77, %while3A_78 : i32
    %while3A_81 = arith.addi %while3A_78, %while3A_80 : i32
    %while3A_82 = arith.constant 1 : i32
    %while3A_83 = arith.divsi %while3A_80, %while3A_82 : i32
    %while3A_84 = arith.muli %while3A_83, %while3A_82 : i32
    %while3A_85 = arith.addi %while3A_78, %while3A_84 : i32
    %while3A_86 = arith.constant 1 : i32
    %while3A_87 = scf.for %while3A_209 = %while3A_78 to %while3A_85 step %while3A_86 iter_args(%while3A_210 = %while3A_79) -> (i32)  : i32 {
      %get3A_211 = arith.index_cast %while3A_209 : i32 to index
      %get3A_212 = memref.load %arg11[%get3A_211] : memref<247xi32, #tpu.memory_space<smem>>
      %swap3A = arith.index_cast %while3A_209 : i32 to index
      %swap3A_213 = memref.load %arg12[%swap3A] : memref<247xi32, #tpu.memory_space<smem>>
      memref.store %while3A_210, %arg12[%swap3A] : memref<247xi32, #tpu.memory_space<smem>>
      %swap3A_214 = arith.index_cast %while3A_209 : i32 to index
      %swap3A_215 = memref.load %arg13[%swap3A_214] : memref<247xi32, #tpu.memory_space<smem>>
      memref.store %while3A_210, %arg13[%swap3A_214] : memref<247xi32, #tpu.memory_space<smem>>
      %add3A_216 = arith.addi %while3A_210, %get3A_212 : i32
      scf.yield %add3A_216 : i32
    }
    %while3A_88 = arith.constant 1 : i32
    %while3A_89 = scf.for %while3A_209 = %while3A_85 to %while3A_81 step %while3A_88 iter_args(%while3A_210 = %while3A_87) -> (i32)  : i32 {
      %get3A_211 = arith.index_cast %while3A_209 : i32 to index
      %get3A_212 = memref.load %arg11[%get3A_211] : memref<247xi32, #tpu.memory_space<smem>>
      %swap3A = arith.index_cast %while3A_209 : i32 to index
      %swap3A_213 = memref.load %arg12[%swap3A] : memref<247xi32, #tpu.memory_space<smem>>
      memref.store %while3A_210, %arg12[%swap3A] : memref<247xi32, #tpu.memory_space<smem>>
      %swap3A_214 = arith.index_cast %while3A_209 : i32 to index
      %swap3A_215 = memref.load %arg13[%swap3A_214] : memref<247xi32, #tpu.memory_space<smem>>
      memref.store %while3A_210, %arg13[%swap3A_214] : memref<247xi32, #tpu.memory_space<smem>>
      %add3A_216 = arith.addi %while3A_210, %get3A_212 : i32
      scf.yield %add3A_216 : i32
    }
    %eq3A = arith.constant 0 : i32
    %eq3A_90 = vector.broadcast %eq3A : i32 to vector<16xi32>
    %eq3A_91 = arith.cmpi eq, %iota3A, %eq3A_90 : vector<16xi32>
    %add3A_92 = arith.constant 15 : i32
    %add3A_93 = arith.addi %while3A_30, %add3A_92 : i32
    %jit3A_94 = arith.constant 16 : i32
    %div3A_95 = arith.divsi %add3A_93, %jit3A_94 : i32
    %sign3A_96 = arith.constant 0 : i32
    %sign3A_97 = arith.cmpi sgt, %add3A_93, %sign3A_96 : i32
    %sign3A_98 = arith.extui %sign3A_97 : i1 to i32
    %sign3A_99 = arith.constant 0 : i32
    %sign3A_100 = arith.cmpi slt, %add3A_93, %sign3A_99 : i32
    %sign3A_101 = arith.extui %sign3A_100 : i1 to i32
    %sign3A_102 = arith.subi %sign3A_98, %sign3A_101 : i32
    %sign3A_103 = arith.constant 0 : i32
    %sign3A_104 = arith.cmpi sgt, %jit3A_94, %sign3A_103 : i32
    %sign3A_105 = arith.extui %sign3A_104 : i1 to i32
    %sign3A_106 = arith.constant 0 : i32
    %sign3A_107 = arith.cmpi slt, %jit3A_94, %sign3A_106 : i32
    %sign3A_108 = arith.extui %sign3A_107 : i1 to i32
    %sign3A_109 = arith.subi %sign3A_105, %sign3A_108 : i32
    %ne3A_110 = arith.cmpi ne, %sign3A_102, %sign3A_109 : i32
    %rem3A_111 = arith.remsi %add3A_93, %jit3A_94 : i32
    %ne3A_112 = arith.constant 0 : i32
    %ne3A_113 = arith.cmpi ne, %rem3A_111, %ne3A_112 : i32
    %and3A_114 = arith.andi %ne3A_110, %ne3A_113 : i1
    %sub3A_115 = arith.constant 1 : i32
    %sub3A_116 = arith.subi %div3A_95, %sub3A_115 : i32
    %select_n3A_117 = arith.select %and3A_114, %sub3A_116, %div3A_95 : i32
    %while3A_118 = arith.constant 0 : i32
    %while3A_119 = arith.constant 0 : i32
    %while3A_120 = arith.subi %select_n3A_117, %while3A_118 : i32
    %while3A_121 = arith.addi %while3A_118, %while3A_120 : i32
    %while3A_122 = arith.constant 1 : i32
    %while3A_123 = arith.divsi %while3A_120, %while3A_122 : i32
    %while3A_124 = arith.muli %while3A_123, %while3A_122 : i32
    %while3A_125 = arith.addi %while3A_118, %while3A_124 : i32
    %while3A_126 = arith.constant 1 : i32
    %while3A_127 = scf.for %while3A_209 = %while3A_118 to %while3A_125 step %while3A_126 iter_args(%while3A_210 = %while3A_119) -> (i32)  : i32 {
      %mul3A_211 = arith.constant 16 : i32
      %mul3A_212 = arith.muli %while3A_209, %mul3A_211 : i32
      %get3A_213 = arith.index_cast %mul3A_212 : i32 to index
      %get3A_214 = tpu.vector_load %arg6[%get3A_213] {strides = array<i32>} : memref<16400xi32, #tpu.memory_space<vmem>>, vector<16xi32>,
      %mul3A_215 = arith.constant 16 : i32
      %mul3A_216 = arith.muli %while3A_209, %mul3A_215 : i32
      %add3A_217 = arith.constant 0 : i32
      %add3A_218 = arith.addi %mul3A_216, %add3A_217 : i32
      %lt3A = arith.cmpi slt, %add3A_218, %while3A_30 : i32
      %convert_element_type3A_219 = arith.extui %lt3A : i1 to i32
      %cond3A_220 = arith.constant 0 : i32
      %cond3A_221 = arith.cmpi ne, %convert_element_type3A_219, %cond3A_220 : i32
      scf.if %cond3A_221 {
        %slice3A = vector.extract_strided_slice %get3A_214 {offsets = [0], sizes = [1], strides = [1]} : vector<16xi32> to vector<1xi32>
        %squeeze3A = vector.extract %slice3A[0] : i32 from vector<1xi32>
        %and3A_343 = arith.constant 32767 : i32
        %and3A_344 = arith.andi %squeeze3A, %and3A_343 : i32
        %shift_right_arithmetic3A = arith.constant 7 : i32
        %shift_right_arithmetic3A_345 = arith.shrsi %and3A_344, %shift_right_arithmetic3A : i32
        %min3A_346 = arith.minsi %shift_right_arithmetic3A_345, %min3A_4 : i32
        %get3A_347 = arith.index_cast %min3A_346 : i32 to index
        %get3A_348 = memref.load %arg13[%get3A_347] : memref<247xi32, #tpu.memory_space<smem>>
        %add3A_349 = arith.constant 1 : i32
        %add3A_350 = arith.addi %get3A_348, %add3A_349 : i32
        %swap3A = arith.index_cast %min3A_346 : i32 to index
        %swap3A_351 = memref.load %arg13[%swap3A] : memref<247xi32, #tpu.memory_space<smem>>
        memref.store %add3A_350, %arg13[%swap3A] : memref<247xi32, #tpu.memory_space<smem>>
        %broadcast_in_dim3A = vector.broadcast %get3A_348 : i32 to vector<16xi32>
        %broadcast_in_dim3A_352 = vector.broadcast %squeeze3A : i32 to vector<16xi32>
        tpu.vector_store_idx %arg7[%broadcast_in_dim3A], %broadcast_in_dim3A_352 masked %eq3A_91 : memref<16400xi32, #tpu.memory_space<vmem>>[vector<16xi32>], vector<16xi32>, vector<16xi1>
      } else {
      }
      %mul3A_222 = arith.constant 16 : i32
      %mul3A_223 = arith.muli %while3A_209, %mul3A_222 : i32
      %add3A_224 = arith.constant 1 : i32
      %add3A_225 = arith.addi %mul3A_223, %add3A_224 : i32
      %lt3A_226 = arith.cmpi slt, %add3A_225, %while3A_30 : i32
      %convert_element_type3A_227 = arith.extui %lt3A_226 : i1 to i32
      %cond3A_228 = arith.constant 0 : i32
      %cond3A_229 = arith.cmpi ne, %convert_element_type3A_227, %cond3A_228 : i32
      scf.if %cond3A_229 {
        %slice3A = vector.extract_strided_slice %get3A_214 {offsets = [1], sizes = [1], strides = [1]} : vector<16xi32> to vector<1xi32>
        %squeeze3A = vector.extract %slice3A[0] : i32 from vector<1xi32>
        %and3A_343 = arith.constant 32767 : i32
        %and3A_344 = arith.andi %squeeze3A, %and3A_343 : i32
        %shift_right_arithmetic3A = arith.constant 7 : i32
        %shift_right_arithmetic3A_345 = arith.shrsi %and3A_344, %shift_right_arithmetic3A : i32
        %min3A_346 = arith.minsi %shift_right_arithmetic3A_345, %min3A_4 : i32
        %get3A_347 = arith.index_cast %min3A_346 : i32 to index
        %get3A_348 = memref.load %arg13[%get3A_347] : memref<247xi32, #tpu.memory_space<smem>>
        %add3A_349 = arith.constant 1 : i32
        %add3A_350 = arith.addi %get3A_348, %add3A_349 : i32
        %swap3A = arith.index_cast %min3A_346 : i32 to index
        %swap3A_351 = memref.load %arg13[%swap3A] : memref<247xi32, #tpu.memory_space<smem>>
        memref.store %add3A_350, %arg13[%swap3A] : memref<247xi32, #tpu.memory_space<smem>>
        %broadcast_in_dim3A = vector.broadcast %get3A_348 : i32 to vector<16xi32>
        %broadcast_in_dim3A_352 = vector.broadcast %squeeze3A : i32 to vector<16xi32>
        tpu.vector_store_idx %arg7[%broadcast_in_dim3A], %broadcast_in_dim3A_352 masked %eq3A_91 : memref<16400xi32, #tpu.memory_space<vmem>>[vector<16xi32>], vector<16xi32>, vector<16xi1>
      } else {
      }
      %mul3A_230 = arith.constant 16 : i32
      %mul3A_231 = arith.muli %while3A_209, %mul3A_230 : i32
      %add3A_232 = arith.constant 2 : i32
      %add3A_233 = arith.addi %mul3A_231, %add3A_232 : i32
      %lt3A_234 = arith.cmpi slt, %add3A_233, %while3A_30 : i32
      %convert_element_type3A_235 = arith.extui %lt3A_234 : i1 to i32
      %cond3A_236 = arith.constant 0 : i32
      %cond3A_237 = arith.cmpi ne, %convert_element_type3A_235, %cond3A_236 : i32
      scf.if %cond3A_237 {
        %slice3A = vector.extract_strided_slice %get3A_214 {offsets = [2], sizes = [1], strides = [1]} : vector<16xi32> to vector<1xi32>
        %squeeze3A = vector.extract %slice3A[0] : i32 from vector<1xi32>
        %and3A_343 = arith.constant 32767 : i32
        %and3A_344 = arith.andi %squeeze3A, %and3A_343 : i32
        %shift_right_arithmetic3A = arith.constant 7 : i32
        %shift_right_arithmetic3A_345 = arith.shrsi %and3A_344, %shift_right_arithmetic3A : i32
        %min3A_346 = arith.minsi %shift_right_arithmetic3A_345, %min3A_4 : i32
        %get3A_347 = arith.index_cast %min3A_346 : i32 to index
        %get3A_348 = memref.load %arg13[%get3A_347] : memref<247xi32, #tpu.memory_space<smem>>
        %add3A_349 = arith.constant 1 : i32
        %add3A_350 = arith.addi %get3A_348, %add3A_349 : i32
        %swap3A = arith.index_cast %min3A_346 : i32 to index
        %swap3A_351 = memref.load %arg13[%swap3A] : memref<247xi32, #tpu.memory_space<smem>>
        memref.store %add3A_350, %arg13[%swap3A] : memref<247xi32, #tpu.memory_space<smem>>
        %broadcast_in_dim3A = vector.broadcast %get3A_348 : i32 to vector<16xi32>
        %broadcast_in_dim3A_352 = vector.broadcast %squeeze3A : i32 to vector<16xi32>
        tpu.vector_store_idx %arg7[%broadcast_in_dim3A], %broadcast_in_dim3A_352 masked %eq3A_91 : memref<16400xi32, #tpu.memory_space<vmem>>[vector<16xi32>], vector<16xi32>, vector<16xi1>
      } else {
      }
      %mul3A_238 = arith.constant 16 : i32
      %mul3A_239 = arith.muli %while3A_209, %mul3A_238 : i32
      %add3A_240 = arith.constant 3 : i32
      %add3A_241 = arith.addi %mul3A_239, %add3A_240 : i32
      %lt3A_242 = arith.cmpi slt, %add3A_241, %while3A_30 : i32
      %convert_element_type3A_243 = arith.extui %lt3A_242 : i1 to i32
      %cond3A_244 = arith.constant 0 : i32
      %cond3A_245 = arith.cmpi ne, %convert_element_type3A_243, %cond3A_244 : i32
      scf.if %cond3A_245 {
        %slice3A = vector.extract_strided_slice %get3A_214 {offsets = [3], sizes = [1], strides = [1]} : vector<16xi32> to vector<1xi32>
        %squeeze3A = vector.extract %slice3A[0] : i32 from vector<1xi32>
        %and3A_343 = arith.constant 32767 : i32
        %and3A_344 = arith.andi %squeeze3A, %and3A_343 : i32
        %shift_right_arithmetic3A = arith.constant 7 : i32
        %shift_right_arithmetic3A_345 = arith.shrsi %and3A_344, %shift_right_arithmetic3A : i32
        %min3A_346 = arith.minsi %shift_right_arithmetic3A_345, %min3A_4 : i32
        %get3A_347 = arith.index_cast %min3A_346 : i32 to index
        %get3A_348 = memref.load %arg13[%get3A_347] : memref<247xi32, #tpu.memory_space<smem>>
        %add3A_349 = arith.constant 1 : i32
        %add3A_350 = arith.addi %get3A_348, %add3A_349 : i32
        %swap3A = arith.index_cast %min3A_346 : i32 to index
        %swap3A_351 = memref.load %arg13[%swap3A] : memref<247xi32, #tpu.memory_space<smem>>
        memref.store %add3A_350, %arg13[%swap3A] : memref<247xi32, #tpu.memory_space<smem>>
        %broadcast_in_dim3A = vector.broadcast %get3A_348 : i32 to vector<16xi32>
        %broadcast_in_dim3A_352 = vector.broadcast %squeeze3A : i32 to vector<16xi32>
        tpu.vector_store_idx %arg7[%broadcast_in_dim3A], %broadcast_in_dim3A_352 masked %eq3A_91 : memref<16400xi32, #tpu.memory_space<vmem>>[vector<16xi32>], vector<16xi32>, vector<16xi1>
      } else {
      }
      %mul3A_246 = arith.constant 16 : i32
      %mul3A_247 = arith.muli %while3A_209, %mul3A_246 : i32
      %add3A_248 = arith.constant 4 : i32
      %add3A_249 = arith.addi %mul3A_247, %add3A_248 : i32
      %lt3A_250 = arith.cmpi slt, %add3A_249, %while3A_30 : i32
      %convert_element_type3A_251 = arith.extui %lt3A_250 : i1 to i32
      %cond3A_252 = arith.constant 0 : i32
      %cond3A_253 = arith.cmpi ne, %convert_element_type3A_251, %cond3A_252 : i32
      scf.if %cond3A_253 {
        %slice3A = vector.extract_strided_slice %get3A_214 {offsets = [4], sizes = [1], strides = [1]} : vector<16xi32> to vector<1xi32>
        %squeeze3A = vector.extract %slice3A[0] : i32 from vector<1xi32>
        %and3A_343 = arith.constant 32767 : i32
        %and3A_344 = arith.andi %squeeze3A, %and3A_343 : i32
        %shift_right_arithmetic3A = arith.constant 7 : i32
        %shift_right_arithmetic3A_345 = arith.shrsi %and3A_344, %shift_right_arithmetic3A : i32
        %min3A_346 = arith.minsi %shift_right_arithmetic3A_345, %min3A_4 : i32
        %get3A_347 = arith.index_cast %min3A_346 : i32 to index
        %get3A_348 = memref.load %arg13[%get3A_347] : memref<247xi32, #tpu.memory_space<smem>>
        %add3A_349 = arith.constant 1 : i32
        %add3A_350 = arith.addi %get3A_348, %add3A_349 : i32
        %swap3A = arith.index_cast %min3A_346 : i32 to index
        %swap3A_351 = memref.load %arg13[%swap3A] : memref<247xi32, #tpu.memory_space<smem>>
        memref.store %add3A_350, %arg13[%swap3A] : memref<247xi32, #tpu.memory_space<smem>>
        %broadcast_in_dim3A = vector.broadcast %get3A_348 : i32 to vector<16xi32>
        %broadcast_in_dim3A_352 = vector.broadcast %squeeze3A : i32 to vector<16xi32>
        tpu.vector_store_idx %arg7[%broadcast_in_dim3A], %broadcast_in_dim3A_352 masked %eq3A_91 : memref<16400xi32, #tpu.memory_space<vmem>>[vector<16xi32>], vector<16xi32>, vector<16xi1>
      } else {
      }
      %mul3A_254 = arith.constant 16 : i32
      %mul3A_255 = arith.muli %while3A_209, %mul3A_254 : i32
      %add3A_256 = arith.constant 5 : i32
      %add3A_257 = arith.addi %mul3A_255, %add3A_256 : i32
      %lt3A_258 = arith.cmpi slt, %add3A_257, %while3A_30 : i32
      %convert_element_type3A_259 = arith.extui %lt3A_258 : i1 to i32
      %cond3A_260 = arith.constant 0 : i32
      %cond3A_261 = arith.cmpi ne, %convert_element_type3A_259, %cond3A_260 : i32
      scf.if %cond3A_261 {
        %slice3A = vector.extract_strided_slice %get3A_214 {offsets = [5], sizes = [1], strides = [1]} : vector<16xi32> to vector<1xi32>
        %squeeze3A = vector.extract %slice3A[0] : i32 from vector<1xi32>
        %and3A_343 = arith.constant 32767 : i32
        %and3A_344 = arith.andi %squeeze3A, %and3A_343 : i32
        %shift_right_arithmetic3A = arith.constant 7 : i32
        %shift_right_arithmetic3A_345 = arith.shrsi %and3A_344, %shift_right_arithmetic3A : i32
        %min3A_346 = arith.minsi %shift_right_arithmetic3A_345, %min3A_4 : i32
        %get3A_347 = arith.index_cast %min3A_346 : i32 to index
        %get3A_348 = memref.load %arg13[%get3A_347] : memref<247xi32, #tpu.memory_space<smem>>
        %add3A_349 = arith.constant 1 : i32
        %add3A_350 = arith.addi %get3A_348, %add3A_349 : i32
        %swap3A = arith.index_cast %min3A_346 : i32 to index
        %swap3A_351 = memref.load %arg13[%swap3A] : memref<247xi32, #tpu.memory_space<smem>>
        memref.store %add3A_350, %arg13[%swap3A] : memref<247xi32, #tpu.memory_space<smem>>
        %broadcast_in_dim3A = vector.broadcast %get3A_348 : i32 to vector<16xi32>
        %broadcast_in_dim3A_352 = vector.broadcast %squeeze3A : i32 to vector<16xi32>
        tpu.vector_store_idx %arg7[%broadcast_in_dim3A], %broadcast_in_dim3A_352 masked %eq3A_91 : memref<16400xi32, #tpu.memory_space<vmem>>[vector<16xi32>], vector<16xi32>, vector<16xi1>
      } else {
      }
      %mul3A_262 = arith.constant 16 : i32
      %mul3A_263 = arith.muli %while3A_209, %mul3A_262 : i32
      %add3A_264 = arith.constant 6 : i32
      %add3A_265 = arith.addi %mul3A_263, %add3A_264 : i32
      %lt3A_266 = arith.cmpi slt, %add3A_265, %while3A_30 : i32
      %convert_element_type3A_267 = arith.extui %lt3A_266 : i1 to i32
      %cond3A_268 = arith.constant 0 : i32
      %cond3A_269 = arith.cmpi ne, %convert_element_type3A_267, %cond3A_268 : i32
      scf.if %cond3A_269 {
        %slice3A = vector.extract_strided_slice %get3A_214 {offsets = [6], sizes = [1], strides = [1]} : vector<16xi32> to vector<1xi32>
        %squeeze3A = vector.extract %slice3A[0] : i32 from vector<1xi32>
        %and3A_343 = arith.constant 32767 : i32
        %and3A_344 = arith.andi %squeeze3A, %and3A_343 : i32
        %shift_right_arithmetic3A = arith.constant 7 : i32
        %shift_right_arithmetic3A_345 = arith.shrsi %and3A_344, %shift_right_arithmetic3A : i32
        %min3A_346 = arith.minsi %shift_right_arithmetic3A_345, %min3A_4 : i32
        %get3A_347 = arith.index_cast %min3A_346 : i32 to index
        %get3A_348 = memref.load %arg13[%get3A_347] : memref<247xi32, #tpu.memory_space<smem>>
        %add3A_349 = arith.constant 1 : i32
        %add3A_350 = arith.addi %get3A_348, %add3A_349 : i32
        %swap3A = arith.index_cast %min3A_346 : i32 to index
        %swap3A_351 = memref.load %arg13[%swap3A] : memref<247xi32, #tpu.memory_space<smem>>
        memref.store %add3A_350, %arg13[%swap3A] : memref<247xi32, #tpu.memory_space<smem>>
        %broadcast_in_dim3A = vector.broadcast %get3A_348 : i32 to vector<16xi32>
        %broadcast_in_dim3A_352 = vector.broadcast %squeeze3A : i32 to vector<16xi32>
        tpu.vector_store_idx %arg7[%broadcast_in_dim3A], %broadcast_in_dim3A_352 masked %eq3A_91 : memref<16400xi32, #tpu.memory_space<vmem>>[vector<16xi32>], vector<16xi32>, vector<16xi1>
      } else {
      }
      %mul3A_270 = arith.constant 16 : i32
      %mul3A_271 = arith.muli %while3A_209, %mul3A_270 : i32
      %add3A_272 = arith.constant 7 : i32
      %add3A_273 = arith.addi %mul3A_271, %add3A_272 : i32
      %lt3A_274 = arith.cmpi slt, %add3A_273, %while3A_30 : i32
      %convert_element_type3A_275 = arith.extui %lt3A_274 : i1 to i32
      %cond3A_276 = arith.constant 0 : i32
      %cond3A_277 = arith.cmpi ne, %convert_element_type3A_275, %cond3A_276 : i32
      scf.if %cond3A_277 {
        %slice3A = vector.extract_strided_slice %get3A_214 {offsets = [7], sizes = [1], strides = [1]} : vector<16xi32> to vector<1xi32>
        %squeeze3A = vector.extract %slice3A[0] : i32 from vector<1xi32>
        %and3A_343 = arith.constant 32767 : i32
        %and3A_344 = arith.andi %squeeze3A, %and3A_343 : i32
        %shift_right_arithmetic3A = arith.constant 7 : i32
        %shift_right_arithmetic3A_345 = arith.shrsi %and3A_344, %shift_right_arithmetic3A : i32
        %min3A_346 = arith.minsi %shift_right_arithmetic3A_345, %min3A_4 : i32
        %get3A_347 = arith.index_cast %min3A_346 : i32 to index
        %get3A_348 = memref.load %arg13[%get3A_347] : memref<247xi32, #tpu.memory_space<smem>>
        %add3A_349 = arith.constant 1 : i32
        %add3A_350 = arith.addi %get3A_348, %add3A_349 : i32
        %swap3A = arith.index_cast %min3A_346 : i32 to index
        %swap3A_351 = memref.load %arg13[%swap3A] : memref<247xi32, #tpu.memory_space<smem>>
        memref.store %add3A_350, %arg13[%swap3A] : memref<247xi32, #tpu.memory_space<smem>>
        %broadcast_in_dim3A = vector.broadcast %get3A_348 : i32 to vector<16xi32>
        %broadcast_in_dim3A_352 = vector.broadcast %squeeze3A : i32 to vector<16xi32>
        tpu.vector_store_idx %arg7[%broadcast_in_dim3A], %broadcast_in_dim3A_352 masked %eq3A_91 : memref<16400xi32, #tpu.memory_space<vmem>>[vector<16xi32>], vector<16xi32>, vector<16xi1>
      } else {
      }
      %mul3A_278 = arith.constant 16 : i32
      %mul3A_279 = arith.muli %while3A_209, %mul3A_278 : i32
      %add3A_280 = arith.constant 8 : i32
      %add3A_281 = arith.addi %mul3A_279, %add3A_280 : i32
      %lt3A_282 = arith.cmpi slt, %add3A_281, %while3A_30 : i32
      %convert_element_type3A_283 = arith.extui %lt3A_282 : i1 to i32
      %cond3A_284 = arith.constant 0 : i32
      %cond3A_285 = arith.cmpi ne, %convert_element_type3A_283, %cond3A_284 : i32
      scf.if %cond3A_285 {
        %slice3A = vector.extract_strided_slice %get3A_214 {offsets = [8], sizes = [1], strides = [1]} : vector<16xi32> to vector<1xi32>
        %squeeze3A = vector.extract %slice3A[0] : i32 from vector<1xi32>
        %and3A_343 = arith.constant 32767 : i32
        %and3A_344 = arith.andi %squeeze3A, %and3A_343 : i32
        %shift_right_arithmetic3A = arith.constant 7 : i32
        %shift_right_arithmetic3A_345 = arith.shrsi %and3A_344, %shift_right_arithmetic3A : i32
        %min3A_346 = arith.minsi %shift_right_arithmetic3A_345, %min3A_4 : i32
        %get3A_347 = arith.index_cast %min3A_346 : i32 to index
        %get3A_348 = memref.load %arg13[%get3A_347] : memref<247xi32, #tpu.memory_space<smem>>
        %add3A_349 = arith.constant 1 : i32
        %add3A_350 = arith.addi %get3A_348, %add3A_349 : i32
        %swap3A = arith.index_cast %min3A_346 : i32 to index
        %swap3A_351 = memref.load %arg13[%swap3A] : memref<247xi32, #tpu.memory_space<smem>>
        memref.store %add3A_350, %arg13[%swap3A] : memref<247xi32, #tpu.memory_space<smem>>
        %broadcast_in_dim3A = vector.broadcast %get3A_348 : i32 to vector<16xi32>
        %broadcast_in_dim3A_352 = vector.broadcast %squeeze3A : i32 to vector<16xi32>
        tpu.vector_store_idx %arg7[%broadcast_in_dim3A], %broadcast_in_dim3A_352 masked %eq3A_91 : memref<16400xi32, #tpu.memory_space<vmem>>[vector<16xi32>], vector<16xi32>, vector<16xi1>
      } else {
      }
      %mul3A_286 = arith.constant 16 : i32
      %mul3A_287 = arith.muli %while3A_209, %mul3A_286 : i32
      %add3A_288 = arith.constant 9 : i32
      %add3A_289 = arith.addi %mul3A_287, %add3A_288 : i32
      %lt3A_290 = arith.cmpi slt, %add3A_289, %while3A_30 : i32
      %convert_element_type3A_291 = arith.extui %lt3A_290 : i1 to i32
      %cond3A_292 = arith.constant 0 : i32
      %cond3A_293 = arith.cmpi ne, %convert_element_type3A_291, %cond3A_292 : i32
      scf.if %cond3A_293 {
        %slice3A = vector.extract_strided_slice %get3A_214 {offsets = [9], sizes = [1], strides = [1]} : vector<16xi32> to vector<1xi32>
        %squeeze3A = vector.extract %slice3A[0] : i32 from vector<1xi32>
        %and3A_343 = arith.constant 32767 : i32
        %and3A_344 = arith.andi %squeeze3A, %and3A_343 : i32
        %shift_right_arithmetic3A = arith.constant 7 : i32
        %shift_right_arithmetic3A_345 = arith.shrsi %and3A_344, %shift_right_arithmetic3A : i32
        %min3A_346 = arith.minsi %shift_right_arithmetic3A_345, %min3A_4 : i32
        %get3A_347 = arith.index_cast %min3A_346 : i32 to index
        %get3A_348 = memref.load %arg13[%get3A_347] : memref<247xi32, #tpu.memory_space<smem>>
        %add3A_349 = arith.constant 1 : i32
        %add3A_350 = arith.addi %get3A_348, %add3A_349 : i32
        %swap3A = arith.index_cast %min3A_346 : i32 to index
        %swap3A_351 = memref.load %arg13[%swap3A] : memref<247xi32, #tpu.memory_space<smem>>
        memref.store %add3A_350, %arg13[%swap3A] : memref<247xi32, #tpu.memory_space<smem>>
        %broadcast_in_dim3A = vector.broadcast %get3A_348 : i32 to vector<16xi32>
        %broadcast_in_dim3A_352 = vector.broadcast %squeeze3A : i32 to vector<16xi32>
        tpu.vector_store_idx %arg7[%broadcast_in_dim3A], %broadcast_in_dim3A_352 masked %eq3A_91 : memref<16400xi32, #tpu.memory_space<vmem>>[vector<16xi32>], vector<16xi32>, vector<16xi1>
      } else {
      }
      %mul3A_294 = arith.constant 16 : i32
      %mul3A_295 = arith.muli %while3A_209, %mul3A_294 : i32
      %add3A_296 = arith.constant 10 : i32
      %add3A_297 = arith.addi %mul3A_295, %add3A_296 : i32
      %lt3A_298 = arith.cmpi slt, %add3A_297, %while3A_30 : i32
      %convert_element_type3A_299 = arith.extui %lt3A_298 : i1 to i32
      %cond3A_300 = arith.constant 0 : i32
      %cond3A_301 = arith.cmpi ne, %convert_element_type3A_299, %cond3A_300 : i32
      scf.if %cond3A_301 {
        %slice3A = vector.extract_strided_slice %get3A_214 {offsets = [10], sizes = [1], strides = [1]} : vector<16xi32> to vector<1xi32>
        %squeeze3A = vector.extract %slice3A[0] : i32 from vector<1xi32>
        %and3A_343 = arith.constant 32767 : i32
        %and3A_344 = arith.andi %squeeze3A, %and3A_343 : i32
        %shift_right_arithmetic3A = arith.constant 7 : i32
        %shift_right_arithmetic3A_345 = arith.shrsi %and3A_344, %shift_right_arithmetic3A : i32
        %min3A_346 = arith.minsi %shift_right_arithmetic3A_345, %min3A_4 : i32
        %get3A_347 = arith.index_cast %min3A_346 : i32 to index
        %get3A_348 = memref.load %arg13[%get3A_347] : memref<247xi32, #tpu.memory_space<smem>>
        %add3A_349 = arith.constant 1 : i32
        %add3A_350 = arith.addi %get3A_348, %add3A_349 : i32
        %swap3A = arith.index_cast %min3A_346 : i32 to index
        %swap3A_351 = memref.load %arg13[%swap3A] : memref<247xi32, #tpu.memory_space<smem>>
        memref.store %add3A_350, %arg13[%swap3A] : memref<247xi32, #tpu.memory_space<smem>>
        %broadcast_in_dim3A = vector.broadcast %get3A_348 : i32 to vector<16xi32>
        %broadcast_in_dim3A_352 = vector.broadcast %squeeze3A : i32 to vector<16xi32>
        tpu.vector_store_idx %arg7[%broadcast_in_dim3A], %broadcast_in_dim3A_352 masked %eq3A_91 : memref<16400xi32, #tpu.memory_space<vmem>>[vector<16xi32>], vector<16xi32>, vector<16xi1>
      } else {
      }
      %mul3A_302 = arith.constant 16 : i32
      %mul3A_303 = arith.muli %while3A_209, %mul3A_302 : i32
      %add3A_304 = arith.constant 11 : i32
      %add3A_305 = arith.addi %mul3A_303, %add3A_304 : i32
      %lt3A_306 = arith.cmpi slt, %add3A_305, %while3A_30 : i32
      %convert_element_type3A_307 = arith.extui %lt3A_306 : i1 to i32
      %cond3A_308 = arith.constant 0 : i32
      %cond3A_309 = arith.cmpi ne, %convert_element_type3A_307, %cond3A_308 : i32
      scf.if %cond3A_309 {
        %slice3A = vector.extract_strided_slice %get3A_214 {offsets = [11], sizes = [1], strides = [1]} : vector<16xi32> to vector<1xi32>
        %squeeze3A = vector.extract %slice3A[0] : i32 from vector<1xi32>
        %and3A_343 = arith.constant 32767 : i32
        %and3A_344 = arith.andi %squeeze3A, %and3A_343 : i32
        %shift_right_arithmetic3A = arith.constant 7 : i32
        %shift_right_arithmetic3A_345 = arith.shrsi %and3A_344, %shift_right_arithmetic3A : i32
        %min3A_346 = arith.minsi %shift_right_arithmetic3A_345, %min3A_4 : i32
        %get3A_347 = arith.index_cast %min3A_346 : i32 to index
        %get3A_348 = memref.load %arg13[%get3A_347] : memref<247xi32, #tpu.memory_space<smem>>
        %add3A_349 = arith.constant 1 : i32
        %add3A_350 = arith.addi %get3A_348, %add3A_349 : i32
        %swap3A = arith.index_cast %min3A_346 : i32 to index
        %swap3A_351 = memref.load %arg13[%swap3A] : memref<247xi32, #tpu.memory_space<smem>>
        memref.store %add3A_350, %arg13[%swap3A] : memref<247xi32, #tpu.memory_space<smem>>
        %broadcast_in_dim3A = vector.broadcast %get3A_348 : i32 to vector<16xi32>
        %broadcast_in_dim3A_352 = vector.broadcast %squeeze3A : i32 to vector<16xi32>
        tpu.vector_store_idx %arg7[%broadcast_in_dim3A], %broadcast_in_dim3A_352 masked %eq3A_91 : memref<16400xi32, #tpu.memory_space<vmem>>[vector<16xi32>], vector<16xi32>, vector<16xi1>
      } else {
      }
      %mul3A_310 = arith.constant 16 : i32
      %mul3A_311 = arith.muli %while3A_209, %mul3A_310 : i32
      %add3A_312 = arith.constant 12 : i32
      %add3A_313 = arith.addi %mul3A_311, %add3A_312 : i32
      %lt3A_314 = arith.cmpi slt, %add3A_313, %while3A_30 : i32
      %convert_element_type3A_315 = arith.extui %lt3A_314 : i1 to i32
      %cond3A_316 = arith.constant 0 : i32
      %cond3A_317 = arith.cmpi ne, %convert_element_type3A_315, %cond3A_316 : i32
      scf.if %cond3A_317 {
        %slice3A = vector.extract_strided_slice %get3A_214 {offsets = [12], sizes = [1], strides = [1]} : vector<16xi32> to vector<1xi32>
        %squeeze3A = vector.extract %slice3A[0] : i32 from vector<1xi32>
        %and3A_343 = arith.constant 32767 : i32
        %and3A_344 = arith.andi %squeeze3A, %and3A_343 : i32
        %shift_right_arithmetic3A = arith.constant 7 : i32
        %shift_right_arithmetic3A_345 = arith.shrsi %and3A_344, %shift_right_arithmetic3A : i32
        %min3A_346 = arith.minsi %shift_right_arithmetic3A_345, %min3A_4 : i32
        %get3A_347 = arith.index_cast %min3A_346 : i32 to index
        %get3A_348 = memref.load %arg13[%get3A_347] : memref<247xi32, #tpu.memory_space<smem>>
        %add3A_349 = arith.constant 1 : i32
        %add3A_350 = arith.addi %get3A_348, %add3A_349 : i32
        %swap3A = arith.index_cast %min3A_346 : i32 to index
        %swap3A_351 = memref.load %arg13[%swap3A] : memref<247xi32, #tpu.memory_space<smem>>
        memref.store %add3A_350, %arg13[%swap3A] : memref<247xi32, #tpu.memory_space<smem>>
        %broadcast_in_dim3A = vector.broadcast %get3A_348 : i32 to vector<16xi32>
        %broadcast_in_dim3A_352 = vector.broadcast %squeeze3A : i32 to vector<16xi32>
        tpu.vector_store_idx %arg7[%broadcast_in_dim3A], %broadcast_in_dim3A_352 masked %eq3A_91 : memref<16400xi32, #tpu.memory_space<vmem>>[vector<16xi32>], vector<16xi32>, vector<16xi1>
      } else {
      }
      %mul3A_318 = arith.constant 16 : i32
      %mul3A_319 = arith.muli %while3A_209, %mul3A_318 : i32
      %add3A_320 = arith.constant 13 : i32
      %add3A_321 = arith.addi %mul3A_319, %add3A_320 : i32
      %lt3A_322 = arith.cmpi slt, %add3A_321, %while3A_30 : i32
      %convert_element_type3A_323 = arith.extui %lt3A_322 : i1 to i32
      %cond3A_324 = arith.constant 0 : i32
      %cond3A_325 = arith.cmpi ne, %convert_element_type3A_323, %cond3A_324 : i32
      scf.if %cond3A_325 {
        %slice3A = vector.extract_strided_slice %get3A_214 {offsets = [13], sizes = [1], strides = [1]} : vector<16xi32> to vector<1xi32>
        %squeeze3A = vector.extract %slice3A[0] : i32 from vector<1xi32>
        %and3A_343 = arith.constant 32767 : i32
        %and3A_344 = arith.andi %squeeze3A, %and3A_343 : i32
        %shift_right_arithmetic3A = arith.constant 7 : i32
        %shift_right_arithmetic3A_345 = arith.shrsi %and3A_344, %shift_right_arithmetic3A : i32
        %min3A_346 = arith.minsi %shift_right_arithmetic3A_345, %min3A_4 : i32
        %get3A_347 = arith.index_cast %min3A_346 : i32 to index
        %get3A_348 = memref.load %arg13[%get3A_347] : memref<247xi32, #tpu.memory_space<smem>>
        %add3A_349 = arith.constant 1 : i32
        %add3A_350 = arith.addi %get3A_348, %add3A_349 : i32
        %swap3A = arith.index_cast %min3A_346 : i32 to index
        %swap3A_351 = memref.load %arg13[%swap3A] : memref<247xi32, #tpu.memory_space<smem>>
        memref.store %add3A_350, %arg13[%swap3A] : memref<247xi32, #tpu.memory_space<smem>>
        %broadcast_in_dim3A = vector.broadcast %get3A_348 : i32 to vector<16xi32>
        %broadcast_in_dim3A_352 = vector.broadcast %squeeze3A : i32 to vector<16xi32>
        tpu.vector_store_idx %arg7[%broadcast_in_dim3A], %broadcast_in_dim3A_352 masked %eq3A_91 : memref<16400xi32, #tpu.memory_space<vmem>>[vector<16xi32>], vector<16xi32>, vector<16xi1>
      } else {
      }
      %mul3A_326 = arith.constant 16 : i32
      %mul3A_327 = arith.muli %while3A_209, %mul3A_326 : i32
      %add3A_328 = arith.constant 14 : i32
      %add3A_329 = arith.addi %mul3A_327, %add3A_328 : i32
      %lt3A_330 = arith.cmpi slt, %add3A_329, %while3A_30 : i32
      %convert_element_type3A_331 = arith.extui %lt3A_330 : i1 to i32
      %cond3A_332 = arith.constant 0 : i32
      %cond3A_333 = arith.cmpi ne, %convert_element_type3A_331, %cond3A_332 : i32
      scf.if %cond3A_333 {
        %slice3A = vector.extract_strided_slice %get3A_214 {offsets = [14], sizes = [1], strides = [1]} : vector<16xi32> to vector<1xi32>
        %squeeze3A = vector.extract %slice3A[0] : i32 from vector<1xi32>
        %and3A_343 = arith.constant 32767 : i32
        %and3A_344 = arith.andi %squeeze3A, %and3A_343 : i32
        %shift_right_arithmetic3A = arith.constant 7 : i32
        %shift_right_arithmetic3A_345 = arith.shrsi %and3A_344, %shift_right_arithmetic3A : i32
        %min3A_346 = arith.minsi %shift_right_arithmetic3A_345, %min3A_4 : i32
        %get3A_347 = arith.index_cast %min3A_346 : i32 to index
        %get3A_348 = memref.load %arg13[%get3A_347] : memref<247xi32, #tpu.memory_space<smem>>
        %add3A_349 = arith.constant 1 : i32
        %add3A_350 = arith.addi %get3A_348, %add3A_349 : i32
        %swap3A = arith.index_cast %min3A_346 : i32 to index
        %swap3A_351 = memref.load %arg13[%swap3A] : memref<247xi32, #tpu.memory_space<smem>>
        memref.store %add3A_350, %arg13[%swap3A] : memref<247xi32, #tpu.memory_space<smem>>
        %broadcast_in_dim3A = vector.broadcast %get3A_348 : i32 to vector<16xi32>
        %broadcast_in_dim3A_352 = vector.broadcast %squeeze3A : i32 to vector<16xi32>
        tpu.vector_store_idx %arg7[%broadcast_in_dim3A], %broadcast_in_dim3A_352 masked %eq3A_91 : memref<16400xi32, #tpu.memory_space<vmem>>[vector<16xi32>], vector<16xi32>, vector<16xi1>
      } else {
      }
      %mul3A_334 = arith.constant 16 : i32
      %mul3A_335 = arith.muli %while3A_209, %mul3A_334 : i32
      %add3A_336 = arith.constant 15 : i32
      %add3A_337 = arith.addi %mul3A_335, %add3A_336 : i32
      %lt3A_338 = arith.cmpi slt, %add3A_337, %while3A_30 : i32
      %convert_element_type3A_339 = arith.extui %lt3A_338 : i1 to i32
      %cond3A_340 = arith.constant 0 : i32
      %cond3A_341 = arith.cmpi ne, %convert_element_type3A_339, %cond3A_340 : i32
      scf.if %cond3A_341 {
        %slice3A = vector.extract_strided_slice %get3A_214 {offsets = [15], sizes = [1], strides = [1]} : vector<16xi32> to vector<1xi32>
        %squeeze3A = vector.extract %slice3A[0] : i32 from vector<1xi32>
        %and3A_343 = arith.constant 32767 : i32
        %and3A_344 = arith.andi %squeeze3A, %and3A_343 : i32
        %shift_right_arithmetic3A = arith.constant 7 : i32
        %shift_right_arithmetic3A_345 = arith.shrsi %and3A_344, %shift_right_arithmetic3A : i32
        %min3A_346 = arith.minsi %shift_right_arithmetic3A_345, %min3A_4 : i32
        %get3A_347 = arith.index_cast %min3A_346 : i32 to index
        %get3A_348 = memref.load %arg13[%get3A_347] : memref<247xi32, #tpu.memory_space<smem>>
        %add3A_349 = arith.constant 1 : i32
        %add3A_350 = arith.addi %get3A_348, %add3A_349 : i32
        %swap3A = arith.index_cast %min3A_346 : i32 to index
        %swap3A_351 = memref.load %arg13[%swap3A] : memref<247xi32, #tpu.memory_space<smem>>
        memref.store %add3A_350, %arg13[%swap3A] : memref<247xi32, #tpu.memory_space<smem>>
        %broadcast_in_dim3A = vector.broadcast %get3A_348 : i32 to vector<16xi32>
        %broadcast_in_dim3A_352 = vector.broadcast %squeeze3A : i32 to vector<16xi32>
        tpu.vector_store_idx %arg7[%broadcast_in_dim3A], %broadcast_in_dim3A_352 masked %eq3A_91 : memref<16400xi32, #tpu.memory_space<vmem>>[vector<16xi32>], vector<16xi32>, vector<16xi1>
      } else {
      }
      %while3A_342 = arith.constant 0 : i32
      scf.yield %while3A_342 : i32
    }
    %while3A_128 = arith.constant 1 : i32
    %while3A_129 = scf.for %while3A_209 = %while3A_125 to %while3A_121 step %while3A_128 iter_args(%while3A_210 = %while3A_127) -> (i32)  : i32 {
      %mul3A_211 = arith.constant 16 : i32
      %mul3A_212 = arith.muli %while3A_209, %mul3A_211 : i32
      %get3A_213 = arith.index_cast %mul3A_212 : i32 to index
      %get3A_214 = tpu.vector_load %arg6[%get3A_213] {strides = array<i32>} : memref<16400xi32, #tpu.memory_space<vmem>>, vector<16xi32>,
      %mul3A_215 = arith.constant 16 : i32
      %mul3A_216 = arith.muli %while3A_209, %mul3A_215 : i32
      %add3A_217 = arith.constant 0 : i32
      %add3A_218 = arith.addi %mul3A_216, %add3A_217 : i32
      %lt3A = arith.cmpi slt, %add3A_218, %while3A_30 : i32
      %convert_element_type3A_219 = arith.extui %lt3A : i1 to i32
      %cond3A_220 = arith.constant 0 : i32
      %cond3A_221 = arith.cmpi ne, %convert_element_type3A_219, %cond3A_220 : i32
      scf.if %cond3A_221 {
        %slice3A = vector.extract_strided_slice %get3A_214 {offsets = [0], sizes = [1], strides = [1]} : vector<16xi32> to vector<1xi32>
        %squeeze3A = vector.extract %slice3A[0] : i32 from vector<1xi32>
        %and3A_343 = arith.constant 32767 : i32
        %and3A_344 = arith.andi %squeeze3A, %and3A_343 : i32
        %shift_right_arithmetic3A = arith.constant 7 : i32
        %shift_right_arithmetic3A_345 = arith.shrsi %and3A_344, %shift_right_arithmetic3A : i32
        %min3A_346 = arith.minsi %shift_right_arithmetic3A_345, %min3A_4 : i32
        %get3A_347 = arith.index_cast %min3A_346 : i32 to index
        %get3A_348 = memref.load %arg13[%get3A_347] : memref<247xi32, #tpu.memory_space<smem>>
        %add3A_349 = arith.constant 1 : i32
        %add3A_350 = arith.addi %get3A_348, %add3A_349 : i32
        %swap3A = arith.index_cast %min3A_346 : i32 to index
        %swap3A_351 = memref.load %arg13[%swap3A] : memref<247xi32, #tpu.memory_space<smem>>
        memref.store %add3A_350, %arg13[%swap3A] : memref<247xi32, #tpu.memory_space<smem>>
        %broadcast_in_dim3A = vector.broadcast %get3A_348 : i32 to vector<16xi32>
        %broadcast_in_dim3A_352 = vector.broadcast %squeeze3A : i32 to vector<16xi32>
        tpu.vector_store_idx %arg7[%broadcast_in_dim3A], %broadcast_in_dim3A_352 masked %eq3A_91 : memref<16400xi32, #tpu.memory_space<vmem>>[vector<16xi32>], vector<16xi32>, vector<16xi1>
      } else {
      }
      %mul3A_222 = arith.constant 16 : i32
      %mul3A_223 = arith.muli %while3A_209, %mul3A_222 : i32
      %add3A_224 = arith.constant 1 : i32
      %add3A_225 = arith.addi %mul3A_223, %add3A_224 : i32
      %lt3A_226 = arith.cmpi slt, %add3A_225, %while3A_30 : i32
      %convert_element_type3A_227 = arith.extui %lt3A_226 : i1 to i32
      %cond3A_228 = arith.constant 0 : i32
      %cond3A_229 = arith.cmpi ne, %convert_element_type3A_227, %cond3A_228 : i32
      scf.if %cond3A_229 {
        %slice3A = vector.extract_strided_slice %get3A_214 {offsets = [1], sizes = [1], strides = [1]} : vector<16xi32> to vector<1xi32>
        %squeeze3A = vector.extract %slice3A[0] : i32 from vector<1xi32>
        %and3A_343 = arith.constant 32767 : i32
        %and3A_344 = arith.andi %squeeze3A, %and3A_343 : i32
        %shift_right_arithmetic3A = arith.constant 7 : i32
        %shift_right_arithmetic3A_345 = arith.shrsi %and3A_344, %shift_right_arithmetic3A : i32
        %min3A_346 = arith.minsi %shift_right_arithmetic3A_345, %min3A_4 : i32
        %get3A_347 = arith.index_cast %min3A_346 : i32 to index
        %get3A_348 = memref.load %arg13[%get3A_347] : memref<247xi32, #tpu.memory_space<smem>>
        %add3A_349 = arith.constant 1 : i32
        %add3A_350 = arith.addi %get3A_348, %add3A_349 : i32
        %swap3A = arith.index_cast %min3A_346 : i32 to index
        %swap3A_351 = memref.load %arg13[%swap3A] : memref<247xi32, #tpu.memory_space<smem>>
        memref.store %add3A_350, %arg13[%swap3A] : memref<247xi32, #tpu.memory_space<smem>>
        %broadcast_in_dim3A = vector.broadcast %get3A_348 : i32 to vector<16xi32>
        %broadcast_in_dim3A_352 = vector.broadcast %squeeze3A : i32 to vector<16xi32>
        tpu.vector_store_idx %arg7[%broadcast_in_dim3A], %broadcast_in_dim3A_352 masked %eq3A_91 : memref<16400xi32, #tpu.memory_space<vmem>>[vector<16xi32>], vector<16xi32>, vector<16xi1>
      } else {
      }
      %mul3A_230 = arith.constant 16 : i32
      %mul3A_231 = arith.muli %while3A_209, %mul3A_230 : i32
      %add3A_232 = arith.constant 2 : i32
      %add3A_233 = arith.addi %mul3A_231, %add3A_232 : i32
      %lt3A_234 = arith.cmpi slt, %add3A_233, %while3A_30 : i32
      %convert_element_type3A_235 = arith.extui %lt3A_234 : i1 to i32
      %cond3A_236 = arith.constant 0 : i32
      %cond3A_237 = arith.cmpi ne, %convert_element_type3A_235, %cond3A_236 : i32
      scf.if %cond3A_237 {
        %slice3A = vector.extract_strided_slice %get3A_214 {offsets = [2], sizes = [1], strides = [1]} : vector<16xi32> to vector<1xi32>
        %squeeze3A = vector.extract %slice3A[0] : i32 from vector<1xi32>
        %and3A_343 = arith.constant 32767 : i32
        %and3A_344 = arith.andi %squeeze3A, %and3A_343 : i32
        %shift_right_arithmetic3A = arith.constant 7 : i32
        %shift_right_arithmetic3A_345 = arith.shrsi %and3A_344, %shift_right_arithmetic3A : i32
        %min3A_346 = arith.minsi %shift_right_arithmetic3A_345, %min3A_4 : i32
        %get3A_347 = arith.index_cast %min3A_346 : i32 to index
        %get3A_348 = memref.load %arg13[%get3A_347] : memref<247xi32, #tpu.memory_space<smem>>
        %add3A_349 = arith.constant 1 : i32
        %add3A_350 = arith.addi %get3A_348, %add3A_349 : i32
        %swap3A = arith.index_cast %min3A_346 : i32 to index
        %swap3A_351 = memref.load %arg13[%swap3A] : memref<247xi32, #tpu.memory_space<smem>>
        memref.store %add3A_350, %arg13[%swap3A] : memref<247xi32, #tpu.memory_space<smem>>
        %broadcast_in_dim3A = vector.broadcast %get3A_348 : i32 to vector<16xi32>
        %broadcast_in_dim3A_352 = vector.broadcast %squeeze3A : i32 to vector<16xi32>
        tpu.vector_store_idx %arg7[%broadcast_in_dim3A], %broadcast_in_dim3A_352 masked %eq3A_91 : memref<16400xi32, #tpu.memory_space<vmem>>[vector<16xi32>], vector<16xi32>, vector<16xi1>
      } else {
      }
      %mul3A_238 = arith.constant 16 : i32
      %mul3A_239 = arith.muli %while3A_209, %mul3A_238 : i32
      %add3A_240 = arith.constant 3 : i32
      %add3A_241 = arith.addi %mul3A_239, %add3A_240 : i32
      %lt3A_242 = arith.cmpi slt, %add3A_241, %while3A_30 : i32
      %convert_element_type3A_243 = arith.extui %lt3A_242 : i1 to i32
      %cond3A_244 = arith.constant 0 : i32
      %cond3A_245 = arith.cmpi ne, %convert_element_type3A_243, %cond3A_244 : i32
      scf.if %cond3A_245 {
        %slice3A = vector.extract_strided_slice %get3A_214 {offsets = [3], sizes = [1], strides = [1]} : vector<16xi32> to vector<1xi32>
        %squeeze3A = vector.extract %slice3A[0] : i32 from vector<1xi32>
        %and3A_343 = arith.constant 32767 : i32
        %and3A_344 = arith.andi %squeeze3A, %and3A_343 : i32
        %shift_right_arithmetic3A = arith.constant 7 : i32
        %shift_right_arithmetic3A_345 = arith.shrsi %and3A_344, %shift_right_arithmetic3A : i32
        %min3A_346 = arith.minsi %shift_right_arithmetic3A_345, %min3A_4 : i32
        %get3A_347 = arith.index_cast %min3A_346 : i32 to index
        %get3A_348 = memref.load %arg13[%get3A_347] : memref<247xi32, #tpu.memory_space<smem>>
        %add3A_349 = arith.constant 1 : i32
        %add3A_350 = arith.addi %get3A_348, %add3A_349 : i32
        %swap3A = arith.index_cast %min3A_346 : i32 to index
        %swap3A_351 = memref.load %arg13[%swap3A] : memref<247xi32, #tpu.memory_space<smem>>
        memref.store %add3A_350, %arg13[%swap3A] : memref<247xi32, #tpu.memory_space<smem>>
        %broadcast_in_dim3A = vector.broadcast %get3A_348 : i32 to vector<16xi32>
        %broadcast_in_dim3A_352 = vector.broadcast %squeeze3A : i32 to vector<16xi32>
        tpu.vector_store_idx %arg7[%broadcast_in_dim3A], %broadcast_in_dim3A_352 masked %eq3A_91 : memref<16400xi32, #tpu.memory_space<vmem>>[vector<16xi32>], vector<16xi32>, vector<16xi1>
      } else {
      }
      %mul3A_246 = arith.constant 16 : i32
      %mul3A_247 = arith.muli %while3A_209, %mul3A_246 : i32
      %add3A_248 = arith.constant 4 : i32
      %add3A_249 = arith.addi %mul3A_247, %add3A_248 : i32
      %lt3A_250 = arith.cmpi slt, %add3A_249, %while3A_30 : i32
      %convert_element_type3A_251 = arith.extui %lt3A_250 : i1 to i32
      %cond3A_252 = arith.constant 0 : i32
      %cond3A_253 = arith.cmpi ne, %convert_element_type3A_251, %cond3A_252 : i32
      scf.if %cond3A_253 {
        %slice3A = vector.extract_strided_slice %get3A_214 {offsets = [4], sizes = [1], strides = [1]} : vector<16xi32> to vector<1xi32>
        %squeeze3A = vector.extract %slice3A[0] : i32 from vector<1xi32>
        %and3A_343 = arith.constant 32767 : i32
        %and3A_344 = arith.andi %squeeze3A, %and3A_343 : i32
        %shift_right_arithmetic3A = arith.constant 7 : i32
        %shift_right_arithmetic3A_345 = arith.shrsi %and3A_344, %shift_right_arithmetic3A : i32
        %min3A_346 = arith.minsi %shift_right_arithmetic3A_345, %min3A_4 : i32
        %get3A_347 = arith.index_cast %min3A_346 : i32 to index
        %get3A_348 = memref.load %arg13[%get3A_347] : memref<247xi32, #tpu.memory_space<smem>>
        %add3A_349 = arith.constant 1 : i32
        %add3A_350 = arith.addi %get3A_348, %add3A_349 : i32
        %swap3A = arith.index_cast %min3A_346 : i32 to index
        %swap3A_351 = memref.load %arg13[%swap3A] : memref<247xi32, #tpu.memory_space<smem>>
        memref.store %add3A_350, %arg13[%swap3A] : memref<247xi32, #tpu.memory_space<smem>>
        %broadcast_in_dim3A = vector.broadcast %get3A_348 : i32 to vector<16xi32>
        %broadcast_in_dim3A_352 = vector.broadcast %squeeze3A : i32 to vector<16xi32>
        tpu.vector_store_idx %arg7[%broadcast_in_dim3A], %broadcast_in_dim3A_352 masked %eq3A_91 : memref<16400xi32, #tpu.memory_space<vmem>>[vector<16xi32>], vector<16xi32>, vector<16xi1>
      } else {
      }
      %mul3A_254 = arith.constant 16 : i32
      %mul3A_255 = arith.muli %while3A_209, %mul3A_254 : i32
      %add3A_256 = arith.constant 5 : i32
      %add3A_257 = arith.addi %mul3A_255, %add3A_256 : i32
      %lt3A_258 = arith.cmpi slt, %add3A_257, %while3A_30 : i32
      %convert_element_type3A_259 = arith.extui %lt3A_258 : i1 to i32
      %cond3A_260 = arith.constant 0 : i32
      %cond3A_261 = arith.cmpi ne, %convert_element_type3A_259, %cond3A_260 : i32
      scf.if %cond3A_261 {
        %slice3A = vector.extract_strided_slice %get3A_214 {offsets = [5], sizes = [1], strides = [1]} : vector<16xi32> to vector<1xi32>
        %squeeze3A = vector.extract %slice3A[0] : i32 from vector<1xi32>
        %and3A_343 = arith.constant 32767 : i32
        %and3A_344 = arith.andi %squeeze3A, %and3A_343 : i32
        %shift_right_arithmetic3A = arith.constant 7 : i32
        %shift_right_arithmetic3A_345 = arith.shrsi %and3A_344, %shift_right_arithmetic3A : i32
        %min3A_346 = arith.minsi %shift_right_arithmetic3A_345, %min3A_4 : i32
        %get3A_347 = arith.index_cast %min3A_346 : i32 to index
        %get3A_348 = memref.load %arg13[%get3A_347] : memref<247xi32, #tpu.memory_space<smem>>
        %add3A_349 = arith.constant 1 : i32
        %add3A_350 = arith.addi %get3A_348, %add3A_349 : i32
        %swap3A = arith.index_cast %min3A_346 : i32 to index
        %swap3A_351 = memref.load %arg13[%swap3A] : memref<247xi32, #tpu.memory_space<smem>>
        memref.store %add3A_350, %arg13[%swap3A] : memref<247xi32, #tpu.memory_space<smem>>
        %broadcast_in_dim3A = vector.broadcast %get3A_348 : i32 to vector<16xi32>
        %broadcast_in_dim3A_352 = vector.broadcast %squeeze3A : i32 to vector<16xi32>
        tpu.vector_store_idx %arg7[%broadcast_in_dim3A], %broadcast_in_dim3A_352 masked %eq3A_91 : memref<16400xi32, #tpu.memory_space<vmem>>[vector<16xi32>], vector<16xi32>, vector<16xi1>
      } else {
      }
      %mul3A_262 = arith.constant 16 : i32
      %mul3A_263 = arith.muli %while3A_209, %mul3A_262 : i32
      %add3A_264 = arith.constant 6 : i32
      %add3A_265 = arith.addi %mul3A_263, %add3A_264 : i32
      %lt3A_266 = arith.cmpi slt, %add3A_265, %while3A_30 : i32
      %convert_element_type3A_267 = arith.extui %lt3A_266 : i1 to i32
      %cond3A_268 = arith.constant 0 : i32
      %cond3A_269 = arith.cmpi ne, %convert_element_type3A_267, %cond3A_268 : i32
      scf.if %cond3A_269 {
        %slice3A = vector.extract_strided_slice %get3A_214 {offsets = [6], sizes = [1], strides = [1]} : vector<16xi32> to vector<1xi32>
        %squeeze3A = vector.extract %slice3A[0] : i32 from vector<1xi32>
        %and3A_343 = arith.constant 32767 : i32
        %and3A_344 = arith.andi %squeeze3A, %and3A_343 : i32
        %shift_right_arithmetic3A = arith.constant 7 : i32
        %shift_right_arithmetic3A_345 = arith.shrsi %and3A_344, %shift_right_arithmetic3A : i32
        %min3A_346 = arith.minsi %shift_right_arithmetic3A_345, %min3A_4 : i32
        %get3A_347 = arith.index_cast %min3A_346 : i32 to index
        %get3A_348 = memref.load %arg13[%get3A_347] : memref<247xi32, #tpu.memory_space<smem>>
        %add3A_349 = arith.constant 1 : i32
        %add3A_350 = arith.addi %get3A_348, %add3A_349 : i32
        %swap3A = arith.index_cast %min3A_346 : i32 to index
        %swap3A_351 = memref.load %arg13[%swap3A] : memref<247xi32, #tpu.memory_space<smem>>
        memref.store %add3A_350, %arg13[%swap3A] : memref<247xi32, #tpu.memory_space<smem>>
        %broadcast_in_dim3A = vector.broadcast %get3A_348 : i32 to vector<16xi32>
        %broadcast_in_dim3A_352 = vector.broadcast %squeeze3A : i32 to vector<16xi32>
        tpu.vector_store_idx %arg7[%broadcast_in_dim3A], %broadcast_in_dim3A_352 masked %eq3A_91 : memref<16400xi32, #tpu.memory_space<vmem>>[vector<16xi32>], vector<16xi32>, vector<16xi1>
      } else {
      }
      %mul3A_270 = arith.constant 16 : i32
      %mul3A_271 = arith.muli %while3A_209, %mul3A_270 : i32
      %add3A_272 = arith.constant 7 : i32
      %add3A_273 = arith.addi %mul3A_271, %add3A_272 : i32
      %lt3A_274 = arith.cmpi slt, %add3A_273, %while3A_30 : i32
      %convert_element_type3A_275 = arith.extui %lt3A_274 : i1 to i32
      %cond3A_276 = arith.constant 0 : i32
      %cond3A_277 = arith.cmpi ne, %convert_element_type3A_275, %cond3A_276 : i32
      scf.if %cond3A_277 {
        %slice3A = vector.extract_strided_slice %get3A_214 {offsets = [7], sizes = [1], strides = [1]} : vector<16xi32> to vector<1xi32>
        %squeeze3A = vector.extract %slice3A[0] : i32 from vector<1xi32>
        %and3A_343 = arith.constant 32767 : i32
        %and3A_344 = arith.andi %squeeze3A, %and3A_343 : i32
        %shift_right_arithmetic3A = arith.constant 7 : i32
        %shift_right_arithmetic3A_345 = arith.shrsi %and3A_344, %shift_right_arithmetic3A : i32
        %min3A_346 = arith.minsi %shift_right_arithmetic3A_345, %min3A_4 : i32
        %get3A_347 = arith.index_cast %min3A_346 : i32 to index
        %get3A_348 = memref.load %arg13[%get3A_347] : memref<247xi32, #tpu.memory_space<smem>>
        %add3A_349 = arith.constant 1 : i32
        %add3A_350 = arith.addi %get3A_348, %add3A_349 : i32
        %swap3A = arith.index_cast %min3A_346 : i32 to index
        %swap3A_351 = memref.load %arg13[%swap3A] : memref<247xi32, #tpu.memory_space<smem>>
        memref.store %add3A_350, %arg13[%swap3A] : memref<247xi32, #tpu.memory_space<smem>>
        %broadcast_in_dim3A = vector.broadcast %get3A_348 : i32 to vector<16xi32>
        %broadcast_in_dim3A_352 = vector.broadcast %squeeze3A : i32 to vector<16xi32>
        tpu.vector_store_idx %arg7[%broadcast_in_dim3A], %broadcast_in_dim3A_352 masked %eq3A_91 : memref<16400xi32, #tpu.memory_space<vmem>>[vector<16xi32>], vector<16xi32>, vector<16xi1>
      } else {
      }
      %mul3A_278 = arith.constant 16 : i32
      %mul3A_279 = arith.muli %while3A_209, %mul3A_278 : i32
      %add3A_280 = arith.constant 8 : i32
      %add3A_281 = arith.addi %mul3A_279, %add3A_280 : i32
      %lt3A_282 = arith.cmpi slt, %add3A_281, %while3A_30 : i32
      %convert_element_type3A_283 = arith.extui %lt3A_282 : i1 to i32
      %cond3A_284 = arith.constant 0 : i32
      %cond3A_285 = arith.cmpi ne, %convert_element_type3A_283, %cond3A_284 : i32
      scf.if %cond3A_285 {
        %slice3A = vector.extract_strided_slice %get3A_214 {offsets = [8], sizes = [1], strides = [1]} : vector<16xi32> to vector<1xi32>
        %squeeze3A = vector.extract %slice3A[0] : i32 from vector<1xi32>
        %and3A_343 = arith.constant 32767 : i32
        %and3A_344 = arith.andi %squeeze3A, %and3A_343 : i32
        %shift_right_arithmetic3A = arith.constant 7 : i32
        %shift_right_arithmetic3A_345 = arith.shrsi %and3A_344, %shift_right_arithmetic3A : i32
        %min3A_346 = arith.minsi %shift_right_arithmetic3A_345, %min3A_4 : i32
        %get3A_347 = arith.index_cast %min3A_346 : i32 to index
        %get3A_348 = memref.load %arg13[%get3A_347] : memref<247xi32, #tpu.memory_space<smem>>
        %add3A_349 = arith.constant 1 : i32
        %add3A_350 = arith.addi %get3A_348, %add3A_349 : i32
        %swap3A = arith.index_cast %min3A_346 : i32 to index
        %swap3A_351 = memref.load %arg13[%swap3A] : memref<247xi32, #tpu.memory_space<smem>>
        memref.store %add3A_350, %arg13[%swap3A] : memref<247xi32, #tpu.memory_space<smem>>
        %broadcast_in_dim3A = vector.broadcast %get3A_348 : i32 to vector<16xi32>
        %broadcast_in_dim3A_352 = vector.broadcast %squeeze3A : i32 to vector<16xi32>
        tpu.vector_store_idx %arg7[%broadcast_in_dim3A], %broadcast_in_dim3A_352 masked %eq3A_91 : memref<16400xi32, #tpu.memory_space<vmem>>[vector<16xi32>], vector<16xi32>, vector<16xi1>
      } else {
      }
      %mul3A_286 = arith.constant 16 : i32
      %mul3A_287 = arith.muli %while3A_209, %mul3A_286 : i32
      %add3A_288 = arith.constant 9 : i32
      %add3A_289 = arith.addi %mul3A_287, %add3A_288 : i32
      %lt3A_290 = arith.cmpi slt, %add3A_289, %while3A_30 : i32
      %convert_element_type3A_291 = arith.extui %lt3A_290 : i1 to i32
      %cond3A_292 = arith.constant 0 : i32
      %cond3A_293 = arith.cmpi ne, %convert_element_type3A_291, %cond3A_292 : i32
      scf.if %cond3A_293 {
        %slice3A = vector.extract_strided_slice %get3A_214 {offsets = [9], sizes = [1], strides = [1]} : vector<16xi32> to vector<1xi32>
        %squeeze3A = vector.extract %slice3A[0] : i32 from vector<1xi32>
        %and3A_343 = arith.constant 32767 : i32
        %and3A_344 = arith.andi %squeeze3A, %and3A_343 : i32
        %shift_right_arithmetic3A = arith.constant 7 : i32
        %shift_right_arithmetic3A_345 = arith.shrsi %and3A_344, %shift_right_arithmetic3A : i32
        %min3A_346 = arith.minsi %shift_right_arithmetic3A_345, %min3A_4 : i32
        %get3A_347 = arith.index_cast %min3A_346 : i32 to index
        %get3A_348 = memref.load %arg13[%get3A_347] : memref<247xi32, #tpu.memory_space<smem>>
        %add3A_349 = arith.constant 1 : i32
        %add3A_350 = arith.addi %get3A_348, %add3A_349 : i32
        %swap3A = arith.index_cast %min3A_346 : i32 to index
        %swap3A_351 = memref.load %arg13[%swap3A] : memref<247xi32, #tpu.memory_space<smem>>
        memref.store %add3A_350, %arg13[%swap3A] : memref<247xi32, #tpu.memory_space<smem>>
        %broadcast_in_dim3A = vector.broadcast %get3A_348 : i32 to vector<16xi32>
        %broadcast_in_dim3A_352 = vector.broadcast %squeeze3A : i32 to vector<16xi32>
        tpu.vector_store_idx %arg7[%broadcast_in_dim3A], %broadcast_in_dim3A_352 masked %eq3A_91 : memref<16400xi32, #tpu.memory_space<vmem>>[vector<16xi32>], vector<16xi32>, vector<16xi1>
      } else {
      }
      %mul3A_294 = arith.constant 16 : i32
      %mul3A_295 = arith.muli %while3A_209, %mul3A_294 : i32
      %add3A_296 = arith.constant 10 : i32
      %add3A_297 = arith.addi %mul3A_295, %add3A_296 : i32
      %lt3A_298 = arith.cmpi slt, %add3A_297, %while3A_30 : i32
      %convert_element_type3A_299 = arith.extui %lt3A_298 : i1 to i32
      %cond3A_300 = arith.constant 0 : i32
      %cond3A_301 = arith.cmpi ne, %convert_element_type3A_299, %cond3A_300 : i32
      scf.if %cond3A_301 {
        %slice3A = vector.extract_strided_slice %get3A_214 {offsets = [10], sizes = [1], strides = [1]} : vector<16xi32> to vector<1xi32>
        %squeeze3A = vector.extract %slice3A[0] : i32 from vector<1xi32>
        %and3A_343 = arith.constant 32767 : i32
        %and3A_344 = arith.andi %squeeze3A, %and3A_343 : i32
        %shift_right_arithmetic3A = arith.constant 7 : i32
        %shift_right_arithmetic3A_345 = arith.shrsi %and3A_344, %shift_right_arithmetic3A : i32
        %min3A_346 = arith.minsi %shift_right_arithmetic3A_345, %min3A_4 : i32
        %get3A_347 = arith.index_cast %min3A_346 : i32 to index
        %get3A_348 = memref.load %arg13[%get3A_347] : memref<247xi32, #tpu.memory_space<smem>>
        %add3A_349 = arith.constant 1 : i32
        %add3A_350 = arith.addi %get3A_348, %add3A_349 : i32
        %swap3A = arith.index_cast %min3A_346 : i32 to index
        %swap3A_351 = memref.load %arg13[%swap3A] : memref<247xi32, #tpu.memory_space<smem>>
        memref.store %add3A_350, %arg13[%swap3A] : memref<247xi32, #tpu.memory_space<smem>>
        %broadcast_in_dim3A = vector.broadcast %get3A_348 : i32 to vector<16xi32>
        %broadcast_in_dim3A_352 = vector.broadcast %squeeze3A : i32 to vector<16xi32>
        tpu.vector_store_idx %arg7[%broadcast_in_dim3A], %broadcast_in_dim3A_352 masked %eq3A_91 : memref<16400xi32, #tpu.memory_space<vmem>>[vector<16xi32>], vector<16xi32>, vector<16xi1>
      } else {
      }
      %mul3A_302 = arith.constant 16 : i32
      %mul3A_303 = arith.muli %while3A_209, %mul3A_302 : i32
      %add3A_304 = arith.constant 11 : i32
      %add3A_305 = arith.addi %mul3A_303, %add3A_304 : i32
      %lt3A_306 = arith.cmpi slt, %add3A_305, %while3A_30 : i32
      %convert_element_type3A_307 = arith.extui %lt3A_306 : i1 to i32
      %cond3A_308 = arith.constant 0 : i32
      %cond3A_309 = arith.cmpi ne, %convert_element_type3A_307, %cond3A_308 : i32
      scf.if %cond3A_309 {
        %slice3A = vector.extract_strided_slice %get3A_214 {offsets = [11], sizes = [1], strides = [1]} : vector<16xi32> to vector<1xi32>
        %squeeze3A = vector.extract %slice3A[0] : i32 from vector<1xi32>
        %and3A_343 = arith.constant 32767 : i32
        %and3A_344 = arith.andi %squeeze3A, %and3A_343 : i32
        %shift_right_arithmetic3A = arith.constant 7 : i32
        %shift_right_arithmetic3A_345 = arith.shrsi %and3A_344, %shift_right_arithmetic3A : i32
        %min3A_346 = arith.minsi %shift_right_arithmetic3A_345, %min3A_4 : i32
        %get3A_347 = arith.index_cast %min3A_346 : i32 to index
        %get3A_348 = memref.load %arg13[%get3A_347] : memref<247xi32, #tpu.memory_space<smem>>
        %add3A_349 = arith.constant 1 : i32
        %add3A_350 = arith.addi %get3A_348, %add3A_349 : i32
        %swap3A = arith.index_cast %min3A_346 : i32 to index
        %swap3A_351 = memref.load %arg13[%swap3A] : memref<247xi32, #tpu.memory_space<smem>>
        memref.store %add3A_350, %arg13[%swap3A] : memref<247xi32, #tpu.memory_space<smem>>
        %broadcast_in_dim3A = vector.broadcast %get3A_348 : i32 to vector<16xi32>
        %broadcast_in_dim3A_352 = vector.broadcast %squeeze3A : i32 to vector<16xi32>
        tpu.vector_store_idx %arg7[%broadcast_in_dim3A], %broadcast_in_dim3A_352 masked %eq3A_91 : memref<16400xi32, #tpu.memory_space<vmem>>[vector<16xi32>], vector<16xi32>, vector<16xi1>
      } else {
      }
      %mul3A_310 = arith.constant 16 : i32
      %mul3A_311 = arith.muli %while3A_209, %mul3A_310 : i32
      %add3A_312 = arith.constant 12 : i32
      %add3A_313 = arith.addi %mul3A_311, %add3A_312 : i32
      %lt3A_314 = arith.cmpi slt, %add3A_313, %while3A_30 : i32
      %convert_element_type3A_315 = arith.extui %lt3A_314 : i1 to i32
      %cond3A_316 = arith.constant 0 : i32
      %cond3A_317 = arith.cmpi ne, %convert_element_type3A_315, %cond3A_316 : i32
      scf.if %cond3A_317 {
        %slice3A = vector.extract_strided_slice %get3A_214 {offsets = [12], sizes = [1], strides = [1]} : vector<16xi32> to vector<1xi32>
        %squeeze3A = vector.extract %slice3A[0] : i32 from vector<1xi32>
        %and3A_343 = arith.constant 32767 : i32
        %and3A_344 = arith.andi %squeeze3A, %and3A_343 : i32
        %shift_right_arithmetic3A = arith.constant 7 : i32
        %shift_right_arithmetic3A_345 = arith.shrsi %and3A_344, %shift_right_arithmetic3A : i32
        %min3A_346 = arith.minsi %shift_right_arithmetic3A_345, %min3A_4 : i32
        %get3A_347 = arith.index_cast %min3A_346 : i32 to index
        %get3A_348 = memref.load %arg13[%get3A_347] : memref<247xi32, #tpu.memory_space<smem>>
        %add3A_349 = arith.constant 1 : i32
        %add3A_350 = arith.addi %get3A_348, %add3A_349 : i32
        %swap3A = arith.index_cast %min3A_346 : i32 to index
        %swap3A_351 = memref.load %arg13[%swap3A] : memref<247xi32, #tpu.memory_space<smem>>
        memref.store %add3A_350, %arg13[%swap3A] : memref<247xi32, #tpu.memory_space<smem>>
        %broadcast_in_dim3A = vector.broadcast %get3A_348 : i32 to vector<16xi32>
        %broadcast_in_dim3A_352 = vector.broadcast %squeeze3A : i32 to vector<16xi32>
        tpu.vector_store_idx %arg7[%broadcast_in_dim3A], %broadcast_in_dim3A_352 masked %eq3A_91 : memref<16400xi32, #tpu.memory_space<vmem>>[vector<16xi32>], vector<16xi32>, vector<16xi1>
      } else {
      }
      %mul3A_318 = arith.constant 16 : i32
      %mul3A_319 = arith.muli %while3A_209, %mul3A_318 : i32
      %add3A_320 = arith.constant 13 : i32
      %add3A_321 = arith.addi %mul3A_319, %add3A_320 : i32
      %lt3A_322 = arith.cmpi slt, %add3A_321, %while3A_30 : i32
      %convert_element_type3A_323 = arith.extui %lt3A_322 : i1 to i32
      %cond3A_324 = arith.constant 0 : i32
      %cond3A_325 = arith.cmpi ne, %convert_element_type3A_323, %cond3A_324 : i32
      scf.if %cond3A_325 {
        %slice3A = vector.extract_strided_slice %get3A_214 {offsets = [13], sizes = [1], strides = [1]} : vector<16xi32> to vector<1xi32>
        %squeeze3A = vector.extract %slice3A[0] : i32 from vector<1xi32>
        %and3A_343 = arith.constant 32767 : i32
        %and3A_344 = arith.andi %squeeze3A, %and3A_343 : i32
        %shift_right_arithmetic3A = arith.constant 7 : i32
        %shift_right_arithmetic3A_345 = arith.shrsi %and3A_344, %shift_right_arithmetic3A : i32
        %min3A_346 = arith.minsi %shift_right_arithmetic3A_345, %min3A_4 : i32
        %get3A_347 = arith.index_cast %min3A_346 : i32 to index
        %get3A_348 = memref.load %arg13[%get3A_347] : memref<247xi32, #tpu.memory_space<smem>>
        %add3A_349 = arith.constant 1 : i32
        %add3A_350 = arith.addi %get3A_348, %add3A_349 : i32
        %swap3A = arith.index_cast %min3A_346 : i32 to index
        %swap3A_351 = memref.load %arg13[%swap3A] : memref<247xi32, #tpu.memory_space<smem>>
        memref.store %add3A_350, %arg13[%swap3A] : memref<247xi32, #tpu.memory_space<smem>>
        %broadcast_in_dim3A = vector.broadcast %get3A_348 : i32 to vector<16xi32>
        %broadcast_in_dim3A_352 = vector.broadcast %squeeze3A : i32 to vector<16xi32>
        tpu.vector_store_idx %arg7[%broadcast_in_dim3A], %broadcast_in_dim3A_352 masked %eq3A_91 : memref<16400xi32, #tpu.memory_space<vmem>>[vector<16xi32>], vector<16xi32>, vector<16xi1>
      } else {
      }
      %mul3A_326 = arith.constant 16 : i32
      %mul3A_327 = arith.muli %while3A_209, %mul3A_326 : i32
      %add3A_328 = arith.constant 14 : i32
      %add3A_329 = arith.addi %mul3A_327, %add3A_328 : i32
      %lt3A_330 = arith.cmpi slt, %add3A_329, %while3A_30 : i32
      %convert_element_type3A_331 = arith.extui %lt3A_330 : i1 to i32
      %cond3A_332 = arith.constant 0 : i32
      %cond3A_333 = arith.cmpi ne, %convert_element_type3A_331, %cond3A_332 : i32
      scf.if %cond3A_333 {
        %slice3A = vector.extract_strided_slice %get3A_214 {offsets = [14], sizes = [1], strides = [1]} : vector<16xi32> to vector<1xi32>
        %squeeze3A = vector.extract %slice3A[0] : i32 from vector<1xi32>
        %and3A_343 = arith.constant 32767 : i32
        %and3A_344 = arith.andi %squeeze3A, %and3A_343 : i32
        %shift_right_arithmetic3A = arith.constant 7 : i32
        %shift_right_arithmetic3A_345 = arith.shrsi %and3A_344, %shift_right_arithmetic3A : i32
        %min3A_346 = arith.minsi %shift_right_arithmetic3A_345, %min3A_4 : i32
        %get3A_347 = arith.index_cast %min3A_346 : i32 to index
        %get3A_348 = memref.load %arg13[%get3A_347] : memref<247xi32, #tpu.memory_space<smem>>
        %add3A_349 = arith.constant 1 : i32
        %add3A_350 = arith.addi %get3A_348, %add3A_349 : i32
        %swap3A = arith.index_cast %min3A_346 : i32 to index
        %swap3A_351 = memref.load %arg13[%swap3A] : memref<247xi32, #tpu.memory_space<smem>>
        memref.store %add3A_350, %arg13[%swap3A] : memref<247xi32, #tpu.memory_space<smem>>
        %broadcast_in_dim3A = vector.broadcast %get3A_348 : i32 to vector<16xi32>
        %broadcast_in_dim3A_352 = vector.broadcast %squeeze3A : i32 to vector<16xi32>
        tpu.vector_store_idx %arg7[%broadcast_in_dim3A], %broadcast_in_dim3A_352 masked %eq3A_91 : memref<16400xi32, #tpu.memory_space<vmem>>[vector<16xi32>], vector<16xi32>, vector<16xi1>
      } else {
      }
      %mul3A_334 = arith.constant 16 : i32
      %mul3A_335 = arith.muli %while3A_209, %mul3A_334 : i32
      %add3A_336 = arith.constant 15 : i32
      %add3A_337 = arith.addi %mul3A_335, %add3A_336 : i32
      %lt3A_338 = arith.cmpi slt, %add3A_337, %while3A_30 : i32
      %convert_element_type3A_339 = arith.extui %lt3A_338 : i1 to i32
      %cond3A_340 = arith.constant 0 : i32
      %cond3A_341 = arith.cmpi ne, %convert_element_type3A_339, %cond3A_340 : i32
      scf.if %cond3A_341 {
        %slice3A = vector.extract_strided_slice %get3A_214 {offsets = [15], sizes = [1], strides = [1]} : vector<16xi32> to vector<1xi32>
        %squeeze3A = vector.extract %slice3A[0] : i32 from vector<1xi32>
        %and3A_343 = arith.constant 32767 : i32
        %and3A_344 = arith.andi %squeeze3A, %and3A_343 : i32
        %shift_right_arithmetic3A = arith.constant 7 : i32
        %shift_right_arithmetic3A_345 = arith.shrsi %and3A_344, %shift_right_arithmetic3A : i32
        %min3A_346 = arith.minsi %shift_right_arithmetic3A_345, %min3A_4 : i32
        %get3A_347 = arith.index_cast %min3A_346 : i32 to index
        %get3A_348 = memref.load %arg13[%get3A_347] : memref<247xi32, #tpu.memory_space<smem>>
        %add3A_349 = arith.constant 1 : i32
        %add3A_350 = arith.addi %get3A_348, %add3A_349 : i32
        %swap3A = arith.index_cast %min3A_346 : i32 to index
        %swap3A_351 = memref.load %arg13[%swap3A] : memref<247xi32, #tpu.memory_space<smem>>
        memref.store %add3A_350, %arg13[%swap3A] : memref<247xi32, #tpu.memory_space<smem>>
        %broadcast_in_dim3A = vector.broadcast %get3A_348 : i32 to vector<16xi32>
        %broadcast_in_dim3A_352 = vector.broadcast %squeeze3A : i32 to vector<16xi32>
        tpu.vector_store_idx %arg7[%broadcast_in_dim3A], %broadcast_in_dim3A_352 masked %eq3A_91 : memref<16400xi32, #tpu.memory_space<vmem>>[vector<16xi32>], vector<16xi32>, vector<16xi1>
      } else {
      }
      %while3A_342 = arith.constant 0 : i32
      scf.yield %while3A_342 : i32
    }
    %while3A_130 = arith.constant 0 : i32
    %while3A_131 = arith.constant 0 : i32
    %while3A_132 = arith.subi %min3A_4, %while3A_130 : i32
    %while3A_133 = arith.addi %while3A_130, %while3A_132 : i32
    %while3A_134 = arith.constant 1 : i32
    %while3A_135 = arith.divsi %while3A_132, %while3A_134 : i32
    %while3A_136 = arith.muli %while3A_135, %while3A_134 : i32
    %while3A_137 = arith.addi %while3A_130, %while3A_136 : i32
    %while3A_138 = arith.constant 1 : i32
    %while3A_139 = scf.for %while3A_209 = %while3A_130 to %while3A_137 step %while3A_138 iter_args(%while3A_210 = %while3A_131) -> (i32)  : i32 {
      %swap3A = arith.index_cast %while3A_210 : i32 to index
      %swap3A_211 = memref.load %arg14[%swap3A] : memref<247xi32, #tpu.memory_space<smem>>
      memref.store %while3A_209, %arg14[%swap3A] : memref<247xi32, #tpu.memory_space<smem>>
      %get3A_212 = arith.index_cast %while3A_209 : i32 to index
      %get3A_213 = memref.load %arg11[%get3A_212] : memref<247xi32, #tpu.memory_space<smem>>
      %gt3A_214 = arith.constant 0 : i32
      %gt3A_215 = arith.cmpi sgt, %get3A_213, %gt3A_214 : i32
      %jit3A_216 = arith.constant 1 : i32
      %jit3A_217 = arith.constant 0 : i32
      %select_n3A_218 = arith.select %gt3A_215, %jit3A_216, %jit3A_217 : i32
      %add3A_219 = arith.addi %while3A_210, %select_n3A_218 : i32
      scf.yield %add3A_219 : i32
    }
    %while3A_140 = arith.constant 1 : i32
    %while3A_141 = scf.for %while3A_209 = %while3A_137 to %while3A_133 step %while3A_140 iter_args(%while3A_210 = %while3A_139) -> (i32)  : i32 {
      %swap3A = arith.index_cast %while3A_210 : i32 to index
      %swap3A_211 = memref.load %arg14[%swap3A] : memref<247xi32, #tpu.memory_space<smem>>
      memref.store %while3A_209, %arg14[%swap3A] : memref<247xi32, #tpu.memory_space<smem>>
      %get3A_212 = arith.index_cast %while3A_209 : i32 to index
      %get3A_213 = memref.load %arg11[%get3A_212] : memref<247xi32, #tpu.memory_space<smem>>
      %gt3A_214 = arith.constant 0 : i32
      %gt3A_215 = arith.cmpi sgt, %get3A_213, %gt3A_214 : i32
      %jit3A_216 = arith.constant 1 : i32
      %jit3A_217 = arith.constant 0 : i32
      %select_n3A_218 = arith.select %gt3A_215, %jit3A_216, %jit3A_217 : i32
      %add3A_219 = arith.addi %while3A_210, %select_n3A_218 : i32
      scf.yield %add3A_219 : i32
    }
    %gt3A = arith.constant 0 : i32
    %gt3A_142 = arith.cmpi sgt, %while3A_141, %gt3A : i32
    %convert_element_type3A = arith.extui %gt3A_142 : i1 to i32
    %cond3A = arith.constant 0 : i32
    %cond3A_143 = arith.cmpi ne, %convert_element_type3A, %cond3A : i32
    scf.if %cond3A_143 {
      %rem3A_209 = arith.constant 0 : i32
      %rem3A_210 = arith.constant 6 : i32
      %rem3A_211 = arith.remsi %rem3A_209, %rem3A_210 : i32
      %mul3A_212 = arith.constant 128 : i32
      %mul3A_213 = arith.muli %rem3A_211, %mul3A_212 : i32
      %multiple_of3A = tpu.assume_multiple %mul3A_213, 128 : i32
      %get3A_214 = arith.constant 0 : i32
      %get3A_215 = arith.index_cast %get3A_214 : i32 to index
      %get3A_216 = memref.load %arg14[%get3A_215] : memref<247xi32, #tpu.memory_space<smem>>
      %add3A_217 = arith.addi %mul3A_2, %get3A_216 : i32
      %mul3A_218 = arith.constant 128 : i32
      %mul3A_219 = arith.muli %add3A_217, %mul3A_218 : i32
      %multiple_of3A_220 = tpu.assume_multiple %mul3A_219, 128 : i32
      %rem3A_221 = arith.constant 0 : i32
      %rem3A_222 = arith.constant 6 : i32
      %rem3A_223 = arith.remsi %rem3A_221, %rem3A_222 : i32
      %dma_start3A = arith.constant 0 : i32
      %dma_start3A_224 = tpu.memref_slice %arg8[%dma_start3A, %multiple_of3A] : memref<64x768xf32, #tpu.memory_space<vmem>> -> memref<64x128xf32, #tpu.memory_space<vmem>>
      %dma_start3A_225 = arith.constant 0 : i32
      %dma_start3A_226 = tpu.memref_slice %arg2[%dma_start3A_225, %multiple_of3A_220] : memref<64x1000001xf32, #tpu.memory_space<hbm>> -> memref<64x128xf32, #tpu.memory_space<hbm>>
      %dma_start3A_227 = tpu.memref_slice %arg15[%rem3A_223] : memref<6x!tpu.dma_semaphore, #tpu.memory_space<semaphore_mem>> -> memref<1x!tpu.dma_semaphore, #tpu.memory_space<semaphore_mem>>
      %dma_start3A_228 = tpu.memref_squeeze %dma_start3A_227 : memref<1x!tpu.dma_semaphore, #tpu.memory_space<semaphore_mem>> -> memref<!tpu.dma_semaphore, #tpu.memory_space<semaphore_mem>>
      %dma_start3A_229 = arith.constant 0 : i32
      %dma_start3A_230 = tpu.memref_slice %arg8[%dma_start3A_229, %multiple_of3A] : memref<64x768xf32, #tpu.memory_space<vmem>> -> memref<64x128xf32, #tpu.memory_space<vmem>>
      %dma_start3A_231 = arith.constant 0 : i32
      %dma_start3A_232 = tpu.memref_slice %arg2[%dma_start3A_231, %multiple_of3A_220] : memref<64x1000001xf32, #tpu.memory_space<hbm>> -> memref<64x128xf32, #tpu.memory_space<hbm>>
      tpu.enqueue_dma source(%dma_start3A_232 : memref<64x128xf32, #tpu.memory_space<hbm>>) target(%dma_start3A_230 : memref<64x128xf32, #tpu.memory_space<vmem>>) target_semaphore(%dma_start3A_228 : memref<!tpu.dma_semaphore, #tpu.memory_space<semaphore_mem>>)
    } else {
    }
    %gt3A_144 = arith.constant 1 : i32
    %gt3A_145 = arith.cmpi sgt, %while3A_141, %gt3A_144 : i32
    %convert_element_type3A_146 = arith.extui %gt3A_145 : i1 to i32
    %cond3A_147 = arith.constant 0 : i32
    %cond3A_148 = arith.cmpi ne, %convert_element_type3A_146, %cond3A_147 : i32
    scf.if %cond3A_148 {
      %rem3A_209 = arith.constant 1 : i32
      %rem3A_210 = arith.constant 6 : i32
      %rem3A_211 = arith.remsi %rem3A_209, %rem3A_210 : i32
      %mul3A_212 = arith.constant 128 : i32
      %mul3A_213 = arith.muli %rem3A_211, %mul3A_212 : i32
      %multiple_of3A = tpu.assume_multiple %mul3A_213, 128 : i32
      %get3A_214 = arith.constant 1 : i32
      %get3A_215 = arith.index_cast %get3A_214 : i32 to index
      %get3A_216 = memref.load %arg14[%get3A_215] : memref<247xi32, #tpu.memory_space<smem>>
      %add3A_217 = arith.addi %mul3A_2, %get3A_216 : i32
      %mul3A_218 = arith.constant 128 : i32
      %mul3A_219 = arith.muli %add3A_217, %mul3A_218 : i32
      %multiple_of3A_220 = tpu.assume_multiple %mul3A_219, 128 : i32
      %rem3A_221 = arith.constant 1 : i32
      %rem3A_222 = arith.constant 6 : i32
      %rem3A_223 = arith.remsi %rem3A_221, %rem3A_222 : i32
      %dma_start3A = arith.constant 0 : i32
      %dma_start3A_224 = tpu.memref_slice %arg8[%dma_start3A, %multiple_of3A] : memref<64x768xf32, #tpu.memory_space<vmem>> -> memref<64x128xf32, #tpu.memory_space<vmem>>
      %dma_start3A_225 = arith.constant 0 : i32
      %dma_start3A_226 = tpu.memref_slice %arg2[%dma_start3A_225, %multiple_of3A_220] : memref<64x1000001xf32, #tpu.memory_space<hbm>> -> memref<64x128xf32, #tpu.memory_space<hbm>>
      %dma_start3A_227 = tpu.memref_slice %arg15[%rem3A_223] : memref<6x!tpu.dma_semaphore, #tpu.memory_space<semaphore_mem>> -> memref<1x!tpu.dma_semaphore, #tpu.memory_space<semaphore_mem>>
      %dma_start3A_228 = tpu.memref_squeeze %dma_start3A_227 : memref<1x!tpu.dma_semaphore, #tpu.memory_space<semaphore_mem>> -> memref<!tpu.dma_semaphore, #tpu.memory_space<semaphore_mem>>
      %dma_start3A_229 = arith.constant 0 : i32
      %dma_start3A_230 = tpu.memref_slice %arg8[%dma_start3A_229, %multiple_of3A] : memref<64x768xf32, #tpu.memory_space<vmem>> -> memref<64x128xf32, #tpu.memory_space<vmem>>
      %dma_start3A_231 = arith.constant 0 : i32
      %dma_start3A_232 = tpu.memref_slice %arg2[%dma_start3A_231, %multiple_of3A_220] : memref<64x1000001xf32, #tpu.memory_space<hbm>> -> memref<64x128xf32, #tpu.memory_space<hbm>>
      tpu.enqueue_dma source(%dma_start3A_232 : memref<64x128xf32, #tpu.memory_space<hbm>>) target(%dma_start3A_230 : memref<64x128xf32, #tpu.memory_space<vmem>>) target_semaphore(%dma_start3A_228 : memref<!tpu.dma_semaphore, #tpu.memory_space<semaphore_mem>>)
    } else {
    }
    %gt3A_149 = arith.constant 2 : i32
    %gt3A_150 = arith.cmpi sgt, %while3A_141, %gt3A_149 : i32
    %convert_element_type3A_151 = arith.extui %gt3A_150 : i1 to i32
    %cond3A_152 = arith.constant 0 : i32
    %cond3A_153 = arith.cmpi ne, %convert_element_type3A_151, %cond3A_152 : i32
    scf.if %cond3A_153 {
      %rem3A_209 = arith.constant 2 : i32
      %rem3A_210 = arith.constant 6 : i32
      %rem3A_211 = arith.remsi %rem3A_209, %rem3A_210 : i32
      %mul3A_212 = arith.constant 128 : i32
      %mul3A_213 = arith.muli %rem3A_211, %mul3A_212 : i32
      %multiple_of3A = tpu.assume_multiple %mul3A_213, 128 : i32
      %get3A_214 = arith.constant 2 : i32
      %get3A_215 = arith.index_cast %get3A_214 : i32 to index
      %get3A_216 = memref.load %arg14[%get3A_215] : memref<247xi32, #tpu.memory_space<smem>>
      %add3A_217 = arith.addi %mul3A_2, %get3A_216 : i32
      %mul3A_218 = arith.constant 128 : i32
      %mul3A_219 = arith.muli %add3A_217, %mul3A_218 : i32
      %multiple_of3A_220 = tpu.assume_multiple %mul3A_219, 128 : i32
      %rem3A_221 = arith.constant 2 : i32
      %rem3A_222 = arith.constant 6 : i32
      %rem3A_223 = arith.remsi %rem3A_221, %rem3A_222 : i32
      %dma_start3A = arith.constant 0 : i32
      %dma_start3A_224 = tpu.memref_slice %arg8[%dma_start3A, %multiple_of3A] : memref<64x768xf32, #tpu.memory_space<vmem>> -> memref<64x128xf32, #tpu.memory_space<vmem>>
      %dma_start3A_225 = arith.constant 0 : i32
      %dma_start3A_226 = tpu.memref_slice %arg2[%dma_start3A_225, %multiple_of3A_220] : memref<64x1000001xf32, #tpu.memory_space<hbm>> -> memref<64x128xf32, #tpu.memory_space<hbm>>
      %dma_start3A_227 = tpu.memref_slice %arg15[%rem3A_223] : memref<6x!tpu.dma_semaphore, #tpu.memory_space<semaphore_mem>> -> memref<1x!tpu.dma_semaphore, #tpu.memory_space<semaphore_mem>>
      %dma_start3A_228 = tpu.memref_squeeze %dma_start3A_227 : memref<1x!tpu.dma_semaphore, #tpu.memory_space<semaphore_mem>> -> memref<!tpu.dma_semaphore, #tpu.memory_space<semaphore_mem>>
      %dma_start3A_229 = arith.constant 0 : i32
      %dma_start3A_230 = tpu.memref_slice %arg8[%dma_start3A_229, %multiple_of3A] : memref<64x768xf32, #tpu.memory_space<vmem>> -> memref<64x128xf32, #tpu.memory_space<vmem>>
      %dma_start3A_231 = arith.constant 0 : i32
      %dma_start3A_232 = tpu.memref_slice %arg2[%dma_start3A_231, %multiple_of3A_220] : memref<64x1000001xf32, #tpu.memory_space<hbm>> -> memref<64x128xf32, #tpu.memory_space<hbm>>
      tpu.enqueue_dma source(%dma_start3A_232 : memref<64x128xf32, #tpu.memory_space<hbm>>) target(%dma_start3A_230 : memref<64x128xf32, #tpu.memory_space<vmem>>) target_semaphore(%dma_start3A_228 : memref<!tpu.dma_semaphore, #tpu.memory_space<semaphore_mem>>)
    } else {
    }
    %gt3A_154 = arith.constant 3 : i32
    %gt3A_155 = arith.cmpi sgt, %while3A_141, %gt3A_154 : i32
    %convert_element_type3A_156 = arith.extui %gt3A_155 : i1 to i32
    %cond3A_157 = arith.constant 0 : i32
    %cond3A_158 = arith.cmpi ne, %convert_element_type3A_156, %cond3A_157 : i32
    scf.if %cond3A_158 {
      %rem3A_209 = arith.constant 3 : i32
      %rem3A_210 = arith.constant 6 : i32
      %rem3A_211 = arith.remsi %rem3A_209, %rem3A_210 : i32
      %mul3A_212 = arith.constant 128 : i32
      %mul3A_213 = arith.muli %rem3A_211, %mul3A_212 : i32
      %multiple_of3A = tpu.assume_multiple %mul3A_213, 128 : i32
      %get3A_214 = arith.constant 3 : i32
      %get3A_215 = arith.index_cast %get3A_214 : i32 to index
      %get3A_216 = memref.load %arg14[%get3A_215] : memref<247xi32, #tpu.memory_space<smem>>
      %add3A_217 = arith.addi %mul3A_2, %get3A_216 : i32
      %mul3A_218 = arith.constant 128 : i32
      %mul3A_219 = arith.muli %add3A_217, %mul3A_218 : i32
      %multiple_of3A_220 = tpu.assume_multiple %mul3A_219, 128 : i32
      %rem3A_221 = arith.constant 3 : i32
      %rem3A_222 = arith.constant 6 : i32
      %rem3A_223 = arith.remsi %rem3A_221, %rem3A_222 : i32
      %dma_start3A = arith.constant 0 : i32
      %dma_start3A_224 = tpu.memref_slice %arg8[%dma_start3A, %multiple_of3A] : memref<64x768xf32, #tpu.memory_space<vmem>> -> memref<64x128xf32, #tpu.memory_space<vmem>>
      %dma_start3A_225 = arith.constant 0 : i32
      %dma_start3A_226 = tpu.memref_slice %arg2[%dma_start3A_225, %multiple_of3A_220] : memref<64x1000001xf32, #tpu.memory_space<hbm>> -> memref<64x128xf32, #tpu.memory_space<hbm>>
      %dma_start3A_227 = tpu.memref_slice %arg15[%rem3A_223] : memref<6x!tpu.dma_semaphore, #tpu.memory_space<semaphore_mem>> -> memref<1x!tpu.dma_semaphore, #tpu.memory_space<semaphore_mem>>
      %dma_start3A_228 = tpu.memref_squeeze %dma_start3A_227 : memref<1x!tpu.dma_semaphore, #tpu.memory_space<semaphore_mem>> -> memref<!tpu.dma_semaphore, #tpu.memory_space<semaphore_mem>>
      %dma_start3A_229 = arith.constant 0 : i32
      %dma_start3A_230 = tpu.memref_slice %arg8[%dma_start3A_229, %multiple_of3A] : memref<64x768xf32, #tpu.memory_space<vmem>> -> memref<64x128xf32, #tpu.memory_space<vmem>>
      %dma_start3A_231 = arith.constant 0 : i32
      %dma_start3A_232 = tpu.memref_slice %arg2[%dma_start3A_231, %multiple_of3A_220] : memref<64x1000001xf32, #tpu.memory_space<hbm>> -> memref<64x128xf32, #tpu.memory_space<hbm>>
      tpu.enqueue_dma source(%dma_start3A_232 : memref<64x128xf32, #tpu.memory_space<hbm>>) target(%dma_start3A_230 : memref<64x128xf32, #tpu.memory_space<vmem>>) target_semaphore(%dma_start3A_228 : memref<!tpu.dma_semaphore, #tpu.memory_space<semaphore_mem>>)
    } else {
    }
    %gt3A_159 = arith.constant 4 : i32
    %gt3A_160 = arith.cmpi sgt, %while3A_141, %gt3A_159 : i32
    %convert_element_type3A_161 = arith.extui %gt3A_160 : i1 to i32
    %cond3A_162 = arith.constant 0 : i32
    %cond3A_163 = arith.cmpi ne, %convert_element_type3A_161, %cond3A_162 : i32
    scf.if %cond3A_163 {
      %rem3A_209 = arith.constant 4 : i32
      %rem3A_210 = arith.constant 6 : i32
      %rem3A_211 = arith.remsi %rem3A_209, %rem3A_210 : i32
      %mul3A_212 = arith.constant 128 : i32
      %mul3A_213 = arith.muli %rem3A_211, %mul3A_212 : i32
      %multiple_of3A = tpu.assume_multiple %mul3A_213, 128 : i32
      %get3A_214 = arith.constant 4 : i32
      %get3A_215 = arith.index_cast %get3A_214 : i32 to index
      %get3A_216 = memref.load %arg14[%get3A_215] : memref<247xi32, #tpu.memory_space<smem>>
      %add3A_217 = arith.addi %mul3A_2, %get3A_216 : i32
      %mul3A_218 = arith.constant 128 : i32
      %mul3A_219 = arith.muli %add3A_217, %mul3A_218 : i32
      %multiple_of3A_220 = tpu.assume_multiple %mul3A_219, 128 : i32
      %rem3A_221 = arith.constant 4 : i32
      %rem3A_222 = arith.constant 6 : i32
      %rem3A_223 = arith.remsi %rem3A_221, %rem3A_222 : i32
      %dma_start3A = arith.constant 0 : i32
      %dma_start3A_224 = tpu.memref_slice %arg8[%dma_start3A, %multiple_of3A] : memref<64x768xf32, #tpu.memory_space<vmem>> -> memref<64x128xf32, #tpu.memory_space<vmem>>
      %dma_start3A_225 = arith.constant 0 : i32
      %dma_start3A_226 = tpu.memref_slice %arg2[%dma_start3A_225, %multiple_of3A_220] : memref<64x1000001xf32, #tpu.memory_space<hbm>> -> memref<64x128xf32, #tpu.memory_space<hbm>>
      %dma_start3A_227 = tpu.memref_slice %arg15[%rem3A_223] : memref<6x!tpu.dma_semaphore, #tpu.memory_space<semaphore_mem>> -> memref<1x!tpu.dma_semaphore, #tpu.memory_space<semaphore_mem>>
      %dma_start3A_228 = tpu.memref_squeeze %dma_start3A_227 : memref<1x!tpu.dma_semaphore, #tpu.memory_space<semaphore_mem>> -> memref<!tpu.dma_semaphore, #tpu.memory_space<semaphore_mem>>
      %dma_start3A_229 = arith.constant 0 : i32
      %dma_start3A_230 = tpu.memref_slice %arg8[%dma_start3A_229, %multiple_of3A] : memref<64x768xf32, #tpu.memory_space<vmem>> -> memref<64x128xf32, #tpu.memory_space<vmem>>
      %dma_start3A_231 = arith.constant 0 : i32
      %dma_start3A_232 = tpu.memref_slice %arg2[%dma_start3A_231, %multiple_of3A_220] : memref<64x1000001xf32, #tpu.memory_space<hbm>> -> memref<64x128xf32, #tpu.memory_space<hbm>>
      tpu.enqueue_dma source(%dma_start3A_232 : memref<64x128xf32, #tpu.memory_space<hbm>>) target(%dma_start3A_230 : memref<64x128xf32, #tpu.memory_space<vmem>>) target_semaphore(%dma_start3A_228 : memref<!tpu.dma_semaphore, #tpu.memory_space<semaphore_mem>>)
    } else {
    }
    %gt3A_164 = arith.constant 5 : i32
    %gt3A_165 = arith.cmpi sgt, %while3A_141, %gt3A_164 : i32
    %convert_element_type3A_166 = arith.extui %gt3A_165 : i1 to i32
    %cond3A_167 = arith.constant 0 : i32
    %cond3A_168 = arith.cmpi ne, %convert_element_type3A_166, %cond3A_167 : i32
    scf.if %cond3A_168 {
      %rem3A_209 = arith.constant 5 : i32
      %rem3A_210 = arith.constant 6 : i32
      %rem3A_211 = arith.remsi %rem3A_209, %rem3A_210 : i32
      %mul3A_212 = arith.constant 128 : i32
      %mul3A_213 = arith.muli %rem3A_211, %mul3A_212 : i32
      %multiple_of3A = tpu.assume_multiple %mul3A_213, 128 : i32
      %get3A_214 = arith.constant 5 : i32
      %get3A_215 = arith.index_cast %get3A_214 : i32 to index
      %get3A_216 = memref.load %arg14[%get3A_215] : memref<247xi32, #tpu.memory_space<smem>>
      %add3A_217 = arith.addi %mul3A_2, %get3A_216 : i32
      %mul3A_218 = arith.constant 128 : i32
      %mul3A_219 = arith.muli %add3A_217, %mul3A_218 : i32
      %multiple_of3A_220 = tpu.assume_multiple %mul3A_219, 128 : i32
      %rem3A_221 = arith.constant 5 : i32
      %rem3A_222 = arith.constant 6 : i32
      %rem3A_223 = arith.remsi %rem3A_221, %rem3A_222 : i32
      %dma_start3A = arith.constant 0 : i32
      %dma_start3A_224 = tpu.memref_slice %arg8[%dma_start3A, %multiple_of3A] : memref<64x768xf32, #tpu.memory_space<vmem>> -> memref<64x128xf32, #tpu.memory_space<vmem>>
      %dma_start3A_225 = arith.constant 0 : i32
      %dma_start3A_226 = tpu.memref_slice %arg2[%dma_start3A_225, %multiple_of3A_220] : memref<64x1000001xf32, #tpu.memory_space<hbm>> -> memref<64x128xf32, #tpu.memory_space<hbm>>
      %dma_start3A_227 = tpu.memref_slice %arg15[%rem3A_223] : memref<6x!tpu.dma_semaphore, #tpu.memory_space<semaphore_mem>> -> memref<1x!tpu.dma_semaphore, #tpu.memory_space<semaphore_mem>>
      %dma_start3A_228 = tpu.memref_squeeze %dma_start3A_227 : memref<1x!tpu.dma_semaphore, #tpu.memory_space<semaphore_mem>> -> memref<!tpu.dma_semaphore, #tpu.memory_space<semaphore_mem>>
      %dma_start3A_229 = arith.constant 0 : i32
      %dma_start3A_230 = tpu.memref_slice %arg8[%dma_start3A_229, %multiple_of3A] : memref<64x768xf32, #tpu.memory_space<vmem>> -> memref<64x128xf32, #tpu.memory_space<vmem>>
      %dma_start3A_231 = arith.constant 0 : i32
      %dma_start3A_232 = tpu.memref_slice %arg2[%dma_start3A_231, %multiple_of3A_220] : memref<64x1000001xf32, #tpu.memory_space<hbm>> -> memref<64x128xf32, #tpu.memory_space<hbm>>
      tpu.enqueue_dma source(%dma_start3A_232 : memref<64x128xf32, #tpu.memory_space<hbm>>) target(%dma_start3A_230 : memref<64x128xf32, #tpu.memory_space<vmem>>) target_semaphore(%dma_start3A_228 : memref<!tpu.dma_semaphore, #tpu.memory_space<semaphore_mem>>)
    } else {
    }
    %while3A_169 = arith.constant 0 : i32
    %while3A_170 = arith.constant 0 : i32
    %while3A_171 = arith.subi %while3A_141, %while3A_169 : i32
    %while3A_172 = arith.addi %while3A_169, %while3A_171 : i32
    %while3A_173 = arith.constant 1 : i32
    %while3A_174 = arith.divsi %while3A_171, %while3A_173 : i32
    %while3A_175 = arith.muli %while3A_174, %while3A_173 : i32
    %while3A_176 = arith.addi %while3A_169, %while3A_175 : i32
    %while3A_177 = arith.constant 1 : i32
    %while3A_178 = scf.for %while3A_209 = %while3A_169 to %while3A_176 step %while3A_177 iter_args(%while3A_210 = %while3A_170) -> (i32)  : i32 {
      %multiple_of3A = arith.constant 0 : i32
      %multiple_of3A_211 = tpu.assume_multiple %multiple_of3A, 128 : i32
      %rem3A_212 = arith.constant 6 : i32
      %rem3A_213 = arith.remsi %while3A_209, %rem3A_212 : i32
      %dma_wait3A = arith.constant 0 : i32
      %dma_wait3A_214 = tpu.memref_slice %arg8[%dma_wait3A, %multiple_of3A_211] : memref<64x768xf32, #tpu.memory_space<vmem>> -> memref<64x128xf32, #tpu.memory_space<vmem>>
      %dma_wait3A_215 = arith.constant 0 : i32
      %dma_wait3A_216 = arith.constant 0 : i32
      %dma_wait3A_217 = tpu.memref_slice %arg2[%dma_wait3A_215, %dma_wait3A_216] : memref<64x1000001xf32, #tpu.memory_space<hbm>> -> memref<64x128xf32, #tpu.memory_space<hbm>>
      %dma_wait3A_218 = tpu.memref_slice %arg15[%rem3A_213] : memref<6x!tpu.dma_semaphore, #tpu.memory_space<semaphore_mem>> -> memref<1x!tpu.dma_semaphore, #tpu.memory_space<semaphore_mem>>
      %dma_wait3A_219 = tpu.memref_squeeze %dma_wait3A_218 : memref<1x!tpu.dma_semaphore, #tpu.memory_space<semaphore_mem>> -> memref<!tpu.dma_semaphore, #tpu.memory_space<semaphore_mem>>
      %dma_wait3A_220 = arith.constant 0 : i32
      %dma_wait3A_221 = tpu.memref_slice %arg8[%dma_wait3A_220, %multiple_of3A_211] : memref<64x768xf32, #tpu.memory_space<vmem>> -> memref<64x128xf32, #tpu.memory_space<vmem>>
      %dma_wait3A_222 = arith.constant 0 : i32
      %dma_wait3A_223 = arith.constant 0 : i32
      %dma_wait3A_224 = tpu.memref_slice %arg2[%dma_wait3A_222, %dma_wait3A_223] : memref<64x1000001xf32, #tpu.memory_space<hbm>> -> memref<64x128xf32, #tpu.memory_space<hbm>>
      tpu.wait_dma2 semaphore(%dma_wait3A_219 : memref<!tpu.dma_semaphore, #tpu.memory_space<semaphore_mem>>) src(%dma_wait3A_224 : memref<64x128xf32, #tpu.memory_space<hbm>>) dst(%dma_wait3A_221 : memref<64x128xf32, #tpu.memory_space<vmem>>)
      %get3A_225 = arith.index_cast %while3A_209 : i32 to index
      %get3A_226 = memref.load %arg14[%get3A_225] : memref<247xi32, #tpu.memory_space<smem>>
      %mul3A_227 = arith.constant 128 : i32
      %mul3A_228 = arith.muli %get3A_226, %mul3A_227 : i32
      %rem3A_229 = arith.constant 6 : i32
      %rem3A_230 = arith.remsi %while3A_209, %rem3A_229 : i32
      %mul3A_231 = arith.constant 128 : i32
      %mul3A_232 = arith.muli %rem3A_230, %mul3A_231 : i32
      %sub3A_233 = arith.subi %mul3A_228, %mul3A_232 : i32
      %get3A_234 = arith.index_cast %get3A_226 : i32 to index
      %get3A_235 = memref.load %arg12[%get3A_234] : memref<247xi32, #tpu.memory_space<smem>>
      %get3A_236 = arith.index_cast %get3A_226 : i32 to index
      %get3A_237 = memref.load %arg11[%get3A_236] : memref<247xi32, #tpu.memory_space<smem>>
      %while3A_238 = arith.constant 0 : i32
      %while3A_239 = arith.subi %get3A_237, %while3A_238 : i32
      %while3A_240 = arith.addi %while3A_238, %while3A_239 : i32
      %while3A_241 = arith.constant 1 : i32
      %while3A_242 = arith.divsi %while3A_239, %while3A_241 : i32
      %while3A_243 = arith.muli %while3A_242, %while3A_241 : i32
      %while3A_244 = arith.addi %while3A_238, %while3A_243 : i32
      %while3A_245 = arith.constant 1 : i32
      %while3A_246 = scf.for %while3A_254 = %while3A_238 to %while3A_244 step %while3A_245 iter_args(%while3A_255 = %while3A_210) -> (i32)  : i32 {
        %add3A_256 = arith.addi %get3A_235, %while3A_254 : i32
        %get3A_257 = arith.index_cast %add3A_256 : i32 to index
        %get3A_258 = tpu.vector_load %arg7[%get3A_257] {strides = array<i32>} : memref<16400xi32, #tpu.memory_space<vmem>>, vector<16xi32>,
        %slice3A = vector.extract_strided_slice %get3A_258 {offsets = [0], sizes = [1], strides = [1]} : vector<16xi32> to vector<1xi32>
        %squeeze3A = vector.extract %slice3A[0] : i32 from vector<1xi32>
        %shift_right_arithmetic3A = arith.constant 15 : i32
        %shift_right_arithmetic3A_259 = arith.shrsi %squeeze3A, %shift_right_arithmetic3A : i32
        %and3A_260 = arith.constant 32767 : i32
        %and3A_261 = arith.andi %squeeze3A, %and3A_260 : i32
        %sub3A_262 = arith.subi %and3A_261, %sub3A_233 : i32
        %rem3A_263 = arith.constant 64 : i32
        %rem3A_264 = arith.remsi %while3A_255, %rem3A_263 : i32
        %ge3A = arith.constant 64 : i32
        %ge3A_265 = arith.cmpi sge, %while3A_255, %ge3A : i32
        %convert_element_type3A_266 = arith.extui %ge3A_265 : i1 to i32
        %cond3A_267 = arith.constant 0 : i32
        %cond3A_268 = arith.cmpi ne, %convert_element_type3A_266, %cond3A_267 : i32
        scf.if %cond3A_268 {
          %dma_wait3A_306 = arith.constant 0 : i32
          %dma_wait3A_307 = arith.constant 0 : i32
          %dma_wait3A_308 = tpu.memref_slice %arg10[%dma_wait3A_306, %dma_wait3A_307] : memref<64x64xf32, #tpu.memory_space<vmem>> -> memref<1x64xf32, #tpu.memory_space<vmem>>
          %dma_wait3A_309 = arith.constant 0 : i32
          %dma_wait3A_310 = arith.constant 0 : i32
          %dma_wait3A_311 = tpu.memref_slice %arg4[%dma_wait3A_309, %dma_wait3A_310] : memref<16384x64xf32, #tpu.memory_space<hbm>> -> memref<1x64xf32, #tpu.memory_space<hbm>>
          %dma_wait3A_312 = arith.constant 0 : i32
          %dma_wait3A_313 = arith.constant 0 : i32
          %dma_wait3A_314 = tpu.memref_slice %arg4[%dma_wait3A_312, %dma_wait3A_313] : memref<16384x64xf32, #tpu.memory_space<hbm>> -> memref<1x64xf32, #tpu.memory_space<hbm>>
          %dma_wait3A_315 = arith.constant 0 : i32
          %dma_wait3A_316 = arith.constant 0 : i32
          %dma_wait3A_317 = tpu.memref_slice %arg10[%dma_wait3A_315, %dma_wait3A_316] : memref<64x64xf32, #tpu.memory_space<vmem>> -> memref<1x64xf32, #tpu.memory_space<vmem>>
          tpu.wait_dma2 semaphore(%arg16 : memref<!tpu.dma_semaphore, #tpu.memory_space<semaphore_mem>>) src(%dma_wait3A_317 : memref<1x64xf32, #tpu.memory_space<vmem>>) dst(%dma_wait3A_314 : memref<1x64xf32, #tpu.memory_space<hbm>>)
        } else {
        }
        %broadcast_in_dim3A = vector.broadcast %sub3A_262 : i32 to vector<16xi32>
        %broadcast_in_dim3A_269 = vector.broadcast %rem3A_264 : i32 to vector<16xi32>
        %add3A_270 = arith.constant 0 : i32
        %add3A_271 = vector.broadcast %add3A_270 : i32 to vector<16xi32>
        %add3A_272 = arith.addi %iota3A, %add3A_271 : vector<16xi32>
        %gather3A = tpu.vector_load_idx %arg8[%add3A_272, %broadcast_in_dim3A] : memref<64x768xf32, #tpu.memory_space<vmem>>[vector<16xi32>, vector<16xi32>], vector<16xf32>,
        %add3A_273 = arith.constant 0 : i32
        %add3A_274 = vector.broadcast %add3A_273 : i32 to vector<16xi32>
        %add3A_275 = arith.addi %iota3A, %add3A_274 : vector<16xi32>
        tpu.vector_store_idx %arg10[%broadcast_in_dim3A_269, %add3A_275], %gather3A : memref<64x64xf32, #tpu.memory_space<vmem>>[vector<16xi32>, vector<16xi32>], vector<16xf32>,
        %add3A_276 = arith.constant 16 : i32
        %add3A_277 = vector.broadcast %add3A_276 : i32 to vector<16xi32>
        %add3A_278 = arith.addi %iota3A, %add3A_277 : vector<16xi32>
        %gather3A_279 = tpu.vector_load_idx %arg8[%add3A_278, %broadcast_in_dim3A] : memref<64x768xf32, #tpu.memory_space<vmem>>[vector<16xi32>, vector<16xi32>], vector<16xf32>,
        %add3A_280 = arith.constant 16 : i32
        %add3A_281 = vector.broadcast %add3A_280 : i32 to vector<16xi32>
        %add3A_282 = arith.addi %iota3A, %add3A_281 : vector<16xi32>
        tpu.vector_store_idx %arg10[%broadcast_in_dim3A_269, %add3A_282], %gather3A_279 : memref<64x64xf32, #tpu.memory_space<vmem>>[vector<16xi32>, vector<16xi32>], vector<16xf32>,
        %add3A_283 = arith.constant 32 : i32
        %add3A_284 = vector.broadcast %add3A_283 : i32 to vector<16xi32>
        %add3A_285 = arith.addi %iota3A, %add3A_284 : vector<16xi32>
        %gather3A_286 = tpu.vector_load_idx %arg8[%add3A_285, %broadcast_in_dim3A] : memref<64x768xf32, #tpu.memory_space<vmem>>[vector<16xi32>, vector<16xi32>], vector<16xf32>,
        %add3A_287 = arith.constant 32 : i32
        %add3A_288 = vector.broadcast %add3A_287 : i32 to vector<16xi32>
        %add3A_289 = arith.addi %iota3A, %add3A_288 : vector<16xi32>
        tpu.vector_store_idx %arg10[%broadcast_in_dim3A_269, %add3A_289], %gather3A_286 : memref<64x64xf32, #tpu.memory_space<vmem>>[vector<16xi32>, vector<16xi32>], vector<16xf32>,
        %add3A_290 = arith.constant 48 : i32
        %add3A_291 = vector.broadcast %add3A_290 : i32 to vector<16xi32>
        %add3A_292 = arith.addi %iota3A, %add3A_291 : vector<16xi32>
        %gather3A_293 = tpu.vector_load_idx %arg8[%add3A_292, %broadcast_in_dim3A] : memref<64x768xf32, #tpu.memory_space<vmem>>[vector<16xi32>, vector<16xi32>], vector<16xf32>,
        %add3A_294 = arith.constant 48 : i32
        %add3A_295 = vector.broadcast %add3A_294 : i32 to vector<16xi32>
        %add3A_296 = arith.addi %iota3A, %add3A_295 : vector<16xi32>
        tpu.vector_store_idx %arg10[%broadcast_in_dim3A_269, %add3A_296], %gather3A_293 : memref<64x64xf32, #tpu.memory_space<vmem>>[vector<16xi32>, vector<16xi32>], vector<16xf32>,
        %dma_start3A = arith.constant 0 : i32
        %dma_start3A_297 = tpu.memref_slice %arg10[%rem3A_264, %dma_start3A] : memref<64x64xf32, #tpu.memory_space<vmem>> -> memref<1x64xf32, #tpu.memory_space<vmem>>
        %dma_start3A_298 = arith.constant 0 : i32
        %dma_start3A_299 = tpu.memref_slice %arg4[%shift_right_arithmetic3A_259, %dma_start3A_298] : memref<16384x64xf32, #tpu.memory_space<hbm>> -> memref<1x64xf32, #tpu.memory_space<hbm>>
        %dma_start3A_300 = arith.constant 0 : i32
        %dma_start3A_301 = tpu.memref_slice %arg4[%shift_right_arithmetic3A_259, %dma_start3A_300] : memref<16384x64xf32, #tpu.memory_space<hbm>> -> memref<1x64xf32, #tpu.memory_space<hbm>>
        %dma_start3A_302 = arith.constant 0 : i32
        %dma_start3A_303 = tpu.memref_slice %arg10[%rem3A_264, %dma_start3A_302] : memref<64x64xf32, #tpu.memory_space<vmem>> -> memref<1x64xf32, #tpu.memory_space<vmem>>
        tpu.enqueue_dma source(%dma_start3A_303 : memref<1x64xf32, #tpu.memory_space<vmem>>) target(%dma_start3A_301 : memref<1x64xf32, #tpu.memory_space<hbm>>) target_semaphore(%arg16 : memref<!tpu.dma_semaphore, #tpu.memory_space<semaphore_mem>>)
        %add3A_304 = arith.constant 1 : i32
        %add3A_305 = arith.addi %while3A_255, %add3A_304 : i32
        scf.yield %add3A_305 : i32
      }
      %while3A_247 = arith.constant 1 : i32
      %while3A_248 = scf.for %while3A_254 = %while3A_244 to %while3A_240 step %while3A_247 iter_args(%while3A_255 = %while3A_246) -> (i32)  : i32 {
        %add3A_256 = arith.addi %get3A_235, %while3A_254 : i32
        %get3A_257 = arith.index_cast %add3A_256 : i32 to index
        %get3A_258 = tpu.vector_load %arg7[%get3A_257] {strides = array<i32>} : memref<16400xi32, #tpu.memory_space<vmem>>, vector<16xi32>,
        %slice3A = vector.extract_strided_slice %get3A_258 {offsets = [0], sizes = [1], strides = [1]} : vector<16xi32> to vector<1xi32>
        %squeeze3A = vector.extract %slice3A[0] : i32 from vector<1xi32>
        %shift_right_arithmetic3A = arith.constant 15 : i32
        %shift_right_arithmetic3A_259 = arith.shrsi %squeeze3A, %shift_right_arithmetic3A : i32
        %and3A_260 = arith.constant 32767 : i32
        %and3A_261 = arith.andi %squeeze3A, %and3A_260 : i32
        %sub3A_262 = arith.subi %and3A_261, %sub3A_233 : i32
        %rem3A_263 = arith.constant 64 : i32
        %rem3A_264 = arith.remsi %while3A_255, %rem3A_263 : i32
        %ge3A = arith.constant 64 : i32
        %ge3A_265 = arith.cmpi sge, %while3A_255, %ge3A : i32
        %convert_element_type3A_266 = arith.extui %ge3A_265 : i1 to i32
        %cond3A_267 = arith.constant 0 : i32
        %cond3A_268 = arith.cmpi ne, %convert_element_type3A_266, %cond3A_267 : i32
        scf.if %cond3A_268 {
          %dma_wait3A_306 = arith.constant 0 : i32
          %dma_wait3A_307 = arith.constant 0 : i32
          %dma_wait3A_308 = tpu.memref_slice %arg10[%dma_wait3A_306, %dma_wait3A_307] : memref<64x64xf32, #tpu.memory_space<vmem>> -> memref<1x64xf32, #tpu.memory_space<vmem>>
          %dma_wait3A_309 = arith.constant 0 : i32
          %dma_wait3A_310 = arith.constant 0 : i32
          %dma_wait3A_311 = tpu.memref_slice %arg4[%dma_wait3A_309, %dma_wait3A_310] : memref<16384x64xf32, #tpu.memory_space<hbm>> -> memref<1x64xf32, #tpu.memory_space<hbm>>
          %dma_wait3A_312 = arith.constant 0 : i32
          %dma_wait3A_313 = arith.constant 0 : i32
          %dma_wait3A_314 = tpu.memref_slice %arg4[%dma_wait3A_312, %dma_wait3A_313] : memref<16384x64xf32, #tpu.memory_space<hbm>> -> memref<1x64xf32, #tpu.memory_space<hbm>>
          %dma_wait3A_315 = arith.constant 0 : i32
          %dma_wait3A_316 = arith.constant 0 : i32
          %dma_wait3A_317 = tpu.memref_slice %arg10[%dma_wait3A_315, %dma_wait3A_316] : memref<64x64xf32, #tpu.memory_space<vmem>> -> memref<1x64xf32, #tpu.memory_space<vmem>>
          tpu.wait_dma2 semaphore(%arg16 : memref<!tpu.dma_semaphore, #tpu.memory_space<semaphore_mem>>) src(%dma_wait3A_317 : memref<1x64xf32, #tpu.memory_space<vmem>>) dst(%dma_wait3A_314 : memref<1x64xf32, #tpu.memory_space<hbm>>)
        } else {
        }
        %broadcast_in_dim3A = vector.broadcast %sub3A_262 : i32 to vector<16xi32>
        %broadcast_in_dim3A_269 = vector.broadcast %rem3A_264 : i32 to vector<16xi32>
        %add3A_270 = arith.constant 0 : i32
        %add3A_271 = vector.broadcast %add3A_270 : i32 to vector<16xi32>
        %add3A_272 = arith.addi %iota3A, %add3A_271 : vector<16xi32>
        %gather3A = tpu.vector_load_idx %arg8[%add3A_272, %broadcast_in_dim3A] : memref<64x768xf32, #tpu.memory_space<vmem>>[vector<16xi32>, vector<16xi32>], vector<16xf32>,
        %add3A_273 = arith.constant 0 : i32
        %add3A_274 = vector.broadcast %add3A_273 : i32 to vector<16xi32>
        %add3A_275 = arith.addi %iota3A, %add3A_274 : vector<16xi32>
        tpu.vector_store_idx %arg10[%broadcast_in_dim3A_269, %add3A_275], %gather3A : memref<64x64xf32, #tpu.memory_space<vmem>>[vector<16xi32>, vector<16xi32>], vector<16xf32>,
        %add3A_276 = arith.constant 16 : i32
        %add3A_277 = vector.broadcast %add3A_276 : i32 to vector<16xi32>
        %add3A_278 = arith.addi %iota3A, %add3A_277 : vector<16xi32>
        %gather3A_279 = tpu.vector_load_idx %arg8[%add3A_278, %broadcast_in_dim3A] : memref<64x768xf32, #tpu.memory_space<vmem>>[vector<16xi32>, vector<16xi32>], vector<16xf32>,
        %add3A_280 = arith.constant 16 : i32
        %add3A_281 = vector.broadcast %add3A_280 : i32 to vector<16xi32>
        %add3A_282 = arith.addi %iota3A, %add3A_281 : vector<16xi32>
        tpu.vector_store_idx %arg10[%broadcast_in_dim3A_269, %add3A_282], %gather3A_279 : memref<64x64xf32, #tpu.memory_space<vmem>>[vector<16xi32>, vector<16xi32>], vector<16xf32>,
        %add3A_283 = arith.constant 32 : i32
        %add3A_284 = vector.broadcast %add3A_283 : i32 to vector<16xi32>
        %add3A_285 = arith.addi %iota3A, %add3A_284 : vector<16xi32>
        %gather3A_286 = tpu.vector_load_idx %arg8[%add3A_285, %broadcast_in_dim3A] : memref<64x768xf32, #tpu.memory_space<vmem>>[vector<16xi32>, vector<16xi32>], vector<16xf32>,
        %add3A_287 = arith.constant 32 : i32
        %add3A_288 = vector.broadcast %add3A_287 : i32 to vector<16xi32>
        %add3A_289 = arith.addi %iota3A, %add3A_288 : vector<16xi32>
        tpu.vector_store_idx %arg10[%broadcast_in_dim3A_269, %add3A_289], %gather3A_286 : memref<64x64xf32, #tpu.memory_space<vmem>>[vector<16xi32>, vector<16xi32>], vector<16xf32>,
        %add3A_290 = arith.constant 48 : i32
        %add3A_291 = vector.broadcast %add3A_290 : i32 to vector<16xi32>
        %add3A_292 = arith.addi %iota3A, %add3A_291 : vector<16xi32>
        %gather3A_293 = tpu.vector_load_idx %arg8[%add3A_292, %broadcast_in_dim3A] : memref<64x768xf32, #tpu.memory_space<vmem>>[vector<16xi32>, vector<16xi32>], vector<16xf32>,
        %add3A_294 = arith.constant 48 : i32
        %add3A_295 = vector.broadcast %add3A_294 : i32 to vector<16xi32>
        %add3A_296 = arith.addi %iota3A, %add3A_295 : vector<16xi32>
        tpu.vector_store_idx %arg10[%broadcast_in_dim3A_269, %add3A_296], %gather3A_293 : memref<64x64xf32, #tpu.memory_space<vmem>>[vector<16xi32>, vector<16xi32>], vector<16xf32>,
        %dma_start3A = arith.constant 0 : i32
        %dma_start3A_297 = tpu.memref_slice %arg10[%rem3A_264, %dma_start3A] : memref<64x64xf32, #tpu.memory_space<vmem>> -> memref<1x64xf32, #tpu.memory_space<vmem>>
        %dma_start3A_298 = arith.constant 0 : i32
        %dma_start3A_299 = tpu.memref_slice %arg4[%shift_right_arithmetic3A_259, %dma_start3A_298] : memref<16384x64xf32, #tpu.memory_space<hbm>> -> memref<1x64xf32, #tpu.memory_space<hbm>>
        %dma_start3A_300 = arith.constant 0 : i32
        %dma_start3A_301 = tpu.memref_slice %arg4[%shift_right_arithmetic3A_259, %dma_start3A_300] : memref<16384x64xf32, #tpu.memory_space<hbm>> -> memref<1x64xf32, #tpu.memory_space<hbm>>
        %dma_start3A_302 = arith.constant 0 : i32
        %dma_start3A_303 = tpu.memref_slice %arg10[%rem3A_264, %dma_start3A_302] : memref<64x64xf32, #tpu.memory_space<vmem>> -> memref<1x64xf32, #tpu.memory_space<vmem>>
        tpu.enqueue_dma source(%dma_start3A_303 : memref<1x64xf32, #tpu.memory_space<vmem>>) target(%dma_start3A_301 : memref<1x64xf32, #tpu.memory_space<hbm>>) target_semaphore(%arg16 : memref<!tpu.dma_semaphore, #tpu.memory_space<semaphore_mem>>)
        %add3A_304 = arith.constant 1 : i32
        %add3A_305 = arith.addi %while3A_255, %add3A_304 : i32
        scf.yield %add3A_305 : i32
      }
      %add3A_249 = arith.constant 6 : i32
      %add3A_250 = arith.addi %while3A_209, %add3A_249 : i32
      %lt3A = arith.cmpi slt, %add3A_250, %while3A_141 : i32
      %convert_element_type3A_251 = arith.extui %lt3A : i1 to i32
      %cond3A_252 = arith.constant 0 : i32
      %cond3A_253 = arith.cmpi ne, %convert_element_type3A_251, %cond3A_252 : i32
      scf.if %cond3A_253 {
        %add3A_254 = arith.constant 6 : i32
        %add3A_255 = arith.addi %while3A_209, %add3A_254 : i32
        %rem3A_256 = arith.constant 6 : i32
        %rem3A_257 = arith.remsi %add3A_255, %rem3A_256 : i32
        %mul3A_258 = arith.constant 128 : i32
        %mul3A_259 = arith.muli %rem3A_257, %mul3A_258 : i32
        %multiple_of3A_260 = tpu.assume_multiple %mul3A_259, 128 : i32
        %get3A_261 = arith.index_cast %add3A_255 : i32 to index
        %get3A_262 = memref.load %arg14[%get3A_261] : memref<247xi32, #tpu.memory_space<smem>>
        %add3A_263 = arith.addi %mul3A_2, %get3A_262 : i32
        %mul3A_264 = arith.constant 128 : i32
        %mul3A_265 = arith.muli %add3A_263, %mul3A_264 : i32
        %multiple_of3A_266 = tpu.assume_multiple %mul3A_265, 128 : i32
        %rem3A_267 = arith.constant 6 : i32
        %rem3A_268 = arith.remsi %add3A_255, %rem3A_267 : i32
        %dma_start3A = arith.constant 0 : i32
        %dma_start3A_269 = tpu.memref_slice %arg8[%dma_start3A, %multiple_of3A_260] : memref<64x768xf32, #tpu.memory_space<vmem>> -> memref<64x128xf32, #tpu.memory_space<vmem>>
        %dma_start3A_270 = arith.constant 0 : i32
        %dma_start3A_271 = tpu.memref_slice %arg2[%dma_start3A_270, %multiple_of3A_266] : memref<64x1000001xf32, #tpu.memory_space<hbm>> -> memref<64x128xf32, #tpu.memory_space<hbm>>
        %dma_start3A_272 = tpu.memref_slice %arg15[%rem3A_268] : memref<6x!tpu.dma_semaphore, #tpu.memory_space<semaphore_mem>> -> memref<1x!tpu.dma_semaphore, #tpu.memory_space<semaphore_mem>>
        %dma_start3A_273 = tpu.memref_squeeze %dma_start3A_272 : memref<1x!tpu.dma_semaphore, #tpu.memory_space<semaphore_mem>> -> memref<!tpu.dma_semaphore, #tpu.memory_space<semaphore_mem>>
        %dma_start3A_274 = arith.constant 0 : i32
        %dma_start3A_275 = tpu.memref_slice %arg8[%dma_start3A_274, %multiple_of3A_260] : memref<64x768xf32, #tpu.memory_space<vmem>> -> memref<64x128xf32, #tpu.memory_space<vmem>>
        %dma_start3A_276 = arith.constant 0 : i32
        %dma_start3A_277 = tpu.memref_slice %arg2[%dma_start3A_276, %multiple_of3A_266] : memref<64x1000001xf32, #tpu.memory_space<hbm>> -> memref<64x128xf32, #tpu.memory_space<hbm>>
        tpu.enqueue_dma source(%dma_start3A_277 : memref<64x128xf32, #tpu.memory_space<hbm>>) target(%dma_start3A_275 : memref<64x128xf32, #tpu.memory_space<vmem>>) target_semaphore(%dma_start3A_273 : memref<!tpu.dma_semaphore, #tpu.memory_space<semaphore_mem>>)
      } else {
      }
      scf.yield %while3A_248 : i32
    }
    %while3A_179 = arith.constant 1 : i32
    %while3A_180 = scf.for %while3A_209 = %while3A_176 to %while3A_172 step %while3A_179 iter_args(%while3A_210 = %while3A_178) -> (i32)  : i32 {
      %multiple_of3A = arith.constant 0 : i32
      %multiple_of3A_211 = tpu.assume_multiple %multiple_of3A, 128 : i32
      %rem3A_212 = arith.constant 6 : i32
      %rem3A_213 = arith.remsi %while3A_209, %rem3A_212 : i32
      %dma_wait3A = arith.constant 0 : i32
      %dma_wait3A_214 = tpu.memref_slice %arg8[%dma_wait3A, %multiple_of3A_211] : memref<64x768xf32, #tpu.memory_space<vmem>> -> memref<64x128xf32, #tpu.memory_space<vmem>>
      %dma_wait3A_215 = arith.constant 0 : i32
      %dma_wait3A_216 = arith.constant 0 : i32
      %dma_wait3A_217 = tpu.memref_slice %arg2[%dma_wait3A_215, %dma_wait3A_216] : memref<64x1000001xf32, #tpu.memory_space<hbm>> -> memref<64x128xf32, #tpu.memory_space<hbm>>
      %dma_wait3A_218 = tpu.memref_slice %arg15[%rem3A_213] : memref<6x!tpu.dma_semaphore, #tpu.memory_space<semaphore_mem>> -> memref<1x!tpu.dma_semaphore, #tpu.memory_space<semaphore_mem>>
      %dma_wait3A_219 = tpu.memref_squeeze %dma_wait3A_218 : memref<1x!tpu.dma_semaphore, #tpu.memory_space<semaphore_mem>> -> memref<!tpu.dma_semaphore, #tpu.memory_space<semaphore_mem>>
      %dma_wait3A_220 = arith.constant 0 : i32
      %dma_wait3A_221 = tpu.memref_slice %arg8[%dma_wait3A_220, %multiple_of3A_211] : memref<64x768xf32, #tpu.memory_space<vmem>> -> memref<64x128xf32, #tpu.memory_space<vmem>>
      %dma_wait3A_222 = arith.constant 0 : i32
      %dma_wait3A_223 = arith.constant 0 : i32
      %dma_wait3A_224 = tpu.memref_slice %arg2[%dma_wait3A_222, %dma_wait3A_223] : memref<64x1000001xf32, #tpu.memory_space<hbm>> -> memref<64x128xf32, #tpu.memory_space<hbm>>
      tpu.wait_dma2 semaphore(%dma_wait3A_219 : memref<!tpu.dma_semaphore, #tpu.memory_space<semaphore_mem>>) src(%dma_wait3A_224 : memref<64x128xf32, #tpu.memory_space<hbm>>) dst(%dma_wait3A_221 : memref<64x128xf32, #tpu.memory_space<vmem>>)
      %get3A_225 = arith.index_cast %while3A_209 : i32 to index
      %get3A_226 = memref.load %arg14[%get3A_225] : memref<247xi32, #tpu.memory_space<smem>>
      %mul3A_227 = arith.constant 128 : i32
      %mul3A_228 = arith.muli %get3A_226, %mul3A_227 : i32
      %rem3A_229 = arith.constant 6 : i32
      %rem3A_230 = arith.remsi %while3A_209, %rem3A_229 : i32
      %mul3A_231 = arith.constant 128 : i32
      %mul3A_232 = arith.muli %rem3A_230, %mul3A_231 : i32
      %sub3A_233 = arith.subi %mul3A_228, %mul3A_232 : i32
      %get3A_234 = arith.index_cast %get3A_226 : i32 to index
      %get3A_235 = memref.load %arg12[%get3A_234] : memref<247xi32, #tpu.memory_space<smem>>
      %get3A_236 = arith.index_cast %get3A_226 : i32 to index
      %get3A_237 = memref.load %arg11[%get3A_236] : memref<247xi32, #tpu.memory_space<smem>>
      %while3A_238 = arith.constant 0 : i32
      %while3A_239 = arith.subi %get3A_237, %while3A_238 : i32
      %while3A_240 = arith.addi %while3A_238, %while3A_239 : i32
      %while3A_241 = arith.constant 1 : i32
      %while3A_242 = arith.divsi %while3A_239, %while3A_241 : i32
      %while3A_243 = arith.muli %while3A_242, %while3A_241 : i32
      %while3A_244 = arith.addi %while3A_238, %while3A_243 : i32
      %while3A_245 = arith.constant 1 : i32
      %while3A_246 = scf.for %while3A_254 = %while3A_238 to %while3A_244 step %while3A_245 iter_args(%while3A_255 = %while3A_210) -> (i32)  : i32 {
        %add3A_256 = arith.addi %get3A_235, %while3A_254 : i32
        %get3A_257 = arith.index_cast %add3A_256 : i32 to index
        %get3A_258 = tpu.vector_load %arg7[%get3A_257] {strides = array<i32>} : memref<16400xi32, #tpu.memory_space<vmem>>, vector<16xi32>,
        %slice3A = vector.extract_strided_slice %get3A_258 {offsets = [0], sizes = [1], strides = [1]} : vector<16xi32> to vector<1xi32>
        %squeeze3A = vector.extract %slice3A[0] : i32 from vector<1xi32>
        %shift_right_arithmetic3A = arith.constant 15 : i32
        %shift_right_arithmetic3A_259 = arith.shrsi %squeeze3A, %shift_right_arithmetic3A : i32
        %and3A_260 = arith.constant 32767 : i32
        %and3A_261 = arith.andi %squeeze3A, %and3A_260 : i32
        %sub3A_262 = arith.subi %and3A_261, %sub3A_233 : i32
        %rem3A_263 = arith.constant 64 : i32
        %rem3A_264 = arith.remsi %while3A_255, %rem3A_263 : i32
        %ge3A = arith.constant 64 : i32
        %ge3A_265 = arith.cmpi sge, %while3A_255, %ge3A : i32
        %convert_element_type3A_266 = arith.extui %ge3A_265 : i1 to i32
        %cond3A_267 = arith.constant 0 : i32
        %cond3A_268 = arith.cmpi ne, %convert_element_type3A_266, %cond3A_267 : i32
        scf.if %cond3A_268 {
          %dma_wait3A_306 = arith.constant 0 : i32
          %dma_wait3A_307 = arith.constant 0 : i32
          %dma_wait3A_308 = tpu.memref_slice %arg10[%dma_wait3A_306, %dma_wait3A_307] : memref<64x64xf32, #tpu.memory_space<vmem>> -> memref<1x64xf32, #tpu.memory_space<vmem>>
          %dma_wait3A_309 = arith.constant 0 : i32
          %dma_wait3A_310 = arith.constant 0 : i32
          %dma_wait3A_311 = tpu.memref_slice %arg4[%dma_wait3A_309, %dma_wait3A_310] : memref<16384x64xf32, #tpu.memory_space<hbm>> -> memref<1x64xf32, #tpu.memory_space<hbm>>
          %dma_wait3A_312 = arith.constant 0 : i32
          %dma_wait3A_313 = arith.constant 0 : i32
          %dma_wait3A_314 = tpu.memref_slice %arg4[%dma_wait3A_312, %dma_wait3A_313] : memref<16384x64xf32, #tpu.memory_space<hbm>> -> memref<1x64xf32, #tpu.memory_space<hbm>>
          %dma_wait3A_315 = arith.constant 0 : i32
          %dma_wait3A_316 = arith.constant 0 : i32
          %dma_wait3A_317 = tpu.memref_slice %arg10[%dma_wait3A_315, %dma_wait3A_316] : memref<64x64xf32, #tpu.memory_space<vmem>> -> memref<1x64xf32, #tpu.memory_space<vmem>>
          tpu.wait_dma2 semaphore(%arg16 : memref<!tpu.dma_semaphore, #tpu.memory_space<semaphore_mem>>) src(%dma_wait3A_317 : memref<1x64xf32, #tpu.memory_space<vmem>>) dst(%dma_wait3A_314 : memref<1x64xf32, #tpu.memory_space<hbm>>)
        } else {
        }
        %broadcast_in_dim3A = vector.broadcast %sub3A_262 : i32 to vector<16xi32>
        %broadcast_in_dim3A_269 = vector.broadcast %rem3A_264 : i32 to vector<16xi32>
        %add3A_270 = arith.constant 0 : i32
        %add3A_271 = vector.broadcast %add3A_270 : i32 to vector<16xi32>
        %add3A_272 = arith.addi %iota3A, %add3A_271 : vector<16xi32>
        %gather3A = tpu.vector_load_idx %arg8[%add3A_272, %broadcast_in_dim3A] : memref<64x768xf32, #tpu.memory_space<vmem>>[vector<16xi32>, vector<16xi32>], vector<16xf32>,
        %add3A_273 = arith.constant 0 : i32
        %add3A_274 = vector.broadcast %add3A_273 : i32 to vector<16xi32>
        %add3A_275 = arith.addi %iota3A, %add3A_274 : vector<16xi32>
        tpu.vector_store_idx %arg10[%broadcast_in_dim3A_269, %add3A_275], %gather3A : memref<64x64xf32, #tpu.memory_space<vmem>>[vector<16xi32>, vector<16xi32>], vector<16xf32>,
        %add3A_276 = arith.constant 16 : i32
        %add3A_277 = vector.broadcast %add3A_276 : i32 to vector<16xi32>
        %add3A_278 = arith.addi %iota3A, %add3A_277 : vector<16xi32>
        %gather3A_279 = tpu.vector_load_idx %arg8[%add3A_278, %broadcast_in_dim3A] : memref<64x768xf32, #tpu.memory_space<vmem>>[vector<16xi32>, vector<16xi32>], vector<16xf32>,
        %add3A_280 = arith.constant 16 : i32
        %add3A_281 = vector.broadcast %add3A_280 : i32 to vector<16xi32>
        %add3A_282 = arith.addi %iota3A, %add3A_281 : vector<16xi32>
        tpu.vector_store_idx %arg10[%broadcast_in_dim3A_269, %add3A_282], %gather3A_279 : memref<64x64xf32, #tpu.memory_space<vmem>>[vector<16xi32>, vector<16xi32>], vector<16xf32>,
        %add3A_283 = arith.constant 32 : i32
        %add3A_284 = vector.broadcast %add3A_283 : i32 to vector<16xi32>
        %add3A_285 = arith.addi %iota3A, %add3A_284 : vector<16xi32>
        %gather3A_286 = tpu.vector_load_idx %arg8[%add3A_285, %broadcast_in_dim3A] : memref<64x768xf32, #tpu.memory_space<vmem>>[vector<16xi32>, vector<16xi32>], vector<16xf32>,
        %add3A_287 = arith.constant 32 : i32
        %add3A_288 = vector.broadcast %add3A_287 : i32 to vector<16xi32>
        %add3A_289 = arith.addi %iota3A, %add3A_288 : vector<16xi32>
        tpu.vector_store_idx %arg10[%broadcast_in_dim3A_269, %add3A_289], %gather3A_286 : memref<64x64xf32, #tpu.memory_space<vmem>>[vector<16xi32>, vector<16xi32>], vector<16xf32>,
        %add3A_290 = arith.constant 48 : i32
        %add3A_291 = vector.broadcast %add3A_290 : i32 to vector<16xi32>
        %add3A_292 = arith.addi %iota3A, %add3A_291 : vector<16xi32>
        %gather3A_293 = tpu.vector_load_idx %arg8[%add3A_292, %broadcast_in_dim3A] : memref<64x768xf32, #tpu.memory_space<vmem>>[vector<16xi32>, vector<16xi32>], vector<16xf32>,
        %add3A_294 = arith.constant 48 : i32
        %add3A_295 = vector.broadcast %add3A_294 : i32 to vector<16xi32>
        %add3A_296 = arith.addi %iota3A, %add3A_295 : vector<16xi32>
        tpu.vector_store_idx %arg10[%broadcast_in_dim3A_269, %add3A_296], %gather3A_293 : memref<64x64xf32, #tpu.memory_space<vmem>>[vector<16xi32>, vector<16xi32>], vector<16xf32>,
        %dma_start3A = arith.constant 0 : i32
        %dma_start3A_297 = tpu.memref_slice %arg10[%rem3A_264, %dma_start3A] : memref<64x64xf32, #tpu.memory_space<vmem>> -> memref<1x64xf32, #tpu.memory_space<vmem>>
        %dma_start3A_298 = arith.constant 0 : i32
        %dma_start3A_299 = tpu.memref_slice %arg4[%shift_right_arithmetic3A_259, %dma_start3A_298] : memref<16384x64xf32, #tpu.memory_space<hbm>> -> memref<1x64xf32, #tpu.memory_space<hbm>>
        %dma_start3A_300 = arith.constant 0 : i32
        %dma_start3A_301 = tpu.memref_slice %arg4[%shift_right_arithmetic3A_259, %dma_start3A_300] : memref<16384x64xf32, #tpu.memory_space<hbm>> -> memref<1x64xf32, #tpu.memory_space<hbm>>
        %dma_start3A_302 = arith.constant 0 : i32
        %dma_start3A_303 = tpu.memref_slice %arg10[%rem3A_264, %dma_start3A_302] : memref<64x64xf32, #tpu.memory_space<vmem>> -> memref<1x64xf32, #tpu.memory_space<vmem>>
        tpu.enqueue_dma source(%dma_start3A_303 : memref<1x64xf32, #tpu.memory_space<vmem>>) target(%dma_start3A_301 : memref<1x64xf32, #tpu.memory_space<hbm>>) target_semaphore(%arg16 : memref<!tpu.dma_semaphore, #tpu.memory_space<semaphore_mem>>)
        %add3A_304 = arith.constant 1 : i32
        %add3A_305 = arith.addi %while3A_255, %add3A_304 : i32
        scf.yield %add3A_305 : i32
      }
      %while3A_247 = arith.constant 1 : i32
      %while3A_248 = scf.for %while3A_254 = %while3A_244 to %while3A_240 step %while3A_247 iter_args(%while3A_255 = %while3A_246) -> (i32)  : i32 {
        %add3A_256 = arith.addi %get3A_235, %while3A_254 : i32
        %get3A_257 = arith.index_cast %add3A_256 : i32 to index
        %get3A_258 = tpu.vector_load %arg7[%get3A_257] {strides = array<i32>} : memref<16400xi32, #tpu.memory_space<vmem>>, vector<16xi32>,
        %slice3A = vector.extract_strided_slice %get3A_258 {offsets = [0], sizes = [1], strides = [1]} : vector<16xi32> to vector<1xi32>
        %squeeze3A = vector.extract %slice3A[0] : i32 from vector<1xi32>
        %shift_right_arithmetic3A = arith.constant 15 : i32
        %shift_right_arithmetic3A_259 = arith.shrsi %squeeze3A, %shift_right_arithmetic3A : i32
        %and3A_260 = arith.constant 32767 : i32
        %and3A_261 = arith.andi %squeeze3A, %and3A_260 : i32
        %sub3A_262 = arith.subi %and3A_261, %sub3A_233 : i32
        %rem3A_263 = arith.constant 64 : i32
        %rem3A_264 = arith.remsi %while3A_255, %rem3A_263 : i32
        %ge3A = arith.constant 64 : i32
        %ge3A_265 = arith.cmpi sge, %while3A_255, %ge3A : i32
        %convert_element_type3A_266 = arith.extui %ge3A_265 : i1 to i32
        %cond3A_267 = arith.constant 0 : i32
        %cond3A_268 = arith.cmpi ne, %convert_element_type3A_266, %cond3A_267 : i32
        scf.if %cond3A_268 {
          %dma_wait3A_306 = arith.constant 0 : i32
          %dma_wait3A_307 = arith.constant 0 : i32
          %dma_wait3A_308 = tpu.memref_slice %arg10[%dma_wait3A_306, %dma_wait3A_307] : memref<64x64xf32, #tpu.memory_space<vmem>> -> memref<1x64xf32, #tpu.memory_space<vmem>>
          %dma_wait3A_309 = arith.constant 0 : i32
          %dma_wait3A_310 = arith.constant 0 : i32
          %dma_wait3A_311 = tpu.memref_slice %arg4[%dma_wait3A_309, %dma_wait3A_310] : memref<16384x64xf32, #tpu.memory_space<hbm>> -> memref<1x64xf32, #tpu.memory_space<hbm>>
          %dma_wait3A_312 = arith.constant 0 : i32
          %dma_wait3A_313 = arith.constant 0 : i32
          %dma_wait3A_314 = tpu.memref_slice %arg4[%dma_wait3A_312, %dma_wait3A_313] : memref<16384x64xf32, #tpu.memory_space<hbm>> -> memref<1x64xf32, #tpu.memory_space<hbm>>
          %dma_wait3A_315 = arith.constant 0 : i32
          %dma_wait3A_316 = arith.constant 0 : i32
          %dma_wait3A_317 = tpu.memref_slice %arg10[%dma_wait3A_315, %dma_wait3A_316] : memref<64x64xf32, #tpu.memory_space<vmem>> -> memref<1x64xf32, #tpu.memory_space<vmem>>
          tpu.wait_dma2 semaphore(%arg16 : memref<!tpu.dma_semaphore, #tpu.memory_space<semaphore_mem>>) src(%dma_wait3A_317 : memref<1x64xf32, #tpu.memory_space<vmem>>) dst(%dma_wait3A_314 : memref<1x64xf32, #tpu.memory_space<hbm>>)
        } else {
        }
        %broadcast_in_dim3A = vector.broadcast %sub3A_262 : i32 to vector<16xi32>
        %broadcast_in_dim3A_269 = vector.broadcast %rem3A_264 : i32 to vector<16xi32>
        %add3A_270 = arith.constant 0 : i32
        %add3A_271 = vector.broadcast %add3A_270 : i32 to vector<16xi32>
        %add3A_272 = arith.addi %iota3A, %add3A_271 : vector<16xi32>
        %gather3A = tpu.vector_load_idx %arg8[%add3A_272, %broadcast_in_dim3A] : memref<64x768xf32, #tpu.memory_space<vmem>>[vector<16xi32>, vector<16xi32>], vector<16xf32>,
        %add3A_273 = arith.constant 0 : i32
        %add3A_274 = vector.broadcast %add3A_273 : i32 to vector<16xi32>
        %add3A_275 = arith.addi %iota3A, %add3A_274 : vector<16xi32>
        tpu.vector_store_idx %arg10[%broadcast_in_dim3A_269, %add3A_275], %gather3A : memref<64x64xf32, #tpu.memory_space<vmem>>[vector<16xi32>, vector<16xi32>], vector<16xf32>,
        %add3A_276 = arith.constant 16 : i32
        %add3A_277 = vector.broadcast %add3A_276 : i32 to vector<16xi32>
        %add3A_278 = arith.addi %iota3A, %add3A_277 : vector<16xi32>
        %gather3A_279 = tpu.vector_load_idx %arg8[%add3A_278, %broadcast_in_dim3A] : memref<64x768xf32, #tpu.memory_space<vmem>>[vector<16xi32>, vector<16xi32>], vector<16xf32>,
        %add3A_280 = arith.constant 16 : i32
        %add3A_281 = vector.broadcast %add3A_280 : i32 to vector<16xi32>
        %add3A_282 = arith.addi %iota3A, %add3A_281 : vector<16xi32>
        tpu.vector_store_idx %arg10[%broadcast_in_dim3A_269, %add3A_282], %gather3A_279 : memref<64x64xf32, #tpu.memory_space<vmem>>[vector<16xi32>, vector<16xi32>], vector<16xf32>,
        %add3A_283 = arith.constant 32 : i32
        %add3A_284 = vector.broadcast %add3A_283 : i32 to vector<16xi32>
        %add3A_285 = arith.addi %iota3A, %add3A_284 : vector<16xi32>
        %gather3A_286 = tpu.vector_load_idx %arg8[%add3A_285, %broadcast_in_dim3A] : memref<64x768xf32, #tpu.memory_space<vmem>>[vector<16xi32>, vector<16xi32>], vector<16xf32>,
        %add3A_287 = arith.constant 32 : i32
        %add3A_288 = vector.broadcast %add3A_287 : i32 to vector<16xi32>
        %add3A_289 = arith.addi %iota3A, %add3A_288 : vector<16xi32>
        tpu.vector_store_idx %arg10[%broadcast_in_dim3A_269, %add3A_289], %gather3A_286 : memref<64x64xf32, #tpu.memory_space<vmem>>[vector<16xi32>, vector<16xi32>], vector<16xf32>,
        %add3A_290 = arith.constant 48 : i32
        %add3A_291 = vector.broadcast %add3A_290 : i32 to vector<16xi32>
        %add3A_292 = arith.addi %iota3A, %add3A_291 : vector<16xi32>
        %gather3A_293 = tpu.vector_load_idx %arg8[%add3A_292, %broadcast_in_dim3A] : memref<64x768xf32, #tpu.memory_space<vmem>>[vector<16xi32>, vector<16xi32>], vector<16xf32>,
        %add3A_294 = arith.constant 48 : i32
        %add3A_295 = vector.broadcast %add3A_294 : i32 to vector<16xi32>
        %add3A_296 = arith.addi %iota3A, %add3A_295 : vector<16xi32>
        tpu.vector_store_idx %arg10[%broadcast_in_dim3A_269, %add3A_296], %gather3A_293 : memref<64x64xf32, #tpu.memory_space<vmem>>[vector<16xi32>, vector<16xi32>], vector<16xf32>,
        %dma_start3A = arith.constant 0 : i32
        %dma_start3A_297 = tpu.memref_slice %arg10[%rem3A_264, %dma_start3A] : memref<64x64xf32, #tpu.memory_space<vmem>> -> memref<1x64xf32, #tpu.memory_space<vmem>>
        %dma_start3A_298 = arith.constant 0 : i32
        %dma_start3A_299 = tpu.memref_slice %arg4[%shift_right_arithmetic3A_259, %dma_start3A_298] : memref<16384x64xf32, #tpu.memory_space<hbm>> -> memref<1x64xf32, #tpu.memory_space<hbm>>
        %dma_start3A_300 = arith.constant 0 : i32
        %dma_start3A_301 = tpu.memref_slice %arg4[%shift_right_arithmetic3A_259, %dma_start3A_300] : memref<16384x64xf32, #tpu.memory_space<hbm>> -> memref<1x64xf32, #tpu.memory_space<hbm>>
        %dma_start3A_302 = arith.constant 0 : i32
        %dma_start3A_303 = tpu.memref_slice %arg10[%rem3A_264, %dma_start3A_302] : memref<64x64xf32, #tpu.memory_space<vmem>> -> memref<1x64xf32, #tpu.memory_space<vmem>>
        tpu.enqueue_dma source(%dma_start3A_303 : memref<1x64xf32, #tpu.memory_space<vmem>>) target(%dma_start3A_301 : memref<1x64xf32, #tpu.memory_space<hbm>>) target_semaphore(%arg16 : memref<!tpu.dma_semaphore, #tpu.memory_space<semaphore_mem>>)
        %add3A_304 = arith.constant 1 : i32
        %add3A_305 = arith.addi %while3A_255, %add3A_304 : i32
        scf.yield %add3A_305 : i32
      }
      %add3A_249 = arith.constant 6 : i32
      %add3A_250 = arith.addi %while3A_209, %add3A_249 : i32
      %lt3A = arith.cmpi slt, %add3A_250, %while3A_141 : i32
      %convert_element_type3A_251 = arith.extui %lt3A : i1 to i32
      %cond3A_252 = arith.constant 0 : i32
      %cond3A_253 = arith.cmpi ne, %convert_element_type3A_251, %cond3A_252 : i32
      scf.if %cond3A_253 {
        %add3A_254 = arith.constant 6 : i32
        %add3A_255 = arith.addi %while3A_209, %add3A_254 : i32
        %rem3A_256 = arith.constant 6 : i32
        %rem3A_257 = arith.remsi %add3A_255, %rem3A_256 : i32
        %mul3A_258 = arith.constant 128 : i32
        %mul3A_259 = arith.muli %rem3A_257, %mul3A_258 : i32
        %multiple_of3A_260 = tpu.assume_multiple %mul3A_259, 128 : i32
        %get3A_261 = arith.index_cast %add3A_255 : i32 to index
        %get3A_262 = memref.load %arg14[%get3A_261] : memref<247xi32, #tpu.memory_space<smem>>
        %add3A_263 = arith.addi %mul3A_2, %get3A_262 : i32
        %mul3A_264 = arith.constant 128 : i32
        %mul3A_265 = arith.muli %add3A_263, %mul3A_264 : i32
        %multiple_of3A_266 = tpu.assume_multiple %mul3A_265, 128 : i32
        %rem3A_267 = arith.constant 6 : i32
        %rem3A_268 = arith.remsi %add3A_255, %rem3A_267 : i32
        %dma_start3A = arith.constant 0 : i32
        %dma_start3A_269 = tpu.memref_slice %arg8[%dma_start3A, %multiple_of3A_260] : memref<64x768xf32, #tpu.memory_space<vmem>> -> memref<64x128xf32, #tpu.memory_space<vmem>>
        %dma_start3A_270 = arith.constant 0 : i32
        %dma_start3A_271 = tpu.memref_slice %arg2[%dma_start3A_270, %multiple_of3A_266] : memref<64x1000001xf32, #tpu.memory_space<hbm>> -> memref<64x128xf32, #tpu.memory_space<hbm>>
        %dma_start3A_272 = tpu.memref_slice %arg15[%rem3A_268] : memref<6x!tpu.dma_semaphore, #tpu.memory_space<semaphore_mem>> -> memref<1x!tpu.dma_semaphore, #tpu.memory_space<semaphore_mem>>
        %dma_start3A_273 = tpu.memref_squeeze %dma_start3A_272 : memref<1x!tpu.dma_semaphore, #tpu.memory_space<semaphore_mem>> -> memref<!tpu.dma_semaphore, #tpu.memory_space<semaphore_mem>>
        %dma_start3A_274 = arith.constant 0 : i32
        %dma_start3A_275 = tpu.memref_slice %arg8[%dma_start3A_274, %multiple_of3A_260] : memref<64x768xf32, #tpu.memory_space<vmem>> -> memref<64x128xf32, #tpu.memory_space<vmem>>
        %dma_start3A_276 = arith.constant 0 : i32
        %dma_start3A_277 = tpu.memref_slice %arg2[%dma_start3A_276, %multiple_of3A_266] : memref<64x1000001xf32, #tpu.memory_space<hbm>> -> memref<64x128xf32, #tpu.memory_space<hbm>>
        tpu.enqueue_dma source(%dma_start3A_277 : memref<64x128xf32, #tpu.memory_space<hbm>>) target(%dma_start3A_275 : memref<64x128xf32, #tpu.memory_space<vmem>>) target_semaphore(%dma_start3A_273 : memref<!tpu.dma_semaphore, #tpu.memory_space<semaphore_mem>>)
      } else {
      }
      scf.yield %while3A_248 : i32
    }
    %get3A = arith.index_cast %min3A_4 : i32 to index
    %get3A_181 = memref.load %arg12[%get3A] : memref<247xi32, #tpu.memory_space<smem>>
    %get3A_182 = arith.index_cast %min3A_4 : i32 to index
    %get3A_183 = memref.load %arg11[%get3A_182] : memref<247xi32, #tpu.memory_space<smem>>
    %while3A_184 = arith.constant 0 : i32
    %while3A_185 = arith.subi %get3A_183, %while3A_184 : i32
    %while3A_186 = arith.addi %while3A_184, %while3A_185 : i32
    %while3A_187 = arith.constant 1 : i32
    %while3A_188 = arith.divsi %while3A_185, %while3A_187 : i32
    %while3A_189 = arith.muli %while3A_188, %while3A_187 : i32
    %while3A_190 = arith.addi %while3A_184, %while3A_189 : i32
    %while3A_191 = arith.constant 1 : i32
    %while3A_192 = scf.for %while3A_209 = %while3A_184 to %while3A_190 step %while3A_191 iter_args(%while3A_210 = %while3A_180) -> (i32)  : i32 {
      %add3A_211 = arith.addi %get3A_181, %while3A_209 : i32
      %get3A_212 = arith.index_cast %add3A_211 : i32 to index
      %get3A_213 = tpu.vector_load %arg7[%get3A_212] {strides = array<i32>} : memref<16400xi32, #tpu.memory_space<vmem>>, vector<16xi32>,
      %slice3A = vector.extract_strided_slice %get3A_213 {offsets = [0], sizes = [1], strides = [1]} : vector<16xi32> to vector<1xi32>
      %squeeze3A = vector.extract %slice3A[0] : i32 from vector<1xi32>
      %shift_right_arithmetic3A = arith.constant 15 : i32
      %shift_right_arithmetic3A_214 = arith.shrsi %squeeze3A, %shift_right_arithmetic3A : i32
      %and3A_215 = arith.constant 32767 : i32
      %and3A_216 = arith.andi %squeeze3A, %and3A_215 : i32
      %sub3A_217 = arith.constant 31360 : i32
      %sub3A_218 = arith.subi %and3A_216, %sub3A_217 : i32
      %rem3A_219 = arith.constant 64 : i32
      %rem3A_220 = arith.remsi %while3A_210, %rem3A_219 : i32
      %ge3A = arith.constant 64 : i32
      %ge3A_221 = arith.cmpi sge, %while3A_210, %ge3A : i32
      %convert_element_type3A_222 = arith.extui %ge3A_221 : i1 to i32
      %cond3A_223 = arith.constant 0 : i32
      %cond3A_224 = arith.cmpi ne, %convert_element_type3A_222, %cond3A_223 : i32
      scf.if %cond3A_224 {
        %dma_wait3A = arith.constant 0 : i32
        %dma_wait3A_262 = arith.constant 0 : i32
        %dma_wait3A_263 = tpu.memref_slice %arg10[%dma_wait3A, %dma_wait3A_262] : memref<64x64xf32, #tpu.memory_space<vmem>> -> memref<1x64xf32, #tpu.memory_space<vmem>>
        %dma_wait3A_264 = arith.constant 0 : i32
        %dma_wait3A_265 = arith.constant 0 : i32
        %dma_wait3A_266 = tpu.memref_slice %arg4[%dma_wait3A_264, %dma_wait3A_265] : memref<16384x64xf32, #tpu.memory_space<hbm>> -> memref<1x64xf32, #tpu.memory_space<hbm>>
        %dma_wait3A_267 = arith.constant 0 : i32
        %dma_wait3A_268 = arith.constant 0 : i32
        %dma_wait3A_269 = tpu.memref_slice %arg4[%dma_wait3A_267, %dma_wait3A_268] : memref<16384x64xf32, #tpu.memory_space<hbm>> -> memref<1x64xf32, #tpu.memory_space<hbm>>
        %dma_wait3A_270 = arith.constant 0 : i32
        %dma_wait3A_271 = arith.constant 0 : i32
        %dma_wait3A_272 = tpu.memref_slice %arg10[%dma_wait3A_270, %dma_wait3A_271] : memref<64x64xf32, #tpu.memory_space<vmem>> -> memref<1x64xf32, #tpu.memory_space<vmem>>
        tpu.wait_dma2 semaphore(%arg16 : memref<!tpu.dma_semaphore, #tpu.memory_space<semaphore_mem>>) src(%dma_wait3A_272 : memref<1x64xf32, #tpu.memory_space<vmem>>) dst(%dma_wait3A_269 : memref<1x64xf32, #tpu.memory_space<hbm>>)
      } else {
      }
      %broadcast_in_dim3A = vector.broadcast %sub3A_218 : i32 to vector<16xi32>
      %broadcast_in_dim3A_225 = vector.broadcast %rem3A_220 : i32 to vector<16xi32>
      %add3A_226 = arith.constant 0 : i32
      %add3A_227 = vector.broadcast %add3A_226 : i32 to vector<16xi32>
      %add3A_228 = arith.addi %iota3A, %add3A_227 : vector<16xi32>
      %gather3A = tpu.vector_load_idx %arg9[%add3A_228, %broadcast_in_dim3A] : memref<64x65xf32, #tpu.memory_space<vmem>>[vector<16xi32>, vector<16xi32>], vector<16xf32>,
      %add3A_229 = arith.constant 0 : i32
      %add3A_230 = vector.broadcast %add3A_229 : i32 to vector<16xi32>
      %add3A_231 = arith.addi %iota3A, %add3A_230 : vector<16xi32>
      tpu.vector_store_idx %arg10[%broadcast_in_dim3A_225, %add3A_231], %gather3A : memref<64x64xf32, #tpu.memory_space<vmem>>[vector<16xi32>, vector<16xi32>], vector<16xf32>,
      %add3A_232 = arith.constant 16 : i32
      %add3A_233 = vector.broadcast %add3A_232 : i32 to vector<16xi32>
      %add3A_234 = arith.addi %iota3A, %add3A_233 : vector<16xi32>
      %gather3A_235 = tpu.vector_load_idx %arg9[%add3A_234, %broadcast_in_dim3A] : memref<64x65xf32, #tpu.memory_space<vmem>>[vector<16xi32>, vector<16xi32>], vector<16xf32>,
      %add3A_236 = arith.constant 16 : i32
      %add3A_237 = vector.broadcast %add3A_236 : i32 to vector<16xi32>
      %add3A_238 = arith.addi %iota3A, %add3A_237 : vector<16xi32>
      tpu.vector_store_idx %arg10[%broadcast_in_dim3A_225, %add3A_238], %gather3A_235 : memref<64x64xf32, #tpu.memory_space<vmem>>[vector<16xi32>, vector<16xi32>], vector<16xf32>,
      %add3A_239 = arith.constant 32 : i32
      %add3A_240 = vector.broadcast %add3A_239 : i32 to vector<16xi32>
      %add3A_241 = arith.addi %iota3A, %add3A_240 : vector<16xi32>
      %gather3A_242 = tpu.vector_load_idx %arg9[%add3A_241, %broadcast_in_dim3A] : memref<64x65xf32, #tpu.memory_space<vmem>>[vector<16xi32>, vector<16xi32>], vector<16xf32>,
      %add3A_243 = arith.constant 32 : i32
      %add3A_244 = vector.broadcast %add3A_243 : i32 to vector<16xi32>
      %add3A_245 = arith.addi %iota3A, %add3A_244 : vector<16xi32>
      tpu.vector_store_idx %arg10[%broadcast_in_dim3A_225, %add3A_245], %gather3A_242 : memref<64x64xf32, #tpu.memory_space<vmem>>[vector<16xi32>, vector<16xi32>], vector<16xf32>,
      %add3A_246 = arith.constant 48 : i32
      %add3A_247 = vector.broadcast %add3A_246 : i32 to vector<16xi32>
      %add3A_248 = arith.addi %iota3A, %add3A_247 : vector<16xi32>
      %gather3A_249 = tpu.vector_load_idx %arg9[%add3A_248, %broadcast_in_dim3A] : memref<64x65xf32, #tpu.memory_space<vmem>>[vector<16xi32>, vector<16xi32>], vector<16xf32>,
      %add3A_250 = arith.constant 48 : i32
      %add3A_251 = vector.broadcast %add3A_250 : i32 to vector<16xi32>
      %add3A_252 = arith.addi %iota3A, %add3A_251 : vector<16xi32>
      tpu.vector_store_idx %arg10[%broadcast_in_dim3A_225, %add3A_252], %gather3A_249 : memref<64x64xf32, #tpu.memory_space<vmem>>[vector<16xi32>, vector<16xi32>], vector<16xf32>,
      %dma_start3A = arith.constant 0 : i32
      %dma_start3A_253 = tpu.memref_slice %arg10[%rem3A_220, %dma_start3A] : memref<64x64xf32, #tpu.memory_space<vmem>> -> memref<1x64xf32, #tpu.memory_space<vmem>>
      %dma_start3A_254 = arith.constant 0 : i32
      %dma_start3A_255 = tpu.memref_slice %arg4[%shift_right_arithmetic3A_214, %dma_start3A_254] : memref<16384x64xf32, #tpu.memory_space<hbm>> -> memref<1x64xf32, #tpu.memory_space<hbm>>
      %dma_start3A_256 = arith.constant 0 : i32
      %dma_start3A_257 = tpu.memref_slice %arg4[%shift_right_arithmetic3A_214, %dma_start3A_256] : memref<16384x64xf32, #tpu.memory_space<hbm>> -> memref<1x64xf32, #tpu.memory_space<hbm>>
      %dma_start3A_258 = arith.constant 0 : i32
      %dma_start3A_259 = tpu.memref_slice %arg10[%rem3A_220, %dma_start3A_258] : memref<64x64xf32, #tpu.memory_space<vmem>> -> memref<1x64xf32, #tpu.memory_space<vmem>>
      tpu.enqueue_dma source(%dma_start3A_259 : memref<1x64xf32, #tpu.memory_space<vmem>>) target(%dma_start3A_257 : memref<1x64xf32, #tpu.memory_space<hbm>>) target_semaphore(%arg16 : memref<!tpu.dma_semaphore, #tpu.memory_space<semaphore_mem>>)
      %add3A_260 = arith.constant 1 : i32
      %add3A_261 = arith.addi %while3A_210, %add3A_260 : i32
      scf.yield %add3A_261 : i32
    }
    %while3A_193 = arith.constant 1 : i32
    %while3A_194 = scf.for %while3A_209 = %while3A_190 to %while3A_186 step %while3A_193 iter_args(%while3A_210 = %while3A_192) -> (i32)  : i32 {
      %add3A_211 = arith.addi %get3A_181, %while3A_209 : i32
      %get3A_212 = arith.index_cast %add3A_211 : i32 to index
      %get3A_213 = tpu.vector_load %arg7[%get3A_212] {strides = array<i32>} : memref<16400xi32, #tpu.memory_space<vmem>>, vector<16xi32>,
      %slice3A = vector.extract_strided_slice %get3A_213 {offsets = [0], sizes = [1], strides = [1]} : vector<16xi32> to vector<1xi32>
      %squeeze3A = vector.extract %slice3A[0] : i32 from vector<1xi32>
      %shift_right_arithmetic3A = arith.constant 15 : i32
      %shift_right_arithmetic3A_214 = arith.shrsi %squeeze3A, %shift_right_arithmetic3A : i32
      %and3A_215 = arith.constant 32767 : i32
      %and3A_216 = arith.andi %squeeze3A, %and3A_215 : i32
      %sub3A_217 = arith.constant 31360 : i32
      %sub3A_218 = arith.subi %and3A_216, %sub3A_217 : i32
      %rem3A_219 = arith.constant 64 : i32
      %rem3A_220 = arith.remsi %while3A_210, %rem3A_219 : i32
      %ge3A = arith.constant 64 : i32
      %ge3A_221 = arith.cmpi sge, %while3A_210, %ge3A : i32
      %convert_element_type3A_222 = arith.extui %ge3A_221 : i1 to i32
      %cond3A_223 = arith.constant 0 : i32
      %cond3A_224 = arith.cmpi ne, %convert_element_type3A_222, %cond3A_223 : i32
      scf.if %cond3A_224 {
        %dma_wait3A = arith.constant 0 : i32
        %dma_wait3A_262 = arith.constant 0 : i32
        %dma_wait3A_263 = tpu.memref_slice %arg10[%dma_wait3A, %dma_wait3A_262] : memref<64x64xf32, #tpu.memory_space<vmem>> -> memref<1x64xf32, #tpu.memory_space<vmem>>
        %dma_wait3A_264 = arith.constant 0 : i32
        %dma_wait3A_265 = arith.constant 0 : i32
        %dma_wait3A_266 = tpu.memref_slice %arg4[%dma_wait3A_264, %dma_wait3A_265] : memref<16384x64xf32, #tpu.memory_space<hbm>> -> memref<1x64xf32, #tpu.memory_space<hbm>>
        %dma_wait3A_267 = arith.constant 0 : i32
        %dma_wait3A_268 = arith.constant 0 : i32
        %dma_wait3A_269 = tpu.memref_slice %arg4[%dma_wait3A_267, %dma_wait3A_268] : memref<16384x64xf32, #tpu.memory_space<hbm>> -> memref<1x64xf32, #tpu.memory_space<hbm>>
        %dma_wait3A_270 = arith.constant 0 : i32
        %dma_wait3A_271 = arith.constant 0 : i32
        %dma_wait3A_272 = tpu.memref_slice %arg10[%dma_wait3A_270, %dma_wait3A_271] : memref<64x64xf32, #tpu.memory_space<vmem>> -> memref<1x64xf32, #tpu.memory_space<vmem>>
        tpu.wait_dma2 semaphore(%arg16 : memref<!tpu.dma_semaphore, #tpu.memory_space<semaphore_mem>>) src(%dma_wait3A_272 : memref<1x64xf32, #tpu.memory_space<vmem>>) dst(%dma_wait3A_269 : memref<1x64xf32, #tpu.memory_space<hbm>>)
      } else {
      }
      %broadcast_in_dim3A = vector.broadcast %sub3A_218 : i32 to vector<16xi32>
      %broadcast_in_dim3A_225 = vector.broadcast %rem3A_220 : i32 to vector<16xi32>
      %add3A_226 = arith.constant 0 : i32
      %add3A_227 = vector.broadcast %add3A_226 : i32 to vector<16xi32>
      %add3A_228 = arith.addi %iota3A, %add3A_227 : vector<16xi32>
      %gather3A = tpu.vector_load_idx %arg9[%add3A_228, %broadcast_in_dim3A] : memref<64x65xf32, #tpu.memory_space<vmem>>[vector<16xi32>, vector<16xi32>], vector<16xf32>,
      %add3A_229 = arith.constant 0 : i32
      %add3A_230 = vector.broadcast %add3A_229 : i32 to vector<16xi32>
      %add3A_231 = arith.addi %iota3A, %add3A_230 : vector<16xi32>
      tpu.vector_store_idx %arg10[%broadcast_in_dim3A_225, %add3A_231], %gather3A : memref<64x64xf32, #tpu.memory_space<vmem>>[vector<16xi32>, vector<16xi32>], vector<16xf32>,
      %add3A_232 = arith.constant 16 : i32
      %add3A_233 = vector.broadcast %add3A_232 : i32 to vector<16xi32>
      %add3A_234 = arith.addi %iota3A, %add3A_233 : vector<16xi32>
      %gather3A_235 = tpu.vector_load_idx %arg9[%add3A_234, %broadcast_in_dim3A] : memref<64x65xf32, #tpu.memory_space<vmem>>[vector<16xi32>, vector<16xi32>], vector<16xf32>,
      %add3A_236 = arith.constant 16 : i32
      %add3A_237 = vector.broadcast %add3A_236 : i32 to vector<16xi32>
      %add3A_238 = arith.addi %iota3A, %add3A_237 : vector<16xi32>
      tpu.vector_store_idx %arg10[%broadcast_in_dim3A_225, %add3A_238], %gather3A_235 : memref<64x64xf32, #tpu.memory_space<vmem>>[vector<16xi32>, vector<16xi32>], vector<16xf32>,
      %add3A_239 = arith.constant 32 : i32
      %add3A_240 = vector.broadcast %add3A_239 : i32 to vector<16xi32>
      %add3A_241 = arith.addi %iota3A, %add3A_240 : vector<16xi32>
      %gather3A_242 = tpu.vector_load_idx %arg9[%add3A_241, %broadcast_in_dim3A] : memref<64x65xf32, #tpu.memory_space<vmem>>[vector<16xi32>, vector<16xi32>], vector<16xf32>,
      %add3A_243 = arith.constant 32 : i32
      %add3A_244 = vector.broadcast %add3A_243 : i32 to vector<16xi32>
      %add3A_245 = arith.addi %iota3A, %add3A_244 : vector<16xi32>
      tpu.vector_store_idx %arg10[%broadcast_in_dim3A_225, %add3A_245], %gather3A_242 : memref<64x64xf32, #tpu.memory_space<vmem>>[vector<16xi32>, vector<16xi32>], vector<16xf32>,
      %add3A_246 = arith.constant 48 : i32
      %add3A_247 = vector.broadcast %add3A_246 : i32 to vector<16xi32>
      %add3A_248 = arith.addi %iota3A, %add3A_247 : vector<16xi32>
      %gather3A_249 = tpu.vector_load_idx %arg9[%add3A_248, %broadcast_in_dim3A] : memref<64x65xf32, #tpu.memory_space<vmem>>[vector<16xi32>, vector<16xi32>], vector<16xf32>,
      %add3A_250 = arith.constant 48 : i32
      %add3A_251 = vector.broadcast %add3A_250 : i32 to vector<16xi32>
      %add3A_252 = arith.addi %iota3A, %add3A_251 : vector<16xi32>
      tpu.vector_store_idx %arg10[%broadcast_in_dim3A_225, %add3A_252], %gather3A_249 : memref<64x64xf32, #tpu.memory_space<vmem>>[vector<16xi32>, vector<16xi32>], vector<16xf32>,
      %dma_start3A = arith.constant 0 : i32
      %dma_start3A_253 = tpu.memref_slice %arg10[%rem3A_220, %dma_start3A] : memref<64x64xf32, #tpu.memory_space<vmem>> -> memref<1x64xf32, #tpu.memory_space<vmem>>
      %dma_start3A_254 = arith.constant 0 : i32
      %dma_start3A_255 = tpu.memref_slice %arg4[%shift_right_arithmetic3A_214, %dma_start3A_254] : memref<16384x64xf32, #tpu.memory_space<hbm>> -> memref<1x64xf32, #tpu.memory_space<hbm>>
      %dma_start3A_256 = arith.constant 0 : i32
      %dma_start3A_257 = tpu.memref_slice %arg4[%shift_right_arithmetic3A_214, %dma_start3A_256] : memref<16384x64xf32, #tpu.memory_space<hbm>> -> memref<1x64xf32, #tpu.memory_space<hbm>>
      %dma_start3A_258 = arith.constant 0 : i32
      %dma_start3A_259 = tpu.memref_slice %arg10[%rem3A_220, %dma_start3A_258] : memref<64x64xf32, #tpu.memory_space<vmem>> -> memref<1x64xf32, #tpu.memory_space<vmem>>
      tpu.enqueue_dma source(%dma_start3A_259 : memref<1x64xf32, #tpu.memory_space<vmem>>) target(%dma_start3A_257 : memref<1x64xf32, #tpu.memory_space<hbm>>) target_semaphore(%arg16 : memref<!tpu.dma_semaphore, #tpu.memory_space<semaphore_mem>>)
      %add3A_260 = arith.constant 1 : i32
      %add3A_261 = arith.addi %while3A_210, %add3A_260 : i32
      scf.yield %add3A_261 : i32
    }
    %min3A_195 = arith.constant 64 : i32
    %min3A_196 = arith.minsi %while3A_194, %min3A_195 : i32
    %while3A_197 = arith.constant 0 : i32
    %while3A_198 = arith.constant 0 : i32
    %while3A_199 = arith.subi %min3A_196, %while3A_197 : i32
    %while3A_200 = arith.addi %while3A_197, %while3A_199 : i32
    %while3A_201 = arith.constant 1 : i32
    %while3A_202 = arith.divsi %while3A_199, %while3A_201 : i32
    %while3A_203 = arith.muli %while3A_202, %while3A_201 : i32
    %while3A_204 = arith.addi %while3A_197, %while3A_203 : i32
    %while3A_205 = arith.constant 1 : i32
    %while3A_206 = scf.for %while3A_209 = %while3A_197 to %while3A_204 step %while3A_205 iter_args(%while3A_210 = %while3A_198) -> (i32)  : i32 {
      %dma_wait3A = arith.constant 0 : i32
      %dma_wait3A_211 = arith.constant 0 : i32
      %dma_wait3A_212 = tpu.memref_slice %arg10[%dma_wait3A, %dma_wait3A_211] : memref<64x64xf32, #tpu.memory_space<vmem>> -> memref<1x64xf32, #tpu.memory_space<vmem>>
      %dma_wait3A_213 = arith.constant 0 : i32
      %dma_wait3A_214 = arith.constant 0 : i32
      %dma_wait3A_215 = tpu.memref_slice %arg4[%dma_wait3A_213, %dma_wait3A_214] : memref<16384x64xf32, #tpu.memory_space<hbm>> -> memref<1x64xf32, #tpu.memory_space<hbm>>
      %dma_wait3A_216 = arith.constant 0 : i32
      %dma_wait3A_217 = arith.constant 0 : i32
      %dma_wait3A_218 = tpu.memref_slice %arg4[%dma_wait3A_216, %dma_wait3A_217] : memref<16384x64xf32, #tpu.memory_space<hbm>> -> memref<1x64xf32, #tpu.memory_space<hbm>>
      %dma_wait3A_219 = arith.constant 0 : i32
      %dma_wait3A_220 = arith.constant 0 : i32
      %dma_wait3A_221 = tpu.memref_slice %arg10[%dma_wait3A_219, %dma_wait3A_220] : memref<64x64xf32, #tpu.memory_space<vmem>> -> memref<1x64xf32, #tpu.memory_space<vmem>>
      tpu.wait_dma2 semaphore(%arg16 : memref<!tpu.dma_semaphore, #tpu.memory_space<semaphore_mem>>) src(%dma_wait3A_221 : memref<1x64xf32, #tpu.memory_space<vmem>>) dst(%dma_wait3A_218 : memref<1x64xf32, #tpu.memory_space<hbm>>)
      %while3A_222 = arith.constant 0 : i32
      scf.yield %while3A_222 : i32
    }
    %while3A_207 = arith.constant 1 : i32
    %while3A_208 = scf.for %while3A_209 = %while3A_204 to %while3A_200 step %while3A_207 iter_args(%while3A_210 = %while3A_206) -> (i32)  : i32 {
      %dma_wait3A = arith.constant 0 : i32
      %dma_wait3A_211 = arith.constant 0 : i32
      %dma_wait3A_212 = tpu.memref_slice %arg10[%dma_wait3A, %dma_wait3A_211] : memref<64x64xf32, #tpu.memory_space<vmem>> -> memref<1x64xf32, #tpu.memory_space<vmem>>
      %dma_wait3A_213 = arith.constant 0 : i32
      %dma_wait3A_214 = arith.constant 0 : i32
      %dma_wait3A_215 = tpu.memref_slice %arg4[%dma_wait3A_213, %dma_wait3A_214] : memref<16384x64xf32, #tpu.memory_space<hbm>> -> memref<1x64xf32, #tpu.memory_space<hbm>>
      %dma_wait3A_216 = arith.constant 0 : i32
      %dma_wait3A_217 = arith.constant 0 : i32
      %dma_wait3A_218 = tpu.memref_slice %arg4[%dma_wait3A_216, %dma_wait3A_217] : memref<16384x64xf32, #tpu.memory_space<hbm>> -> memref<1x64xf32, #tpu.memory_space<hbm>>
      %dma_wait3A_219 = arith.constant 0 : i32
      %dma_wait3A_220 = arith.constant 0 : i32
      %dma_wait3A_221 = tpu.memref_slice %arg10[%dma_wait3A_219, %dma_wait3A_220] : memref<64x64xf32, #tpu.memory_space<vmem>> -> memref<1x64xf32, #tpu.memory_space<vmem>>
      tpu.wait_dma2 semaphore(%arg16 : memref<!tpu.dma_semaphore, #tpu.memory_space<semaphore_mem>>) src(%dma_wait3A_221 : memref<1x64xf32, #tpu.memory_space<vmem>>) dst(%dma_wait3A_218 : memref<1x64xf32, #tpu.memory_space<hbm>>)
      %while3A_222 = arith.constant 0 : i32
      scf.yield %while3A_222 : i32
    }
    return
  }
}

</mosaic_0001>

<sc_bundles>
// kernel: kernel.3.cloned.1.call-start
scs
__scs_entry_jumppad:
0x0: {  	(pc) =	sbr.rel $0x88, $3  }
0x1: {  	(tag) =	ssettag $0x0;
	lr =	simm.s32 $0x1  }
0x2: {  	[smem:$0x3F9F] =	sst lr;
	_ =	strace $0xD0000000  }
0x3: {  	_ = 	snop  }
0x4: {  	_ = 	snop  }
0x5: {  	_ = 	snop  }
0x6: {  	_ = 	snop  }
0x7: {  	_ = 	snop  }
__scs_overlays_trampoline_lowered:
0x8: {  	[smem:$0x3FAE] =	sst s0  }
0x9: {  	[smem:$0x3FAF] =	sst s1  }
0xa: {  	[smem:$0x3FB0] =	sst s2  }
0xb: {  	[smem:$0x3FB1] =	sst s3  }
0xc: {  	[smem:$0x3FB2] =	sst s4  }
0xd: {  	[smem:$0x3FB3] =	sst s5  }
0xe: {  	[smem:$0x3FB4] =	sst s6  }
0xf: {  	[smem:$0x3FB5] =	sst s7  }
0x10: {  	[smem:$0x3FB6] =	sst s8  }
0x11: {  	[smem:$0x3FB7] =	sst s9;
	s0 =	simm.s32 @!p0 $0x0  }
0x12: {  	s1 =	sld [smem:$0x3F9D];
	s0 =	simm.s32 @p0 $0x1  }
0x13: {  	[smem:$0x3FB8] =	sst s0;
	s0 =	simm.s32 @!p1 $0x0  }
0x14: {  	s2 =	sld [smem:$0x3F9C];
	s0 =	simm.s32 @p1 $0x1  }
0x15: {  	[smem:$0x3FB9] =	sst s0;
	s0 =	simm.s32 @!p2 $0x0  }
0x16: {  	s3 =	sld [smem:$0x3FDB];
	s0 =	simm.s32 @p2 $0x1  }
0x17: {  	s4 =	simm.s32 $0x1BF5;
	[smem:$0x3FBB] =	sst s0  }
0x18: {  	s0 =	sld [smem:$0x3F9E];
	_ =	swait.ge [sflag:s4], $0x0  }
0x19: {  	s7 =	sld [smem:$0x3F9F]  }
0x1a: {  	s8 =	sadd.s32 $0xFFFFE003, lr  }
0x1b: {  	s9 =	sadd.s32 $0xFFFFFEF7, lr;
	s5 =	simm.s32 $0xFFFFFFFF;
	p2 =	slt.u32 s8, $0xFFFFF086  }
0x1c: {  	p1 =	slt.u32 s9, $0xF7A;
	s5 =	simm.s32 @!p2 $0x0  }
0x1d: {  	s5 =	simm.s32 @p1 $0x1;
	p0 =	seq.s32 s7, s2  }
0x1e: {  	s7 =	smul.u32 @!p0 $0xF7A, s2;
	p2 =	seq.s32 @!p0 s5, $0x0  }
0x1f: {  	s9 =	smul.u32 $0xF7A, s1;
	s8 =	simm.s32 @!p0 $0x1BF5;
	p2 =	por !p2, p0  }
0x20: {  	[sflag:s8] =	ssyncset.s32 @!p0 $0xFFFFF086;
	s6 =	sadd.s32 @!p0 s3, s7;
	s7 =	simm.s32 @!p0 $0x108  }
0x21: {  	s3 =	sadd.s32 s3, s9;
	s6 =	sadd.s32 @!p0 $0x88, s6;
	s7 =	simm.s32 @p2 $0x1082  }
0x22: {  	[simem:s7], [sflag:s8] =	dma.local @!p0 [hbm:s6], $0xF7A  }
0x23: {  	s9 =	sor.u32 $0xD0000000, s2;
	s6 =	simm.s32 $0x108;
	_ =	swait.ge @!p0 [sflag:s8], $0x0  }
0x24: {  	s3 =	sadd.s32 $0x88, s3;
	s6 =	simm.s32 @!p1 $0x1082;
	[sflag:s4] =	ssyncset.s32 $0xFFFFF086  }
0x25: {  	[simem:s6], [sflag:s4] =	dma.local [hbm:s3], $0xF7A  }
0x26: {  	[smem:$0x3F9F] =	sst s1;
	(tag) =	ssettag s2;
	_ =	strace s9  }
0x27: {  	s1 =	sld [smem:$0x3FAF]  }
0x28: {  	s2 =	sld [smem:$0x3FB0]  }
0x29: {  	s4 =	sld [smem:$0x3FB2]  }
0x2a: {  	p0 =	seq.s32 s5, $0x0;
	s5 =	sld [smem:$0x3FB3]  }
0x2b: {  	s6 =	sld [smem:$0x3FB4]  }
0x2c: {  	s7 =	sld [smem:$0x3FB5]  }
0x2d: {  	s3 =	simm.s32 $0x108;
	s8 =	sld [smem:$0x3FB6]  }
0x2e: {  	s3 =	simm.s32 @!p0 $0x1082;
	s9 =	sld [smem:$0x3FB7]  }
0x2f: {  	lr =	sadd.s32 s0, s3;
	s0 =	sld [smem:$0x3FAE]  }
0x30: {  	s3 =	sld [smem:$0x3FB1]  }
0x31: {  	[smem:$0x3FBA] =	sst s10  }
0x32: {  	s10 =	sld [smem:$0x3FB8];
	_ =	sdelay $0x3  }
0x33: {  	p0 =	seq.s32 s10, $0x1;
	s10 =	sld [smem:$0x3FBA];
	_ =	sdelay $0x3  }
0x34: {  	[smem:$0x3FBA] =	sst s10  }
0x35: {  	s10 =	sld [smem:$0x3FB9];
	_ =	sdelay $0x3  }
0x36: {  	p1 =	seq.s32 s10, $0x1;
	s10 =	sld [smem:$0x3FBA];
	_ =	sdelay $0x3  }
0x37: {  	[smem:$0x3FBA] =	sst s10  }
0x38: {  	s10 =	sld [smem:$0x3FBB]  }
0x39: {  	_ = 	snop;
	(pc) =	sbr.ind lr, $3  }
0x3a: {  	_ = 	snop  }
0x3b: {  	_ = 	snop  }
0x3c: {  	p2 =	seq.s32 s10, $0x1;
	s10 =	sld [smem:$0x3FBA]  }
0x3d: {  	_ =	shalt  }
0x3e: {  	_ =	shalt  }
0x3f: {  	_ =	shalt  }
0x40: {  	_ =	shalt  }
0x41: {  	_ =	shalt  }
0x42: {  	_ =	shalt  }
0x43: {  	_ =	shalt  }
0x44: {  	_ =	shalt  }
0x45: {  	_ =	shalt  }
0x46: {  	_ =	shalt  }
0x47: {  	_ =	shalt  }
0x48: {  	_ =	shalt  }
0x49: {  	_ =	shalt  }
0x4a: {  	_ =	shalt  }
0x4b: {  	_ =	shalt  }
0x4c: {  	_ =	shalt  }
0x4d: {  	_ =	shalt  }
0x4e: {  	_ =	shalt  }
0x4f: {  	_ =	shalt  }
0x50: {  	_ =	shalt  }
0x51: {  	_ =	shalt  }
0x52: {  	_ =	shalt  }
0x53: {  	_ =	shalt  }
0x54: {  	_ =	shalt  }
0x55: {  	_ =	shalt  }
0x56: {  	_ =	shalt  }
0x57: {  	_ =	shalt  }
0x58: {  	_ =	shalt  }
0x59: {  	_ =	shalt  }
0x5a: {  	_ =	shalt  }
0x5b: {  	_ =	shalt  }
0x5c: {  	_ =	shalt  }
0x5d: {  	_ =	shalt  }
0x5e: {  	_ =	shalt  }
0x5f: {  	_ =	shalt  }
0x60: {  	_ =	shalt  }
0x61: {  	_ =	shalt  }
0x62: {  	_ =	shalt  }
0x63: {  	_ =	shalt  }
0x64: {  	_ =	shalt  }
0x65: {  	_ =	shalt  }
0x66: {  	_ =	shalt  }
0x67: {  	_ =	shalt  }
0x68: {  	_ =	shalt  }
0x69: {  	_ =	shalt  }
0x6a: {  	_ =	shalt  }
0x6b: {  	_ =	shalt  }
0x6c: {  	_ =	shalt  }
0x6d: {  	_ =	shalt  }
0x6e: {  	_ =	shalt  }
0x6f: {  	_ =	shalt  }
0x70: {  	_ =	shalt  }
0x71: {  	_ =	shalt  }
0x72: {  	_ =	shalt  }
0x73: {  	_ =	shalt  }
0x74: {  	_ =	shalt  }
0x75: {  	_ =	shalt  }
0x76: {  	_ =	shalt  }
0x77: {  	_ =	shalt  }
0x78: {  	_ =	shalt  }
0x79: {  	_ =	shalt  }
0x7a: {  	_ =	shalt  }
0x7b: {  	_ =	shalt  }
0x7c: {  	_ =	shalt  }
0x7d: {  	_ =	shalt  }
0x7e: {  	_ =	shalt  }
0x7f: {  	_ =	shalt  }
0x80: {  	_ =	shalt  }
0x81: {  	_ =	shalt  }
0x82: {  	_ =	shalt  }
0x83: {  	_ =	shalt  }
0x84: {  	_ =	shalt  }
0x85: {  	_ =	shalt  }
0x86: {  	_ =	shalt  }
0x87: {  	_ =	shalt  }
.Lfunc_end0:
.L_simem_size_0:
called_computation_lowered:
.L_overlay_start_0:
0x88: {  	s2 =	sld [smem:$0x3FD9]  }
0x89: {  	s3 =	sld [smem:$0x3FFE];
	_ =	sdelay $0x1  }
0x8a: {  	s1 =	srdreg.scid  }
0x8b: {  	s0 =	sand.u32 $0x1, s1  }
0x8c: {  	s17 =	sshll.u32 s0, $0xA;
	s2 =	sadd.s32 s3, s2  }
0x8d: {  	s2 =	sadd.s32 s2, s17  }
0x8e: {  	[smem:$0x3FC6] =	sst s2  }
0x8f: {  	_ = 	snop  }
0x90: {  	s2 =	sld [smem:$0x3FC9]  }
0x91: {  	s18 =	sld [smem:$0x3FC8];
	(tm) =	ssettm $0x1  }
0x92: {  	s4 =	sld [smem:$0x3FFB];
	_ =	sdelay $0x3  }
0x93: {  	_ =	strace s4  }
0x94: {  	s4 =	sld [smem:$0x3FFC];
	_ =	sdelay $0x3  }
0x95: {  	_ =	strace s4  }
0x96: {  	s4 =	sld [smem:$0x3FFD];
	_ =	sdelay $0x3  }
0x97: {  	_ =	strace s4  }
0x98: {  	_ =	strace $0x8FFFFFFF  }
0x99: {  	s19 =	sld [smem:$0x3FDB];
	_ =	sdelay $0x1  }
0x9a: {  	s5 =	simm.s32 $_scs_section_size  }
0x9b: {  	s6 =	simm.s32 $_size__tile_overlayer_lowered;
	s7 =	simm.s32 $_tile_overlayer_lowered  }
0x9c: {  	s22 =	simm.s32 $0x1BFF;
	s21 =	sshll.u32 s7, $0x1;
	s4 =	sadd.s32 s5, s19  }
0x9d: {  	s8 =	simm.s32 $0x0;
	s20 =	sshll.u32 s6, $0x1;
	s6 =	sadd.s32 s21, s4  }
0x9e: {  	[timem:s8], [sflag:s22] =	dma.local [hbm:s6], s20  }
0x9f: {  	_ =	swait.ge [sflag:s22], s20  }
0xa0: {  	s5 =	ssub.s32 $0x0, s20;
	[sflag:s22] =	ssyncset.done $0x0  }
0xa1: {  	[sflag:s22] =	ssyncadd.s32 s5;
	_ =	sdelay $0x1  }
0xa2: {  	s23 =	simm.s32 $0x1B8B  }
0xa3: {  	_ =	swait.ge [sflag:s23], $0x1  }
0xa4: {  	[sflag:s23] =	ssyncset.done $0x0  }
0xa5: {  	s25 =	simm.s32 $0x1B8E;
	s24 =	sld [smem:$0x3FFE];
	[sflag:s23] =	ssyncadd.s32 $0xFFFFFFFF  }
0xa6: {  	s26 =	simm.s32 $execute0_lowered;
	[smem:$0x3FD2] =	sst s25  }
0xa7: {  	s6 =	sshll.u32 s26, $0x1;
	_ =	strace $0x80000046;
	[dreg:$0x1] =	wrdreg $0xFFFFFFFF  }
0xa8: {  	s28 =	simm.s32 $_size_execute0_lowered;
	s4 =	sadd.s32 s4, s6;
	[dreg:$0x0] =	wrdreg $0x0  }
0xa9: {  	s6 =	sshll.u32 s28, $0x1;
	[dreg:$0x2] =	wrdreg s4  }
0xaa: {  	[dreg:$0x3] =	wrdreg s6  }
0xab: {  	[dreg:$0x4] =	wrdreg $0xC0  }
0xac: {  	_ =	task [dreg:s8], $0x5FFFF  }
0xad: {  	[dreg:$0x1] =	wrdreg $0xFFFFFFFF  }
0xae: {  	[dreg:$0x0] =	wrdreg $0x60  }
0xaf: {  	[dreg:$0x2] =	wrdreg s18  }
0xb0: {  	[dreg:$0x3] =	wrdreg s2  }
0xb1: {  	[dreg:$0x4] =	wrdreg s24  }
0xb2: {  	[dreg:$0x5] =	wrdreg $0x9  }
0xb3: {  	_ =	task.clear_ibuf [dreg:s8], $0x6FFFF;
	_ =	strace $0x90000046  }
0xb4: {  	s29 =	simm.s32 $0x9;
	_ =	strace $0x80000048  }
0xb5: {  	_ =	swait.ge [sflag:s29], $0x1  }
0xb6: {  	[sflag:s29] =	ssyncadd.s32 $0xFFFFFFFF  }
0xb7: {  	_ =	strace $0x90000048  }
0xb8: {  	_ =	sfence  }
0xb9: {  	s30 =	sld [smem:$0x0];
	_ =	sdelay $0x2  }
0xba: {  	s31 =	sshll.u32 s1, $0xD;
	s1 =	sshrl.u32 s1, $0x2  }
0xbb: {  	s3 =	sand.u32 $0x4000, s31;
	s1 =	sadd.s32 s1, s30  }
0xbc: {  	s0 =	sor.u32 s3, s0;
	s1 =	sshll.u32 s1, $0x11  }
0xbd: {  	s0 =	sor.u32 s1, s0  }
0xbe: {  	s0 =	sadd.s32 $0x8F2B, s0  }
0xbf: {  	[sflag:s0] =	ssyncadd.remote.s32 $0x1  }
0xc0: {  	_ =	sfence.sel $0xFFFF  }
0xc1: {  	[dreg:$0x0] =	wrdreg $0xFFFFFFFF;
	(pc) =	sbr.abs _section_cstart, $3  }
0xc2: {  	[dreg:$0x1] =	wrdreg $0xFFFFFFFF  }
0xc3: {  	_ =	task.clear_ibuf [dreg:s8], $0x2FFFF;
	_ =	strace $0x9FFFFFFF  }
0xc4: {  	(tm) =	ssettm $0x7FFFFFFF  }
0xc5: {  	_ =	shalt  }
tec
execute0_lowered:
.L_overlay_start_1:
0x0: {  	(tag) =	ssettag $0x1  }
0x1: {  	v0 =	vimm.s32 $0x1B80;
	vm14 =	vcmask $0x300;
	vm13 =	vcmask $0x704  }
0x2: {  	vm12 =	vcmask $0xB08;
	vm11 =	vcmask $0xF0C;
	vm10 =	vcmask $0x1310  }
0x3: {  	vm9 =	vcmask $0x1714;
	vm8 =	vcmask $0x1B18;
	vm7 =	vcmask $0x1F1C  }
0x4: {  	vm6 =	vcmask $0x2320;
	vm5 =	vcmask $0x2724;
	vm4 =	vcmask $0x2B28  }
0x5: {  	vm3 =	vcmask $0x2F2C;
	vm2 =	vcmask $0x3330;
	vm1 =	vcmask $0x3734  }
0x6: {  	v5 =	vimm.s32 $0x4B80;
	vm0 =	vcmask $0x3B38;
	v6 =	vimm.s32 $0x7B80  }
0x7: {  	v7 =	vimm.s32 $0xAB80;
	v0 =	vsel vm14, $0x0, v0;
	v5 =	vsel vm14, $0x3000, v5  }
0x8: {  	v6 =	vsel vm14, $0x6000, v6;
	v7 =	vsel vm14, $0x9000, v7;
	v0 =	vsel vm13, $0x80, v0  }
0x9: {  	s0 =	srdreg.scid;
	s12 =	stileid.u32;
	v5 =	vsel vm13, $0x3080, v5;
	v6 =	vsel vm13, $0x6080, v6;
	v7 =	vsel vm13, $0x9080, v7  }
0xa: {  	s0 =	sand.u32 $0x1, s0;
	s1 =	sshll.u32 s12, $0x1;
	v0 =	vsel vm12, $0x100, v0;
	v5 =	vsel vm12, $0x3100, v5;
	v6 =	vsel vm12, $0x6100, v6  }
0xb: {  	s4 =	sor.u32 s0, s1;
	v7 =	vsel vm12, $0x9100, v7;
	v0 =	vsel vm11, $0x180, v0;
	v5 =	vsel vm11, $0x3180, v5  }
0xc: {  	s1 =	smul.u32 $0xF5, s4;
	v6 =	vsel vm11, $0x6180, v6;
	v7 =	vsel vm11, $0x9180, v7;
	v0 =	vsel vm10, $0x200, v0  }
0xd: {  	v5 =	vsel vm10, $0x3200, v5;
	v6 =	vsel vm10, $0x6200, v6;
	v7 =	vsel vm10, $0x9200, v7  }
0xe: {  	s2 =	ssub.s32 $0x1E84, s1;
	v0 =	vsel vm9, $0x280, v0;
	v5 =	vsel vm9, $0x3280, v5;
	v6 =	vsel vm9, $0x6280, v6  }
0xf: {  	s3 =	smul.u32 $0x7A80, s4;
	s2 =	smin.u32 s2, $0xF5;
	v7 =	vsel vm9, $0x9280, v7;
	v0 =	vsel vm8, $0x300, v0;
	v5 =	vsel vm8, $0x3300, v5  }
0x10: {  	s5 =	sshll.u32 s2, $0x7;
	v6 =	vsel vm8, $0x6300, v6;
	v7 =	vsel vm8, $0x9300, v7;
	v1 =	vsel vm7, $0x380, v0  }
0x11: {  	s15 =	rddreg [dreg:$0x0];
	s5 =	sadd.s32 s3, s5;
	v0 =	vmov s3;
	v5 =	vsel vm7, $0x3380, v5;
	v6 =	vsel vm7, $0x6380, v6  }
0x12: {  	s18 =	rddreg [dreg:$0x2];
	v7 =	vsel vm7, $0x9380, v7;
	v2 =	vsel vm6, $0x1800, v1;
	v1 =	vmov s5  }
0x13: {  	s6 =	simm.s32 $0x0;
	s29 =	simm.s32 $0x1A100;
	s30 =	simm.s32 $0x7;
	v5 =	vsel vm6, $0x4800, v5;
	v6 =	vsel vm6, $0x7800, v6;
	v7 =	vsel vm6, $0xA800, v7  }
0x14: {  	[smem:$0x7FF] =	sst s6;
	s10 =	smul.u32 $0xFFFFFE16, s12;
	s7 =	sadd.s32 $0x400, s18;
	v3 =	vsel vm5, $0x1880, v2;
	v2 =	vlaneseq.u32;
	v5 =	vsel vm5, $0x4880, v5  }
0x15: {  	s22 =	sadd.s32 $0xF4200, s15;
	s23 =	sshll.u32 s12, $0xC;
	s25 =	sshll.u32 s12, $0xA;
	v6 =	vsel vm5, $0x7880, v6;
	v7 =	vsel vm5, $0xA880, v7;
	v4 =	vsel vm4, $0x1900, v3  }
0x16: {  	s8 =	smul.u32 $0xFFFFFF0B, s0;
	s9 =	ssub.s32 $0x2, s0;
	_ =	strace $0x80000047;
	v3 =	vmul.u32 $0x8000, v2;
	v5 =	vsel vm4, $0x4900, v5;
	v6 =	vsel vm4, $0x7900, v6  }
0x17: {  	[dreg:$0x5] =	wrdreg s22;
	s24 =	sshll.u32 s0, $0xB;
	s0 =	sshll.u32 s0, $0x9;
	v7 =	vsel vm4, $0xA900, v7;
	v11 =	vor.u32 $0x30, v2;
	v4 =	vsel vm3, $0x1980, v4  }
0x18: {  	s19 =	sshrl.u32 s9, $0x1;
	s20 =	sshll.u32 s4, $0x5;
	s21 =	sadd.s32 s10, s8;
	v5 =	vsel vm3, $0x4980, v5;
	v6 =	vsel vm3, $0x7980, v6;
	v7 =	vsel vm3, $0xA980, v7  }
0x19: {  	s0 =	sor.u32 s0, s25;
	[dreg:$0x4] =	wrdreg s20;
	s4 =	sadd.s32 $0x1E84, s21;
	v4 =	vsel vm2, $0x1A00, v4;
	v5 =	vsel vm2, $0x4A00, v5;
	v8 =	vsel vm2, $0x7A00, v6  }
.Ltmp0:
0x1a: {  	s11 =	smin.u32 s4, $0xF5;
	s4 =	sor.u32 s24, s23;
	v6 =	vor.u32 $0x10, v2;
	v9 =	vsel vm2, $0xAA00, v7;
	v4 =	vsel vm1, $0x1A80, v4;
	(pc) =	sbr.rel .LBB2_1-.Ltmp0, $4  }
0x1b: {  	s10 =	sadd.s32 $0x20, s20;
	[dreg:$0x8] =	wrdreg s0;
	s28 =	sshrl.u32 s4, $0x2;
	v5 =	vsel vm1, $0x4A80, v5;
	v8 =	vsel vm1, $0x7A80, v8;
	v10 =	vsel vm1, $0xAA80, v9  }
0x1c: {  	s31 =	sxor.u32 $0xFFFFFFFF, s11;
	[dreg:$0x7] =	wrdreg s28;
	s5 =	ssub.s32 s9, s19;
	v9 =	vor.u32 $0x20, v2;
	v7 =	vsel vm0, $0x7B00, v8;
	v8 =	vmul.u32 $0x80, v2  }
0x1d: {  	s20 =	simm.s32 $0xC100;
	[dreg:$0x9] =	wrdreg s31;
	s26 =	smax.u32 s5, $0x1;
	v4 =	vsel vm0, $0x1B00, v4;
	v5 =	vsel vm0, $0x4B00, v5;
	v10 =	vsel vm0, $0xAB00, v10  }
0x1e: {  	s3 =	simm.s32 $0x0;
	s19 =	simm.s32 $0x18100;
	[dreg:$0x6] =	wrdreg s26;
	v12 =	vor.u32 $0x800, v8;
	v13 =	vor.u32 $0x1000, v8;
	v14 =	vor.u32 $0x1800, v8  }
.LBB2_40:
0x1f: {  	[sflag:s30] =	ssyncadd.s32 $0xFFFFFF80  }
.LBB2_41:
0x20: {  	s3 =	sadd.s32 $0x1, s3;
	s0 =	rddreg [dreg:$0x6]  }
0x21: {  	p0 =	sne.s32 s3, s0  }
.Ltmp1:
0x22: {  	_ = 	snop;
	(pc) =	sbr.rel @!p0 .LBB2_42-.Ltmp1, $1  }
0x23: {  	_ =	sdelay $0x3  }
.LBB2_1:
0x24: {  	[dreg:$0xa] =	wrdreg s3  }
0x25: {  	s0 =	rddreg [dreg:$0x1];
	s28 =	simm.s32 $0x8  }
0x26: {  	[tilespmem:s6], [sflag:$0x8] =	stream.linear.gather [hbm4b:s0+s6], $0x4000, $0x38;
	[tilespmem:$0x1C100] =	vst v63  }
0x27: {  	_ =	swait.ge [sflag:s28], $0x4000  }
0x28: {  	s4 =	simm.s32 $0x7A1400;
	[sflag:s28] =	ssyncset.done $0x0  }
0x29: {  	s5 =	simm.s32 $0x400;
	s31 =	rddreg [dreg:$0x5];
	[sflag:s28] =	ssyncadd.s32 $0xFFFFC000  }
0x2a: {  	[tilespmem:s19], [sflag:$0x8] =	stream.strided.gather [hbm4b:s31+s5], $0x2000, s4, s5, $0x38;
	[tilespmem:$0x1C100] =	vst v63  }
0x2b: {  	_ =	swait.ge [sflag:s28], $0x2000  }
0x2c: {  	[sflag:s28] =	ssyncset.done $0x0  }
0x2d: {  	s8 =	simm.s32 $0x40;
	[sflag:s28] =	ssyncadd.s32 $0xFFFFE000  }
0x2e: {  	v15 =	vld [tilespmem:s8+$0xFFFFFFC0];
	_ =	sdelay $0x4  }
0x2f: {  	s9 =	simm.s32 $0x0;
	vm0 =	vge.s32 v15, v0;
	vm1 =	vlt.s32 v15, v1;
	v15 =	vsub.s32 v15, v0  }
0x30: {  	vm0 =	vmand vm0, vm1;
	v15 =	vor.u32 s9, v15  }
0x31: {  	v16 =	vmpcnt.ones.xlane vm0;
	v15 =	vor.u32 v3, v15  }
0x32: {  	[tilespmem:s6+$0x4000] =	vst.msk vm0, v15  }
0x33: {  	v15 =	vld [tilespmem:s8+$0xFFFFFFD0];
	(v2sf) =	vpush v16, $0x0;
	_ =	sdelay $0x4  }
0x34: {  	vm0 =	vge.s32 v15, v0;
	vm1 =	vlt.s32 v15, v1  }
0x35: {  	vm0 =	vmand vm0, vm1  }
0x36: {  	v16 =	vmpcnt.ones.xlane vm0;
	_ =	sdelay $0x1  }
0x37: {  	(v2sf) =	vpush v16, $0x0;
	_ =	sdelay $0x4  }
0x38: {  	s12 =	simm.s32 $0x80000;
	v15 =	vsub.s32 v15, v0  }
0x39: {  	v15 =	vor.u32 s12, v15;
	s13 =	spop (v2sf)  }
0x3a: {  	v15 =	vor.u32 v3, v15;
	s4 =	sadd.s32 $0x0, s13  }
0x3b: {  	[tilespmem:s4+$0x4000] =	vst.msk vm0, v15  }
0x3c: {  	v15 =	vld [tilespmem:s8+$0xFFFFFFE0];
	_ =	sdelay $0x4  }
0x3d: {  	s14 =	simm.s32 $0x100000;
	vm0 =	vge.s32 v15, v0;
	vm1 =	vlt.s32 v15, v1;
	v15 =	vsub.s32 v15, v0  }
0x3e: {  	vm0 =	vmand vm0, vm1;
	v15 =	vor.u32 s14, v15;
	s16 =	spop (v2sf)  }
0x3f: {  	s4 =	sadd.s32 s4, s16;
	v16 =	vmpcnt.ones.xlane vm0;
	v15 =	vor.u32 v3, v15  }
0x40: {  	[tilespmem:s4+$0x4000] =	vst.msk vm0, v15  }
0x41: {  	v15 =	vld [tilespmem:s8+$0xFFFFFFF0];
	(v2sf) =	vpush v16, $0x0;
	_ =	sdelay $0x4  }
0x42: {  	vm0 =	vge.s32 v15, v0;
	vm1 =	vlt.s32 v15, v1  }
0x43: {  	vm0 =	vmand vm0, vm1  }
0x44: {  	v16 =	vmpcnt.ones.xlane vm0;
	_ =	sdelay $0x1  }
0x45: {  	(v2sf) =	vpush v16, $0x0;
	_ =	sdelay $0x4  }
0x46: {  	s17 =	simm.s32 $0x180000;
	v15 =	vsub.s32 v15, v0  }
0x47: {  	v15 =	vor.u32 s17, v15;
	s18 =	spop (v2sf)  }
0x48: {  	v15 =	vor.u32 v3, v15;
	s4 =	sadd.s32 s4, s18  }
0x49: {  	[tilespmem:s4+$0x4000] =	vst.msk vm0, v15  }
0x4a: {  	v15 =	vld [tilespmem:s8+$0x0];
	_ =	sdelay $0x4  }
0x4b: {  	s21 =	simm.s32 $0x200000;
	vm0 =	vge.s32 v15, v0;
	vm1 =	vlt.s32 v15, v1;
	v15 =	vsub.s32 v15, v0  }
0x4c: {  	vm0 =	vmand vm0, vm1;
	v15 =	vor.u32 s21, v15;
	s22 =	spop (v2sf)  }
0x4d: {  	s4 =	sadd.s32 s4, s22;
	v16 =	vmpcnt.ones.xlane vm0;
	v15 =	vor.u32 v3, v15  }
0x4e: {  	[tilespmem:s4+$0x4000] =	vst.msk vm0, v15  }
0x4f: {  	v15 =	vld [tilespmem:s8+$0x10];
	(v2sf) =	vpush v16, $0x0;
	_ =	sdelay $0x4  }
0x50: {  	vm0 =	vge.s32 v15, v0;
	vm1 =	vlt.s32 v15, v1  }
0x51: {  	vm0 =	vmand vm0, vm1  }
0x52: {  	v16 =	vmpcnt.ones.xlane vm0;
	_ =	sdelay $0x1  }
0x53: {  	(v2sf) =	vpush v16, $0x0;
	_ =	sdelay $0x4  }
0x54: {  	s23 =	simm.s32 $0x280000;
	v15 =	vsub.s32 v15, v0  }
0x55: {  	v15 =	vor.u32 s23, v15;
	s24 =	spop (v2sf)  }
0x56: {  	v15 =	vor.u32 v3, v15;
	s4 =	sadd.s32 s4, s24  }
0x57: {  	[tilespmem:s4+$0x4000] =	vst.msk vm0, v15  }
0x58: {  	v15 =	vld [tilespmem:s8+$0x20];
	_ =	sdelay $0x4  }
0x59: {  	s25 =	simm.s32 $0x300000;
	vm0 =	vge.s32 v15, v0;
	vm1 =	vlt.s32 v15, v1;
	v15 =	vsub.s32 v15, v0  }
0x5a: {  	vm0 =	vmand vm0, vm1;
	v15 =	vor.u32 s25, v15;
	s26 =	spop (v2sf)  }
0x5b: {  	s4 =	sadd.s32 s4, s26;
	v16 =	vmpcnt.ones.xlane vm0;
	v15 =	vor.u32 v3, v15  }
0x5c: {  	[tilespmem:s4+$0x4000] =	vst.msk vm0, v15  }
0x5d: {  	v15 =	vld [tilespmem:s8+$0x30];
	(v2sf) =	vpush v16, $0x0;
	_ =	sdelay $0x4  }
0x5e: {  	vm0 =	vge.s32 v15, v0;
	vm1 =	vlt.s32 v15, v1  }
0x5f: {  	vm0 =	vmand vm0, vm1  }
0x60: {  	v16 =	vmpcnt.ones.xlane vm0;
	_ =	sdelay $0x1  }
0x61: {  	(v2sf) =	vpush v16, $0x0;
	_ =	sdelay $0x4  }
0x62: {  	s28 =	simm.s32 $0x380000;
	v15 =	vsub.s32 v15, v0  }
0x63: {  	v15 =	vor.u32 s28, v15;
	s31 =	spop (v2sf)  }
0x64: {  	v15 =	vor.u32 v3, v15;
	s4 =	sadd.s32 s4, s31  }
0x65: {  	s5 =	simm.s32 $0xC0;
	[tilespmem:s4+$0x4000] =	vst.msk vm0, v15  }
0x66: {  	v15 =	vld [tilespmem:s5+$0xFFFFFFC0];
	_ =	sdelay $0x4  }
0x67: {  	s8 =	simm.s32 $0x400000;
	vm0 =	vge.s32 v15, v0;
	vm1 =	vlt.s32 v15, v1;
	v15 =	vsub.s32 v15, v0  }
0x68: {  	s0 =	simm.s32 $0x780000;
	s21 =	simm.s32 $0x8;
	vm0 =	vmand vm0, vm1;
	v15 =	vor.u32 s8, v15;
	s8 =	spop (v2sf)  }
.LBB2_2:
0x69: {  	s21 =	sadd.s32 $0x8, s21;
	v16 =	vmpcnt.ones.xlane vm0;
	v15 =	vor.u32 v3, v15;
	s4 =	sadd.s32 s4, s8  }
0x6a: {  	p0 =	slt.u32 s21, $0x3F8;
	[tilespmem:s4+$0x4000] =	vst.msk vm0, v15  }
0x6b: {  	v15 =	vld [tilespmem:s5+$0xFFFFFFD0];
	(v2sf) =	vpush v16, $0x0;
	_ =	sdelay $0x4  }
0x6c: {  	s8 =	sadd.s32 $0xFFD00000, s0;
	vm0 =	vge.s32 v15, v0;
	vm1 =	vlt.s32 v15, v1;
	v15 =	vsub.s32 v15, v0  }
0x6d: {  	vm0 =	vmand vm0, vm1;
	v15 =	vor.u32 s8, v15  }
0x6e: {  	v16 =	vmpcnt.ones.xlane vm0;
	_ =	sdelay $0x1  }
0x6f: {  	(v2sf) =	vpush v16, $0x0;
	_ =	sdelay $0x5  }
0x70: {  	s8 =	spop (v2sf)  }
0x71: {  	v15 =	vor.u32 v3, v15;
	s4 =	sadd.s32 s4, s8  }
0x72: {  	[tilespmem:s4+$0x4000] =	vst.msk vm0, v15  }
0x73: {  	v15 =	vld [tilespmem:s5+$0xFFFFFFE0];
	_ =	sdelay $0x4  }
0x74: {  	s8 =	sadd.s32 $0xFFD80000, s0;
	vm0 =	vge.s32 v15, v0;
	vm1 =	vlt.s32 v15, v1;
	v15 =	vsub.s32 v15, v0  }
0x75: {  	vm0 =	vmand vm0, vm1;
	v15 =	vor.u32 s8, v15;
	s8 =	spop (v2sf)  }
0x76: {  	s4 =	sadd.s32 s4, s8;
	v16 =	vmpcnt.ones.xlane vm0;
	v15 =	vor.u32 v3, v15  }
0x77: {  	[tilespmem:s4+$0x4000] =	vst.msk vm0, v15  }
0x78: {  	v15 =	vld [tilespmem:s5+$0xFFFFFFF0];
	(v2sf) =	vpush v16, $0x0;
	_ =	sdelay $0x4  }
0x79: {  	s8 =	sadd.s32 $0xFFE00000, s0;
	vm0 =	vge.s32 v15, v0;
	vm1 =	vlt.s32 v15, v1;
	v15 =	vsub.s32 v15, v0  }
0x7a: {  	vm0 =	vmand vm0, vm1;
	v15 =	vor.u32 s8, v15  }
0x7b: {  	v16 =	vmpcnt.ones.xlane vm0;
	_ =	sdelay $0x1  }
0x7c: {  	(v2sf) =	vpush v16, $0x0;
	_ =	sdelay $0x5  }
0x7d: {  	s8 =	spop (v2sf)  }
0x7e: {  	v15 =	vor.u32 v3, v15;
	s4 =	sadd.s32 s4, s8  }
0x7f: {  	[tilespmem:s4+$0x4000] =	vst.msk vm0, v15  }
0x80: {  	v15 =	vld [tilespmem:s5+$0x0];
	_ =	sdelay $0x4  }
0x81: {  	s8 =	sadd.s32 $0xFFE80000, s0;
	vm0 =	vge.s32 v15, v0;
	vm1 =	vlt.s32 v15, v1;
	v15 =	vsub.s32 v15, v0  }
0x82: {  	vm0 =	vmand vm0, vm1;
	v15 =	vor.u32 s8, v15;
	s8 =	spop (v2sf)  }
0x83: {  	s4 =	sadd.s32 s4, s8;
	v16 =	vmpcnt.ones.xlane vm0;
	v15 =	vor.u32 v3, v15  }
0x84: {  	[tilespmem:s4+$0x4000] =	vst.msk vm0, v15  }
0x85: {  	v15 =	vld [tilespmem:s5+$0x10];
	(v2sf) =	vpush v16, $0x0;
	_ =	sdelay $0x4  }
0x86: {  	s8 =	sadd.s32 $0xFFF00000, s0;
	vm0 =	vge.s32 v15, v0;
	vm1 =	vlt.s32 v15, v1;
	v15 =	vsub.s32 v15, v0  }
0x87: {  	vm0 =	vmand vm0, vm1;
	v15 =	vor.u32 s8, v15  }
0x88: {  	v16 =	vmpcnt.ones.xlane vm0;
	_ =	sdelay $0x1  }
0x89: {  	(v2sf) =	vpush v16, $0x0;
	_ =	sdelay $0x5  }
0x8a: {  	s8 =	spop (v2sf)  }
0x8b: {  	v15 =	vor.u32 v3, v15;
	s4 =	sadd.s32 s4, s8  }
0x8c: {  	[tilespmem:s4+$0x4000] =	vst.msk vm0, v15  }
0x8d: {  	v15 =	vld [tilespmem:s5+$0x20];
	_ =	sdelay $0x4  }
0x8e: {  	s8 =	sadd.s32 $0xFFF80000, s0;
	vm0 =	vge.s32 v15, v0;
	vm1 =	vlt.s32 v15, v1;
	v15 =	vsub.s32 v15, v0  }
0x8f: {  	vm0 =	vmand vm0, vm1;
	v15 =	vor.u32 s8, v15;
	s8 =	spop (v2sf)  }
0x90: {  	s4 =	sadd.s32 s4, s8;
	v16 =	vmpcnt.ones.xlane vm0;
	v15 =	vor.u32 v3, v15  }
0x91: {  	[tilespmem:s4+$0x4000] =	vst.msk vm0, v15  }
0x92: {  	v15 =	vld [tilespmem:s5+$0x30];
	(v2sf) =	vpush v16, $0x0;
	_ =	sdelay $0x4  }
0x93: {  	vm0 =	vge.s32 v15, v0;
	vm1 =	vlt.s32 v15, v1;
	v15 =	vsub.s32 v15, v0  }
0x94: {  	vm0 =	vmand vm0, vm1;
	v15 =	vor.u32 s0, v15  }
0x95: {  	v16 =	vmpcnt.ones.xlane vm0;
	_ =	sdelay $0x1  }
0x96: {  	(v2sf) =	vpush v16, $0x0;
	_ =	sdelay $0x5  }
0x97: {  	s8 =	spop (v2sf)  }
0x98: {  	v15 =	vor.u32 v3, v15;
	s4 =	sadd.s32 s4, s8  }
0x99: {  	s5 =	sadd.s32 $0x80, s5;
	[tilespmem:s4+$0x4000] =	vst.msk vm0, v15  }
0x9a: {  	v15 =	vld [tilespmem:s5+$0xFFFFFFC0];
	_ =	sdelay $0x1  }
.Ltmp2:
0x9b: {  	(pc) =	sbr.rel @p0 .LBB2_2-.Ltmp2, $4  }
0x9c: {  	_ = 	snop  }
0x9d: {  	s0 =	sadd.s32 $0x400000, s0  }
0x9e: {  	s8 =	sadd.s32 $0xFFC80000, s0;
	vm0 =	vge.s32 v15, v0;
	vm1 =	vlt.s32 v15, v1;
	v15 =	vsub.s32 v15, v0  }
0x9f: {  	vm0 =	vmand vm0, vm1;
	v15 =	vor.u32 s8, v15;
	s8 =	spop (v2sf)  }
0xa0: {  	v16 =	vmpcnt.ones.xlane vm0;
	_ =	sdelay $0x1  }
0xa1: {  	(v2sf) =	vpush v16, $0x0;
	_ =	sdelay $0x4  }
0xa2: {  	v15 =	vor.u32 v3, v15;
	s4 =	sadd.s32 s4, s8  }
0xa3: {  	[tilespmem:s4+$0x4000] =	vst.msk vm0, v15  }
0xa4: {  	v15 =	vld [tilespmem:s5+$0xFFFFFFD0];
	_ =	sdelay $0x4  }
0xa5: {  	vm14 =	vge.s32 v15, v0;
	vm1 =	vlt.s32 v15, v1  }
0xa6: {  	vm0 =	vmand vm14, vm1  }
0xa7: {  	s9 =	sadd.s32 $0xFFD00000, s0;
	v15 =	vsub.s32 v15, v0;
	v56 =	vmpcnt.ones.xlane vm0  }
0xa8: {  	v15 =	vor.u32 s9, v15;
	s12 =	spop (v2sf)  }
0xa9: {  	v15 =	vor.u32 v3, v15;
	(v2sf) =	vpush v56, $0x0;
	s4 =	sadd.s32 s4, s12  }
0xaa: {  	[tilespmem:s4+$0x4000] =	vst.msk vm0, v15  }
0xab: {  	v15 =	vld [tilespmem:s5+$0xFFFFFFE0];
	_ =	sdelay $0x4  }
0xac: {  	vm15 =	vge.s32 v15, v0;
	vm4 =	vlt.s32 v15, v1  }
0xad: {  	vm0 =	vmand vm15, vm4  }
0xae: {  	v57 =	vmpcnt.ones.xlane vm0;
	_ =	sdelay $0x1  }
0xaf: {  	(v2sf) =	vpush v57, $0x0;
	_ =	sdelay $0x2  }
0xb0: {  	s13 =	sadd.s32 $0xFFD80000, s0;
	v15 =	vsub.s32 v15, v0  }
0xb1: {  	v15 =	vor.u32 s13, v15;
	s14 =	spop (v2sf)  }
0xb2: {  	s4 =	sadd.s32 s4, s14;
	v15 =	vor.u32 v3, v15  }
0xb3: {  	[tilespmem:s4+$0x4000] =	vst.msk vm0, v15  }
0xb4: {  	v15 =	vld [tilespmem:s5+$0xFFFFFFF0];
	_ =	sdelay $0x4  }
0xb5: {  	vm5 =	vge.s32 v15, v0;
	vm6 =	vlt.s32 v15, v1  }
0xb6: {  	vm0 =	vmand vm5, vm6  }
0xb7: {  	s16 =	sadd.s32 $0xFFE00000, s0;
	v15 =	vsub.s32 v15, v0;
	v58 =	vmpcnt.ones.xlane vm0  }
0xb8: {  	v15 =	vor.u32 s16, v15;
	s17 =	spop (v2sf)  }
0xb9: {  	v15 =	vor.u32 v3, v15;
	(v2sf) =	vpush v58, $0x0;
	s4 =	sadd.s32 s4, s17  }
0xba: {  	[tilespmem:s4+$0x4000] =	vst.msk vm0, v15  }
0xbb: {  	v15 =	vld [tilespmem:s5+$0x0];
	_ =	sdelay $0x4  }
0xbc: {  	vm7 =	vge.s32 v15, v0;
	vm8 =	vlt.s32 v15, v1  }
0xbd: {  	vm0 =	vmand vm7, vm8  }
0xbe: {  	v59 =	vmpcnt.ones.xlane vm0;
	_ =	sdelay $0x1  }
0xbf: {  	(v2sf) =	vpush v59, $0x0;
	_ =	sdelay $0x2  }
0xc0: {  	s18 =	sadd.s32 $0xFFE80000, s0;
	v15 =	vsub.s32 v15, v0  }
0xc1: {  	v15 =	vor.u32 s18, v15;
	s21 =	spop (v2sf)  }
0xc2: {  	s4 =	sadd.s32 s4, s21;
	v15 =	vor.u32 v3, v15  }
0xc3: {  	[tilespmem:s4+$0x4000] =	vst.msk vm0, v15  }
0xc4: {  	v15 =	vld [tilespmem:s5+$0x10];
	_ =	sdelay $0x4  }
0xc5: {  	vm9 =	vge.s32 v15, v0;
	vm10 =	vlt.s32 v15, v1  }
0xc6: {  	vm0 =	vmand vm9, vm10  }
0xc7: {  	s22 =	sadd.s32 $0xFFF00000, s0;
	v15 =	vsub.s32 v15, v0;
	v60 =	vmpcnt.ones.xlane vm0  }
0xc8: {  	v15 =	vor.u32 s22, v15;
	s23 =	spop (v2sf)  }
0xc9: {  	v15 =	vor.u32 v3, v15;
	(v2sf) =	vpush v60, $0x0;
	s4 =	sadd.s32 s4, s23  }
0xca: {  	[tilespmem:s4+$0x4000] =	vst.msk vm0, v15  }
0xcb: {  	v15 =	vld [tilespmem:s5+$0x20];
	_ =	sdelay $0x4  }
0xcc: {  	vm11 =	vge.s32 v15, v0;
	vm12 =	vlt.s32 v15, v1  }
0xcd: {  	vm0 =	vmand vm11, vm12  }
0xce: {  	v61 =	vmpcnt.ones.xlane vm0;
	_ =	sdelay $0x1  }
0xcf: {  	(v2sf) =	vpush v61, $0x0;
	_ =	sdelay $0x2  }
0xd0: {  	s24 =	sadd.s32 $0xFFF80000, s0;
	v15 =	vsub.s32 v15, v0  }
0xd1: {  	v15 =	vor.u32 s24, v15;
	s25 =	spop (v2sf)  }
0xd2: {  	s4 =	sadd.s32 s4, s25;
	v15 =	vor.u32 v3, v15  }
0xd3: {  	[tilespmem:s4+$0x4000] =	vst.msk vm0, v15  }
0xd4: {  	v15 =	vld [tilespmem:s5+$0x30];
	_ =	sdelay $0x4  }
0xd5: {  	vm13 =	vge.s32 v15, v0;
	vm14 =	vlt.s32 v15, v1  }
0xd6: {  	vm0 =	vmand vm13, vm14  }
0xd7: {  	v15 =	vsub.s32 v15, v0;
	v62 =	vmpcnt.ones.xlane vm0  }
0xd8: {  	v15 =	vor.u32 s0, v15;
	s26 =	spop (v2sf)  }
0xd9: {  	v15 =	vor.u32 v3, v15;
	(v2sf) =	vpush v62, $0x0;
	s0 =	sadd.s32 s4, s26  }
0xda: {  	s28 =	rddreg [dreg:$0x7];
	[tilespmem:s0+$0x4000] =	vst.msk vm0, v15  }
0xdb: {  	v15 =	vld [tilespmem:s28+$0x0];
	_ =	sdelay $0x4  }
0xdc: {  	vm15 =	vgt.s32 v15, $0xF41FF  }
0xdd: {  	v17 =	vmpcnt.ones.xlane vm15;
	_ =	sdelay $0x1  }
0xde: {  	s3 =	rddreg [dreg:$0x4];
	(v2sf) =	vpush v17, $0x0  }
0xdf: {  	s4 =	sadd.s32 $0x1, s3  }
0xe0: {  	s9 =	rddreg [dreg:$0x8];
	p0 =	slt.u32 s4, s10  }
.Ltmp3:
0xe1: {  	v63 =	vmov s9;
	(pc) =	sbr.rel @!p0 .LBB2_5-.Ltmp3, $4  }
0xe2: {  	v16 =	vshll.u32 v63, $0xF  }
0xe3: {  	v16 =	vor.u32 v3, v16;
	v15 =	vadd.s32 $0xFFF13880, v15;
	s31 =	spop (v2sf)  }
0xe4: {  	v15 =	vor.u32 v16, v15;
	s0 =	sadd.s32 s0, s31  }
0xe5: {  	s8 =	smov.u32 s9;
	s5 =	sadd.s32 $0x10, s28;
	[tilespmem:s0+$0x4000] =	vst.msk vm15, v15  }
.LBB2_4:
0xe6: {  	v15 =	vld [tilespmem:s5+$0x0];
	s4 =	sadd.s32 $0x1, s4  }
0xe7: {  	p0 =	slt.u32 s4, s10;
	_ =	sdelay $0x2  }
0xe8: {  	s8 =	sadd.s32 $0x10, s8  }
0xe9: {  	v16 =	vmov s8;
	vm0 =	vgt.s32 v15, $0xF41FF;
	v15 =	vadd.s32 $0xFFF13880, v15  }
0xea: {  	v16 =	vshll.u32 v16, $0xF;
	v17 =	vmpcnt.ones.xlane vm0  }
0xeb: {  	v16 =	vor.u32 v3, v16;
	s9 =	spop (v2sf)  }
0xec: {  	v15 =	vor.u32 v16, v15;
	(v2sf) =	vpush v17, $0x0;
	s0 =	sadd.s32 s0, s9  }
0xed: {  	[tilespmem:s0+$0x4000] =	vst.msk vm0, v15;
	_ =	sdelay $0x1  }
.Ltmp4:
0xee: {  	(pc) =	sbr.rel @p0 .LBB2_4-.Ltmp4, $2  }
0xef: {  	_ =	sdelay $0x2  }
0xf0: {  	s5 =	sadd.s32 $0x10, s5  }
.LBB2_5:
0xf1: {  	_ = 	snop  }
0xf2: {  	s3 =	rddreg [dreg:$0x9]  }
0xf3: {  	s4 =	sadd.s32 $0x1, s3  }
0xf4: {  	p0 =	seq.s32 s4, $0x0  }
.Ltmp5:
0xf5: {  	_ = 	snop;
	(pc) =	sbr.rel @p0 .LBB2_7-.Ltmp5, $3  }
0xf6: {  	_ =	sdelay $0x1  }
0xf7: {  	s8 =	simm.s32 $0x0;
	s5 =	spop (v2sf)  }
0xf8: {  	[smem:s8] =	sst s6;
	s5 =	sadd.s32 s0, s5  }
.LBB2_6:
0xf9: {  	s4 =	sadd.s32 $0x1, s4  }
0xfa: {  	p0 =	seq.s32 s4, $0x0  }
.Ltmp6:
0xfb: {  	_ = 	snop;
	(pc) =	sbr.rel @!p0 .LBB2_6-.Ltmp6, $3  }
0xfc: {  	_ =	sdelay $0x1  }
0xfd: {  	s8 =	sadd.s32 $0x1, s8  }
0xfe: {  	[smem:s8] =	sst s6  }
.LBB2_7:
0xff: {  	s0 =	sadd.s32 $0xF, s5  }
0x100: {  	s4 =	sand.u32 $0xF, s0  }
0x101: {  	s8 =	sshra.s32 s0, $0x1F;
	p0 =	slt.s32 s0, $0x1;
	p1 =	sne.s32 s4, $0x0  }
0x102: {  	s31 =	sshrl.u32 s8, $0x1C;
	p0 =	por !p0, !p1  }
0x103: {  	s4 =	simm.s32 $0x1;
	s0 =	sadd.s32 s31, s0;
	p0 =	por !p0, !p0  }
0x104: {  	s0 =	sshra.s32 s0, $0x4;
	s4 =	simm.s32 @!p0 $0x0  }
0x105: {  	s0 =	ssub.s32 s0, s4  }
0x106: {  	p1 =	sgt.s32 s0, $0x0  }
.Ltmp7:
0x107: {  	_ = 	snop;
	(pc) =	sbr.rel @!p1 .LBB2_15-.Ltmp7, $1  }
0x108: {  	_ =	sdelay $0x3  }
0x109: {  	s4 =	simm.s32 $0x4000  }
0x10a: {  	v15 =	vld [tilespmem:s4+$0x0];
	_ =	sdelay $0x3  }
0x10b: {  	p0 =	sle.s32 s5, $0x1  }
0x10c: {  	p2 =	sle.s32 s5, $0x0;
	(v2sf) =	vpush @!p0 v15, $0x1  }
0x10d: {  	p5 =	sle.s32 s5, $0x2;
	(v2sf) =	vpush @!p2 v15, $0x0  }
0x10e: {  	p4 =	sle.s32 s5, $0x3;
	(v2sf) =	vpush @!p5 v15, $0x2  }
0x10f: {  	s3 =	simm.s32 @!p1 $0x0;
	p3 =	sle.s32 s5, $0x4;
	(v2sf) =	vpush @!p4 v15, $0x3  }
0x110: {  	p6 =	sle.s32 s5, $0x5;
	s3 =	simm.s32 @p1 $0x1;
	p1 =	sle.s32 s5, $0x9;
	(v2sf) =	vpush @!p3 v15, $0x4  }
0x111: {  	[smem:$0x7FD] =	sst s3;
	s3 =	simm.s32 @!p1 $0x0;
	(v2sf) =	vpush @!p6 v15, $0x5  }
0x112: {  	s3 =	simm.s32 @p1 $0x1;
	(v2sf) =	vpush @!p1 v15, $0x9;
	p1 =	sle.s32 s5, $0x6  }
0x113: {  	[smem:$0x7F3] =	sst s3;
	s3 =	simm.s32 @!p1 $0x0  }
0x114: {  	(v2sf) =	vpush @!p1 v15, $0x6;
	s3 =	simm.s32 @p1 $0x1;
	p1 =	sle.s32 s5, $0x7  }
0x115: {  	[smem:$0x7F4] =	sst s3;
	s3 =	simm.s32 @!p1 $0x0  }
0x116: {  	(v2sf) =	vpush @!p1 v15, $0x7;
	s3 =	simm.s32 @p1 $0x1;
	p1 =	sle.s32 s5, $0xA  }
0x117: {  	[smem:$0x7F5] =	sst s3;
	s3 =	simm.s32 @!p1 $0x0  }
0x118: {  	(v2sf) =	vpush @!p1 v15, $0xA;
	s3 =	simm.s32 @p1 $0x1;
	p1 =	sle.s32 s5, $0xB  }
0x119: {  	[smem:$0x7F6] =	sst s3;
	s3 =	simm.s32 @!p1 $0x0  }
0x11a: {  	(v2sf) =	vpush @!p1 v15, $0xB;
	s3 =	simm.s32 @p1 $0x1;
	p1 =	sle.s32 s5, $0x8  }
0x11b: {  	[smem:$0x7F7] =	sst s3;
	s3 =	simm.s32 @!p1 $0x0  }
0x11c: {  	s22 =	sadd.s32 $0xFFFFFFFF, s0;
	(v2sf) =	vpush @!p1 v15, $0x8;
	s3 =	simm.s32 @p1 $0x1;
	p1 =	sle.s32 s5, $0xC  }
0x11d: {  	s4 =	spop @!p0 (v2sf);
	[smem:$0x7F8] =	sst s3;
	s3 =	simm.s32 @!p1 $0x0  }
0x11e: {  	s8 =	spop @!p2 (v2sf);
	(v2sf) =	vpush @!p1 v15, $0xC;
	s3 =	simm.s32 @p1 $0x1;
	p1 =	seq.s32 s22, $0x0  }
0x11f: {  	[smem:$0x7F9] =	sst s3;
	s3 =	simm.s32 @!p1 $0x0  }
0x120: {  	s3 =	simm.s32 @p1 $0x1  }
0x121: {  	p1 =	sle.s32 s5, $0xD;
	[smem:$0x7FC] =	sst s3  }
0x122: {  	s3 =	simm.s32 @!p1 $0x0;
	s31 =	sld [smem:$0x7FC]  }
0x123: {  	(v2sf) =	vpush @!p1 v15, $0xD;
	s3 =	simm.s32 @p1 $0x1;
	p1 =	sle.s32 s5, $0xF  }
0x124: {  	[smem:$0x7FA] =	sst s3;
	s3 =	simm.s32 @!p1 $0x0  }
0x125: {  	s3 =	simm.s32 @p1 $0x1;
	p1 =	seq.s32 s31, $0x1  }
.Ltmp8:
0x126: {  	_ = 	snop;
	(pc) =	sbr.rel @p1 .LBB2_9-.Ltmp8, $3  }
0x127: {  	_ =	sdelay $0x1  }
0x128: {  	s25 =	simm.s32 $0xE  }
0x129: {  	s4 =	sshrl.u32 @!p0 s4, $0x7;
	s9 =	sshrl.u32 @!p2 s8, $0x7;
	[smem:$0x7FB] =	sst s3  }
0x12a: {  	s8 =	sand.u32 @!p2 $0xFF, s9  }
0x12b: {  	s8 =	smin.u32 @!p2 s8, s2  }
0x12c: {  	s9 =	sld @!p2 [smem:s8+$0x0];
	_ =	sdelay $0x2  }
0x12d: {  	s4 =	sand.u32 @!p0 $0xFF, s4;
	s9 =	sadd.s32 @!p2 $0x1, s9  }
0x12e: {  	s4 =	smin.u32 @!p0 s4, s2;
	[smem:s8] =	sst @!p2 s9  }
0x12f: {  	s8 =	sld @!p0 [smem:s4+$0x0]  }
0x130: {  	s9 =	spop @!p5 (v2sf)  }
0x131: {  	s9 =	sshrl.u32 @!p5 s9, $0x7  }
0x132: {  	s9 =	sand.u32 @!p5 $0xFF, s9;
	s8 =	sadd.s32 @!p0 $0x1, s8  }
0x133: {  	[smem:s4] =	sst @!p0 s8;
	s4 =	smin.u32 @!p5 s9, s2  }
0x134: {  	s8 =	sld @!p5 [smem:s4+$0x0]  }
0x135: {  	s9 =	spop @!p4 (v2sf)  }
0x136: {  	s9 =	sshrl.u32 @!p4 s9, $0x7  }
0x137: {  	s9 =	sand.u32 @!p4 $0xFF, s9;
	s8 =	sadd.s32 @!p5 $0x1, s8  }
0x138: {  	[smem:s4] =	sst @!p5 s8;
	s4 =	smin.u32 @!p4 s9, s2  }
0x139: {  	s8 =	sld @!p4 [smem:s4+$0x0]  }
0x13a: {  	s9 =	spop @!p3 (v2sf)  }
0x13b: {  	s9 =	sshrl.u32 @!p3 s9, $0x7  }
0x13c: {  	s9 =	sand.u32 @!p3 $0xFF, s9;
	s8 =	sadd.s32 @!p4 $0x1, s8  }
0x13d: {  	[smem:s4] =	sst @!p4 s8;
	s4 =	smin.u32 @!p3 s9, s2  }
0x13e: {  	s8 =	sld @!p3 [smem:s4+$0x0]  }
0x13f: {  	s3 =	sld [smem:$0x7F3];
	s9 =	spop @!p6 (v2sf)  }
0x140: {  	s18 =	sld [smem:$0x7F4];
	s9 =	sshrl.u32 @!p6 s9, $0x7  }
0x141: {  	s9 =	sand.u32 @!p6 $0xFF, s9;
	s8 =	sadd.s32 @!p3 $0x1, s8  }
0x142: {  	p0 =	seq.s32 s3, $0x1;
	[smem:s4] =	sst @!p3 s8;
	s4 =	smin.u32 @!p6 s9, s2  }
0x143: {  	p1 =	seq.s32 s18, $0x1;
	s8 =	spop @!p0 (v2sf);
	s9 =	sld @!p6 [smem:s4+$0x0]  }
0x144: {  	s12 =	spop @!p1 (v2sf)  }
0x145: {  	s12 =	sshrl.u32 @!p1 s12, $0x7  }
0x146: {  	s21 =	sld [smem:$0x7F5];
	s12 =	sand.u32 @!p1 $0xFF, s12;
	s9 =	sadd.s32 @!p6 $0x1, s9  }
0x147: {  	[smem:s4] =	sst @!p6 s9;
	s4 =	smin.u32 @!p1 s12, s2  }
0x148: {  	s9 =	sld @!p1 [smem:s4+$0x0]  }
0x149: {  	s23 =	sld [smem:$0x7F6];
	p2 =	seq.s32 s21, $0x1  }
0x14a: {  	s24 =	sld [smem:$0x7F7];
	s12 =	spop @!p2 (v2sf)  }
0x14b: {  	s25 =	sld [smem:$0x7F8];
	s12 =	sshrl.u32 @!p2 s12, $0x7;
	s9 =	sadd.s32 @!p1 $0x1, s9  }
0x14c: {  	s12 =	sand.u32 @!p2 $0xFF, s12;
	[smem:s4] =	sst @!p1 s9;
	p1 =	seq.s32 s23, $0x1  }
0x14d: {  	p3 =	seq.s32 s24, $0x1;
	s9 =	smin.u32 @!p2 s12, s2;
	s4 =	spop @!p1 (v2sf)  }
0x14e: {  	p4 =	seq.s32 s25, $0x1;
	s13 =	sld @!p2 [smem:s9+$0x0];
	s12 =	spop @!p3 (v2sf)  }
0x14f: {  	s14 =	spop @!p4 (v2sf)  }
0x150: {  	s14 =	sshrl.u32 @!p4 s14, $0x7  }
0x151: {  	s13 =	sadd.s32 @!p2 $0x1, s13;
	s14 =	sand.u32 @!p4 $0xFF, s14  }
0x152: {  	[smem:s9] =	sst @!p2 s13;
	s9 =	smin.u32 @!p4 s14, s2  }
0x153: {  	s13 =	sld @!p4 [smem:s9+$0x0];
	_ =	sdelay $0x1  }
0x154: {  	s8 =	sshrl.u32 @!p0 s8, $0x7  }
0x155: {  	s8 =	sand.u32 @!p0 $0xFF, s8;
	s13 =	sadd.s32 @!p4 $0x1, s13  }
0x156: {  	s8 =	smin.u32 @!p0 s8, s2;
	[smem:s9] =	sst @!p4 s13  }
0x157: {  	s9 =	sld @!p0 [smem:s8+$0x0];
	_ =	sdelay $0x1  }
0x158: {  	s4 =	sshrl.u32 @!p1 s4, $0x7  }
0x159: {  	s4 =	sand.u32 @!p1 $0xFF, s4;
	s9 =	sadd.s32 @!p0 $0x1, s9  }
0x15a: {  	s4 =	smin.u32 @!p1 s4, s2;
	[smem:s8] =	sst @!p0 s9  }
0x15b: {  	s8 =	sld @!p1 [smem:s4+$0x0];
	_ =	sdelay $0x1  }
0x15c: {  	s28 =	sld [smem:$0x7F9];
	p0 =	sle.s32 s5, $0xE;
	s9 =	sshrl.u32 @!p3 s12, $0x7  }
0x15d: {  	(v2sf) =	vpush @!p0 v15, $0xE;
	s9 =	sand.u32 @!p3 $0xFF, s9;
	s8 =	sadd.s32 @!p1 $0x1, s8  }
0x15e: {  	[smem:s4] =	sst @!p1 s8;
	s4 =	smin.u32 @!p3 s9, s2  }
0x15f: {  	p1 =	seq.s32 s28, $0x1;
	s8 =	sld @!p3 [smem:s4+$0x0]  }
0x160: {  	s9 =	spop @!p1 (v2sf)  }
0x161: {  	s31 =	sld [smem:$0x7FA];
	s9 =	sshrl.u32 @!p1 s9, $0x7  }
0x162: {  	s26 =	sld [smem:$0x7FB];
	s9 =	sand.u32 @!p1 $0xFF, s9;
	s8 =	sadd.s32 @!p3 $0x1, s8  }
0x163: {  	[smem:s4] =	sst @!p3 s8;
	s4 =	smin.u32 @!p1 s9, s2  }
0x164: {  	p3 =	seq.s32 s31, $0x1;
	s8 =	sld @!p1 [smem:s4+$0x0]  }
0x165: {  	s9 =	spop @!p3 (v2sf)  }
0x166: {  	s21 =	simm.s32 $0x4010;
	s9 =	sshrl.u32 @!p3 s9, $0x7  }
0x167: {  	p2 =	seq.s32 s26, $0x1;
	s9 =	sand.u32 @!p3 $0xFF, s9;
	s8 =	sadd.s32 @!p1 $0x1, s8  }
0x168: {  	(v2sf) =	vpush @!p2 v15, $0xF;
	v15 =	vld [tilespmem:s21+$0x0];
	[smem:s4] =	sst @!p1 s8;
	s4 =	smin.u32 @!p3 s9, s2  }
0x169: {  	s8 =	sld @!p3 [smem:s4+$0x0];
	_ =	sdelay $0x1  }
0x16a: {  	p5 =	sle.s32 s5, $0x11;
	p4 =	sle.s32 s5, $0x10;
	p1 =	sle.s32 s5, $0x12  }
0x16b: {  	s9 =	spop @!p0 (v2sf);
	s3 =	simm.s32 @!p1 $0x0;
	s8 =	sadd.s32 @!p3 $0x1, s8  }
0x16c: {  	(v2sf) =	vpush @!p5 v15, $0x1;
	s3 =	simm.s32 @p1 $0x1;
	[smem:s4] =	sst @!p3 s8;
	p3 =	sle.s32 s5, $0x13  }
0x16d: {  	(v2sf) =	vpush @!p4 v15, $0x0;
	s9 =	sshrl.u32 @!p0 s9, $0x7;
	[smem:$0x7F1] =	sst s3;
	s3 =	simm.s32 @!p3 $0x0  }
0x16e: {  	(v2sf) =	vpush @!p1 v15, $0x2;
	p1 =	sle.s32 s5, $0x14;
	s9 =	sand.u32 @!p0 $0xFF, s9;
	s3 =	simm.s32 @p3 $0x1  }
0x16f: {  	s4 =	smin.u32 @!p0 s9, s2;
	(v2sf) =	vpush @!p3 v15, $0x3;
	[smem:$0x7EC] =	sst s3;
	s3 =	simm.s32 @!p1 $0x0  }
0x170: {  	s8 =	sld @!p0 [smem:s4+$0x0];
	(v2sf) =	vpush @!p1 v15, $0x4;
	s3 =	simm.s32 @p1 $0x1;
	p1 =	sle.s32 s5, $0x15  }
0x171: {  	[smem:$0x7ED] =	sst s3;
	s3 =	simm.s32 @!p1 $0x0  }
0x172: {  	(v2sf) =	vpush @!p1 v15, $0x5;
	s3 =	simm.s32 @p1 $0x1;
	p1 =	sle.s32 s5, $0x19  }
0x173: {  	s8 =	sadd.s32 @!p0 $0x1, s8;
	[smem:$0x7F2] =	sst s3;
	s3 =	simm.s32 @!p1 $0x0  }
0x174: {  	[smem:s4] =	sst @!p0 s8;
	p0 =	sle.s32 s5, $0x16;
	s3 =	simm.s32 @p1 $0x1  }
0x175: {  	(v2sf) =	vpush @!p1 v15, $0x9;
	[smem:$0x7F3] =	sst s3;
	s3 =	simm.s32 @!p0 $0x0  }
0x176: {  	(v2sf) =	vpush @!p0 v15, $0x6;
	s3 =	simm.s32 @p0 $0x1;
	p0 =	sle.s32 s5, $0x17  }
0x177: {  	[smem:$0x7F4] =	sst s3;
	s3 =	simm.s32 @!p0 $0x0  }
0x178: {  	(v2sf) =	vpush @!p0 v15, $0x7;
	s3 =	simm.s32 @p0 $0x1;
	p0 =	sle.s32 s5, $0x1A  }
0x179: {  	s22 =	sadd.s32 $0xFFFFFFFF, s22;
	[smem:$0x7F5] =	sst s3;
	s3 =	simm.s32 @!p0 $0x0  }
0x17a: {  	s25 =	simm.s32 $0x1E;
	(v2sf) =	vpush @!p0 v15, $0xA;
	s3 =	simm.s32 @p0 $0x1;
	p0 =	sle.s32 s5, $0x1B  }
0x17b: {  	s23 =	simm.s32 $0x1F;
	[smem:$0x7F6] =	sst s3;
	s3 =	simm.s32 @!p0 $0x0  }
0x17c: {  	s4 =	spop @!p2 (v2sf);
	(v2sf) =	vpush @!p0 v15, $0xB;
	s3 =	simm.s32 @p0 $0x1;
	p0 =	sle.s32 s5, $0x18  }
0x17d: {  	p6 =	por p2, p2;
	[smem:$0x7F7] =	sst s3;
	s3 =	simm.s32 @!p0 $0x0  }
0x17e: {  	s4 =	sshrl.u32 @!p2 s4, $0x7;
	(v2sf) =	vpush @!p0 v15, $0x8;
	s3 =	simm.s32 @p0 $0x1;
	p0 =	sle.s32 s5, $0x1C  }
0x17f: {  	s12 =	spop @!p5 (v2sf);
	[smem:$0x7F8] =	sst s3;
	s3 =	simm.s32 @!p0 $0x0  }
0x180: {  	s9 =	spop @!p4 (v2sf);
	(v2sf) =	vpush @!p0 v15, $0xC;
	s3 =	simm.s32 @p0 $0x1;
	p0 =	sle.s32 s5, $0x1D  }
0x181: {  	s4 =	sand.u32 @!p2 $0xFF, s4;
	[smem:$0x7F9] =	sst s3;
	s3 =	simm.s32 @!p0 $0x0  }
0x182: {  	p2 =	seq.s32 s22, $0x0;
	(v2sf) =	vpush @!p0 v15, $0xD;
	s3 =	simm.s32 @p0 $0x1;
	p0 =	sle.s32 s5, $0x1F  }
.Ltmp9:
0x183: {  	[smem:$0x7FA] =	sst s3;
	s3 =	simm.s32 @!p0 $0x0;
	(pc) =	sbr.rel @p2 .LBB2_11-.Ltmp9, $4  }
0x184: {  	p3 =	por $0x1, $0x1;
	s8 =	smin.u32 @!p6 s4, s2;
	s3 =	simm.s32 @p0 $0x1  }
0x185: {  	p1 =	por p4, p4;
	[smem:$0x7FB] =	sst s3;
	s3 =	simm.s32 @!p3 $0x0  }
0x186: {  	s4 =	sshrl.u32 @!p5 s12, $0x7;
	s12 =	sld @!p6 [smem:s8+$0x0];
	s3 =	simm.s32 @p3 $0x1  }
0x187: {  	s9 =	sshrl.u32 @!p4 s9, $0x7;
	p4 =	por p5, p5;
	[smem:$0x7EF] =	sst s3  }
.LBB2_12:
0x188: {  	s17 =	sld [smem:$0x7F1]  }
0x189: {  	s18 =	sld [smem:$0x7EC]  }
0x18a: {  	p0 =	por p1, p1;
	s24 =	sld [smem:$0x7ED]  }
0x18b: {  	s9 =	sand.u32 @!p1 $0xFF, s9;
	p1 =	sge.s32 s25, s5;
	s25 =	sld [smem:$0x7FB]  }
0x18c: {  	s26 =	sld [smem:$0x7F2]  }
0x18d: {  	s28 =	sld [smem:$0x7F3];
	s3 =	simm.s32 @!p1 $0x0  }
0x18e: {  	s31 =	sld [smem:$0x7F4];
	s3 =	simm.s32 @p1 $0x1  }
0x18f: {  	s4 =	sand.u32 @!p4 $0xFF, s4;
	s12 =	sadd.s32 @!p6 $0x1, s12;
	[smem:$0x7E9] =	sst s3  }
0x190: {  	s9 =	smin.u32 @!p0 s9, s2;
	p2 =	seq.s32 s17, $0x1;
	[smem:s8] =	sst @!p6 s12  }
0x191: {  	p3 =	seq.s32 s18, $0x1;
	p5 =	seq.s32 s24, $0x1;
	s24 =	sld [smem:$0x7F6]  }
0x192: {  	p6 =	seq.s32 s31, $0x1;
	s31 =	sld [smem:$0x7FA];
	s13 =	spop @!p2 (v2sf)  }
0x193: {  	s8 =	sld @!p0 [smem:s9+$0x0];
	s14 =	spop @!p3 (v2sf);
	(v2sf) =	vpush @!p1 v15, $0xE;
	p1 =	seq.s32 s25, $0x1  }
0x194: {  	s13 =	sshrl.u32 @!p2 s13, $0x7;
	s25 =	sld [smem:$0x7F7];
	s3 =	simm.s32 @!p1 $0x0  }
0x195: {  	s15 =	spop @!p5 (v2sf);
	(v2sf) =	vpush @!p1 v15, $0xF;
	s3 =	simm.s32 @p1 $0x1;
	p1 =	seq.s32 s26, $0x1  }
0x196: {  	s8 =	sadd.s32 @!p0 $0x1, s8;
	s26 =	sld [smem:$0x7F8];
	s16 =	spop @!p1 (v2sf)  }
0x197: {  	[smem:$0x7FB] =	sst s3;
	s3 =	simm.s32 @!p1 $0x0;
	s12 =	sshrl.u32 @!p1 s16, $0x7  }
0x198: {  	s3 =	simm.s32 @p1 $0x1;
	s12 =	sand.u32 @!p1 $0xFF, s12;
	p1 =	seq.s32 s28, $0x1  }
0x199: {  	[smem:s9] =	sst @!p0 s8;
	s16 =	smin.u32 @!p4 s4, s2;
	s4 =	spop @!p1 (v2sf)  }
0x19a: {  	s9 =	sld @!p4 [smem:s16+$0x0];
	s17 =	sshrl.u32 @!p1 s4, $0x7;
	s4 =	spop @!p6 (v2sf)  }
0x19b: {  	s18 =	sand.u32 @!p2 $0xFF, s13;
	s13 =	sshrl.u32 @!p6 s4, $0x7;
	s4 =	sld [smem:$0x7F5]  }
0x19c: {  	[smem:$0x7F2] =	sst s3;
	s3 =	simm.s32 @!p1 $0x0  }
0x19d: {  	p0 =	seq.s32 s24, $0x1;
	s28 =	sld [smem:$0x7F9];
	s3 =	simm.s32 @p1 $0x1  }
0x19e: {  	[smem:$0x7F3] =	sst s3;
	s9 =	sadd.s32 @!p4 $0x1, s9;
	p1 =	seq.s32 s4, $0x1  }
0x19f: {  	[smem:s16] =	sst @!p4 s9;
	s3 =	simm.s32 @!p1 $0x0;
	s4 =	spop @!p1 (v2sf)  }
0x1a0: {  	s3 =	simm.s32 @p1 $0x1;
	s8 =	sshrl.u32 @!p1 s4, $0x7;
	s4 =	spop @!p0 (v2sf)  }
0x1a1: {  	p1 =	seq.s32 s25, $0x1;
	s25 =	smin.u32 @!p2 s18, s2;
	[smem:$0x7F5] =	sst s3  }
0x1a2: {  	s3 =	simm.s32 @!p0 $0x0;
	s4 =	sshrl.u32 @!p0 s4, $0x7;
	s24 =	spop @!p1 (v2sf)  }
0x1a3: {  	s3 =	simm.s32 @p0 $0x1;
	s18 =	sand.u32 @!p0 $0xFF, s4;
	s4 =	sshrl.u32 @!p1 s24, $0x7  }
0x1a4: {  	p0 =	seq.s32 s26, $0x1;
	[smem:$0x7F6] =	sst s3;
	s3 =	simm.s32 @!p1 $0x0  }
0x1a5: {  	s24 =	spop @!p0 (v2sf);
	s4 =	sand.u32 @!p1 $0xFF, s4;
	p4 =	por p0, p0  }
0x1a6: {  	s3 =	simm.s32 @p1 $0x1;
	s24 =	sshrl.u32 @!p0 s24, $0x7;
	p1 =	seq.s32 s28, $0x1  }
0x1a7: {  	s9 =	sand.u32 @!p0 $0xFF, s24;
	s16 =	spop @!p1 (v2sf);
	p0 =	seq.s32 s31, $0x1  }
0x1a8: {  	[smem:$0x7F7] =	sst s3;
	s16 =	sshrl.u32 @!p1 s16, $0x7;
	s26 =	spop @!p0 (v2sf)  }
0x1a9: {  	s24 =	sld @!p2 [smem:s25+$0x0];
	s28 =	sand.u32 @!p1 $0xFF, s16;
	s16 =	sshrl.u32 @!p0 s26, $0x7  }
0x1aa: {  	s3 =	simm.s32 @!p1 $0x0;
	s26 =	sand.u32 @!p0 $0xFF, s16;
	s16 =	sld [smem:$0x7E9]  }
0x1ab: {  	s14 =	sshrl.u32 @!p3 s14, $0x7;
	s31 =	sld [smem:$0x7FB];
	s3 =	simm.s32 @p1 $0x1  }
0x1ac: {  	s14 =	sand.u32 @!p3 $0xFF, s14;
	[smem:$0x7F9] =	sst s3;
	s3 =	simm.s32 @!p0 $0x0  }
0x1ad: {  	s14 =	smin.u32 @!p3 s14, s2;
	s3 =	simm.s32 @p0 $0x1;
	p0 =	seq.s32 s16, $0x1  }
0x1ae: {  	s24 =	sadd.s32 @!p2 $0x1, s24;
	p1 =	seq.s32 s31, $0x1;
	s16 =	spop @!p0 (v2sf)  }
0x1af: {  	[smem:s25] =	sst @!p2 s24;
	s16 =	sshrl.u32 @!p0 s16, $0x7;
	s31 =	spop @!p1 (v2sf)  }
0x1b0: {  	s25 =	sand.u32 @!p0 $0xFF, s16;
	s16 =	sshrl.u32 @!p1 s31, $0x7;
	s31 =	sld @!p3 [smem:s14+$0x0]  }
0x1b1: {  	s15 =	sshrl.u32 @!p5 s15, $0x7  }
0x1b2: {  	s22 =	sadd.s32 $0xFFFFFFFF, s22;
	s15 =	sand.u32 @!p5 $0xFF, s15;
	[smem:$0x7FA] =	sst s3  }
0x1b3: {  	s24 =	sand.u32 @!p1 $0xFF, s16;
	s16 =	sadd.s32 @!p3 $0x1, s31;
	s31 =	sld [smem:$0x7F2]  }
0x1b4: {  	p0 =	seq.s32 s22, $0x0;
	[smem:s14] =	sst @!p3 s16;
	s14 =	smin.u32 @!p5 s15, s2  }
0x1b5: {  	s3 =	simm.s32 @!p0 $0x0;
	s15 =	sld @!p5 [smem:s14+$0x0]  }
0x1b6: {  	s3 =	simm.s32 @p0 $0x1;
	p0 =	por p1, p1  }
0x1b7: {  	[smem:$0x7EB] =	sst s3;
	s3 =	simm.s32 @!p0 $0x0  }
0x1b8: {  	s3 =	simm.s32 @p0 $0x1;
	p0 =	seq.s32 s31, $0x1;
	s15 =	sadd.s32 @!p5 $0x1, s15  }
0x1b9: {  	s12 =	smin.u32 @!p0 s12, s2;
	[smem:s14] =	sst @!p5 s15  }
0x1ba: {  	s14 =	sld @!p0 [smem:s12+$0x0];
	_ =	sdelay $0x2  }
0x1bb: {  	s13 =	sand.u32 @!p6 $0xFF, s13;
	s15 =	sld [smem:$0x7F5];
	s14 =	sadd.s32 @!p0 $0x1, s14  }
0x1bc: {  	s13 =	smin.u32 @!p6 s13, s2;
	[smem:s12] =	sst @!p0 s14  }
0x1bd: {  	s12 =	sld @!p6 [smem:s13+$0x0];
	_ =	sdelay $0x1  }
0x1be: {  	p0 =	seq.s32 s15, $0x1  }
0x1bf: {  	s8 =	sand.u32 @!p0 $0xFF, s8;
	s12 =	sadd.s32 @!p6 $0x1, s12  }
0x1c0: {  	s8 =	smin.u32 @!p0 s8, s2;
	[smem:s13] =	sst @!p6 s12  }
0x1c1: {  	s12 =	sld @!p0 [smem:s8+$0x0];
	_ =	sdelay $0x2  }
0x1c2: {  	s16 =	sld [smem:$0x7F3];
	s12 =	sadd.s32 @!p0 $0x1, s12  }
0x1c3: {  	[smem:s8] =	sst @!p0 s12;
	s8 =	smin.u32 @!p4 s9, s2  }
0x1c4: {  	s9 =	sld @!p4 [smem:s8+$0x0];
	_ =	sdelay $0x1  }
0x1c5: {  	p0 =	seq.s32 s16, $0x1  }
0x1c6: {  	s31 =	sld [smem:$0x7F6];
	s12 =	sand.u32 @!p0 $0xFF, s17;
	s9 =	sadd.s32 @!p4 $0x1, s9  }
0x1c7: {  	s12 =	smin.u32 @!p0 s12, s2;
	[smem:s8] =	sst @!p4 s9  }
0x1c8: {  	s8 =	sld @!p0 [smem:s12+$0x0];
	_ =	sdelay $0x2  }
0x1c9: {  	p1 =	seq.s32 s31, $0x1;
	s8 =	sadd.s32 @!p0 $0x1, s8  }
0x1ca: {  	s9 =	smin.u32 @!p1 s18, s2;
	[smem:s12] =	sst @!p0 s8  }
0x1cb: {  	s8 =	sld @!p1 [smem:s9+$0x0]  }
0x1cc: {  	[smem:$0x7EA] =	sst s3  }
0x1cd: {  	s31 =	sld [smem:$0x7FA]  }
0x1ce: {  	s15 =	sld [smem:$0x7F9];
	s8 =	sadd.s32 @!p1 $0x1, s8  }
0x1cf: {  	s21 =	sadd.s32 $0x10, s21;
	[smem:s9] =	sst @!p1 s8  }
0x1d0: {  	s23 =	sadd.s32 $0x10, s23;
	p3 =	seq.s32 s31, $0x1;
	s9 =	sld [smem:$0x7F7]  }
0x1d1: {  	v15 =	vld [tilespmem:s21+$0x0];
	s31 =	sld [smem:$0x7EB];
	s14 =	sadd.s32 $0xFFFFFFF3, s23;
	p2 =	seq.s32 s15, $0x1  }
0x1d2: {  	s15 =	sld [smem:$0x7E9];
	s13 =	sadd.s32 $0xFFFFFFF1, s23;
	s16 =	sadd.s32 $0xFFFFFFF4, s23  }
0x1d3: {  	s17 =	sadd.s32 $0xFFFFFFF5, s23;
	s12 =	sadd.s32 $0xFFFFFFF2, s23;
	p0 =	seq.s32 s9, $0x1  }
0x1d4: {  	p4 =	sge.s32 s13, s5;
	p1 =	sge.s32 s12, s5;
	s4 =	smin.u32 @!p0 s4, s2  }
0x1d5: {  	s18 =	sadd.s32 $0xFFFFFFF6, s23;
	s3 =	simm.s32 @!p1 $0x0;
	s8 =	sld @!p0 [smem:s4+$0x0]  }
0x1d6: {  	s13 =	sadd.s32 $0xFFFFFFFB, s23;
	(v2sf) =	vpush @!p1 v15, $0x1;
	s3 =	simm.s32 @p1 $0x1;
	p1 =	sge.s32 s14, s5  }
0x1d7: {  	s12 =	sadd.s32 $0xFFFFFFF8, s23;
	[smem:$0x7F0] =	sst s3;
	s3 =	simm.s32 @!p1 $0x0  }
0x1d8: {  	(v2sf) =	vpush @!p4 v15, $0x0;
	s14 =	sadd.s32 $0xFFFFFFFC, s23;
	s3 =	simm.s32 @p1 $0x1;
	s8 =	sadd.s32 @!p0 $0x1, s8  }
0x1d9: {  	(v2sf) =	vpush @!p1 v15, $0x2;
	p1 =	sge.s32 s17, s5;
	[smem:s4] =	sst @!p0 s8;
	p0 =	sge.s32 s16, s5  }
0x1da: {  	[smem:$0x7F1] =	sst s3;
	s4 =	smin.u32 @!p2 s28, s2;
	s3 =	simm.s32 @!p0 $0x0  }
0x1db: {  	s17 =	sadd.s32 $0xFFFFFFFD, s23;
	s9 =	sld @!p2 [smem:s4+$0x0];
	s3 =	simm.s32 @p0 $0x1  }
0x1dc: {  	p6 =	sge.s32 s17, s5;
	[smem:$0x7EC] =	sst s3;
	s3 =	simm.s32 @!p1 $0x0  }
0x1dd: {  	s28 =	sadd.s32 $0xFFFFFFFA, s23;
	(v2sf) =	vpush @!p0 v15, $0x3;
	p0 =	sge.s32 s18, s5;
	s3 =	simm.s32 @p1 $0x1  }
0x1de: {  	s8 =	sadd.s32 @!p2 $0x1, s9;
	[smem:$0x7ED] =	sst s3;
	s3 =	simm.s32 @!p0 $0x0  }
0x1df: {  	(v2sf) =	vpush @!p1 v15, $0x4;
	[smem:s4] =	sst @!p2 s8;
	s4 =	smin.u32 @!p3 s26, s2;
	s3 =	simm.s32 @p0 $0x1  }
0x1e0: {  	(v2sf) =	vpush @!p0 v15, $0x5;
	p0 =	sge.s32 s28, s5;
	[smem:$0x7F2] =	sst s3;
	s3 =	sadd.s32 $0xFFFFFFF7, s23  }
0x1e1: {  	s26 =	sld [smem:$0x7EA];
	p2 =	sge.s32 s3, s5;
	s3 =	simm.s32 @!p0 $0x0  }
0x1e2: {  	s16 =	sadd.s32 $0xFFFFFFF9, s23;
	s9 =	sld @!p3 [smem:s4+$0x0];
	s3 =	simm.s32 @p0 $0x1  }
0x1e3: {  	s18 =	sadd.s32 $0xFFFFFFFE, s23;
	[smem:$0x7F3] =	sst s3;
	s3 =	simm.s32 @!p2 $0x0  }
0x1e4: {  	p1 =	sge.s32 s12, s5;
	s28 =	sld [smem:$0x7F0];
	s3 =	simm.s32 @p2 $0x1  }
0x1e5: {  	(v2sf) =	vpush @!p0 v15, $0x9;
	s9 =	sadd.s32 @!p3 $0x1, s9;
	[smem:$0x7F4] =	sst s3;
	s3 =	simm.s32 @!p1 $0x0  }
0x1e6: {  	(v2sf) =	vpush @!p2 v15, $0x6;
	p0 =	sge.s32 s13, s5;
	[smem:s4] =	sst @!p3 s9;
	s3 =	simm.s32 @p1 $0x1  }
0x1e7: {  	p5 =	seq.s32 s26, $0x1;
	(v2sf) =	vpush @!p1 v15, $0x7;
	[smem:$0x7F5] =	sst s3;
	s3 =	simm.s32 @!p0 $0x0  }
0x1e8: {  	(v2sf) =	vpush @!p0 v15, $0xA;
	p1 =	sge.s32 s23, s5;
	s3 =	simm.s32 @p0 $0x1;
	p0 =	seq.s32 s15, $0x1  }
0x1e9: {  	[smem:$0x7F6] =	sst s3;
	s4 =	smin.u32 @!p0 s25, s2;
	s3 =	simm.s32 @!p1 $0x0  }
0x1ea: {  	p2 =	sge.s32 s14, s5;
	s3 =	simm.s32 @p1 $0x1;
	s9 =	sld @!p0 [smem:s4+$0x0]  }
0x1eb: {  	s8 =	smin.u32 @!p5 s24, s2;
	[smem:$0x7FB] =	sst s3;
	s3 =	simm.s32 @!p2 $0x0  }
0x1ec: {  	p3 =	sge.s32 s18, s5;
	s25 =	sadd.s32 $0xFFFFFFFF, s23;
	s3 =	simm.s32 @p2 $0x1  }
0x1ed: {  	(v2sf) =	vpush @!p2 v15, $0xB;
	p1 =	sge.s32 s16, s5;
	p2 =	seq.s32 s28, $0x1;
	[smem:$0x7F7] =	sst s3  }
0x1ee: {  	s3 =	simm.s32 @!p1 $0x0;
	s12 =	spop @!p2 (v2sf);
	s9 =	sadd.s32 @!p0 $0x1, s9  }
0x1ef: {  	s3 =	simm.s32 @p1 $0x1;
	[smem:s4] =	sst @!p0 s9;
	p0 =	seq.s32 s31, $0x1  }
.Ltmp10:
0x1f0: {  	[smem:$0x7F8] =	sst s3;
	s3 =	simm.s32 @!p6 $0x0;
	(pc) =	sbr.rel @!p0 .LBB2_12-.Ltmp10, $4  }
0x1f1: {  	(v2sf) =	vpush @!p1 v15, $0x8;
	s13 =	spop @!p4 (v2sf);
	p1 =	por p4, p4;
	s3 =	simm.s32 @p6 $0x1  }
0x1f2: {  	s4 =	sshrl.u32 @!p2 s12, $0x7;
	[smem:$0x7F9] =	sst s3;
	s3 =	simm.s32 @!p3 $0x0  }
0x1f3: {  	(v2sf) =	vpush @!p6 v15, $0xC;
	s9 =	sshrl.u32 @!p4 s13, $0x7;
	s12 =	sld @!p5 [smem:s8+$0x0];
	s3 =	simm.s32 @p3 $0x1  }
0x1f4: {  	p4 =	por p2, p2;
	(v2sf) =	vpush @!p3 v15, $0xD;
	p6 =	por p5, p5;
	[smem:$0x7FA] =	sst s3  }
0x1f5: {  	s28 =	sld [smem:$0x7EC]  }
0x1f6: {  	s31 =	sld [smem:$0x7ED]  }
0x1f7: {  	s3 =	simm.s32 @!p1 $0x0  }
0x1f8: {  	s15 =	rddreg [dreg:$0x0];
	s3 =	simm.s32 @p1 $0x1  }
0x1f9: {  	[smem:$0x7EE] =	sst s3;
	p4 =	seq.s32 s28, $0x1;
	p3 =	seq.s32 s31, $0x1  }
.LBB2_14:
0x1fa: {  	s3 =	sld [smem:$0x7EF]  }
0x1fb: {  	s31 =	sld [smem:$0x7EE];
	_ =	sdelay $0x1  }
0x1fc: {  	p0 =	seq.s32 s3, $0x1  }
0x1fd: {  	p2 =	seq.s32 s31, $0x1;
	p1 =	por p6, !p0  }
0x1fe: {  	s13 =	sld [smem:$0x7F0];
	s9 =	sand.u32 @!p2 $0xFF, s9;
	s12 =	sadd.s32 @!p1 $0x1, s12  }
0x1ff: {  	[smem:s8] =	sst @!p1 s12;
	s8 =	smin.u32 @!p2 s9, s2  }
0x200: {  	s9 =	sld @!p2 [smem:s8+$0x0];
	_ =	sdelay $0x1  }
0x201: {  	s14 =	sld [smem:$0x7F1];
	p0 =	seq.s32 s13, $0x1  }
0x202: {  	s4 =	sand.u32 @!p0 $0xFF, s4;
	s9 =	sadd.s32 @!p2 $0x1, s9  }
0x203: {  	s4 =	smin.u32 @!p0 s4, s2;
	[smem:s8] =	sst @!p2 s9  }
0x204: {  	p5 =	seq.s32 s14, $0x1;
	s8 =	sld @!p0 [smem:s4+$0x0]  }
0x205: {  	s9 =	spop @!p5 (v2sf)  }
0x206: {  	s9 =	sshrl.u32 @!p5 s9, $0x7  }
0x207: {  	s9 =	sand.u32 @!p5 $0xFF, s9;
	s8 =	sadd.s32 @!p0 $0x1, s8  }
0x208: {  	[smem:s4] =	sst @!p0 s8;
	s4 =	smin.u32 @!p5 s9, s2  }
0x209: {  	s8 =	sld @!p5 [smem:s4+$0x0]  }
0x20a: {  	s9 =	spop @!p4 (v2sf)  }
0x20b: {  	s9 =	sshrl.u32 @!p4 s9, $0x7  }
0x20c: {  	s9 =	sand.u32 @!p4 $0xFF, s9;
	s8 =	sadd.s32 @!p5 $0x1, s8  }
0x20d: {  	[smem:s4] =	sst @!p5 s8;
	s4 =	smin.u32 @!p4 s9, s2  }
0x20e: {  	s8 =	sld @!p4 [smem:s4+$0x0]  }
0x20f: {  	s9 =	spop @!p3 (v2sf)  }
0x210: {  	s16 =	sld [smem:$0x7F2];
	s9 =	sshrl.u32 @!p3 s9, $0x7  }
0x211: {  	s9 =	sand.u32 @!p3 $0xFF, s9;
	s8 =	sadd.s32 @!p4 $0x1, s8  }
0x212: {  	[smem:s4] =	sst @!p4 s8;
	s4 =	smin.u32 @!p3 s9, s2  }
0x213: {  	p1 =	seq.s32 s16, $0x1;
	s8 =	sld @!p3 [smem:s4+$0x0]  }
0x214: {  	s17 =	sld [smem:$0x7F3];
	s9 =	spop @!p1 (v2sf)  }
0x215: {  	s18 =	sld [smem:$0x7F4];
	s9 =	sshrl.u32 @!p1 s9, $0x7  }
0x216: {  	s9 =	sand.u32 @!p1 $0xFF, s9;
	s8 =	sadd.s32 @!p3 $0x1, s8  }
0x217: {  	[smem:s4] =	sst @!p3 s8;
	s4 =	smin.u32 @!p1 s9, s2;
	p3 =	seq.s32 s17, $0x1  }
0x218: {  	p0 =	seq.s32 s18, $0x1;
	s8 =	spop @!p3 (v2sf);
	s9 =	sld @!p1 [smem:s4+$0x0]  }
0x219: {  	s21 =	sld [smem:$0x7F5];
	s12 =	spop @!p0 (v2sf)  }
0x21a: {  	s22 =	sld [smem:$0x7F6];
	s12 =	sshrl.u32 @!p0 s12, $0x7  }
0x21b: {  	s23 =	sld [smem:$0x7F7];
	s12 =	sand.u32 @!p0 $0xFF, s12;
	s9 =	sadd.s32 @!p1 $0x1, s9  }
0x21c: {  	[smem:s4] =	sst @!p1 s9;
	s4 =	smin.u32 @!p0 s12, s2  }
0x21d: {  	p6 =	seq.s32 s21, $0x1;
	s9 =	sld @!p0 [smem:s4+$0x0]  }
0x21e: {  	s12 =	spop @!p6 (v2sf)  }
0x21f: {  	s24 =	sld [smem:$0x7F8];
	p5 =	seq.s32 s22, $0x1;
	s12 =	sshrl.u32 @!p6 s12, $0x7  }
0x220: {  	p4 =	seq.s32 s23, $0x1;
	s12 =	sand.u32 @!p6 $0xFF, s12;
	s9 =	sadd.s32 @!p0 $0x1, s9  }
0x221: {  	[smem:s4] =	sst @!p0 s9;
	s4 =	spop @!p5 (v2sf);
	s9 =	smin.u32 @!p6 s12, s2  }
0x222: {  	p2 =	seq.s32 s24, $0x1;
	s12 =	spop @!p4 (v2sf);
	s13 =	sld @!p6 [smem:s9+$0x0]  }
0x223: {  	s14 =	spop @!p2 (v2sf)  }
0x224: {  	s14 =	sshrl.u32 @!p2 s14, $0x7  }
0x225: {  	s14 =	sand.u32 @!p2 $0xFF, s14;
	s13 =	sadd.s32 @!p6 $0x1, s13  }
0x226: {  	[smem:s9] =	sst @!p6 s13;
	s9 =	smin.u32 @!p2 s14, s2  }
0x227: {  	s13 =	sld @!p2 [smem:s9+$0x0];
	_ =	sdelay $0x1  }
0x228: {  	s8 =	sshrl.u32 @!p3 s8, $0x7  }
0x229: {  	s8 =	sand.u32 @!p3 $0xFF, s8;
	s13 =	sadd.s32 @!p2 $0x1, s13  }
0x22a: {  	s8 =	smin.u32 @!p3 s8, s2;
	[smem:s9] =	sst @!p2 s13  }
0x22b: {  	s9 =	sld @!p3 [smem:s8+$0x0];
	_ =	sdelay $0x1  }
0x22c: {  	s4 =	sshrl.u32 @!p5 s4, $0x7  }
0x22d: {  	s4 =	sand.u32 @!p5 $0xFF, s4;
	s9 =	sadd.s32 @!p3 $0x1, s9  }
0x22e: {  	s4 =	smin.u32 @!p5 s4, s2;
	[smem:s8] =	sst @!p3 s9  }
0x22f: {  	p0 =	sge.s32 s25, s5;
	s8 =	sld @!p5 [smem:s4+$0x0]  }
0x230: {  	s26 =	sld [smem:$0x7F9];
	(v2sf) =	vpush @!p0 v15, $0xE  }
0x231: {  	s25 =	sld [smem:$0x7FB];
	s9 =	sshrl.u32 @!p4 s12, $0x7  }
0x232: {  	s9 =	sand.u32 @!p4 $0xFF, s9;
	s8 =	sadd.s32 @!p5 $0x1, s8  }
0x233: {  	[smem:s4] =	sst @!p5 s8;
	s4 =	smin.u32 @!p4 s9, s2  }
0x234: {  	p1 =	seq.s32 s25, $0x1;
	p3 =	seq.s32 s26, $0x1;
	s8 =	sld @!p4 [smem:s4+$0x0]  }
0x235: {  	(v2sf) =	vpush @!p1 v15, $0xF;
	s9 =	spop @!p3 (v2sf)  }
0x236: {  	s28 =	sld [smem:$0x7FA];
	s9 =	sshrl.u32 @!p3 s9, $0x7  }
0x237: {  	s9 =	sand.u32 @!p3 $0xFF, s9;
	s8 =	sadd.s32 @!p4 $0x1, s8  }
0x238: {  	[smem:s4] =	sst @!p4 s8;
	s4 =	smin.u32 @!p3 s9, s2  }
0x239: {  	p2 =	seq.s32 s28, $0x1;
	s8 =	sld @!p3 [smem:s4+$0x0]  }
0x23a: {  	s9 =	spop @!p2 (v2sf)  }
0x23b: {  	s9 =	sshrl.u32 @!p2 s9, $0x7  }
0x23c: {  	s9 =	sand.u32 @!p2 $0xFF, s9;
	s8 =	sadd.s32 @!p3 $0x1, s8  }
0x23d: {  	[smem:s4] =	sst @!p3 s8;
	s4 =	smin.u32 @!p2 s9, s2  }
0x23e: {  	s8 =	sld @!p2 [smem:s4+$0x0]  }
0x23f: {  	s9 =	spop @!p0 (v2sf)  }
0x240: {  	s9 =	sshrl.u32 @!p0 s9, $0x7  }
0x241: {  	s9 =	sand.u32 @!p0 $0xFF, s9;
	s8 =	sadd.s32 @!p2 $0x1, s8  }
0x242: {  	[smem:s4] =	sst @!p2 s8;
	s4 =	smin.u32 @!p0 s9, s2  }
0x243: {  	s8 =	sld @!p0 [smem:s4+$0x0]  }
0x244: {  	s9 =	spop @!p1 (v2sf)  }
0x245: {  	s9 =	sshrl.u32 @!p1 s9, $0x7  }
0x246: {  	s9 =	sand.u32 @!p1 $0xFF, s9;
	p1 =	por p1, p1;
	s8 =	sadd.s32 @!p0 $0x1, s8  }
0x247: {  	[smem:s4] =	sst @!p0 s8;
	s4 =	smin.u32 @!p1 s9, s2  }
0x248: {  	s8 =	sld @!p1 [smem:s4+$0x0]  }
0x249: {  	s31 =	sld [smem:$0x7FD];
	_ =	sdelay $0x1  }
0x24a: {  	s8 =	sadd.s32 @!p1 $0x1, s8  }
0x24b: {  	[smem:s4] =	sst @!p1 s8;
	p1 =	seq.s32 s31, $0x1  }
.LBB2_15:
0x24c: {  	s3 =	rddreg [dreg:$0x9]  }
0x24d: {  	s9 =	sadd.s32 $0x1, s3  }
0x24e: {  	p0 =	seq.s32 s9, $0x0  }
.Ltmp11:
0x24f: {  	_ = 	snop;
	(pc) =	sbr.rel @p0 .LBB2_17-.Ltmp11, $4  }
0x250: {  	_ = 	snop  }
0x251: {  	s4 =	simm.s32 $0x0;
	s12 =	simm.s32 $0x100;
	s14 =	sld [smem:$0x0]  }
0x252: {  	s8 =	simm.s32 $0x200;
	[smem:s12] =	sst s4  }
0x253: {  	s13 =	simm.s32 $0x1;
	s12 =	simm.s32 $0x101;
	[smem:s8] =	sst s4  }
.LBB2_16:
0x254: {  	s9 =	sadd.s32 $0x1, s9  }
0x255: {  	s4 =	sadd.s32 s4, s14;
	s8 =	sadd.s32 $0x1, s8;
	p0 =	seq.s32 s9, $0x0  }
.Ltmp12:
0x256: {  	(pc) =	sbr.rel @!p0 .LBB2_16-.Ltmp12, $4  }
0x257: {  	_ = 	snop  }
0x258: {  	s14 =	sld [smem:s13+$0x0]  }
0x259: {  	[smem:s12] =	sst s4  }
0x25a: {  	s13 =	sadd.s32 $0x1, s13;
	s12 =	sadd.s32 $0x1, s12;
	[smem:s8] =	sst s4  }
.LBB2_17:
.Ltmp13:
0x25b: {  	(pc) =	sbr.rel @!p1 .LBB2_21-.Ltmp13, $1  }
0x25c: {  	_ =	sdelay $0x3  }
0x25d: {  	s22 =	simm.s32 $0x4000  }
0x25e: {  	v15 =	vld [tilespmem:s22+$0x0];
	_ =	sdelay $0x3  }
0x25f: {  	p5 =	sle.s32 s5, $0x0  }
0x260: {  	(v2sf) =	vpush @!p5 v15, $0x0;
	_ =	sdelay $0x3  }
0x261: {  	p4 =	sle.s32 s5, $0x1  }
0x262: {  	(v2sf) =	vpush @!p4 v15, $0x1;
	_ =	sdelay $0x3  }
0x263: {  	p2 =	sle.s32 s5, $0x2  }
0x264: {  	(v2sf) =	vpush @!p2 v15, $0x2;
	_ =	sdelay $0x3  }
0x265: {  	p0 =	sle.s32 s5, $0x3  }
0x266: {  	(v2sf) =	vpush @!p0 v15, $0x3;
	s4 =	spop @!p5 (v2sf)  }
0x267: {  	s4 =	sshrl.u32 @!p5 s4, $0x7  }
0x268: {  	s4 =	sand.u32 @!p5 $0xFF, s4  }
0x269: {  	s4 =	smin.u32 @!p5 s4, s2  }
0x26a: {  	p1 =	sle.s32 s5, $0x4;
	s8 =	sor.u32 @!p5 $0x200, s4  }
0x26b: {  	(v2sf) =	vpush @!p1 v15, $0x4;
	s9 =	spop @!p4 (v2sf);
	s23 =	sld @!p5 [smem:s8+$0x0]  }
0x26c: {  	s8 =	sshrl.u32 @!p4 s9, $0x7  }
0x26d: {  	s8 =	sand.u32 @!p4 $0xFF, s8  }
0x26e: {  	s8 =	smin.u32 @!p4 s8, s2;
	s9 =	sadd.s32 @!p5 $0x1, s23  }
0x26f: {  	[smem:s4+$0x200] =	sst @!p5 s9;
	s4 =	sor.u32 @!p4 $0x200, s8  }
0x270: {  	s9 =	spop @!p2 (v2sf);
	s24 =	sld @!p4 [smem:s4+$0x0]  }
0x271: {  	p3 =	sle.s32 s5, $0x5;
	s3 =	simm.s32 @!p5 $0x0;
	s4 =	sshrl.u32 @!p2 s9, $0x7  }
0x272: {  	s3 =	simm.s32 @p5 $0x1;
	(v2sf) =	vpush @!p3 v15, $0x5;
	s4 =	sand.u32 @!p2 $0xFF, s4  }
0x273: {  	[smem:$0x7DC] =	sst s3;
	s9 =	smin.u32 @!p2 s4, s2;
	s4 =	sadd.s32 @!p4 $0x1, s24  }
0x274: {  	s12 =	sor.u32 @!p2 $0x200, s9;
	[smem:s8+$0x200] =	sst @!p4 s4  }
0x275: {  	s8 =	spop @!p0 (v2sf);
	s4 =	sld @!p2 [smem:s12+$0x0]  }
0x276: {  	s3 =	simm.s32 @!p4 $0x0;
	p5 =	sle.s32 s5, $0x6;
	s8 =	sshrl.u32 @!p0 s8, $0x7  }
0x277: {  	s3 =	simm.s32 @p4 $0x1;
	(v2sf) =	vpush @!p5 v15, $0x6;
	s8 =	sand.u32 @!p0 $0xFF, s8  }
0x278: {  	[smem:$0x7DD] =	sst s3;
	s8 =	smin.u32 @!p0 s8, s2;
	s12 =	sadd.s32 @!p2 $0x1, s4  }
0x279: {  	s13 =	sor.u32 @!p0 $0x200, s8;
	[smem:s9+$0x200] =	sst @!p2 s12  }
0x27a: {  	s3 =	simm.s32 @!p2 $0x0;
	s9 =	spop @!p1 (v2sf);
	s17 =	sld @!p0 [smem:s13+$0x0]  }
0x27b: {  	s3 =	simm.s32 @p2 $0x1;
	p2 =	sle.s32 s5, $0x7;
	s9 =	sshrl.u32 @!p1 s9, $0x7  }
0x27c: {  	[smem:$0x7DF] =	sst s3;
	(v2sf) =	vpush @!p2 v15, $0x7;
	s9 =	sand.u32 @!p1 $0xFF, s9  }
0x27d: {  	s3 =	simm.s32 @!p0 $0x0;
	s12 =	smin.u32 @!p1 s9, s2;
	s9 =	sadd.s32 @!p0 $0x1, s17  }
0x27e: {  	s3 =	simm.s32 @p0 $0x1;
	[smem:s8+$0x200] =	sst @!p0 s9;
	p0 =	sle.s32 s5, $0x8  }
0x27f: {  	[smem:$0x7DE] =	sst s3;
	s13 =	sor.u32 @!p1 $0x200, s12;
	s3 =	simm.s32 @!p0 $0x0  }
0x280: {  	s9 =	sld @!p1 [smem:s13+$0x0];
	s3 =	simm.s32 @p0 $0x1  }
0x281: {  	s8 =	spop @!p3 (v2sf);
	(v2sf) =	vpush @!p0 v15, $0x8;
	[smem:$0x7E4] =	sst s3;
	s3 =	simm.s32 @!p3 $0x0  }
0x282: {  	s8 =	sshrl.u32 @!p3 s8, $0x7;
	s3 =	simm.s32 @p3 $0x1  }
0x283: {  	s8 =	sand.u32 @!p3 $0xFF, s8;
	s13 =	sadd.s32 @!p1 $0x1, s9;
	[smem:$0x7E1] =	sst s3  }
0x284: {  	s8 =	smin.u32 @!p3 s8, s2;
	s3 =	simm.s32 @!p1 $0x0;
	[smem:s12+$0x200] =	sst @!p1 s13  }
0x285: {  	s12 =	sor.u32 @!p3 $0x200, s8;
	s3 =	simm.s32 @p1 $0x1;
	p1 =	sle.s32 s5, $0x9  }
0x286: {  	s13 =	spop @!p5 (v2sf);
	s18 =	sld @!p3 [smem:s12+$0x0];
	(v2sf) =	vpush @!p1 v15, $0x9  }
0x287: {  	s12 =	sshrl.u32 @!p5 s13, $0x7  }
0x288: {  	s12 =	sand.u32 @!p5 $0xFF, s12  }
0x289: {  	s12 =	smin.u32 @!p5 s12, s2;
	s13 =	sadd.s32 @!p3 $0x1, s18  }
0x28a: {  	p6 =	sle.s32 s5, $0xA;
	[smem:s8+$0x200] =	sst @!p3 s13;
	s8 =	sor.u32 @!p5 $0x200, s12  }
0x28b: {  	(v2sf) =	vpush @!p6 v15, $0xA;
	s13 =	spop @!p2 (v2sf);
	s8 =	sld @!p5 [smem:s8+$0x0]  }
0x28c: {  	s16 =	sld [smem:$0x7E4];
	s13 =	sshrl.u32 @!p2 s13, $0x7  }
0x28d: {  	s13 =	sand.u32 @!p2 $0xFF, s13  }
0x28e: {  	p4 =	sle.s32 s5, $0xB;
	s14 =	sadd.s32 @!p5 $0x1, s8;
	s13 =	smin.u32 @!p2 s13, s2  }
0x28f: {  	p0 =	seq.s32 s16, $0x1;
	[smem:s12+$0x200] =	sst @!p5 s14;
	s12 =	sor.u32 @!p2 $0x200, s13  }
0x290: {  	(v2sf) =	vpush @!p4 v15, $0xB;
	s14 =	spop @!p0 (v2sf);
	s12 =	sld @!p2 [smem:s12+$0x0]  }
0x291: {  	s14 =	sshrl.u32 @!p0 s14, $0x7  }
0x292: {  	s14 =	sand.u32 @!p0 $0xFF, s14  }
0x293: {  	s15 =	sadd.s32 @!p2 $0x1, s12;
	s14 =	smin.u32 @!p0 s14, s2  }
0x294: {  	[smem:s13+$0x200] =	sst @!p2 s15;
	s13 =	sor.u32 @!p0 $0x200, s14  }
0x295: {  	s13 =	sld @!p0 [smem:s13+$0x0];
	s15 =	spop @!p1 (v2sf)  }
0x296: {  	[smem:$0x7E0] =	sst s3;
	s3 =	simm.s32 @!p5 $0x0;
	s15 =	sshrl.u32 @!p1 s15, $0x7  }
0x297: {  	s3 =	simm.s32 @p5 $0x1;
	p5 =	sle.s32 s5, $0xC;
	s15 =	sand.u32 @!p1 $0xFF, s15  }
0x298: {  	(v2sf) =	vpush @!p5 v15, $0xC;
	s16 =	sadd.s32 @!p0 $0x1, s13;
	s15 =	smin.u32 @!p1 s15, s2  }
0x299: {  	[smem:s14+$0x200] =	sst @!p0 s16;
	s25 =	sor.u32 @!p1 $0x200, s15  }
0x29a: {  	s16 =	spop @!p6 (v2sf);
	s14 =	sld @!p1 [smem:s25+$0x0]  }
0x29b: {  	s16 =	sshrl.u32 @!p6 s16, $0x7  }
0x29c: {  	[smem:$0x7E2] =	sst s3;
	s16 =	sand.u32 @!p6 $0xFF, s16  }
0x29d: {  	s3 =	simm.s32 @!p2 $0x0;
	s16 =	smin.u32 @!p6 s16, s2;
	s25 =	sadd.s32 @!p1 $0x1, s14  }
0x29e: {  	s3 =	simm.s32 @p2 $0x1;
	[smem:s15+$0x200] =	sst @!p1 s25;
	s15 =	sor.u32 @!p6 $0x200, s16  }
0x29f: {  	p3 =	sle.s32 s5, $0xD;
	s25 =	spop @!p4 (v2sf);
	s15 =	sld @!p6 [smem:s15+$0x0]  }
0x2a0: {  	[smem:$0x7E5] =	sst s3;
	s3 =	simm.s32 @!p1 $0x0;
	(v2sf) =	vpush @!p3 v15, $0xD;
	s25 =	sshrl.u32 @!p4 s25, $0x7  }
0x2a1: {  	s3 =	simm.s32 @p1 $0x1;
	s25 =	sand.u32 @!p4 $0xFF, s25  }
0x2a2: {  	[smem:$0x7E7] =	sst s3;
	s25 =	smin.u32 @!p4 s25, s2;
	s26 =	sadd.s32 @!p6 $0x1, s15  }
0x2a3: {  	s3 =	simm.s32 @!p6 $0x0;
	[smem:s16+$0x200] =	sst @!p6 s26;
	s16 =	sor.u32 @!p4 $0x200, s25  }
0x2a4: {  	s3 =	simm.s32 @p6 $0x1;
	s16 =	sld @!p4 [smem:s16+$0x0]  }
0x2a5: {  	[smem:$0x7E6] =	sst s3;
	s3 =	simm.s32 @!p4 $0x0  }
0x2a6: {  	s3 =	simm.s32 @p4 $0x1  }
0x2a7: {  	[smem:$0x7E8] =	sst s3;
	s26 =	spop @!p5 (v2sf);
	s28 =	sadd.s32 @!p4 $0x1, s16  }
0x2a8: {  	s26 =	sshrl.u32 @!p5 s26, $0x7;
	[smem:s25+$0x200] =	sst @!p4 s28  }
0x2a9: {  	s26 =	sand.u32 @!p5 $0xFF, s26;
	s25 =	sld [smem:$0x7DC]  }
0x2aa: {  	p2 =	sle.s32 s5, $0xE;
	p0 =	sle.s32 s5, $0xF;
	s26 =	smin.u32 @!p5 s26, s2  }
0x2ab: {  	(v2sf) =	vpush @!p2 v15, $0xE;
	s3 =	simm.s32 @!p0 $0x0;
	s31 =	sor.u32 @!p5 $0x200, s26;
	s28 =	sld [smem:$0x7DD]  }
0x2ac: {  	s3 =	simm.s32 @p0 $0x1;
	(v2sf) =	vpush @!p0 v15, $0xF;
	p0 =	seq.s32 s25, $0x1;
	s25 =	sld @!p5 [smem:s31+$0x0]  }
0x2ad: {  	s31 =	sld [smem:$0x7DF];
	_ =	sdelay $0x1  }
0x2ae: {  	[smem:$0x7E3] =	sst s3;
	p4 =	seq.s32 s28, $0x1;
	v16 =	vmov @!p0 s23;
	s23 =	spop @!p3 (v2sf)  }
0x2af: {  	v17 =	vmov @!p4 s24;
	s24 =	sld [smem:$0x7E0];
	s23 =	sshrl.u32 @!p3 s23, $0x7;
	p6 =	seq.s32 s31, $0x1  }
0x2b0: {  	v18 =	vmov @!p6 s4;
	s4 =	sand.u32 @!p3 $0xFF, s23;
	s23 =	sld [smem:$0x7DE]  }
0x2b1: {  	s28 =	sld [smem:$0x7E1]  }
0x2b2: {  	v19 =	vbroadcast @!p0 v15, $0x0;
	s31 =	sld [smem:$0x7E2];
	p1 =	seq.s32 s24, $0x1  }
0x2b3: {  	s24 =	sld [smem:$0x7E1];
	v22 =	vmov @!p1 s9;
	s9 =	simm.s32 @!p0 $0x8080;
	p6 =	seq.s32 s23, $0x1  }
0x2b4: {  	[tilespmem:v16+s9+$0x0] =	vst.idx.msk @!p0 $0x1, v19;
	p0 =	seq.s32 s28, $0x1;
	s28 =	sld [smem:$0x7E2];
	v20 =	vmov @!p6 s17;
	s17 =	sadd.s32 @!p5 $0x1, s25  }
0x2b5: {  	[smem:s26+$0x200] =	sst @!p5 s17  }
0x2b6: {  	v21 =	vbroadcast @!p4 v15, $0x1;
	s26 =	sld [smem:$0x7DF]  }
0x2b7: {  	s4 =	smin.u32 @!p3 s4, s2;
	v19 =	vmov @!p0 s18;
	s18 =	simm.s32 @!p4 $0x8080;
	s23 =	sld [smem:$0x7E5]  }
0x2b8: {  	[tilespmem:v17+s18+$0x0] =	vst.idx.msk @!p4 $0x1, v21;
	p0 =	por p6, p6;
	v17 =	vbroadcast @!p6 v15, $0x3;
	p6 =	seq.s32 s31, $0x1;
	s18 =	sld [smem:$0x7E0]  }
0x2b9: {  	s31 =	sld [smem:$0x7E7];
	s17 =	sor.u32 @!p3 $0x200, s4;
	p1 =	seq.s32 s26, $0x1  }
0x2ba: {  	s9 =	spop @!p2 (v2sf);
	s17 =	sld @!p3 [smem:s17+$0x0];
	v16 =	vbroadcast @!p1 v15, $0x2  }
0x2bb: {  	s9 =	sshrl.u32 @!p2 s9, $0x7;
	v21 =	vmov @!p6 s8;
	s26 =	sld [smem:$0x7E4];
	s8 =	simm.s32 @!p1 $0x8080  }
0x2bc: {  	p6 =	seq.s32 s23, $0x1;
	s23 =	sld [smem:$0x7E8];
	[tilespmem:v18+s8+$0x0] =	vst.idx.msk @!p1 $0x1, v16;
	p1 =	seq.s32 s18, $0x1  }
0x2bd: {  	s8 =	sand.u32 @!p2 $0xFF, s9;
	s9 =	simm.s32 @!p0 $0x8080;
	s18 =	sld [smem:$0x7E4]  }
0x2be: {  	v18 =	vmov @!p6 s12;
	p4 =	seq.s32 s26, $0x1;
	s12 =	sadd.s32 @!p3 $0x1, s17;
	s26 =	sld [smem:$0x7E6]  }
0x2bf: {  	v16 =	vbroadcast @!p1 v15, $0x4;
	[tilespmem:v20+s9+$0x0] =	vst.idx.msk @!p0 $0x1, v17;
	p0 =	seq.s32 s24, $0x1;
	[smem:s4+$0x200] =	sst @!p3 s12  }
0x2c0: {  	v20 =	vmov @!p4 s13;
	s9 =	simm.s32 @!p1 $0x8080;
	p4 =	seq.s32 s31, $0x1;
	s24 =	sld [smem:$0x7E5]  }
0x2c1: {  	v17 =	vbroadcast @!p0 v15, $0x5;
	[tilespmem:v22+s9+$0x0] =	vst.idx.msk @!p1 $0x1, v16;
	p1 =	seq.s32 s28, $0x1;
	v22 =	vmov @!p4 s14;
	s14 =	sld [smem:$0x7E6]  }
0x2c2: {  	s31 =	sld [smem:$0x7E8];
	s13 =	simm.s32 @!p0 $0x8080;
	v16 =	vbroadcast @!p1 v15, $0x6  }
0x2c3: {  	s8 =	smin.u32 @!p2 s8, s2;
	s28 =	sld [smem:$0x7E7];
	[tilespmem:v19+s13+$0x0] =	vst.idx.msk @!p0 $0x1, v17;
	s12 =	simm.s32 @!p1 $0x8080  }
0x2c4: {  	v17 =	vbroadcast @!p6 v15, $0x7;
	s13 =	sld [smem:$0x7E3];
	p6 =	seq.s32 s14, $0x1;
	[tilespmem:v21+s12+$0x0] =	vst.idx.msk @!p1 $0x1, v16;
	p1 =	seq.s32 s23, $0x1  }
0x2c5: {  	s9 =	sor.u32 @!p2 $0x200, s8;
	v19 =	vmov @!p6 s15;
	p6 =	seq.s32 s18, $0x1;
	v21 =	vmov @!p1 s16;
	p1 =	seq.s32 s24, $0x1  }
0x2c6: {  	s9 =	sld @!p2 [smem:s9+$0x0];
	v16 =	vbroadcast @!p6 v15, $0x8;
	s12 =	simm.s32 @!p1 $0x8080  }
0x2c7: {  	p0 =	seq.s32 s13, $0x1;
	[tilespmem:v18+s12+$0x0] =	vst.idx.msk @!p1 $0x1, v17;
	v17 =	vbroadcast @!p4 v15, $0x9;
	s12 =	simm.s32 @!p6 $0x8080;
	p1 =	seq.s32 s28, $0x1  }
0x2c8: {  	s4 =	spop @!p0 (v2sf);
	p4 =	seq.s32 s26, $0x1;
	[tilespmem:v20+s12+$0x0] =	vst.idx.msk @!p6 $0x1, v16;
	s12 =	simm.s32 @!p1 $0x8080  }
0x2c9: {  	s4 =	sshrl.u32 @!p0 s4, $0x7;
	v16 =	vbroadcast @!p4 v15, $0xA;
	[tilespmem:v22+s12+$0x0] =	vst.idx.msk @!p1 $0x1, v17;
	p1 =	seq.s32 s31, $0x1  }
0x2ca: {  	s0 =	sadd.s32 $0xFFFFFFFF, s0;
	v18 =	vmov @!p5 s25;
	s4 =	sand.u32 @!p0 $0xFF, s4;
	s12 =	simm.s32 @!p4 $0x8080;
	v17 =	vbroadcast @!p1 v15, $0xB  }
0x2cb: {  	s13 =	sadd.s32 @!p2 $0x1, s9;
	v20 =	vmov @!p3 s17;
	s4 =	smin.u32 @!p0 s4, s2;
	v22 =	vmov @!p2 s9;
	[tilespmem:v19+s12+$0x0] =	vst.idx.msk @!p4 $0x1, v16;
	s9 =	simm.s32 @!p1 $0x8080  }
0x2cc: {  	[smem:s8+$0x200] =	sst @!p2 s13;
	s8 =	sor.u32 @!p0 $0x200, s4;
	[tilespmem:v21+s9+$0x0] =	vst.idx.msk @!p1 $0x1, v17;
	p1 =	sne.s32 s0, $0x0  }
.Ltmp14:
0x2cd: {  	v16 =	vbroadcast @!p5 v15, $0xC;
	s8 =	sld @!p0 [smem:s8+$0x0];
	(pc) =	sbr.rel @!p1 .LBB2_20-.Ltmp14, $4  }
0x2ce: {  	v17 =	vbroadcast @!p3 v15, $0xD;
	s9 =	simm.s32 @!p5 $0x8080  }
0x2cf: {  	[tilespmem:v18+s9+$0x0] =	vst.idx.msk @!p5 $0x1, v16;
	v16 =	vbroadcast @!p2 v15, $0xE;
	s9 =	simm.s32 @!p3 $0x8080  }
0x2d0: {  	[tilespmem:v20+s9+$0x0] =	vst.idx.msk @!p3 $0x1, v17;
	s9 =	simm.s32 @!p2 $0x8080;
	s12 =	sadd.s32 @!p0 $0x1, s8  }
0x2d1: {  	s21 =	simm.s32 $0xF;
	v15 =	vbroadcast @!p0 v15, $0xF;
	[tilespmem:v22+s9+$0x0] =	vst.idx.msk @!p2 $0x1, v16;
	v16 =	vmov @!p0 s8;
	[smem:s4+$0x200] =	sst @!p0 s12;
	s4 =	simm.s32 @!p0 $0x8080  }
.LBB2_19:
0x2d2: {  	_ =	sdelay $0x2  }
0x2d3: {  	s0 =	sadd.s32 $0xFFFFFFFF, s0;
	s21 =	sadd.s32 $0x10, s21  }
0x2d4: {  	[tilespmem:v16+s4+$0x0] =	vst.idx.msk @!p0 $0x1, v15;
	s22 =	sadd.s32 $0x10, s22;
	p0 =	sne.s32 s0, $0x0;
	s28 =	sadd.s32 $0xFFFFFFF1, s21  }
0x2d5: {  	s31 =	sadd.s32 $0xFFFFFFF2, s21;
	s8 =	sadd.s32 $0xFFFFFFF4, s21;
	s3 =	simm.s32 @!p0 $0x0  }
0x2d6: {  	v32 =	vld [tilespmem:s22+$0x0];
	s9 =	sadd.s32 $0xFFFFFFF5, s21;
	p1 =	sge.s32 s28, s5;
	s3 =	simm.s32 @p0 $0x1  }
0x2d7: {  	s12 =	sadd.s32 $0xFFFFFFF6, s21;
	[smem:$0x7DB] =	sst s3;
	s3 =	simm.s32 @!p1 $0x0  }
0x2d8: {  	s13 =	sadd.s32 $0xFFFFFFF7, s21;
	p0 =	sge.s32 s31, s5;
	s3 =	simm.s32 @p1 $0x1  }
0x2d9: {  	s14 =	sadd.s32 $0xFFFFFFF8, s21;
	[smem:$0x7D1] =	sst s3;
	s3 =	simm.s32 @!p0 $0x0  }
0x2da: {  	p5 =	sge.s32 s21, s5;
	s15 =	sadd.s32 $0xFFFFFFFD, s21;
	s3 =	simm.s32 @p0 $0x1  }
0x2db: {  	v17 =	vbroadcast @!p1 v32, $0x0;
	(v2sf) =	vpush @!p1 v32, $0x0;
	p1 =	sge.s32 s9, s5;
	[smem:$0x7D3] =	sst s3;
	s3 =	sadd.s32 $0xFFFFFFF3, s21  }
0x2dc: {  	s16 =	sadd.s32 $0xFFFFFFFA, s21;
	(v2sf) =	vpush @!p0 v32, $0x1;
	p2 =	sge.s32 s3, s5;
	s3 =	simm.s32 @!p1 $0x0  }
0x2dd: {  	p6 =	sge.s32 s8, s5;
	v18 =	vbroadcast @!p0 v32, $0x1;
	p0 =	sge.s32 s12, s5;
	(v2sf) =	vpush @!p2 v32, $0x2;
	s3 =	simm.s32 @p1 $0x1  }
0x2de: {  	s17 =	sadd.s32 $0xFFFFFFFB, s21;
	(v2sf) =	vpush @!p6 v32, $0x3;
	[smem:$0x7D6] =	sst s3;
	s3 =	simm.s32 @!p0 $0x0  }
0x2df: {  	s18 =	sadd.s32 $0xFFFFFFFC, s21;
	v23 =	vbroadcast @!p1 v32, $0x4;
	s3 =	simm.s32 @p0 $0x1;
	(v2sf) =	vpush @!p1 v32, $0x4;
	p1 =	sge.s32 s13, s5  }
0x2e0: {  	s8 =	sadd.s32 $0xFFFFFFFF, s21;
	[smem:$0x7D7] =	sst s3;
	s3 =	simm.s32 @!p1 $0x0  }
0x2e1: {  	p4 =	sge.s32 s15, s5;
	s23 =	sld [smem:$0x7D1];
	s3 =	simm.s32 @p1 $0x1  }
0x2e2: {  	s9 =	sadd.s32 $0xFFFFFFF9, s21;
	[smem:$0x7CE] =	sst s3;
	s3 =	simm.s32 @!p5 $0x0  }
0x2e3: {  	v21 =	vbroadcast @!p0 v32, $0x5;
	s24 =	sld [smem:$0x7D3];
	(v2sf) =	vpush @!p0 v32, $0x5;
	p0 =	sge.s32 s14, s5;
	s3 =	simm.s32 @p5 $0x1  }
0x2e4: {  	s12 =	sadd.s32 $0xFFFFFFFE, s21;
	[smem:$0x7E3] =	sst s3;
	s3 =	simm.s32 @!p0 $0x0  }
0x2e5: {  	s25 =	sld [smem:$0x7D6];
	v24 =	vbroadcast @!p1 v32, $0x6;
	(v2sf) =	vpush @!p1 v32, $0x6;
	p1 =	sge.s32 s8, s5;
	s3 =	simm.s32 @p0 $0x1  }
0x2e6: {  	p3 =	sge.s32 s9, s5;
	[smem:$0x7D8] =	sst s3;
	s3 =	simm.s32 @!p1 $0x0  }
0x2e7: {  	v25 =	vbroadcast @!p0 v32, $0x7;
	s28 =	sld [smem:$0x7D7];
	(v2sf) =	vpush @!p0 v32, $0x7;
	p0 =	sge.s32 s12, s5;
	s3 =	simm.s32 @p1 $0x1  }
0x2e8: {  	v15 =	vbroadcast @!p5 v32, $0xF;
	p5 =	sge.s32 s16, s5;
	[smem:$0x7D9] =	sst s3;
	s3 =	simm.s32 @!p0 $0x0  }
0x2e9: {  	v16 =	vbroadcast @!p1 v32, $0xE;
	p1 =	sge.s32 s17, s5;
	s3 =	simm.s32 @p0 $0x1;
	s31 =	sld [smem:$0x7D9]  }
0x2ea: {  	v22 =	vbroadcast @!p0 v32, $0xD;
	p0 =	seq.s32 s23, $0x1;
	[smem:$0x7D2] =	sst s3;
	s3 =	simm.s32 @!p3 $0x0  }
0x2eb: {  	s8 =	spop @!p0 (v2sf);
	s3 =	simm.s32 @p3 $0x1;
	s26 =	sld [smem:$0x7D2]  }
0x2ec: {  	v27 =	vbroadcast @!p3 v32, $0x8;
	(v2sf) =	vpush @!p3 v32, $0x8;
	s8 =	sshrl.u32 @!p0 s8, $0x7;
	p3 =	seq.s32 s24, $0x1;
	[smem:$0x7DA] =	sst s3  }
0x2ed: {  	s3 =	simm.s32 @!p5 $0x0;
	s4 =	spop @!p3 (v2sf);
	s8 =	sand.u32 @!p0 $0xFF, s8  }
0x2ee: {  	v28 =	vbroadcast @!p5 v32, $0x9;
	(v2sf) =	vpush @!p5 v32, $0x9;
	s3 =	simm.s32 @p5 $0x1;
	p5 =	sge.s32 s18, s5;
	s4 =	sshrl.u32 @!p3 s4, $0x7  }
0x2ef: {  	s9 =	spop @!p2 (v2sf);
	s8 =	smin.u32 @!p0 s8, s2;
	[smem:$0x7CF] =	sst s3  }
0x2f0: {  	s3 =	simm.s32 @!p1 $0x0;
	s4 =	sand.u32 @!p3 $0xFF, s4;
	s12 =	sor.u32 @!p0 $0x200, s8  }
0x2f1: {  	s9 =	sshrl.u32 @!p2 s9, $0x7;
	s13 =	spop @!p6 (v2sf);
	s12 =	sld @!p0 [smem:s12+$0x0]  }
0x2f2: {  	v29 =	vbroadcast @!p1 v32, $0xA;
	(v2sf) =	vpush @!p1 v32, $0xA;
	s3 =	simm.s32 @p1 $0x1;
	p1 =	seq.s32 s26, $0x1;
	s26 =	sld [smem:$0x7D8]  }
0x2f3: {  	s9 =	sand.u32 @!p2 $0xFF, s9;
	s4 =	smin.u32 @!p3 s4, s2;
	[smem:$0x7CC] =	sst s3  }
0x2f4: {  	(v2sf) =	vpush @!p5 v32, $0xB;
	s3 =	simm.s32 @!p4 $0x0;
	s17 =	smin.u32 @!p2 s9, s2;
	s9 =	sshrl.u32 @!p6 s13, $0x7  }
0x2f5: {  	v26 =	vbroadcast @!p4 v32, $0xC;
	(v2sf) =	vpush @!p4 v32, $0xC;
	s3 =	simm.s32 @p4 $0x1;
	p4 =	seq.s32 s31, $0x1;
	s31 =	sld [smem:$0x7CF]  }
0x2f6: {  	s18 =	sor.u32 @!p2 $0x200, s17;
	s9 =	sand.u32 @!p6 $0xFF, s9;
	[smem:$0x7D0] =	sst s3  }
0x2f7: {  	s3 =	simm.s32 @!p5 $0x0;
	s23 =	smin.u32 @!p6 s9, s2;
	s14 =	sadd.s32 @!p0 $0x1, s12  }
0x2f8: {  	v30 =	vbroadcast @!p5 v32, $0xB;
	s3 =	simm.s32 @p5 $0x1;
	p5 =	seq.s32 s25, $0x1;
	[smem:s8+$0x200] =	sst @!p0 s14  }
0x2f9: {  	s8 =	sor.u32 @!p3 $0x200, s4;
	s14 =	sld [smem:$0x7CE];
	s13 =	spop @!p5 (v2sf)  }
0x2fa: {  	[smem:$0x7CD] =	sst s3;
	(v2sf) =	vpush @!p1 v32, $0xD;
	p1 =	seq.s32 s28, $0x1;
	s9 =	sshrl.u32 @!p5 s13, $0x7  }
0x2fb: {  	s8 =	sld @!p3 [smem:s8+$0x0];
	s13 =	spop @!p1 (v2sf);
	s9 =	sand.u32 @!p5 $0xFF, s9  }
0x2fc: {  	s15 =	smin.u32 @!p5 s9, s2;
	s9 =	sshrl.u32 @!p1 s13, $0x7;
	s13 =	sld [smem:$0x7E3]  }
0x2fd: {  	v31 =	vmov @!p0 s12;
	p0 =	por p3, p3;
	s28 =	sld [smem:$0x7DA];
	p3 =	seq.s32 s14, $0x1  }
0x2fe: {  	s16 =	sand.u32 @!p1 $0xFF, s9;
	s9 =	spop @!p3 (v2sf);
	p1 =	seq.s32 s26, $0x1  }
0x2ff: {  	v20 =	vbroadcast @!p6 v32, $0x3;
	s3 =	simm.s32 @!p2 $0x0;
	(v2sf) =	vpush @!p4 v32, $0xE;
	s12 =	spop @!p1 (v2sf);
	p4 =	seq.s32 s13, $0x1  }
0x300: {  	v19 =	vbroadcast @!p2 v32, $0x2;
	s9 =	sshrl.u32 @!p3 s9, $0x7;
	s13 =	sadd.s32 @!p0 $0x1, s8;
	(v2sf) =	vpush @!p4 v32, $0xF;
	v32 =	vmov @!p0 s8;
	s8 =	sshrl.u32 @!p1 s12, $0x7  }
0x301: {  	[smem:s4+$0x200] =	sst @!p0 s13;
	s13 =	sand.u32 @!p1 $0xFF, s8;
	p1 =	seq.s32 s28, $0x1  }
0x302: {  	s14 =	sand.u32 @!p3 $0xFF, s9;
	p0 =	seq.s32 s31, $0x1;
	s4 =	spop @!p1 (v2sf)  }
0x303: {  	s8 =	sld @!p2 [smem:s18+$0x0];
	s4 =	sshrl.u32 @!p1 s4, $0x7;
	s9 =	spop @!p0 (v2sf)  }
0x304: {  	s12 =	sand.u32 @!p1 $0xFF, s4;
	s4 =	sshrl.u32 @!p0 s9, $0x7;
	s9 =	sld [smem:$0x7CC]  }
0x305: {  	s24 =	sor.u32 @!p6 $0x200, s23;
	s3 =	simm.s32 @p2 $0x1;
	s18 =	sld [smem:$0x7CD]  }
0x306: {  	[smem:$0x7D4] =	sst s3;
	s3 =	simm.s32 @!p6 $0x0;
	s25 =	sor.u32 @!p5 $0x200, s15  }
0x307: {  	s31 =	sld [smem:$0x7D9];
	s28 =	sadd.s32 @!p2 $0x1, s8;
	p4 =	seq.s32 s9, $0x1  }
0x308: {  	p5 =	seq.s32 s18, $0x1;
	[smem:s17+$0x200] =	sst @!p2 s28;
	s9 =	spop @!p4 (v2sf)  }
0x309: {  	s4 =	sand.u32 @!p0 $0xFF, s4;
	s28 =	sld [smem:$0x7D2];
	s26 =	spop @!p5 (v2sf)  }
0x30a: {  	s18 =	smin.u32 @!p0 s4, s2;
	s4 =	sshrl.u32 @!p5 s26, $0x7;
	s26 =	sld [smem:$0x7D0]  }
0x30b: {  	s3 =	simm.s32 @p6 $0x1;
	s24 =	sld @!p6 [smem:s24+$0x0]  }
0x30c: {  	[smem:$0x7D5] =	sst s3;
	v33 =	vmov @!p2 s8;
	p2 =	seq.s32 s31, $0x1  }
0x30d: {  	s8 =	sor.u32 @!p0 $0x200, s18;
	p1 =	seq.s32 s28, $0x1;
	p0 =	seq.s32 s26, $0x1  }
0x30e: {  	s3 =	sadd.s32 @!p6 $0x1, s24;
	s17 =	sand.u32 @!p5 $0xFF, s4;
	s4 =	spop @!p0 (v2sf)  }
0x30f: {  	v34 =	vmov @!p6 s24;
	s24 =	sld [smem:$0x7D6];
	s4 =	sshrl.u32 @!p0 s4, $0x7;
	s26 =	spop @!p1 (v2sf)  }
0x310: {  	[smem:s23+$0x200] =	sst @!p6 s3;
	s4 =	sand.u32 @!p0 $0xFF, s4;
	s28 =	sshrl.u32 @!p1 s26, $0x7  }
0x311: {  	s31 =	spop @!p2 (v2sf);
	s26 =	smin.u32 @!p0 s4, s2;
	s4 =	sand.u32 @!p1 $0xFF, s28  }
0x312: {  	p1 =	por p2, p2;
	s3 =	sshrl.u32 @!p2 s31, $0x7;
	p2 =	seq.s32 s24, $0x1  }
0x313: {  	s31 =	sld @!p2 [smem:s25+$0x0]  }
0x314: {  	s25 =	sld [smem:$0x7E3];
	_ =	sdelay $0x2  }
0x315: {  	s28 =	sor.u32 @!p0 $0x200, s26;
	p0 =	seq.s32 s25, $0x1  }
0x316: {  	s3 =	sand.u32 @!p1 $0xFF, s3;
	s24 =	spop @!p0 (v2sf)  }
0x317: {  	s23 =	smin.u32 @!p1 s3, s2;
	s3 =	sshrl.u32 @!p0 s24, $0x7  }
0x318: {  	v35 =	vmov @!p2 s31;
	s24 =	sand.u32 @!p0 $0xFF, s3;
	s3 =	sadd.s32 @!p2 $0x1, s31;
	s31 =	sld [smem:$0x7D7]  }
0x319: {  	_ =	sdelay $0x1  }
0x31a: {  	p0 =	seq.s32 s31, $0x1  }
0x31b: {  	[smem:s15+$0x200] =	sst @!p2 s3;
	s16 =	smin.u32 @!p0 s16, s2  }
0x31c: {  	s31 =	sld [smem:$0x7CE];
	s3 =	sor.u32 @!p0 $0x200, s16  }
0x31d: {  	s3 =	sld @!p0 [smem:s3+$0x0];
	_ =	sdelay $0x1  }
0x31e: {  	p6 =	seq.s32 s31, $0x1  }
0x31f: {  	s31 =	sld [smem:$0x7D8];
	s15 =	sadd.s32 @!p0 $0x1, s3;
	v36 =	vmov @!p0 s3;
	s3 =	smin.u32 @!p6 s14, s2  }
0x320: {  	[smem:s16+$0x200] =	sst @!p0 s15;
	s14 =	sor.u32 @!p6 $0x200, s3  }
0x321: {  	s14 =	sld @!p6 [smem:s14+$0x0];
	_ =	sdelay $0x2  }
0x322: {  	p0 =	seq.s32 s31, $0x1;
	s15 =	sadd.s32 @!p6 $0x1, s14  }
0x323: {  	s13 =	smin.u32 @!p0 s13, s2;
	[smem:s3+$0x200] =	sst @!p6 s15  }
0x324: {  	s3 =	sor.u32 @!p0 $0x200, s13;
	s15 =	sld [smem:$0x7DA]  }
0x325: {  	s3 =	sld @!p0 [smem:s3+$0x0];
	_ =	sdelay $0x1  }
0x326: {  	s25 =	sor.u32 @!p1 $0x200, s23;
	p1 =	seq.s32 s15, $0x1  }
0x327: {  	v37 =	vmov @!p6 s14;
	s14 =	sadd.s32 @!p0 $0x1, s3;
	v38 =	vmov @!p0 s3;
	s3 =	smin.u32 @!p1 s12, s2  }
0x328: {  	[smem:s13+$0x200] =	sst @!p0 s14;
	s12 =	sor.u32 @!p1 $0x200, s3  }
0x329: {  	s12 =	sld @!p1 [smem:s12+$0x0]  }
0x32a: {  	s16 =	sld [smem:$0x7CF];
	_ =	sdelay $0x1  }
0x32b: {  	s13 =	sadd.s32 @!p1 $0x1, s12  }
0x32c: {  	p2 =	seq.s32 s16, $0x1;
	[smem:s3+$0x200] =	sst @!p1 s13  }
0x32d: {  	s3 =	sld @!p2 [smem:s8+$0x0]  }
0x32e: {  	s9 =	sshrl.u32 @!p4 s9, $0x7  }
0x32f: {  	s9 =	sand.u32 @!p4 $0xFF, s9  }
0x330: {  	s8 =	sadd.s32 @!p2 $0x1, s3;
	v40 =	vmov @!p2 s3;
	s3 =	smin.u32 @!p4 s9, s2  }
0x331: {  	[smem:s18+$0x200] =	sst @!p2 s8;
	s8 =	sor.u32 @!p4 $0x200, s3  }
0x332: {  	s8 =	sld @!p4 [smem:s8+$0x0];
	_ =	sdelay $0x2  }
0x333: {  	s9 =	sadd.s32 @!p4 $0x1, s8;
	v41 =	vmov @!p4 s8;
	s8 =	smin.u32 @!p5 s17, s2  }
0x334: {  	[smem:s3+$0x200] =	sst @!p4 s9;
	s3 =	sor.u32 @!p5 $0x200, s8  }
0x335: {  	s3 =	sld @!p5 [smem:s3+$0x0]  }
0x336: {  	s18 =	sld [smem:$0x7D0];
	_ =	sdelay $0x1  }
0x337: {  	s9 =	sadd.s32 @!p5 $0x1, s3  }
0x338: {  	v39 =	vmov @!p1 s12;
	p1 =	por p4, p4;
	p4 =	seq.s32 s18, $0x1;
	[smem:s8+$0x200] =	sst @!p5 s9  }
0x339: {  	v42 =	vmov @!p5 s3;
	s3 =	sld @!p4 [smem:s28+$0x0]  }
0x33a: {  	s28 =	sld [smem:$0x7D1]  }
0x33b: {  	s31 =	sld [smem:$0x7D2]  }
0x33c: {  	s12 =	sld [smem:$0x7D3]  }
0x33d: {  	p0 =	seq.s32 s28, $0x1  }
0x33e: {  	s13 =	sld [smem:$0x7D4];
	s8 =	simm.s32 @!p0 $0x8080  }
0x33f: {  	p3 =	seq.s32 s31, $0x1;
	s14 =	sld [smem:$0x7D5];
	[tilespmem:v31+s8+$0x0] =	vst.idx.msk @!p0 $0x1, v17;
	p0 =	seq.s32 s12, $0x1  }
0x340: {  	s9 =	sadd.s32 @!p4 $0x1, s3;
	v43 =	vmov @!p4 s3;
	s3 =	smin.u32 @!p3 s4, s2;
	s4 =	simm.s32 @!p0 $0x8080  }
0x341: {  	[tilespmem:v32+s4+$0x0] =	vst.idx.msk @!p0 $0x1, v18;
	p0 =	seq.s32 s13, $0x1  }
0x342: {  	s15 =	sld [smem:$0x7D6];
	s4 =	simm.s32 @!p0 $0x8080  }
0x343: {  	s16 =	sld [smem:$0x7D7];
	[tilespmem:v33+s4+$0x0] =	vst.idx.msk @!p0 $0x1, v19;
	p0 =	seq.s32 s14, $0x1  }
0x344: {  	s17 =	sld [smem:$0x7D8];
	s4 =	simm.s32 @!p0 $0x8080  }
0x345: {  	[smem:s26+$0x200] =	sst @!p4 s9;
	s8 =	sor.u32 @!p3 $0x200, s3;
	[tilespmem:v34+s4+$0x0] =	vst.idx.msk @!p0 $0x1, v20;
	p0 =	seq.s32 s15, $0x1  }
0x346: {  	s8 =	sld @!p3 [smem:s8+$0x0];
	s4 =	simm.s32 @!p0 $0x8080  }
0x347: {  	s18 =	sld [smem:$0x7D9];
	[tilespmem:v35+s4+$0x0] =	vst.idx.msk @!p0 $0x1, v23;
	p0 =	seq.s32 s16, $0x1  }
0x348: {  	s26 =	sld [smem:$0x7DA];
	s4 =	simm.s32 @!p0 $0x8080  }
0x349: {  	s9 =	sadd.s32 @!p3 $0x1, s8;
	[tilespmem:v36+s4+$0x0] =	vst.idx.msk @!p0 $0x1, v21;
	s4 =	simm.s32 @!p6 $0x8080;
	p0 =	seq.s32 s17, $0x1  }
0x34a: {  	[smem:s3+$0x200] =	sst @!p3 s9;
	[tilespmem:v37+s4+$0x0] =	vst.idx.msk @!p6 $0x1, v24;
	s3 =	simm.s32 @!p0 $0x8080  }
0x34b: {  	s28 =	sld [smem:$0x7E3];
	p6 =	seq.s32 s18, $0x1;
	[tilespmem:v38+s3+$0x0] =	vst.idx.msk @!p0 $0x1, v25;
	p0 =	seq.s32 s26, $0x1  }
0x34c: {  	s4 =	sld @!p6 [smem:s25+$0x0];
	s3 =	simm.s32 @!p0 $0x8080  }
0x34d: {  	s31 =	sld [smem:$0x7DB];
	[tilespmem:v39+s3+$0x0] =	vst.idx.msk @!p0 $0x1, v27;
	s3 =	simm.s32 @!p2 $0x8080  }
0x34e: {  	v17 =	vmov @!p3 s8;
	[tilespmem:v40+s3+$0x0] =	vst.idx.msk @!p2 $0x1, v28;
	s3 =	simm.s32 @!p1 $0x8080;
	p2 =	seq.s32 s28, $0x1  }
0x34f: {  	s8 =	sadd.s32 @!p6 $0x1, s4;
	v18 =	vmov @!p6 s4;
	s4 =	smin.u32 @!p2 s24, s2;
	[tilespmem:v41+s3+$0x0] =	vst.idx.msk @!p1 $0x1, v29;
	s3 =	simm.s32 @!p5 $0x8080  }
0x350: {  	[smem:s23+$0x200] =	sst @!p6 s8;
	p1 =	seq.s32 s31, $0x1;
	s8 =	sor.u32 @!p2 $0x200, s4  }
.Ltmp15:
0x351: {  	[tilespmem:v42+s3+$0x0] =	vst.idx.msk @!p5 $0x1, v30;
	s3 =	simm.s32 @!p4 $0x8080;
	s8 =	sld @!p2 [smem:s8+$0x0];
	(pc) =	sbr.rel @p1 .LBB2_19-.Ltmp15, $4  }
0x352: {  	[tilespmem:v43+s3+$0x0] =	vst.idx.msk @!p4 $0x1, v26;
	s3 =	simm.s32 @!p3 $0x8080  }
0x353: {  	[tilespmem:v17+s3+$0x0] =	vst.idx.msk @!p3 $0x1, v22;
	s3 =	simm.s32 @!p6 $0x8080  }
0x354: {  	[tilespmem:v18+s3+$0x0] =	vst.idx.msk @!p6 $0x1, v16;
	s3 =	sadd.s32 @!p2 $0x1, s8  }
0x355: {  	p0 =	por p2, p2;
	v16 =	vmov @!p2 s8;
	[smem:s4+$0x200] =	sst @!p2 s3;
	s4 =	simm.s32 @!p2 $0x8080  }
.LBB2_20:
0x356: {  	_ =	sdelay $0x3  }
0x357: {  	s15 =	rddreg [dreg:$0x0];
	[tilespmem:v16+s4+$0x0] =	vst.idx.msk @!p0 $0x1, v15  }
.LBB2_21:
0x358: {  	s4 =	simm.s32 $0x0  }
0x359: {  	[smem:$0x300] =	sst s4  }
0x35a: {  	p1 =	sne.s32 s11, $0x1;
	s0 =	sld [smem:$0x0]  }
.Ltmp16:
0x35b: {  	_ = 	snop;
	(pc) =	sbr.rel @!p1 .LBB2_23-.Ltmp16, $4  }
0x35c: {  	_ = 	snop  }
0x35d: {  	p0 =	sgt.s32 s0, $0x0;
	s0 =	simm.s32 $0x1  }
0x35e: {  	s0 =	simm.s32 @!p0 $0x0  }
0x35f: {  	s5 =	simm.s32 $0x1;
	s0 =	sadd.s32 $0x0, s0  }
.LBB2_22:
0x360: {  	[smem:s0+$0x300] =	sst s5;
	s5 =	sadd.s32 $0x1, s5;
	s4 =	sadd.s32 $0x1, s4  }
0x361: {  	s3 =	sld [smem:s4+$0x0];
	p0 =	sne.s32 s11, s5  }
.Ltmp17:
0x362: {  	(pc) =	sbr.rel @p0 .LBB2_22-.Ltmp17, $4  }
0x363: {  	_ = 	snop  }
0x364: {  	p1 =	sgt.s32 s3, $0x0;
	s3 =	simm.s32 $0x1  }
0x365: {  	s3 =	simm.s32 @!p1 $0x0  }
0x366: {  	s0 =	sadd.s32 s3, s0  }
.LBB2_23:
0x367: {  	p0 =	slt.s32 s0, $0x1  }
.Ltmp18:
0x368: {  	_ = 	snop;
	(pc) =	sbr.rel @p0 .LBB2_24-.Ltmp18, $1  }
0x369: {  	_ =	sdelay $0x3  }
0x36a: {  	s3 =	sld [smem:$0x300];
	_ =	sdelay $0x2  }
0x36b: {  	s3 =	sadd.s32 s1, s3  }
0x36c: {  	s3 =	sshll.u32 s3, $0x7  }
0x36d: {  	s3 =	sand.u32 $0x1FFFFF80, s3  }
0x36e: {  	s3 =	sadd.s32 s15, s3  }
0x36f: {  	[tilespmem:s20], [sflag:$0x1] =	stream.linear.gather [hbm4b:s3+s6], $0x400, $0x38;
	[tilespmem:$0x1C100] =	vst v63  }
0x370: {  	s5 =	simm.s32 $0xD900;
	s4 =	sadd.s32 $0xF4280, s3  }
0x371: {  	[tilespmem:s5], [sflag:$0x1] =	stream.linear.gather [hbm4b:s4+s6], $0x400, $0x38;
	[tilespmem:$0x1C100] =	vst v63  }
0x372: {  	s17 =	simm.s32 $0xF100;
	s16 =	sadd.s32 $0x1E8500, s3  }
0x373: {  	[tilespmem:s17], [sflag:$0x1] =	stream.linear.gather [hbm4b:s16+s6], $0x400, $0x38;
	[tilespmem:$0x1C100] =	vst v63  }
0x374: {  	s21 =	simm.s32 $0x10900;
	s18 =	sadd.s32 $0x2DC780, s3  }
0x375: {  	[tilespmem:s21], [sflag:$0x1] =	stream.linear.gather [hbm4b:s18+s6], $0x400, $0x38;
	[tilespmem:$0x1C100] =	vst v63  }
0x376: {  	s23 =	simm.s32 $0x12100;
	s22 =	sadd.s32 $0x3D0A00, s3  }
0x377: {  	[tilespmem:s23], [sflag:$0x1] =	stream.linear.gather [hbm4b:s22+s6], $0x400, $0x38;
	[tilespmem:$0x1C100] =	vst v63  }
0x378: {  	s25 =	simm.s32 $0x13900;
	p0 =	seq.s32 s0, $0x1;
	s24 =	sadd.s32 $0x4C4C80, s3  }
0x379: {  	[tilespmem:s25], [sflag:$0x1] =	stream.linear.gather [hbm4b:s24+s6], $0x400, $0x38;
	[tilespmem:$0x1C100] =	vst v63  }
0x37a: {  	s28 =	simm.s32 $0x15100;
	s26 =	sadd.s32 $0x5B8F00, s3;
	s4 =	sld @!p0 [smem:$0x301]  }
0x37b: {  	[tilespmem:s28], [sflag:$0x1] =	stream.linear.gather [hbm4b:s26+s6], $0x400, $0x38;
	[tilespmem:$0x1C100] =	vst v63  }
0x37c: {  	s31 =	simm.s32 $0x16900;
	s3 =	sadd.s32 $0x6AD180, s3  }
0x37d: {  	[tilespmem:s31], [sflag:$0x1] =	stream.linear.gather [hbm4b:s3+s6], $0x400, $0x38;
	[tilespmem:$0x1C100] =	vst v63  }
0x37e: {  	s3 =	sadd.s32 @!p0 s1, s4  }
0x37f: {  	s3 =	sshll.u32 @!p0 s3, $0x7  }
0x380: {  	s3 =	sand.u32 @!p0 $0x1FFFFF80, s3  }
0x381: {  	s5 =	simm.s32 @!p0 $0xC500;
	s4 =	simm.s32 @!p0 $0x0;
	s3 =	sadd.s32 @!p0 s15, s3  }
0x382: {  	[tilespmem:s5], [sflag:$0x2] =	stream.linear.gather @!p0 [hbm4b:s3+s4], $0x400, $0x38;
	[tilespmem:$0x1C100] =	vst v63  }
0x383: {  	s8 =	simm.s32 @!p0 $0xDD00;
	s5 =	sadd.s32 @!p0 $0xF4280, s3  }
0x384: {  	[tilespmem:s8], [sflag:$0x2] =	stream.linear.gather @!p0 [hbm4b:s5+s4], $0x400, $0x38;
	[tilespmem:$0x1C100] =	vst v63  }
0x385: {  	s5 =	sadd.s32 @!p0 $0x1E8500, s3;
	s8 =	simm.s32 @!p0 $0xF500  }
0x386: {  	[tilespmem:s8], [sflag:$0x2] =	stream.linear.gather @!p0 [hbm4b:s5+s4], $0x400, $0x38;
	[tilespmem:$0x1C100] =	vst v63  }
0x387: {  	s5 =	sadd.s32 @!p0 $0x2DC780, s3;
	s8 =	simm.s32 @!p0 $0x10D00  }
0x388: {  	[tilespmem:s8], [sflag:$0x2] =	stream.linear.gather @!p0 [hbm4b:s5+s4], $0x400, $0x38;
	[tilespmem:$0x1C100] =	vst v63  }
0x389: {  	s5 =	sadd.s32 @!p0 $0x3D0A00, s3;
	s8 =	simm.s32 @!p0 $0x12500  }
0x38a: {  	[tilespmem:s8], [sflag:$0x2] =	stream.linear.gather @!p0 [hbm4b:s5+s4], $0x400, $0x38;
	[tilespmem:$0x1C100] =	vst v63  }
0x38b: {  	p1 =	slt.u32 @!p0 s0, $0x3;
	s5 =	sadd.s32 @!p0 $0x4C4C80, s3;
	s8 =	simm.s32 @!p0 $0x13D00  }
0x38c: {  	[tilespmem:s8], [sflag:$0x2] =	stream.linear.gather @!p0 [hbm4b:s5+s4], $0x400, $0x38;
	[tilespmem:$0x1C100] =	vst v63  }
0x38d: {  	p1 =	por p0, p1;
	s5 =	sadd.s32 @!p0 $0x5B8F00, s3;
	s8 =	simm.s32 @!p0 $0x15500  }
0x38e: {  	[tilespmem:s8], [sflag:$0x2] =	stream.linear.gather @!p0 [hbm4b:s5+s4], $0x400, $0x38;
	[tilespmem:$0x1C100] =	vst v63  }
0x38f: {  	s5 =	sld @!p1 [smem:$0x302]  }
0x390: {  	s3 =	sadd.s32 @!p0 $0x6AD180, s3;
	s8 =	simm.s32 @!p0 $0x16D00  }
0x391: {  	[tilespmem:s8], [sflag:$0x2] =	stream.linear.gather @!p0 [hbm4b:s3+s4], $0x400, $0x38;
	[tilespmem:$0x1C100] =	vst v63  }
0x392: {  	s3 =	sadd.s32 @!p1 s1, s5  }
0x393: {  	s3 =	sshll.u32 @!p1 s3, $0x7  }
0x394: {  	s3 =	sand.u32 @!p1 $0x1FFFFF80, s3  }
0x395: {  	s4 =	simm.s32 @!p1 $0x0;
	s5 =	simm.s32 @!p1 $0xC900;
	s3 =	sadd.s32 @!p1 s15, s3  }
0x396: {  	[tilespmem:s5], [sflag:$0x3] =	stream.linear.gather @!p1 [hbm4b:s3+s4], $0x400, $0x38;
	[tilespmem:$0x1C100] =	vst v63  }
0x397: {  	s8 =	simm.s32 @!p1 $0xE100;
	s5 =	sadd.s32 @!p1 $0xF4280, s3  }
0x398: {  	[tilespmem:s8], [sflag:$0x3] =	stream.linear.gather @!p1 [hbm4b:s5+s4], $0x400, $0x38;
	[tilespmem:$0x1C100] =	vst v63  }
0x399: {  	s5 =	sadd.s32 @!p1 $0x1E8500, s3;
	s8 =	simm.s32 @!p1 $0xF900  }
0x39a: {  	[tilespmem:s8], [sflag:$0x3] =	stream.linear.gather @!p1 [hbm4b:s5+s4], $0x400, $0x38;
	[tilespmem:$0x1C100] =	vst v63  }
0x39b: {  	s5 =	sadd.s32 @!p1 $0x2DC780, s3;
	s8 =	simm.s32 @!p1 $0x11100  }
0x39c: {  	[tilespmem:s8], [sflag:$0x3] =	stream.linear.gather @!p1 [hbm4b:s5+s4], $0x400, $0x38;
	[tilespmem:$0x1C100] =	vst v63  }
0x39d: {  	p0 =	seq.s32 @!p1 s0, $0x3;
	s5 =	sadd.s32 @!p1 $0x3D0A00, s3;
	s8 =	simm.s32 @!p1 $0x12900  }
0x39e: {  	[tilespmem:s8], [sflag:$0x3] =	stream.linear.gather @!p1 [hbm4b:s5+s4], $0x400, $0x38;
	[tilespmem:$0x1C100] =	vst v63  }
0x39f: {  	p0 =	por p1, p0;
	s5 =	sadd.s32 @!p1 $0x4C4C80, s3;
	s8 =	simm.s32 @!p1 $0x14100  }
0x3a0: {  	[tilespmem:s8], [sflag:$0x3] =	stream.linear.gather @!p1 [hbm4b:s5+s4], $0x400, $0x38;
	[tilespmem:$0x1C100] =	vst v63  }
.Ltmp19:
0x3a1: {  	_ = 	snop;
	(pc) =	sbr.rel @p0 .LBB2_27-.Ltmp19, $4  }
0x3a2: {  	s5 =	sadd.s32 @!p1 $0x5B8F00, s3;
	s8 =	simm.s32 @!p1 $0x15900  }
0x3a3: {  	[tilespmem:s8], [sflag:$0x3] =	stream.linear.gather @!p1 [hbm4b:s5+s4], $0x400, $0x38;
	[tilespmem:$0x1C100] =	vst v63  }
0x3a4: {  	s3 =	sadd.s32 @!p1 $0x6AD180, s3;
	s5 =	simm.s32 @!p1 $0x17100  }
0x3a5: {  	[tilespmem:s5], [sflag:$0x3] =	stream.linear.gather @!p1 [hbm4b:s3+s4], $0x400, $0x38;
	[tilespmem:$0x1C100] =	vst v63  }
0x3a6: {  	s3 =	sld [smem:$0x303];
	_ =	sdelay $0x2  }
0x3a7: {  	s3 =	sadd.s32 s1, s3  }
0x3a8: {  	s3 =	sshll.u32 s3, $0x7  }
0x3a9: {  	s3 =	sand.u32 $0x1FFFFF80, s3  }
0x3aa: {  	s4 =	simm.s32 $0xCD00;
	s3 =	sadd.s32 s15, s3  }
0x3ab: {  	[tilespmem:s4], [sflag:$0x4] =	stream.linear.gather [hbm4b:s3+s6], $0x400, $0x38;
	[tilespmem:$0x1C100] =	vst v63  }
0x3ac: {  	s5 =	simm.s32 $0xE500;
	s14 =	sadd.s32 $0xF4280, s3  }
0x3ad: {  	[tilespmem:s5], [sflag:$0x4] =	stream.linear.gather [hbm4b:s14+s6], $0x400, $0x38;
	[tilespmem:$0x1C100] =	vst v63  }
0x3ae: {  	s17 =	simm.s32 $0xFD00;
	s16 =	sadd.s32 $0x1E8500, s3  }
0x3af: {  	[tilespmem:s17], [sflag:$0x4] =	stream.linear.gather [hbm4b:s16+s6], $0x400, $0x38;
	[tilespmem:$0x1C100] =	vst v63  }
0x3b0: {  	s21 =	simm.s32 $0x11500;
	s18 =	sadd.s32 $0x2DC780, s3  }
0x3b1: {  	[tilespmem:s21], [sflag:$0x4] =	stream.linear.gather [hbm4b:s18+s6], $0x400, $0x38;
	[tilespmem:$0x1C100] =	vst v63  }
0x3b2: {  	s23 =	simm.s32 $0x12D00;
	s22 =	sadd.s32 $0x3D0A00, s3  }
0x3b3: {  	[tilespmem:s23], [sflag:$0x4] =	stream.linear.gather [hbm4b:s22+s6], $0x400, $0x38;
	[tilespmem:$0x1C100] =	vst v63  }
0x3b4: {  	s25 =	simm.s32 $0x14500;
	p0 =	slt.u32 s0, $0x5;
	s24 =	sadd.s32 $0x4C4C80, s3  }
0x3b5: {  	[tilespmem:s25], [sflag:$0x4] =	stream.linear.gather [hbm4b:s24+s6], $0x400, $0x38;
	[tilespmem:$0x1C100] =	vst v63  }
0x3b6: {  	s28 =	simm.s32 $0x15D00;
	s26 =	sadd.s32 $0x5B8F00, s3;
	s4 =	sld @!p0 [smem:$0x304]  }
0x3b7: {  	[tilespmem:s28], [sflag:$0x4] =	stream.linear.gather [hbm4b:s26+s6], $0x400, $0x38;
	[tilespmem:$0x1C100] =	vst v63  }
0x3b8: {  	s31 =	simm.s32 $0x17500;
	s3 =	sadd.s32 $0x6AD180, s3  }
0x3b9: {  	[tilespmem:s31], [sflag:$0x4] =	stream.linear.gather [hbm4b:s3+s6], $0x400, $0x38;
	[tilespmem:$0x1C100] =	vst v63  }
0x3ba: {  	s3 =	sadd.s32 @!p0 s1, s4  }
0x3bb: {  	s3 =	sshll.u32 @!p0 s3, $0x7  }
0x3bc: {  	s3 =	sand.u32 @!p0 $0x1FFFFF80, s3  }
0x3bd: {  	s5 =	simm.s32 @!p0 $0xD100;
	s4 =	simm.s32 @!p0 $0x0;
	s3 =	sadd.s32 @!p0 s15, s3  }
0x3be: {  	[tilespmem:s5], [sflag:$0x5] =	stream.linear.gather @!p0 [hbm4b:s3+s4], $0x400, $0x38;
	[tilespmem:$0x1C100] =	vst v63  }
0x3bf: {  	s8 =	simm.s32 @!p0 $0xE900;
	s5 =	sadd.s32 @!p0 $0xF4280, s3  }
0x3c0: {  	[tilespmem:s8], [sflag:$0x5] =	stream.linear.gather @!p0 [hbm4b:s5+s4], $0x400, $0x38;
	[tilespmem:$0x1C100] =	vst v63  }
0x3c1: {  	s5 =	sadd.s32 @!p0 $0x1E8500, s3;
	s8 =	simm.s32 @!p0 $0x10100  }
0x3c2: {  	[tilespmem:s8], [sflag:$0x5] =	stream.linear.gather @!p0 [hbm4b:s5+s4], $0x400, $0x38;
	[tilespmem:$0x1C100] =	vst v63  }
0x3c3: {  	s5 =	sadd.s32 @!p0 $0x2DC780, s3;
	s8 =	simm.s32 @!p0 $0x11900  }
0x3c4: {  	[tilespmem:s8], [sflag:$0x5] =	stream.linear.gather @!p0 [hbm4b:s5+s4], $0x400, $0x38;
	[tilespmem:$0x1C100] =	vst v63  }
0x3c5: {  	s5 =	sadd.s32 @!p0 $0x3D0A00, s3;
	s8 =	simm.s32 @!p0 $0x13100  }
0x3c6: {  	[tilespmem:s8], [sflag:$0x5] =	stream.linear.gather @!p0 [hbm4b:s5+s4], $0x400, $0x38;
	[tilespmem:$0x1C100] =	vst v63  }
0x3c7: {  	p1 =	seq.s32 @!p0 s0, $0x5;
	s5 =	sadd.s32 @!p0 $0x4C4C80, s3;
	s8 =	simm.s32 @!p0 $0x14900  }
0x3c8: {  	[tilespmem:s8], [sflag:$0x5] =	stream.linear.gather @!p0 [hbm4b:s5+s4], $0x400, $0x38;
	[tilespmem:$0x1C100] =	vst v63  }
0x3c9: {  	p1 =	por p1, p0;
	s5 =	sadd.s32 @!p0 $0x5B8F00, s3;
	s8 =	simm.s32 @!p0 $0x16100  }
0x3ca: {  	[tilespmem:s8], [sflag:$0x5] =	stream.linear.gather @!p0 [hbm4b:s5+s4], $0x400, $0x38;
	[tilespmem:$0x1C100] =	vst v63  }
0x3cb: {  	s5 =	sld @!p1 [smem:$0x305]  }
0x3cc: {  	s3 =	sadd.s32 @!p0 $0x6AD180, s3;
	s8 =	simm.s32 @!p0 $0x17900  }
0x3cd: {  	[tilespmem:s8], [sflag:$0x5] =	stream.linear.gather @!p0 [hbm4b:s3+s4], $0x400, $0x38;
	[tilespmem:$0x1C100] =	vst v63  }
0x3ce: {  	s3 =	sadd.s32 @!p1 s1, s5  }
0x3cf: {  	s3 =	sshll.u32 @!p1 s3, $0x7  }
0x3d0: {  	s3 =	sand.u32 @!p1 $0x1FFFFF80, s3  }
0x3d1: {  	s4 =	simm.s32 @!p1 $0x0;
	s5 =	simm.s32 @!p1 $0xD500;
	s3 =	sadd.s32 @!p1 s15, s3  }
0x3d2: {  	[tilespmem:s5], [sflag:$0x6] =	stream.linear.gather @!p1 [hbm4b:s3+s4], $0x400, $0x38;
	[tilespmem:$0x1C100] =	vst v63  }
0x3d3: {  	s8 =	simm.s32 @!p1 $0xED00;
	s5 =	sadd.s32 @!p1 $0xF4280, s3  }
0x3d4: {  	[tilespmem:s8], [sflag:$0x6] =	stream.linear.gather @!p1 [hbm4b:s5+s4], $0x400, $0x38;
	[tilespmem:$0x1C100] =	vst v63  }
0x3d5: {  	s5 =	sadd.s32 @!p1 $0x1E8500, s3;
	s8 =	simm.s32 @!p1 $0x10500  }
0x3d6: {  	[tilespmem:s8], [sflag:$0x6] =	stream.linear.gather @!p1 [hbm4b:s5+s4], $0x400, $0x38;
	[tilespmem:$0x1C100] =	vst v63  }
0x3d7: {  	s5 =	sadd.s32 @!p1 $0x2DC780, s3;
	s8 =	simm.s32 @!p1 $0x11D00  }
0x3d8: {  	[tilespmem:s8], [sflag:$0x6] =	stream.linear.gather @!p1 [hbm4b:s5+s4], $0x400, $0x38;
	[tilespmem:$0x1C100] =	vst v63  }
0x3d9: {  	s5 =	sadd.s32 @!p1 $0x3D0A00, s3;
	s8 =	simm.s32 @!p1 $0x13500  }
0x3da: {  	[tilespmem:s8], [sflag:$0x6] =	stream.linear.gather @!p1 [hbm4b:s5+s4], $0x400, $0x38;
	[tilespmem:$0x1C100] =	vst v63  }
0x3db: {  	s5 =	sadd.s32 @!p1 $0x4C4C80, s3;
	s8 =	simm.s32 @!p1 $0x14D00  }
0x3dc: {  	[tilespmem:s8], [sflag:$0x6] =	stream.linear.gather @!p1 [hbm4b:s5+s4], $0x400, $0x38;
	[tilespmem:$0x1C100] =	vst v63  }
0x3dd: {  	s5 =	sadd.s32 @!p1 $0x5B8F00, s3;
	s8 =	simm.s32 @!p1 $0x16500  }
0x3de: {  	[tilespmem:s8], [sflag:$0x6] =	stream.linear.gather @!p1 [hbm4b:s5+s4], $0x400, $0x38;
	[tilespmem:$0x1C100] =	vst v63  }
0x3df: {  	s3 =	sadd.s32 @!p1 $0x6AD180, s3;
	s5 =	simm.s32 @!p1 $0x17D00  }
0x3e0: {  	[tilespmem:s5], [sflag:$0x6] =	stream.linear.gather @!p1 [hbm4b:s3+s4], $0x400, $0x38;
	[tilespmem:$0x1C100] =	vst v63  }
.LBB2_27:
.Ltmp20:
0x3e1: {  	(pc) =	sbr.rel .LBB2_28-.Ltmp20, $2  }
0x3e2: {  	_ =	sdelay $0x2  }
0x3e3: {  	s5 =	simm.s32 $0x0;
	s21 =	simm.s32 $0x0  }
.LBB2_31:
0x3e4: {  	[hbm4b:s4+s6] =	stream.linear.scatter [tilespmem:s8], [sflag:$0x7], $0x80, $0x38;
	[tilespmem:$0x1C100] =	vst v63  }
.LBB2_32:
0x3e5: {  	s3 =	sadd.s32 $0x6, s21  }
0x3e6: {  	p0 =	sge.s32 s3, s0  }
0x3e7: {  	s4 =	smulhi.u32 @!p0 $0x2AAAAAAB, s3;
	s8 =	sshra.s32 @!p0 s3, $0x1F  }
0x3e8: {  	s8 =	smul.u32 @!p0 $0x2AAAAAAB, s8;
	_ =	sdelay $0x1  }
0x3e9: {  	s4 =	sadd.s32 @!p0 s8, s4  }
0x3ea: {  	s8 =	sshrl.u32 @!p0 s4, $0x1F  }
0x3eb: {  	s4 =	sadd.s32 @!p0 s8, s4;
	s8 =	sld @!p0 [smem:s3+$0x300]  }
0x3ec: {  	s4 =	smul.u32 @!p0 $0x6, s4;
	_ =	sdelay $0x1  }
0x3ed: {  	s3 =	ssub.s32 @!p0 s3, s4;
	s4 =	sadd.s32 @!p0 s1, s8  }
0x3ee: {  	s4 =	sshll.u32 @!p0 s4, $0x7;
	s8 =	sshll.u32 @!p0 s3, $0xC  }
0x3ef: {  	s12 =	simm.s32 @!p0 $0x0;
	s4 =	sand.u32 @!p0 $0x1FFFFF80, s4;
	s8 =	sshra.s32 @!p0 s8, $0x2  }
0x3f0: {  	s3 =	sadd.s32 @!p0 $0x1, s3;
	s4 =	sadd.s32 @!p0 s15, s4;
	s9 =	sadd.s32 @!p0 $0xC100, s8  }
0x3f1: {  	[tilespmem:s9], [sflag:s3] =	stream.linear.gather @!p0 [hbm4b:s4+s12], $0x400, $0x38;
	[tilespmem:$0x1C100] =	vst v63  }
0x3f2: {  	s13 =	sadd.s32 @!p0 $0xD900, s8;
	s9 =	sadd.s32 @!p0 $0xF4280, s4  }
0x3f3: {  	[tilespmem:s13], [sflag:s3] =	stream.linear.gather @!p0 [hbm4b:s9+s12], $0x400, $0x38;
	[tilespmem:$0x1C100] =	vst v63  }
0x3f4: {  	s9 =	sadd.s32 @!p0 $0x1E8500, s4;
	s13 =	sadd.s32 @!p0 $0xF100, s8  }
0x3f5: {  	[tilespmem:s13], [sflag:s3] =	stream.linear.gather @!p0 [hbm4b:s9+s12], $0x400, $0x38;
	[tilespmem:$0x1C100] =	vst v63  }
0x3f6: {  	s9 =	sadd.s32 @!p0 $0x2DC780, s4;
	s13 =	sadd.s32 @!p0 $0x10900, s8  }
0x3f7: {  	[tilespmem:s13], [sflag:s3] =	stream.linear.gather @!p0 [hbm4b:s9+s12], $0x400, $0x38;
	[tilespmem:$0x1C100] =	vst v63  }
0x3f8: {  	s9 =	sadd.s32 @!p0 $0x3D0A00, s4;
	s13 =	sadd.s32 @!p0 $0x12100, s8  }
0x3f9: {  	[tilespmem:s13], [sflag:s3] =	stream.linear.gather @!p0 [hbm4b:s9+s12], $0x400, $0x38;
	[tilespmem:$0x1C100] =	vst v63  }
0x3fa: {  	s9 =	sadd.s32 @!p0 $0x4C4C80, s4;
	s13 =	sadd.s32 @!p0 $0x13900, s8  }
0x3fb: {  	[tilespmem:s13], [sflag:s3] =	stream.linear.gather @!p0 [hbm4b:s9+s12], $0x400, $0x38;
	[tilespmem:$0x1C100] =	vst v63  }
0x3fc: {  	s9 =	sadd.s32 @!p0 $0x5B8F00, s4;
	s13 =	sadd.s32 @!p0 $0x15100, s8  }
0x3fd: {  	[tilespmem:s13], [sflag:s3] =	stream.linear.gather @!p0 [hbm4b:s9+s12], $0x400, $0x38;
	[tilespmem:$0x1C100] =	vst v63  }
0x3fe: {  	s21 =	sadd.s32 $0x1, s21;
	s4 =	sadd.s32 @!p0 $0x6AD180, s4;
	s8 =	sadd.s32 @!p0 $0x16900, s8  }
0x3ff: {  	[tilespmem:s8], [sflag:s3] =	stream.linear.gather @!p0 [hbm4b:s4+s12], $0x400, $0x38;
	[tilespmem:$0x1C100] =	vst v63  }
0x400: {  	p0 =	sne.s32 s21, s0  }
.Ltmp21:
0x401: {  	_ = 	snop;
	(pc) =	sbr.rel @!p0 .LBB2_33-.Ltmp21, $1  }
0x402: {  	_ =	sdelay $0x3  }
.LBB2_28:
0x403: {  	s3 =	smulhi.u32 $0xAAAAAAAB, s21;
	_ =	sdelay $0x1  }
0x404: {  	s3 =	sshrl.u32 s3, $0x2  }
0x405: {  	s3 =	smul.u32 $0x6, s3;
	_ =	sdelay $0x1  }
0x406: {  	s8 =	ssub.s32 s21, s3  }
0x407: {  	s3 =	sadd.s32 $0x1, s8  }
0x408: {  	_ =	swait.ge [sflag:s3], $0x2000  }
0x409: {  	[sflag:s3] =	ssyncset.done $0x0  }
0x40a: {  	[sflag:s3] =	ssyncadd.s32 $0xFFFFE000  }
0x40b: {  	s9 =	sld [smem:s21+$0x300];
	_ =	sdelay $0x2  }
0x40c: {  	s4 =	sld [smem:s9+$0x0];
	_ =	sdelay $0x2  }
0x40d: {  	p0 =	slt.s32 s4, $0x1  }
.Ltmp22:
0x40e: {  	_ = 	snop;
	(pc) =	sbr.rel @p0 .LBB2_32-.Ltmp22, $1  }
0x40f: {  	_ =	sdelay $0x3  }
0x410: {  	s3 =	sld [smem:s9+$0x100];
	_ =	sdelay $0x2  }
0x411: {  	s3 =	sadd.s32 $0x8080, s3  }
0x412: {  	v15 =	vld [tilespmem:s3+$0x0];
	_ =	sdelay $0x4  }
0x413: {  	(v2sf) =	vpush v15, $0x0;
	_ =	sdelay $0xe  }
0x414: {  	s8 =	ssub.s32 s8, s9;
	s24 =	spop (v2sf)  }
0x415: {  	s22 =	sshll.u32 s8, $0x7;
	s25 =	sand.u32 $0x7FFF, s24  }
0x416: {  	s8 =	sadd.s32 s22, s25  }
0x417: {  	v15 =	vmov s8  }
0x418: {  	v16 =	vshll.u32 v15, $0x3  }
0x419: {  	v15 =	vand.u32 $0x7F, v15;
	v16 =	vand.u32 $0xFFFFFC00, v16  }
0x41a: {  	s26 =	sshra.s32 s5, $0x1F;
	v15 =	vor.u32 v15, v16  }
0x41b: {  	p0 =	slt.s32 s5, $0x40;
	s8 =	sshrl.u32 s26, $0x1A;
	v16 =	vadd.s32 v4, v15  }
0x41c: {  	s12 =	simm.s32 @!p0 $0x7;
	s8 =	sadd.s32 s8, s5  }
0x41d: {  	_ =	swait.ge @!p0 [sflag:s12], $0x80;
	s8 =	sand.u32 $0xFFFFFFC0, s8  }
0x41e: {  	[sflag:s12] =	ssyncset.done @!p0 $0x0;
	s8 =	ssub.s32 s5, s8  }
0x41f: {  	[sflag:s12] =	ssyncadd.s32 @!p0 $0xFFFFFF80;
	s28 =	sshll.u32 s8, $0x7  }
0x420: {  	v17 =	vor.u32 s28, v2;
	v16 =	vld.idx.msk [tilespmem:v16+s20+$0x0], $0xffff  }
0x421: {  	v18 =	vadd.s32 v5, v15;
	_ =	sdelay $0x3  }
0x422: {  	[tilespmem:v17+s29+$0x0] =	vst.idx.msk $0xffff, v16  }
0x423: {  	v60 =	vor.u32 s28, v6;
	v16 =	vld.idx.msk [tilespmem:v18+s20+$0x0], $0xffff  }
0x424: {  	v61 =	vadd.s32 v7, v15;
	_ =	sdelay $0x3  }
0x425: {  	[tilespmem:v60+s29+$0x0] =	vst.idx.msk $0xffff, v16  }
0x426: {  	v62 =	vor.u32 s28, v9;
	v16 =	vld.idx.msk [tilespmem:v61+s20+$0x0], $0xffff  }
0x427: {  	v15 =	vadd.s32 v10, v15;
	_ =	sdelay $0x3  }
0x428: {  	s23 =	sadd.s32 $0xFFFFFFFF, s4;
	[tilespmem:v62+s29+$0x0] =	vst.idx.msk $0xffff, v16  }
0x429: {  	p0 =	sne.s32 s23, $0x0;
	v63 =	vor.u32 s28, v11;
	v15 =	vld.idx.msk [tilespmem:v15+s20+$0x0], $0xffff  }
.Ltmp23:
0x42a: {  	_ = 	snop;
	(pc) =	sbr.rel @!p0 .LBB2_31-.Ltmp23, $4  }
0x42b: {  	_ = 	snop  }
0x42c: {  	s31 =	sshra.s32 s24, $0xB;
	s8 =	sshll.u32 s8, $0x9  }
0x42d: {  	s24 =	sadd.s32 $0x1, s3;
	s4 =	sand.u32 $0x1FFFFFF0, s31;
	s8 =	sshra.s32 s8, $0x2  }
0x42e: {  	s4 =	sadd.s32 s7, s4;
	s5 =	sadd.s32 $0x1, s5;
	s8 =	sadd.s32 $0x1A100, s8;
	[tilespmem:v63+s29+$0x0] =	vst.idx.msk $0xffff, v15  }
.LBB2_30:
0x42f: {  	[hbm4b:s4+s6] =	stream.linear.scatter [tilespmem:s8], [sflag:$0x7], $0x80, $0x38;
	[tilespmem:$0x1C100] =	vst v63  }
0x430: {  	s23 =	sadd.s32 $0xFFFFFFFF, s23;
	v15 =	vld [tilespmem:s24+$0x0]  }
0x431: {  	p0 =	sne.s32 s23, $0x0;
	_ =	sdelay $0x3  }
0x432: {  	(v2sf) =	vpush v15, $0x0;
	_ =	sdelay $0xe  }
0x433: {  	s3 =	spop (v2sf)  }
0x434: {  	s4 =	sand.u32 $0x7FFF, s3;
	s3 =	sshra.s32 s3, $0xB  }
0x435: {  	s8 =	sadd.s32 s22, s4;
	s4 =	sand.u32 $0x1FFFFFF0, s3  }
0x436: {  	v15 =	vmov s8  }
0x437: {  	v16 =	vshll.u32 v15, $0x3  }
0x438: {  	v15 =	vand.u32 $0x7F, v15;
	v16 =	vand.u32 $0xFFFFFC00, v16  }
0x439: {  	v15 =	vor.u32 v15, v16  }
0x43a: {  	p1 =	slt.s32 s5, $0x40;
	s3 =	sshra.s32 s5, $0x1F;
	v16 =	vadd.s32 v4, v15  }
0x43b: {  	s3 =	sshrl.u32 s3, $0x1A;
	s8 =	simm.s32 @!p1 $0x7  }
0x43c: {  	s3 =	sadd.s32 s3, s5;
	_ =	swait.ge @!p1 [sflag:s8], $0x80  }
0x43d: {  	s3 =	sand.u32 $0xFFFFFFC0, s3;
	[sflag:s8] =	ssyncset.done @!p1 $0x0  }
0x43e: {  	s3 =	ssub.s32 s5, s3;
	[sflag:s8] =	ssyncadd.s32 @!p1 $0xFFFFFF80  }
0x43f: {  	s8 =	sshll.u32 s3, $0x7;
	s3 =	sshll.u32 s3, $0x9;
	v16 =	vld.idx.msk [tilespmem:v16+s20+$0x0], $0xffff  }
0x440: {  	v17 =	vor.u32 s8, v2;
	s3 =	sshra.s32 s3, $0x2  }
0x441: {  	v18 =	vadd.s32 v5, v15;
	_ =	sdelay $0x3  }
0x442: {  	[tilespmem:v17+s29+$0x0] =	vst.idx.msk $0xffff, v16  }
0x443: {  	v16 =	vld.idx.msk [tilespmem:v18+s20+$0x0], $0xffff  }
0x444: {  	v17 =	vor.u32 s8, v6  }
0x445: {  	v18 =	vadd.s32 v7, v15;
	_ =	sdelay $0x3  }
0x446: {  	[tilespmem:v17+s29+$0x0] =	vst.idx.msk $0xffff, v16  }
0x447: {  	v16 =	vld.idx.msk [tilespmem:v18+s20+$0x0], $0xffff  }
0x448: {  	v17 =	vor.u32 s8, v9  }
0x449: {  	v15 =	vadd.s32 v10, v15;
	_ =	sdelay $0x3  }
0x44a: {  	[tilespmem:v17+s29+$0x0] =	vst.idx.msk $0xffff, v16  }
0x44b: {  	v15 =	vld.idx.msk [tilespmem:v15+s20+$0x0], $0xffff  }
0x44c: {  	v16 =	vor.u32 s8, v11  }
.Ltmp24:
0x44d: {  	(pc) =	sbr.rel @p0 .LBB2_30-.Ltmp24, $3  }
0x44e: {  	_ =	sdelay $0x1  }
0x44f: {  	s24 =	sadd.s32 $0x1, s24  }
0x450: {  	s4 =	sadd.s32 s7, s4;
	s5 =	sadd.s32 $0x1, s5;
	s8 =	sadd.s32 $0x1A100, s3;
	[tilespmem:v16+s29+$0x0] =	vst.idx.msk $0xffff, v15  }
.Ltmp25:
0x451: {  	_ = 	snop;
	(pc) =	sbr.rel .LBB2_31-.Ltmp25, $1  }
0x452: {  	_ =	sdelay $0x3  }
.LBB2_24:
0x453: {  	s5 =	simm.s32 $0x0  }
.LBB2_33:
0x454: {  	s0 =	sld [smem:s2+$0x0];
	_ =	sdelay $0x2  }
0x455: {  	p0 =	slt.s32 s0, $0x1  }
.Ltmp26:
0x456: {  	_ = 	snop;
	(pc) =	sbr.rel @p0 .LBB2_37-.Ltmp26, $1  }
0x457: {  	_ =	sdelay $0x3  }
0x458: {  	s3 =	sor.u32 $0x100, s2  }
0x459: {  	s3 =	sld [smem:s3+$0x0];
	_ =	sdelay $0x2  }
0x45a: {  	s3 =	sadd.s32 $0x8080, s3  }
0x45b: {  	v15 =	vld [tilespmem:s3+$0x0];
	_ =	sdelay $0x4  }
0x45c: {  	(v2sf) =	vpush v15, $0x0;
	_ =	sdelay $0xe  }
0x45d: {  	s4 =	spop (v2sf)  }
0x45e: {  	s8 =	sand.u32 $0x7FFF, s4  }
0x45f: {  	s9 =	sshra.s32 s5, $0x1F;
	s8 =	sadd.s32 $0xFFFF8580, s8  }
0x460: {  	p0 =	slt.s32 s5, $0x40;
	s9 =	sshrl.u32 s9, $0x1A;
	v15 =	vadd.s32 s8, v8  }
0x461: {  	s12 =	simm.s32 @!p0 $0x7;
	s9 =	sadd.s32 s9, s5  }
0x462: {  	s9 =	sand.u32 $0xFFFFFFC0, s9;
	_ =	swait.ge @!p0 [sflag:s12], $0x80  }
0x463: {  	s9 =	ssub.s32 s5, s9;
	[sflag:s12] =	ssyncset.done @!p0 $0x0  }
0x464: {  	s28 =	sshll.u32 s9, $0x7;
	[sflag:s12] =	ssyncadd.s32 @!p0 $0xFFFFFF80  }
0x465: {  	v16 =	vor.u32 s28, v2;
	v15 =	vld.idx.msk [tilespmem:v15+s19+$0x0], $0xffff  }
0x466: {  	v17 =	vadd.s32 s8, v12;
	_ =	sdelay $0x3  }
0x467: {  	[tilespmem:v16+s29+$0x0] =	vst.idx.msk $0xffff, v15  }
0x468: {  	v59 =	vor.u32 s28, v6;
	v15 =	vld.idx.msk [tilespmem:v17+s19+$0x0], $0xffff  }
0x469: {  	v60 =	vadd.s32 s8, v13;
	_ =	sdelay $0x3  }
0x46a: {  	[tilespmem:v59+s29+$0x0] =	vst.idx.msk $0xffff, v15  }
0x46b: {  	v61 =	vor.u32 s28, v9;
	v15 =	vld.idx.msk [tilespmem:v60+s19+$0x0], $0xffff  }
0x46c: {  	v62 =	vadd.s32 s8, v14;
	_ =	sdelay $0x3  }
0x46d: {  	s0 =	sadd.s32 $0xFFFFFFFF, s0;
	[tilespmem:v61+s29+$0x0] =	vst.idx.msk $0xffff, v15  }
0x46e: {  	v63 =	vor.u32 s28, v11;
	p0 =	sne.s32 s0, $0x0;
	v15 =	vld.idx.msk [tilespmem:v62+s19+$0x0], $0xffff  }
.Ltmp27:
0x46f: {  	_ = 	snop;
	(pc) =	sbr.rel @!p0 .LBB2_36-.Ltmp27, $4  }
0x470: {  	_ = 	snop  }
0x471: {  	s31 =	sshll.u32 s9, $0x9;
	s4 =	sshra.s32 s4, $0xB  }
0x472: {  	s5 =	sadd.s32 $0x1, s5;
	s4 =	sand.u32 $0x1FFFFFF0, s4;
	s8 =	sshra.s32 s31, $0x2  }
0x473: {  	s21 =	sadd.s32 $0x1, s3;
	s4 =	sadd.s32 s7, s4;
	s8 =	sadd.s32 $0x1A100, s8;
	[tilespmem:v63+s29+$0x0] =	vst.idx.msk $0xffff, v15  }
.LBB2_35:
0x474: {  	[hbm4b:s4+s6] =	stream.linear.scatter [tilespmem:s8], [sflag:$0x7], $0x80, $0x38;
	[tilespmem:$0x1C100] =	vst v63  }
0x475: {  	s0 =	sadd.s32 $0xFFFFFFFF, s0;
	v15 =	vld [tilespmem:s21+$0x0]  }
0x476: {  	p0 =	sne.s32 s0, $0x0;
	_ =	sdelay $0x3  }
0x477: {  	(v2sf) =	vpush v15, $0x0;
	_ =	sdelay $0xe  }
0x478: {  	s3 =	spop (v2sf)  }
0x479: {  	s4 =	sand.u32 $0x7FFF, s3;
	s3 =	sshra.s32 s3, $0xB  }
0x47a: {  	s8 =	sadd.s32 $0xFFFF8580, s4;
	s4 =	sand.u32 $0x1FFFFFF0, s3  }
0x47b: {  	p1 =	slt.s32 s5, $0x40;
	s3 =	sshra.s32 s5, $0x1F;
	v15 =	vadd.s32 s8, v8  }
0x47c: {  	s9 =	simm.s32 @!p1 $0x7;
	s3 =	sshrl.u32 s3, $0x1A  }
0x47d: {  	s3 =	sadd.s32 s3, s5;
	_ =	swait.ge @!p1 [sflag:s9], $0x80  }
0x47e: {  	s3 =	sand.u32 $0xFFFFFFC0, s3;
	[sflag:s9] =	ssyncset.done @!p1 $0x0  }
0x47f: {  	s3 =	ssub.s32 s5, s3;
	[sflag:s9] =	ssyncadd.s32 @!p1 $0xFFFFFF80  }
0x480: {  	s9 =	sshll.u32 s3, $0x7;
	s3 =	sshll.u32 s3, $0x9;
	v15 =	vld.idx.msk [tilespmem:v15+s19+$0x0], $0xffff  }
0x481: {  	v16 =	vor.u32 s9, v2;
	s3 =	sshra.s32 s3, $0x2  }
0x482: {  	v17 =	vadd.s32 s8, v12;
	_ =	sdelay $0x3  }
0x483: {  	[tilespmem:v16+s29+$0x0] =	vst.idx.msk $0xffff, v15  }
0x484: {  	v15 =	vld.idx.msk [tilespmem:v17+s19+$0x0], $0xffff  }
0x485: {  	v16 =	vor.u32 s9, v6  }
0x486: {  	v17 =	vadd.s32 s8, v13;
	_ =	sdelay $0x3  }
0x487: {  	[tilespmem:v16+s29+$0x0] =	vst.idx.msk $0xffff, v15  }
0x488: {  	v15 =	vld.idx.msk [tilespmem:v17+s19+$0x0], $0xffff  }
0x489: {  	v16 =	vor.u32 s9, v9  }
0x48a: {  	v17 =	vadd.s32 s8, v14;
	_ =	sdelay $0x3  }
0x48b: {  	[tilespmem:v16+s29+$0x0] =	vst.idx.msk $0xffff, v15  }
0x48c: {  	v15 =	vld.idx.msk [tilespmem:v17+s19+$0x0], $0xffff  }
0x48d: {  	v16 =	vor.u32 s9, v11  }
.Ltmp28:
0x48e: {  	(pc) =	sbr.rel @p0 .LBB2_35-.Ltmp28, $3  }
0x48f: {  	_ =	sdelay $0x1  }
0x490: {  	s21 =	sadd.s32 $0x1, s21  }
0x491: {  	s4 =	sadd.s32 s7, s4;
	s5 =	sadd.s32 $0x1, s5;
	s8 =	sadd.s32 $0x1A100, s3;
	[tilespmem:v16+s29+$0x0] =	vst.idx.msk $0xffff, v15  }
.LBB2_36:
0x492: {  	[hbm4b:s4+s6] =	stream.linear.scatter [tilespmem:s8], [sflag:$0x7], $0x80, $0x38;
	[tilespmem:$0x1C100] =	vst v63  }
.LBB2_37:
0x493: {  	p0 =	slt.s32 s5, $0x1  }
.Ltmp29:
0x494: {  	_ = 	snop;
	(pc) =	sbr.rel @p0 .LBB2_41-.Ltmp29, $2  }
0x495: {  	_ =	sdelay $0x2  }
0x496: {  	s3 =	rddreg [dreg:$0xa]  }
0x497: {  	p0 =	slt.s32 s5, $0x40  }
0x498: {  	s5 =	simm.s32 @!p0 $0x40  }
0x499: {  	p0 =	sne.s32 s5, $0x1  }
.Ltmp30:
0x49a: {  	_ = 	snop;
	(pc) =	sbr.rel @!p0 .LBB2_40-.Ltmp30, $3  }
0x49b: {  	_ =	sdelay $0x1  }
0x49c: {  	_ =	swait.ge [sflag:s30], $0x80  }
0x49d: {  	[sflag:s30] =	ssyncset.done $0x0;
	s0 =	sadd.s32 $0xFFFFFFFF, s5  }
.LBB2_39:
0x49e: {  	p0 =	sne.s32 s0, $0x1;
	s0 =	sadd.s32 $0xFFFFFFFF, s0;
	[sflag:s30] =	ssyncadd.s32 $0xFFFFFF80  }
.Ltmp31:
0x49f: {  	(pc) =	sbr.rel @p0 .LBB2_39-.Ltmp31, $3  }
0x4a0: {  	_ =	sdelay $0x1  }
0x4a1: {  	_ =	swait.ge [sflag:s30], $0x80  }
0x4a2: {  	[sflag:s30] =	ssyncset.done $0x0  }
.Ltmp32:
0x4a3: {  	_ = 	snop;
	(pc) =	sbr.rel .LBB2_40-.Ltmp32, $1  }
0x4a4: {  	_ =	sdelay $0x3  }
.LBB2_9:
0x4a5: {  	s3 =	simm.s32 @!p2 $0x0  }
0x4a6: {  	s3 =	simm.s32 @p2 $0x1;
	p2 =	por $0x0, $0x0  }
0x4a7: {  	[smem:$0x7EE] =	sst s3;
	s3 =	simm.s32 @!p2 $0x0  }
0x4a8: {  	s3 =	simm.s32 @p2 $0x1  }
0x4a9: {  	[smem:$0x7EF] =	sst s3;
	s3 =	simm.s32 @!p0 $0x0  }
0x4aa: {  	s3 =	simm.s32 @p0 $0x1  }
.Ltmp33:
0x4ab: {  	[smem:$0x7F0] =	sst s3;
	s3 =	simm.s32 @!p5 $0x0;
	(pc) =	sbr.rel .LBB2_14-.Ltmp33, $4  }
0x4ac: {  	s3 =	simm.s32 @p5 $0x1  }
0x4ad: {  	[smem:$0x7F1] =	sst s3;
	s3 =	simm.s32 @!p6 $0x0  }
0x4ae: {  	s3 =	simm.s32 @p6 $0x1  }
0x4af: {  	[smem:$0x7F2] =	sst s3  }
.LBB2_11:
.Ltmp34:
0x4b0: {  	s3 =	simm.s32 @!p1 $0x0;
	s28 =	sld [smem:$0x7EC];
	(pc) =	sbr.rel .LBB2_14-.Ltmp34, $4  }
0x4b1: {  	s31 =	sld [smem:$0x7ED];
	s3 =	simm.s32 @p1 $0x1  }
0x4b2: {  	[smem:$0x7EE] =	sst s3;
	s3 =	simm.s32 @!p4 $0x0  }
0x4b3: {  	s15 =	rddreg [dreg:$0x0];
	s3 =	simm.s32 @p4 $0x1  }
0x4b4: {  	p4 =	seq.s32 s28, $0x1;
	p3 =	seq.s32 s31, $0x1;
	[smem:$0x7F0] =	sst s3  }
.LBB2_42:
0x4b5: {  	_ =	sfence.sel $0x180000  }
0x4b6: {  	[bflag:$0x0] =	sbarrier.arrive $0xFFFF  }
0x4b7: {  	_ =	strace $0x90000047  }
0x4b8: {  	s0 =	stileid.u32;
	[bflag:$0x2] =	sbarrier.arrive $0xFFFF  }
0x4b9: {  	p0 =	sne.s32 s0, $0x0;
	s0 =	rddreg [dreg:$0x3]  }
0x4ba: {  	s0 =	sadd.s32 @!p0 $0x100000, s0  }
0x4bb: {  	[sflag:s0] =	ssyncadd.tile.s32 @!p0 $0x1;
	_ =	shalt  }
.Lfunc_end2:
_tile_overlayer_lowered:
.L_overlay_start_2:
0x4bc: {  	(tag) =	ssettag $0x2  }
0x4bd: {  	s0 =	rddreg [dreg:$0x0];
	s2 =	stileid.u32  }
0x4be: {  	s1 =	rddreg [dreg:$0x1];
	p0 =	sne.s32 s2, $0x0  }
0x4bf: {  	s3 =	rddreg [dreg:$0x2];
	[bflag:$0x3] =	sbarrier.arrive $0xFFFF;
	s2 =	simm.s32 @!p0 $0x1C08  }
0x4c0: {  	[timem:s3], [sflag:s2] =	dma.local @!p0 [hbm:s0], s1  }
0x4c1: {  	s0 =	simm.s32 @!p0 $0x8  }
0x4c2: {  	_ =	swait.ge @!p0 [sflag:s0], s1  }
0x4c3: {  	s1 =	ssub.s32 @!p0 $0x0, s1;
	[sflag:s0] =	ssyncset.done @!p0 $0x0  }
0x4c4: {  	[sflag:s0] =	ssyncadd.s32 @!p0 s1  }
0x4c5: {  	[bflag:$0x3] =	sbarrier.arrive $0xFFFF  }
0x4c6: {  	_ =	shalt  }

</sc_bundles>
